<compile_context>
chip_gen: v7x
topology: tpu7x:2x2x1
jax: 0.10.2.dev20260603
libtpu: 0.0.44.dev20260713+nightly
codegen_flags: <defaults>
</compile_context>

<pallas_src>
import jax
import jax.numpy as jnp
from jax import lax
from jax.experimental import pallas as pl
from jax.experimental.pallas import tpu as pltpu
from jax.experimental.pallas import tpu_sc as plsc

SR = 16000
N_TMPL = 20
TS = 1024
AUDIO = 48000
ACTIVE = 17024
L = 16
NC, NS = 2, 16
NW = NC * NS
B, T = 64, 200
T_PAD = 208
ROWS_PER_W = B // NW
CCAP = 224
HALF = TS // 2
HC = HALF // L


def _sc_body(pack_hbm, out_hbm,
             tmpl_v, acc, tim_v, gn_v, ids_v,
             cpos, cgain, cnt_v, cnt2_v, offs_v):
    c = lax.axis_index("c")
    s = lax.axis_index("s")
    wid = s * NC + c

    pltpu.sync_copy(pack_hbm.at[pl.ds(3 * B * T, N_TMPL * TS)], tmpl_v)

    zero16 = jnp.zeros((L,), jnp.float32)
    zero16i = jnp.zeros((L,), jnp.int32)
    iota16 = lax.iota(jnp.int32, L)

    @plsc.parallel_loop(0, AUDIO // L, unroll=8)
    def _zero_all(j):
        acc[pl.ds(j * L, L)] = zero16

    for r in range(ROWS_PER_W):
        row = wid * ROWS_PER_W + r
        base = row * T
        pltpu.sync_copy(pack_hbm.at[pl.ds(base, T)], tim_v.at[pl.ds(0, T)])
        pltpu.sync_copy(pack_hbm.at[pl.ds(B * T + base, T)],
                        gn_v.at[pl.ds(0, T)])
        pltpu.sync_copy(pack_hbm.at[pl.ds(2 * B * T + base, T)],
                        ids_v.at[pl.ds(0, T)])

        for j in range(2):
            cnt_v[pl.ds(j * L, L)] = zero16i
            cnt2_v[pl.ds(j * L, L)] = zero16i

        def _chunk_in(j):
            t16 = tim_v[pl.ds(j * L, L)]
            g16 = gn_v[pl.ds(j * L, L)]
            i16 = jnp.clip(ids_v[pl.ds(j * L, L)].astype(jnp.int32),
                           0, N_TMPL - 1)
            m = (g16 > 0.0) & (t16 > 0.0)
            if j == T_PAD // L - 1:
                m = m & (iota16 < (T - (T_PAD - L)))
            return t16, g16, i16, m

        for j in range(T_PAD // L):
            _, _, i16, m = _chunk_in(j)
            rank, lastm = plsc.scan_count(i16, m)
            old = plsc.load_gather(cnt_v, [i16])
            plsc.store_scatter(cnt_v, [i16], old + rank, mask=lastm & m)

        c0 = cnt_v[pl.ds(0, L)]
        c1 = cnt_v[pl.ds(L, L)]
        incl0 = plsc.cumsum(c0)
        excl0 = incl0 - c0
        tot0 = jnp.broadcast_to(incl0[L - 1], (L,))
        incl1 = plsc.cumsum(c1) + tot0
        excl1 = incl1 - c1
        offs_v[pl.ds(0, L)] = excl0
        offs_v[pl.ds(L, L)] = excl1

        for j in range(T_PAD // L):
            t16, g16, i16, m = _chunk_in(j)
            pos16 = (t16 * jnp.float32(SR)).astype(jnp.int32)
            rank, lastm = plsc.scan_count(i16, m)
            old = plsc.load_gather(cnt2_v, [i16])
            dest = plsc.load_gather(offs_v, [i16]) + old + rank - 1
            plsc.store_scatter(cpos, [dest], pos16, mask=m)
            plsc.store_scatter(cgain, [dest], g16, mask=m)
            plsc.store_scatter(cnt2_v, [i16], old + rank, mask=lastm & m)

        @pl.loop(0, N_TMPL)
        def _bin(t):
            o16 = offs_v[pl.ds(t, L)]
            lo = o16[0]
            hi = o16[1]

            @pl.when(hi > lo)
            def _nonempty():
                for h in range(2):
                    tb = t * TS + h * HALF
                    tregs = [tmpl_v[pl.ds(tb + k * L, L)] for k in range(HC)]
                    p16 = cpos[pl.ds(lo, L)]
                    g16 = cgain[pl.ds(lo, L)]

                    @pl.loop(lo, hi, init_carry=(p16[0], g16[0]))
                    def _ev(ev, carry):
                        pos, g = carry
                        np16 = cpos[pl.ds(ev + 1, L)]
                        ng16 = cgain[pl.ds(ev + 1, L)]
                        gv = jnp.broadcast_to(g, (L,))
                        ab = pos + h * HALF
                        for k in range(HC):
                            plsc.addupdate(acc.at[pl.ds(ab + k * L, L)],
                                           gv * tregs[k])
                        return (np16[0], ng16[0])

        @plsc.parallel_loop(0, ACTIVE // L, unroll=8,
                            carry=jnp.full((L,), 1e-8, jnp.float32))
        def _mx(j, m):
            return jnp.maximum(m, jnp.abs(acc[pl.ds(j * L, L)]))
        mvec = _mx
        sm = jnp.sort(mvec)[L - 1]
        invv = 1.0 / jnp.broadcast_to(sm, (L,))

        @plsc.parallel_loop(0, ACTIVE // L, unroll=8)
        def _scale(j):
            acc[pl.ds(j * L, L)] = acc[pl.ds(j * L, L)] * invv

        pltpu.sync_copy(acc, out_hbm.at[row])

        if r != ROWS_PER_W - 1:
            @plsc.parallel_loop(0, ACTIVE // L, unroll=8)
            def _rezero(j):
                acc[pl.ds(j * L, L)] = zero16


@jax.jit
def _sc_call(pack_f):
    mesh = plsc.VectorSubcoreMesh(core_axis_name="c", subcore_axis_name="s",
                                  num_cores=NC, num_subcores=NS)
    fn = pl.kernel(
        _sc_body,
        out_type=jax.ShapeDtypeStruct((B, AUDIO), jnp.float32),
        mesh=mesh,
        scratch_types=[
            pltpu.VMEM((N_TMPL * TS,), jnp.float32),
            pltpu.VMEM((AUDIO,), jnp.float32),
            pltpu.VMEM((T_PAD,), jnp.float32),
            pltpu.VMEM((T_PAD,), jnp.float32),
            pltpu.VMEM((T_PAD,), jnp.float32),
            pltpu.VMEM((CCAP,), jnp.int32),
            pltpu.VMEM((CCAP,), jnp.float32),
            pltpu.VMEM((2 * L,), jnp.int32),
            pltpu.VMEM((2 * L,), jnp.int32),
            pltpu.VMEM((3 * L,), jnp.int32),
        ],
        compiler_params=pltpu.CompilerParams(needs_layout_passes=False),
    )
    return fn(pack_f)


def kernel(timings, ids, gains, templates, audio_length=48000):
    del audio_length
    pack = jnp.concatenate([
        timings.reshape(-1),
        gains.reshape(-1),
        ids.astype(jnp.float32).reshape(-1),
        templates.reshape(-1),
    ])
    return _sc_call(pack)

# --- scband reference (transcript-rebuilt; emitter-appended) ---
"""Pipeline reference for scband-transient-generator-76811195122338 (READ-ONLY COPY).

The authoritative reference and input builder live on the scoring server;
editing this copy changes nothing except your own understanding.
"""

import jax, jax.numpy as jnp
import numpy as np

SAMPLE_RATE = 16000
N_TRANSIENTS = 20
TEMPLATE_SIZE = 1024
AUDIO_LENGTH = 48000


def _make_templates():
    tmpls = np.zeros((N_TRANSIENTS, TEMPLATE_SIZE), np.float32)
    rng = np.random.default_rng(0)
    for i in range(N_TRANSIENTS):
        attack_size = int(TEMPLATE_SIZE * (0.1 + 0.4 * i / N_TRANSIENTS))
        decay_size = TEMPLATE_SIZE - attack_size
        attack = np.linspace(0.0, 1.0, attack_size)
        decay = np.exp(-np.linspace(0.0, 5.0, decay_size))
        envelope = np.concatenate([attack, decay])[:TEMPLATE_SIZE]
        noise = rng.standard_normal(TEMPLATE_SIZE)
        if i % 4 == 0:
            freq1 = 100 + 200 * (i / N_TRANSIENTS)
            freq2 = 2000 + 2000 * (i / N_TRANSIENTS)
            t = np.linspace(0.0, TEMPLATE_SIZE / SAMPLE_RATE, TEMPLATE_SIZE)
            sin1 = np.sin(2 * np.pi * freq1 * t) * np.exp(-t * 20)
            sin2 = np.sin(2 * np.pi * freq2 * t) * np.exp(-t * 40)
            template = envelope * (noise * 0.5 + sin1 * 0.3 + sin2 * 0.2)
        else:
            template = envelope * noise
        template = template / np.max(np.abs(template))
        tmpls[i] = template
    return jnp.asarray(tmpls, jnp.float32)


def setup_inputs(seed: int = 0) -> dict:
    key = jax.random.key(seed)
    k1, k2, k3 = jax.random.split(key, 3)
    B, T = 64, 200
    timings = jax.random.uniform(k1, (B, T), dtype=jnp.float32)  # seconds in [0, 1)
    ids = jax.random.randint(k2, (B, T), 0, N_TRANSIENTS)
    gains = jax.random.uniform(k3, (B, T), dtype=jnp.float32)
    templates = _make_templates()
    return {"timings": timings, "ids": ids, "gains": gains, "templates": templates, "audio_length": 48000}


def reference(timings, ids, gains, templates, audio_length=48000):
    B, T = timings.shape
    # position in samples; torch uses int(time_sec * sr) == trunc == floor for positive times
    pos = jnp.floor(timings * SAMPLE_RATE).astype(jnp.int32)
    valid = (gains > 0) & (timings > 0) & (pos < audio_length)
    tid = jnp.clip(ids, 0, N_TRANSIENTS - 1)
    tmpl = templates[tid]  # gather: [B, T, TEMPLATE_SIZE]
    offs = pos[:, :, None] + jnp.arange(TEMPLATE_SIZE, dtype=jnp.int32)[None, None, :]
    vals = tmpl * gains[:, :, None] * valid[:, :, None].astype(tmpl.dtype)
    b_idx = jnp.broadcast_to(jnp.arange(B, dtype=jnp.int32)[:, None, None], offs.shape)
    # scatter-add; mode='drop' clips template tails past audio_length (matches end_pos clamp)
    sig = jnp.zeros((B, AUDIO_LENGTH), jnp.float32).at[b_idx, offs].add(vals, mode="drop")
    max_vals = jnp.max(jnp.abs(sig), axis=1, keepdims=True)
    max_vals = jnp.clip(max_vals, 1e-08, None)
    return sig / max_vals

if __name__ == "__main__":
    import jax
    _d = setup_inputs()
    print(jax.jit(kernel)(*tuple(_d.values())))

</pallas_src>

<mosaic_0001>
#map = affine_map<(d0, d1) -> (0)>
#map1 = affine_map<(d0, d1) -> (0, 0)>
module attributes {stable_mosaic.version = 14 : i64} {
  func.func @_sc_body(%arg0: i32, %arg1: i32, %arg2: memref<58880xf32, #tpu.memory_space<hbm>>, %arg3: memref<64x48000xf32, #tpu.memory_space<hbm>>, %arg4: memref<20480xf32, #tpu.memory_space<vmem>>, %arg5: memref<48000xf32, #tpu.memory_space<vmem>>, %arg6: memref<208xf32, #tpu.memory_space<vmem>>, %arg7: memref<208xf32, #tpu.memory_space<vmem>>, %arg8: memref<208xf32, #tpu.memory_space<vmem>>, %arg9: memref<224xi32, #tpu.memory_space<vmem>>, %arg10: memref<224xf32, #tpu.memory_space<vmem>>, %arg11: memref<32xi32, #tpu.memory_space<vmem>>, %arg12: memref<32xi32, #tpu.memory_space<vmem>>, %arg13: memref<48xi32, #tpu.memory_space<vmem>>) attributes {dimension_semantics = [#tpu.dimension_semantics<core_parallel>, #tpu.dimension_semantics<subcore_parallel>], iteration_bounds = array<i64: 2, 16>, scalar_prefetch = 0 : i64, scratch_operands = 10 : i64, tpu.core_type = #tpu.core_type<sc_vector_subcore>, window_params = [{transform_indices = #map}, {transform_indices = #map1}]} {
    %mul3A = arith.constant 2 : i32
    %mul3A_0 = arith.muli %arg1, %mul3A : i32
    %add3A = arith.addi %mul3A_0, %arg0 : i32
    "tpu.region"() ({
      %run_scoped3A = tpu.sem_alloc : memref<!tpu.dma_semaphore, #tpu.memory_space<semaphore_mem>>
      %dma_start3A = arith.constant 38400 : i32
      %dma_start3A_1691 = tpu.memref_slice %arg2[%dma_start3A] : memref<58880xf32, #tpu.memory_space<hbm>> -> memref<20480xf32, #tpu.memory_space<hbm>>
      %dma_start3A_1692 = arith.constant 38400 : i32
      %dma_start3A_1693 = tpu.memref_slice %arg2[%dma_start3A_1692] : memref<58880xf32, #tpu.memory_space<hbm>> -> memref<20480xf32, #tpu.memory_space<hbm>>
      tpu.enqueue_dma source(%dma_start3A_1693 : memref<20480xf32, #tpu.memory_space<hbm>>) target(%arg4 : memref<20480xf32, #tpu.memory_space<vmem>>) target_semaphore(%run_scoped3A : memref<!tpu.dma_semaphore, #tpu.memory_space<semaphore_mem>>)
      %dma_wait3A = arith.constant 38400 : i32
      %dma_wait3A_1694 = tpu.memref_slice %arg2[%dma_wait3A] : memref<58880xf32, #tpu.memory_space<hbm>> -> memref<20480xf32, #tpu.memory_space<hbm>>
      %dma_wait3A_1695 = arith.constant 38400 : i32
      %dma_wait3A_1696 = tpu.memref_slice %arg2[%dma_wait3A_1695] : memref<58880xf32, #tpu.memory_space<hbm>> -> memref<20480xf32, #tpu.memory_space<hbm>>
      tpu.wait_dma2 semaphore(%run_scoped3A : memref<!tpu.dma_semaphore, #tpu.memory_space<semaphore_mem>>) src(%dma_wait3A_1696 : memref<20480xf32, #tpu.memory_space<hbm>>) dst(%arg4 : memref<20480xf32, #tpu.memory_space<vmem>>)
      tpu.yield
    }) : () -> ()
    %broadcast_in_dim3A = arith.constant 0.000000e+00 : f32
    %broadcast_in_dim3A_1 = vector.broadcast %broadcast_in_dim3A : f32 to vector<16xf32>
    %broadcast_in_dim3A_2 = arith.constant 0 : i32
    %broadcast_in_dim3A_3 = vector.broadcast %broadcast_in_dim3A_2 : i32 to vector<16xi32>
    %iota3A = tpu.iota {dimensions = array<i32: 0>} : vector<16xi32>
    %parallel_loop3A = arith.constant 0 : i32
    %parallel_loop3A_4 = arith.constant 3000 : i32
    %parallel_loop3A_5 = arith.constant 1 : i32
    scf.for %parallel_loop3A_1691 = %parallel_loop3A to %parallel_loop3A_4 step %parallel_loop3A_5  : i32 {
      %parallel_loop3A_1692 = arith.constant 16 : i32
      %parallel_loop3A_1693 = arith.muli %parallel_loop3A_1691, %parallel_loop3A_1692 : i32
      %parallel_loop3A_1694 = arith.index_cast %parallel_loop3A_1693 : i32 to index
      %parallel_loop3A_1695 = tpu.vector_load %arg5[%parallel_loop3A_1694] {strides = array<i32>} : memref<48000xf32, #tpu.memory_space<vmem>>, vector<16xf32>,
      tpu.vector_store %arg5[%parallel_loop3A_1694], %broadcast_in_dim3A_1 {strides = array<i32>} : memref<48000xf32, #tpu.memory_space<vmem>>, vector<16xf32>,
    } {sc.loop_unroll_factor = 8 : i64, sc.parallel_access}
    %mul3A_6 = arith.constant 2 : i32
    %mul3A_7 = arith.muli %add3A, %mul3A_6 : i32
    %add3A_8 = arith.constant 0 : i32
    %add3A_9 = arith.addi %mul3A_7, %add3A_8 : i32
    %mul3A_10 = arith.constant 200 : i32
    %mul3A_11 = arith.muli %add3A_9, %mul3A_10 : i32
    "tpu.region"() ({
      %run_scoped3A = tpu.sem_alloc : memref<!tpu.dma_semaphore, #tpu.memory_space<semaphore_mem>>
      %dma_start3A = arith.constant 0 : i32
      %dma_start3A_1691 = tpu.memref_slice %arg6[%dma_start3A] : memref<208xf32, #tpu.memory_space<vmem>> -> memref<200xf32, #tpu.memory_space<vmem>>
      %dma_start3A_1692 = tpu.memref_slice %arg2[%mul3A_11] : memref<58880xf32, #tpu.memory_space<hbm>> -> memref<200xf32, #tpu.memory_space<hbm>>
      %dma_start3A_1693 = arith.constant 0 : i32
      %dma_start3A_1694 = tpu.memref_slice %arg6[%dma_start3A_1693] : memref<208xf32, #tpu.memory_space<vmem>> -> memref<200xf32, #tpu.memory_space<vmem>>
      %dma_start3A_1695 = tpu.memref_slice %arg2[%mul3A_11] : memref<58880xf32, #tpu.memory_space<hbm>> -> memref<200xf32, #tpu.memory_space<hbm>>
      tpu.enqueue_dma source(%dma_start3A_1695 : memref<200xf32, #tpu.memory_space<hbm>>) target(%dma_start3A_1694 : memref<200xf32, #tpu.memory_space<vmem>>) target_semaphore(%run_scoped3A : memref<!tpu.dma_semaphore, #tpu.memory_space<semaphore_mem>>)
      %dma_wait3A = arith.constant 0 : i32
      %dma_wait3A_1696 = tpu.memref_slice %arg6[%dma_wait3A] : memref<208xf32, #tpu.memory_space<vmem>> -> memref<200xf32, #tpu.memory_space<vmem>>
      %dma_wait3A_1697 = tpu.memref_slice %arg2[%mul3A_11] : memref<58880xf32, #tpu.memory_space<hbm>> -> memref<200xf32, #tpu.memory_space<hbm>>
      %dma_wait3A_1698 = arith.constant 0 : i32
      %dma_wait3A_1699 = tpu.memref_slice %arg6[%dma_wait3A_1698] : memref<208xf32, #tpu.memory_space<vmem>> -> memref<200xf32, #tpu.memory_space<vmem>>
      %dma_wait3A_1700 = tpu.memref_slice %arg2[%mul3A_11] : memref<58880xf32, #tpu.memory_space<hbm>> -> memref<200xf32, #tpu.memory_space<hbm>>
      tpu.wait_dma2 semaphore(%run_scoped3A : memref<!tpu.dma_semaphore, #tpu.memory_space<semaphore_mem>>) src(%dma_wait3A_1700 : memref<200xf32, #tpu.memory_space<hbm>>) dst(%dma_wait3A_1699 : memref<200xf32, #tpu.memory_space<vmem>>)
      tpu.yield
    }) : () -> ()
    %add3A_12 = arith.constant 12800 : i32
    %add3A_13 = arith.addi %add3A_12, %mul3A_11 : i32
    "tpu.region"() ({
      %run_scoped3A = tpu.sem_alloc : memref<!tpu.dma_semaphore, #tpu.memory_space<semaphore_mem>>
      %dma_start3A = arith.constant 0 : i32
      %dma_start3A_1691 = tpu.memref_slice %arg7[%dma_start3A] : memref<208xf32, #tpu.memory_space<vmem>> -> memref<200xf32, #tpu.memory_space<vmem>>
      %dma_start3A_1692 = tpu.memref_slice %arg2[%add3A_13] : memref<58880xf32, #tpu.memory_space<hbm>> -> memref<200xf32, #tpu.memory_space<hbm>>
      %dma_start3A_1693 = arith.constant 0 : i32
      %dma_start3A_1694 = tpu.memref_slice %arg7[%dma_start3A_1693] : memref<208xf32, #tpu.memory_space<vmem>> -> memref<200xf32, #tpu.memory_space<vmem>>
      %dma_start3A_1695 = tpu.memref_slice %arg2[%add3A_13] : memref<58880xf32, #tpu.memory_space<hbm>> -> memref<200xf32, #tpu.memory_space<hbm>>
      tpu.enqueue_dma source(%dma_start3A_1695 : memref<200xf32, #tpu.memory_space<hbm>>) target(%dma_start3A_1694 : memref<200xf32, #tpu.memory_space<vmem>>) target_semaphore(%run_scoped3A : memref<!tpu.dma_semaphore, #tpu.memory_space<semaphore_mem>>)
      %dma_wait3A = arith.constant 0 : i32
      %dma_wait3A_1696 = tpu.memref_slice %arg7[%dma_wait3A] : memref<208xf32, #tpu.memory_space<vmem>> -> memref<200xf32, #tpu.memory_space<vmem>>
      %dma_wait3A_1697 = tpu.memref_slice %arg2[%add3A_13] : memref<58880xf32, #tpu.memory_space<hbm>> -> memref<200xf32, #tpu.memory_space<hbm>>
      %dma_wait3A_1698 = arith.constant 0 : i32
      %dma_wait3A_1699 = tpu.memref_slice %arg7[%dma_wait3A_1698] : memref<208xf32, #tpu.memory_space<vmem>> -> memref<200xf32, #tpu.memory_space<vmem>>
      %dma_wait3A_1700 = tpu.memref_slice %arg2[%add3A_13] : memref<58880xf32, #tpu.memory_space<hbm>> -> memref<200xf32, #tpu.memory_space<hbm>>
      tpu.wait_dma2 semaphore(%run_scoped3A : memref<!tpu.dma_semaphore, #tpu.memory_space<semaphore_mem>>) src(%dma_wait3A_1700 : memref<200xf32, #tpu.memory_space<hbm>>) dst(%dma_wait3A_1699 : memref<200xf32, #tpu.memory_space<vmem>>)
      tpu.yield
    }) : () -> ()
    %add3A_14 = arith.constant 25600 : i32
    %add3A_15 = arith.addi %add3A_14, %mul3A_11 : i32
    "tpu.region"() ({
      %run_scoped3A = tpu.sem_alloc : memref<!tpu.dma_semaphore, #tpu.memory_space<semaphore_mem>>
      %dma_start3A = arith.constant 0 : i32
      %dma_start3A_1691 = tpu.memref_slice %arg8[%dma_start3A] : memref<208xf32, #tpu.memory_space<vmem>> -> memref<200xf32, #tpu.memory_space<vmem>>
      %dma_start3A_1692 = tpu.memref_slice %arg2[%add3A_15] : memref<58880xf32, #tpu.memory_space<hbm>> -> memref<200xf32, #tpu.memory_space<hbm>>
      %dma_start3A_1693 = arith.constant 0 : i32
      %dma_start3A_1694 = tpu.memref_slice %arg8[%dma_start3A_1693] : memref<208xf32, #tpu.memory_space<vmem>> -> memref<200xf32, #tpu.memory_space<vmem>>
      %dma_start3A_1695 = tpu.memref_slice %arg2[%add3A_15] : memref<58880xf32, #tpu.memory_space<hbm>> -> memref<200xf32, #tpu.memory_space<hbm>>
      tpu.enqueue_dma source(%dma_start3A_1695 : memref<200xf32, #tpu.memory_space<hbm>>) target(%dma_start3A_1694 : memref<200xf32, #tpu.memory_space<vmem>>) target_semaphore(%run_scoped3A : memref<!tpu.dma_semaphore, #tpu.memory_space<semaphore_mem>>)
      %dma_wait3A = arith.constant 0 : i32
      %dma_wait3A_1696 = tpu.memref_slice %arg8[%dma_wait3A] : memref<208xf32, #tpu.memory_space<vmem>> -> memref<200xf32, #tpu.memory_space<vmem>>
      %dma_wait3A_1697 = tpu.memref_slice %arg2[%add3A_15] : memref<58880xf32, #tpu.memory_space<hbm>> -> memref<200xf32, #tpu.memory_space<hbm>>
      %dma_wait3A_1698 = arith.constant 0 : i32
      %dma_wait3A_1699 = tpu.memref_slice %arg8[%dma_wait3A_1698] : memref<208xf32, #tpu.memory_space<vmem>> -> memref<200xf32, #tpu.memory_space<vmem>>
      %dma_wait3A_1700 = tpu.memref_slice %arg2[%add3A_15] : memref<58880xf32, #tpu.memory_space<hbm>> -> memref<200xf32, #tpu.memory_space<hbm>>
      tpu.wait_dma2 semaphore(%run_scoped3A : memref<!tpu.dma_semaphore, #tpu.memory_space<semaphore_mem>>) src(%dma_wait3A_1700 : memref<200xf32, #tpu.memory_space<hbm>>) dst(%dma_wait3A_1699 : memref<200xf32, #tpu.memory_space<vmem>>)
      tpu.yield
    }) : () -> ()
    %swap3A = arith.constant 0 : index
    %swap3A_16 = tpu.vector_load %arg11[%swap3A] {strides = array<i32>} : memref<32xi32, #tpu.memory_space<vmem>>, vector<16xi32>,
    tpu.vector_store %arg11[%swap3A], %broadcast_in_dim3A_3 {strides = array<i32>} : memref<32xi32, #tpu.memory_space<vmem>>, vector<16xi32>,
    %swap3A_17 = arith.constant 0 : index
    %swap3A_18 = tpu.vector_load %arg12[%swap3A_17] {strides = array<i32>} : memref<32xi32, #tpu.memory_space<vmem>>, vector<16xi32>,
    tpu.vector_store %arg12[%swap3A_17], %broadcast_in_dim3A_3 {strides = array<i32>} : memref<32xi32, #tpu.memory_space<vmem>>, vector<16xi32>,
    %swap3A_19 = arith.constant 16 : index
    %swap3A_20 = tpu.vector_load %arg11[%swap3A_19] {strides = array<i32>} : memref<32xi32, #tpu.memory_space<vmem>>, vector<16xi32>,
    tpu.vector_store %arg11[%swap3A_19], %broadcast_in_dim3A_3 {strides = array<i32>} : memref<32xi32, #tpu.memory_space<vmem>>, vector<16xi32>,
    %swap3A_21 = arith.constant 16 : index
    %swap3A_22 = tpu.vector_load %arg12[%swap3A_21] {strides = array<i32>} : memref<32xi32, #tpu.memory_space<vmem>>, vector<16xi32>,
    tpu.vector_store %arg12[%swap3A_21], %broadcast_in_dim3A_3 {strides = array<i32>} : memref<32xi32, #tpu.memory_space<vmem>>, vector<16xi32>,
    %get3A = arith.constant 0 : index
    %get3A_23 = tpu.vector_load %arg6[%get3A] {strides = array<i32>} : memref<208xf32, #tpu.memory_space<vmem>>, vector<16xf32>,
    %get3A_24 = arith.constant 0 : index
    %get3A_25 = tpu.vector_load %arg7[%get3A_24] {strides = array<i32>} : memref<208xf32, #tpu.memory_space<vmem>>, vector<16xf32>,
    %get3A_26 = arith.constant 0 : index
    %get3A_27 = tpu.vector_load %arg8[%get3A_26] {strides = array<i32>} : memref<208xf32, #tpu.memory_space<vmem>>, vector<16xf32>,
    %convert_element_type3A = arith.fptosi %get3A_27 : vector<16xf32> to vector<16xi32>
    %jit3A = arith.constant 0 : i32
    %jit3A_28 = arith.constant 19 : i32
    %max3A = vector.broadcast %jit3A : i32 to vector<16xi32>
    %max3A_29 = arith.maxsi %max3A, %convert_element_type3A : vector<16xi32>
    %min3A = vector.broadcast %jit3A_28 : i32 to vector<16xi32>
    %min3A_30 = arith.minsi %min3A, %max3A_29 : vector<16xi32>
    %gt3A = arith.constant 0.000000e+00 : f32
    %gt3A_31 = vector.broadcast %gt3A : f32 to vector<16xf32>
    %gt3A_32 = arith.cmpf ogt, %get3A_25, %gt3A_31 : vector<16xf32>
    %gt3A_33 = arith.constant 0.000000e+00 : f32
    %gt3A_34 = vector.broadcast %gt3A_33 : f32 to vector<16xf32>
    %gt3A_35 = arith.cmpf ogt, %get3A_23, %gt3A_34 : vector<16xf32>
    %and3A = arith.andi %gt3A_32, %gt3A_35 : vector<16xi1>
    %unique3A, %unique3A_36 = tpu.scan_count mask(%and3A : vector<16xi1>) value(%min3A_30 : vector<16xi32>) : vector<16xi1>, vector<16xi32>
    %gather3A = tpu.vector_load_idx %arg11[%min3A_30] : memref<32xi32, #tpu.memory_space<vmem>>[vector<16xi32>], vector<16xi32>,
    %add3A_37 = arith.addi %gather3A, %unique3A_36 : vector<16xi32>
    %and3A_38 = arith.andi %unique3A, %and3A : vector<16xi1>
    tpu.vector_store_idx %arg11[%min3A_30], %add3A_37 masked %and3A_38 : memref<32xi32, #tpu.memory_space<vmem>>[vector<16xi32>], vector<16xi32>, vector<16xi1>
    %get3A_39 = arith.constant 16 : index
    %get3A_40 = tpu.vector_load %arg6[%get3A_39] {strides = array<i32>} : memref<208xf32, #tpu.memory_space<vmem>>, vector<16xf32>,
    %get3A_41 = arith.constant 16 : index
    %get3A_42 = tpu.vector_load %arg7[%get3A_41] {strides = array<i32>} : memref<208xf32, #tpu.memory_space<vmem>>, vector<16xf32>,
    %get3A_43 = arith.constant 16 : index
    %get3A_44 = tpu.vector_load %arg8[%get3A_43] {strides = array<i32>} : memref<208xf32, #tpu.memory_space<vmem>>, vector<16xf32>,
    %convert_element_type3A_45 = arith.fptosi %get3A_44 : vector<16xf32> to vector<16xi32>
    %jit3A_46 = arith.constant 0 : i32
    %jit3A_47 = arith.constant 19 : i32
    %max3A_48 = vector.broadcast %jit3A_46 : i32 to vector<16xi32>
    %max3A_49 = arith.maxsi %max3A_48, %convert_element_type3A_45 : vector<16xi32>
    %min3A_50 = vector.broadcast %jit3A_47 : i32 to vector<16xi32>
    %min3A_51 = arith.minsi %min3A_50, %max3A_49 : vector<16xi32>
    %gt3A_52 = arith.constant 0.000000e+00 : f32
    %gt3A_53 = vector.broadcast %gt3A_52 : f32 to vector<16xf32>
    %gt3A_54 = arith.cmpf ogt, %get3A_42, %gt3A_53 : vector<16xf32>
    %gt3A_55 = arith.constant 0.000000e+00 : f32
    %gt3A_56 = vector.broadcast %gt3A_55 : f32 to vector<16xf32>
    %gt3A_57 = arith.cmpf ogt, %get3A_40, %gt3A_56 : vector<16xf32>
    %and3A_58 = arith.andi %gt3A_54, %gt3A_57 : vector<16xi1>
    %unique3A_59, %unique3A_60 = tpu.scan_count mask(%and3A_58 : vector<16xi1>) value(%min3A_51 : vector<16xi32>) : vector<16xi1>, vector<16xi32>
    %gather3A_61 = tpu.vector_load_idx %arg11[%min3A_51] : memref<32xi32, #tpu.memory_space<vmem>>[vector<16xi32>], vector<16xi32>,
    %add3A_62 = arith.addi %gather3A_61, %unique3A_60 : vector<16xi32>
    %and3A_63 = arith.andi %unique3A_59, %and3A_58 : vector<16xi1>
    tpu.vector_store_idx %arg11[%min3A_51], %add3A_62 masked %and3A_63 : memref<32xi32, #tpu.memory_space<vmem>>[vector<16xi32>], vector<16xi32>, vector<16xi1>
    %get3A_64 = arith.constant 32 : index
    %get3A_65 = tpu.vector_load %arg6[%get3A_64] {strides = array<i32>} : memref<208xf32, #tpu.memory_space<vmem>>, vector<16xf32>,
    %get3A_66 = arith.constant 32 : index
    %get3A_67 = tpu.vector_load %arg7[%get3A_66] {strides = array<i32>} : memref<208xf32, #tpu.memory_space<vmem>>, vector<16xf32>,
    %get3A_68 = arith.constant 32 : index
    %get3A_69 = tpu.vector_load %arg8[%get3A_68] {strides = array<i32>} : memref<208xf32, #tpu.memory_space<vmem>>, vector<16xf32>,
    %convert_element_type3A_70 = arith.fptosi %get3A_69 : vector<16xf32> to vector<16xi32>
    %jit3A_71 = arith.constant 0 : i32
    %jit3A_72 = arith.constant 19 : i32
    %max3A_73 = vector.broadcast %jit3A_71 : i32 to vector<16xi32>
    %max3A_74 = arith.maxsi %max3A_73, %convert_element_type3A_70 : vector<16xi32>
    %min3A_75 = vector.broadcast %jit3A_72 : i32 to vector<16xi32>
    %min3A_76 = arith.minsi %min3A_75, %max3A_74 : vector<16xi32>
    %gt3A_77 = arith.constant 0.000000e+00 : f32
    %gt3A_78 = vector.broadcast %gt3A_77 : f32 to vector<16xf32>
    %gt3A_79 = arith.cmpf ogt, %get3A_67, %gt3A_78 : vector<16xf32>
    %gt3A_80 = arith.constant 0.000000e+00 : f32
    %gt3A_81 = vector.broadcast %gt3A_80 : f32 to vector<16xf32>
    %gt3A_82 = arith.cmpf ogt, %get3A_65, %gt3A_81 : vector<16xf32>
    %and3A_83 = arith.andi %gt3A_79, %gt3A_82 : vector<16xi1>
    %unique3A_84, %unique3A_85 = tpu.scan_count mask(%and3A_83 : vector<16xi1>) value(%min3A_76 : vector<16xi32>) : vector<16xi1>, vector<16xi32>
    %gather3A_86 = tpu.vector_load_idx %arg11[%min3A_76] : memref<32xi32, #tpu.memory_space<vmem>>[vector<16xi32>], vector<16xi32>,
    %add3A_87 = arith.addi %gather3A_86, %unique3A_85 : vector<16xi32>
    %and3A_88 = arith.andi %unique3A_84, %and3A_83 : vector<16xi1>
    tpu.vector_store_idx %arg11[%min3A_76], %add3A_87 masked %and3A_88 : memref<32xi32, #tpu.memory_space<vmem>>[vector<16xi32>], vector<16xi32>, vector<16xi1>
    %get3A_89 = arith.constant 48 : index
    %get3A_90 = tpu.vector_load %arg6[%get3A_89] {strides = array<i32>} : memref<208xf32, #tpu.memory_space<vmem>>, vector<16xf32>,
    %get3A_91 = arith.constant 48 : index
    %get3A_92 = tpu.vector_load %arg7[%get3A_91] {strides = array<i32>} : memref<208xf32, #tpu.memory_space<vmem>>, vector<16xf32>,
    %get3A_93 = arith.constant 48 : index
    %get3A_94 = tpu.vector_load %arg8[%get3A_93] {strides = array<i32>} : memref<208xf32, #tpu.memory_space<vmem>>, vector<16xf32>,
    %convert_element_type3A_95 = arith.fptosi %get3A_94 : vector<16xf32> to vector<16xi32>
    %jit3A_96 = arith.constant 0 : i32
    %jit3A_97 = arith.constant 19 : i32
    %max3A_98 = vector.broadcast %jit3A_96 : i32 to vector<16xi32>
    %max3A_99 = arith.maxsi %max3A_98, %convert_element_type3A_95 : vector<16xi32>
    %min3A_100 = vector.broadcast %jit3A_97 : i32 to vector<16xi32>
    %min3A_101 = arith.minsi %min3A_100, %max3A_99 : vector<16xi32>
    %gt3A_102 = arith.constant 0.000000e+00 : f32
    %gt3A_103 = vector.broadcast %gt3A_102 : f32 to vector<16xf32>
    %gt3A_104 = arith.cmpf ogt, %get3A_92, %gt3A_103 : vector<16xf32>
    %gt3A_105 = arith.constant 0.000000e+00 : f32
    %gt3A_106 = vector.broadcast %gt3A_105 : f32 to vector<16xf32>
    %gt3A_107 = arith.cmpf ogt, %get3A_90, %gt3A_106 : vector<16xf32>
    %and3A_108 = arith.andi %gt3A_104, %gt3A_107 : vector<16xi1>
    %unique3A_109, %unique3A_110 = tpu.scan_count mask(%and3A_108 : vector<16xi1>) value(%min3A_101 : vector<16xi32>) : vector<16xi1>, vector<16xi32>
    %gather3A_111 = tpu.vector_load_idx %arg11[%min3A_101] : memref<32xi32, #tpu.memory_space<vmem>>[vector<16xi32>], vector<16xi32>,
    %add3A_112 = arith.addi %gather3A_111, %unique3A_110 : vector<16xi32>
    %and3A_113 = arith.andi %unique3A_109, %and3A_108 : vector<16xi1>
    tpu.vector_store_idx %arg11[%min3A_101], %add3A_112 masked %and3A_113 : memref<32xi32, #tpu.memory_space<vmem>>[vector<16xi32>], vector<16xi32>, vector<16xi1>
    %get3A_114 = arith.constant 64 : index
    %get3A_115 = tpu.vector_load %arg6[%get3A_114] {strides = array<i32>} : memref<208xf32, #tpu.memory_space<vmem>>, vector<16xf32>,
    %get3A_116 = arith.constant 64 : index
    %get3A_117 = tpu.vector_load %arg7[%get3A_116] {strides = array<i32>} : memref<208xf32, #tpu.memory_space<vmem>>, vector<16xf32>,
    %get3A_118 = arith.constant 64 : index
    %get3A_119 = tpu.vector_load %arg8[%get3A_118] {strides = array<i32>} : memref<208xf32, #tpu.memory_space<vmem>>, vector<16xf32>,
    %convert_element_type3A_120 = arith.fptosi %get3A_119 : vector<16xf32> to vector<16xi32>
    %jit3A_121 = arith.constant 0 : i32
    %jit3A_122 = arith.constant 19 : i32
    %max3A_123 = vector.broadcast %jit3A_121 : i32 to vector<16xi32>
    %max3A_124 = arith.maxsi %max3A_123, %convert_element_type3A_120 : vector<16xi32>
    %min3A_125 = vector.broadcast %jit3A_122 : i32 to vector<16xi32>
    %min3A_126 = arith.minsi %min3A_125, %max3A_124 : vector<16xi32>
    %gt3A_127 = arith.constant 0.000000e+00 : f32
    %gt3A_128 = vector.broadcast %gt3A_127 : f32 to vector<16xf32>
    %gt3A_129 = arith.cmpf ogt, %get3A_117, %gt3A_128 : vector<16xf32>
    %gt3A_130 = arith.constant 0.000000e+00 : f32
    %gt3A_131 = vector.broadcast %gt3A_130 : f32 to vector<16xf32>
    %gt3A_132 = arith.cmpf ogt, %get3A_115, %gt3A_131 : vector<16xf32>
    %and3A_133 = arith.andi %gt3A_129, %gt3A_132 : vector<16xi1>
    %unique3A_134, %unique3A_135 = tpu.scan_count mask(%and3A_133 : vector<16xi1>) value(%min3A_126 : vector<16xi32>) : vector<16xi1>, vector<16xi32>
    %gather3A_136 = tpu.vector_load_idx %arg11[%min3A_126] : memref<32xi32, #tpu.memory_space<vmem>>[vector<16xi32>], vector<16xi32>,
    %add3A_137 = arith.addi %gather3A_136, %unique3A_135 : vector<16xi32>
    %and3A_138 = arith.andi %unique3A_134, %and3A_133 : vector<16xi1>
    tpu.vector_store_idx %arg11[%min3A_126], %add3A_137 masked %and3A_138 : memref<32xi32, #tpu.memory_space<vmem>>[vector<16xi32>], vector<16xi32>, vector<16xi1>
    %get3A_139 = arith.constant 80 : index
    %get3A_140 = tpu.vector_load %arg6[%get3A_139] {strides = array<i32>} : memref<208xf32, #tpu.memory_space<vmem>>, vector<16xf32>,
    %get3A_141 = arith.constant 80 : index
    %get3A_142 = tpu.vector_load %arg7[%get3A_141] {strides = array<i32>} : memref<208xf32, #tpu.memory_space<vmem>>, vector<16xf32>,
    %get3A_143 = arith.constant 80 : index
    %get3A_144 = tpu.vector_load %arg8[%get3A_143] {strides = array<i32>} : memref<208xf32, #tpu.memory_space<vmem>>, vector<16xf32>,
    %convert_element_type3A_145 = arith.fptosi %get3A_144 : vector<16xf32> to vector<16xi32>
    %jit3A_146 = arith.constant 0 : i32
    %jit3A_147 = arith.constant 19 : i32
    %max3A_148 = vector.broadcast %jit3A_146 : i32 to vector<16xi32>
    %max3A_149 = arith.maxsi %max3A_148, %convert_element_type3A_145 : vector<16xi32>
    %min3A_150 = vector.broadcast %jit3A_147 : i32 to vector<16xi32>
    %min3A_151 = arith.minsi %min3A_150, %max3A_149 : vector<16xi32>
    %gt3A_152 = arith.constant 0.000000e+00 : f32
    %gt3A_153 = vector.broadcast %gt3A_152 : f32 to vector<16xf32>
    %gt3A_154 = arith.cmpf ogt, %get3A_142, %gt3A_153 : vector<16xf32>
    %gt3A_155 = arith.constant 0.000000e+00 : f32
    %gt3A_156 = vector.broadcast %gt3A_155 : f32 to vector<16xf32>
    %gt3A_157 = arith.cmpf ogt, %get3A_140, %gt3A_156 : vector<16xf32>
    %and3A_158 = arith.andi %gt3A_154, %gt3A_157 : vector<16xi1>
    %unique3A_159, %unique3A_160 = tpu.scan_count mask(%and3A_158 : vector<16xi1>) value(%min3A_151 : vector<16xi32>) : vector<16xi1>, vector<16xi32>
    %gather3A_161 = tpu.vector_load_idx %arg11[%min3A_151] : memref<32xi32, #tpu.memory_space<vmem>>[vector<16xi32>], vector<16xi32>,
    %add3A_162 = arith.addi %gather3A_161, %unique3A_160 : vector<16xi32>
    %and3A_163 = arith.andi %unique3A_159, %and3A_158 : vector<16xi1>
    tpu.vector_store_idx %arg11[%min3A_151], %add3A_162 masked %and3A_163 : memref<32xi32, #tpu.memory_space<vmem>>[vector<16xi32>], vector<16xi32>, vector<16xi1>
    %get3A_164 = arith.constant 96 : index
    %get3A_165 = tpu.vector_load %arg6[%get3A_164] {strides = array<i32>} : memref<208xf32, #tpu.memory_space<vmem>>, vector<16xf32>,
    %get3A_166 = arith.constant 96 : index
    %get3A_167 = tpu.vector_load %arg7[%get3A_166] {strides = array<i32>} : memref<208xf32, #tpu.memory_space<vmem>>, vector<16xf32>,
    %get3A_168 = arith.constant 96 : index
    %get3A_169 = tpu.vector_load %arg8[%get3A_168] {strides = array<i32>} : memref<208xf32, #tpu.memory_space<vmem>>, vector<16xf32>,
    %convert_element_type3A_170 = arith.fptosi %get3A_169 : vector<16xf32> to vector<16xi32>
    %jit3A_171 = arith.constant 0 : i32
    %jit3A_172 = arith.constant 19 : i32
    %max3A_173 = vector.broadcast %jit3A_171 : i32 to vector<16xi32>
    %max3A_174 = arith.maxsi %max3A_173, %convert_element_type3A_170 : vector<16xi32>
    %min3A_175 = vector.broadcast %jit3A_172 : i32 to vector<16xi32>
    %min3A_176 = arith.minsi %min3A_175, %max3A_174 : vector<16xi32>
    %gt3A_177 = arith.constant 0.000000e+00 : f32
    %gt3A_178 = vector.broadcast %gt3A_177 : f32 to vector<16xf32>
    %gt3A_179 = arith.cmpf ogt, %get3A_167, %gt3A_178 : vector<16xf32>
    %gt3A_180 = arith.constant 0.000000e+00 : f32
    %gt3A_181 = vector.broadcast %gt3A_180 : f32 to vector<16xf32>
    %gt3A_182 = arith.cmpf ogt, %get3A_165, %gt3A_181 : vector<16xf32>
    %and3A_183 = arith.andi %gt3A_179, %gt3A_182 : vector<16xi1>
    %unique3A_184, %unique3A_185 = tpu.scan_count mask(%and3A_183 : vector<16xi1>) value(%min3A_176 : vector<16xi32>) : vector<16xi1>, vector<16xi32>
    %gather3A_186 = tpu.vector_load_idx %arg11[%min3A_176] : memref<32xi32, #tpu.memory_space<vmem>>[vector<16xi32>], vector<16xi32>,
    %add3A_187 = arith.addi %gather3A_186, %unique3A_185 : vector<16xi32>
    %and3A_188 = arith.andi %unique3A_184, %and3A_183 : vector<16xi1>
    tpu.vector_store_idx %arg11[%min3A_176], %add3A_187 masked %and3A_188 : memref<32xi32, #tpu.memory_space<vmem>>[vector<16xi32>], vector<16xi32>, vector<16xi1>
    %get3A_189 = arith.constant 112 : index
    %get3A_190 = tpu.vector_load %arg6[%get3A_189] {strides = array<i32>} : memref<208xf32, #tpu.memory_space<vmem>>, vector<16xf32>,
    %get3A_191 = arith.constant 112 : index
    %get3A_192 = tpu.vector_load %arg7[%get3A_191] {strides = array<i32>} : memref<208xf32, #tpu.memory_space<vmem>>, vector<16xf32>,
    %get3A_193 = arith.constant 112 : index
    %get3A_194 = tpu.vector_load %arg8[%get3A_193] {strides = array<i32>} : memref<208xf32, #tpu.memory_space<vmem>>, vector<16xf32>,
    %convert_element_type3A_195 = arith.fptosi %get3A_194 : vector<16xf32> to vector<16xi32>
    %jit3A_196 = arith.constant 0 : i32
    %jit3A_197 = arith.constant 19 : i32
    %max3A_198 = vector.broadcast %jit3A_196 : i32 to vector<16xi32>
    %max3A_199 = arith.maxsi %max3A_198, %convert_element_type3A_195 : vector<16xi32>
    %min3A_200 = vector.broadcast %jit3A_197 : i32 to vector<16xi32>
    %min3A_201 = arith.minsi %min3A_200, %max3A_199 : vector<16xi32>
    %gt3A_202 = arith.constant 0.000000e+00 : f32
    %gt3A_203 = vector.broadcast %gt3A_202 : f32 to vector<16xf32>
    %gt3A_204 = arith.cmpf ogt, %get3A_192, %gt3A_203 : vector<16xf32>
    %gt3A_205 = arith.constant 0.000000e+00 : f32
    %gt3A_206 = vector.broadcast %gt3A_205 : f32 to vector<16xf32>
    %gt3A_207 = arith.cmpf ogt, %get3A_190, %gt3A_206 : vector<16xf32>
    %and3A_208 = arith.andi %gt3A_204, %gt3A_207 : vector<16xi1>
    %unique3A_209, %unique3A_210 = tpu.scan_count mask(%and3A_208 : vector<16xi1>) value(%min3A_201 : vector<16xi32>) : vector<16xi1>, vector<16xi32>
    %gather3A_211 = tpu.vector_load_idx %arg11[%min3A_201] : memref<32xi32, #tpu.memory_space<vmem>>[vector<16xi32>], vector<16xi32>,
    %add3A_212 = arith.addi %gather3A_211, %unique3A_210 : vector<16xi32>
    %and3A_213 = arith.andi %unique3A_209, %and3A_208 : vector<16xi1>
    tpu.vector_store_idx %arg11[%min3A_201], %add3A_212 masked %and3A_213 : memref<32xi32, #tpu.memory_space<vmem>>[vector<16xi32>], vector<16xi32>, vector<16xi1>
    %get3A_214 = arith.constant 128 : index
    %get3A_215 = tpu.vector_load %arg6[%get3A_214] {strides = array<i32>} : memref<208xf32, #tpu.memory_space<vmem>>, vector<16xf32>,
    %get3A_216 = arith.constant 128 : index
    %get3A_217 = tpu.vector_load %arg7[%get3A_216] {strides = array<i32>} : memref<208xf32, #tpu.memory_space<vmem>>, vector<16xf32>,
    %get3A_218 = arith.constant 128 : index
    %get3A_219 = tpu.vector_load %arg8[%get3A_218] {strides = array<i32>} : memref<208xf32, #tpu.memory_space<vmem>>, vector<16xf32>,
    %convert_element_type3A_220 = arith.fptosi %get3A_219 : vector<16xf32> to vector<16xi32>
    %jit3A_221 = arith.constant 0 : i32
    %jit3A_222 = arith.constant 19 : i32
    %max3A_223 = vector.broadcast %jit3A_221 : i32 to vector<16xi32>
    %max3A_224 = arith.maxsi %max3A_223, %convert_element_type3A_220 : vector<16xi32>
    %min3A_225 = vector.broadcast %jit3A_222 : i32 to vector<16xi32>
    %min3A_226 = arith.minsi %min3A_225, %max3A_224 : vector<16xi32>
    %gt3A_227 = arith.constant 0.000000e+00 : f32
    %gt3A_228 = vector.broadcast %gt3A_227 : f32 to vector<16xf32>
    %gt3A_229 = arith.cmpf ogt, %get3A_217, %gt3A_228 : vector<16xf32>
    %gt3A_230 = arith.constant 0.000000e+00 : f32
    %gt3A_231 = vector.broadcast %gt3A_230 : f32 to vector<16xf32>
    %gt3A_232 = arith.cmpf ogt, %get3A_215, %gt3A_231 : vector<16xf32>
    %and3A_233 = arith.andi %gt3A_229, %gt3A_232 : vector<16xi1>
    %unique3A_234, %unique3A_235 = tpu.scan_count mask(%and3A_233 : vector<16xi1>) value(%min3A_226 : vector<16xi32>) : vector<16xi1>, vector<16xi32>
    %gather3A_236 = tpu.vector_load_idx %arg11[%min3A_226] : memref<32xi32, #tpu.memory_space<vmem>>[vector<16xi32>], vector<16xi32>,
    %add3A_237 = arith.addi %gather3A_236, %unique3A_235 : vector<16xi32>
    %and3A_238 = arith.andi %unique3A_234, %and3A_233 : vector<16xi1>
    tpu.vector_store_idx %arg11[%min3A_226], %add3A_237 masked %and3A_238 : memref<32xi32, #tpu.memory_space<vmem>>[vector<16xi32>], vector<16xi32>, vector<16xi1>
    %get3A_239 = arith.constant 144 : index
    %get3A_240 = tpu.vector_load %arg6[%get3A_239] {strides = array<i32>} : memref<208xf32, #tpu.memory_space<vmem>>, vector<16xf32>,
    %get3A_241 = arith.constant 144 : index
    %get3A_242 = tpu.vector_load %arg7[%get3A_241] {strides = array<i32>} : memref<208xf32, #tpu.memory_space<vmem>>, vector<16xf32>,
    %get3A_243 = arith.constant 144 : index
    %get3A_244 = tpu.vector_load %arg8[%get3A_243] {strides = array<i32>} : memref<208xf32, #tpu.memory_space<vmem>>, vector<16xf32>,
    %convert_element_type3A_245 = arith.fptosi %get3A_244 : vector<16xf32> to vector<16xi32>
    %jit3A_246 = arith.constant 0 : i32
    %jit3A_247 = arith.constant 19 : i32
    %max3A_248 = vector.broadcast %jit3A_246 : i32 to vector<16xi32>
    %max3A_249 = arith.maxsi %max3A_248, %convert_element_type3A_245 : vector<16xi32>
    %min3A_250 = vector.broadcast %jit3A_247 : i32 to vector<16xi32>
    %min3A_251 = arith.minsi %min3A_250, %max3A_249 : vector<16xi32>
    %gt3A_252 = arith.constant 0.000000e+00 : f32
    %gt3A_253 = vector.broadcast %gt3A_252 : f32 to vector<16xf32>
    %gt3A_254 = arith.cmpf ogt, %get3A_242, %gt3A_253 : vector<16xf32>
    %gt3A_255 = arith.constant 0.000000e+00 : f32
    %gt3A_256 = vector.broadcast %gt3A_255 : f32 to vector<16xf32>
    %gt3A_257 = arith.cmpf ogt, %get3A_240, %gt3A_256 : vector<16xf32>
    %and3A_258 = arith.andi %gt3A_254, %gt3A_257 : vector<16xi1>
    %unique3A_259, %unique3A_260 = tpu.scan_count mask(%and3A_258 : vector<16xi1>) value(%min3A_251 : vector<16xi32>) : vector<16xi1>, vector<16xi32>
    %gather3A_261 = tpu.vector_load_idx %arg11[%min3A_251] : memref<32xi32, #tpu.memory_space<vmem>>[vector<16xi32>], vector<16xi32>,
    %add3A_262 = arith.addi %gather3A_261, %unique3A_260 : vector<16xi32>
    %and3A_263 = arith.andi %unique3A_259, %and3A_258 : vector<16xi1>
    tpu.vector_store_idx %arg11[%min3A_251], %add3A_262 masked %and3A_263 : memref<32xi32, #tpu.memory_space<vmem>>[vector<16xi32>], vector<16xi32>, vector<16xi1>
    %get3A_264 = arith.constant 160 : index
    %get3A_265 = tpu.vector_load %arg6[%get3A_264] {strides = array<i32>} : memref<208xf32, #tpu.memory_space<vmem>>, vector<16xf32>,
    %get3A_266 = arith.constant 160 : index
    %get3A_267 = tpu.vector_load %arg7[%get3A_266] {strides = array<i32>} : memref<208xf32, #tpu.memory_space<vmem>>, vector<16xf32>,
    %get3A_268 = arith.constant 160 : index
    %get3A_269 = tpu.vector_load %arg8[%get3A_268] {strides = array<i32>} : memref<208xf32, #tpu.memory_space<vmem>>, vector<16xf32>,
    %convert_element_type3A_270 = arith.fptosi %get3A_269 : vector<16xf32> to vector<16xi32>
    %jit3A_271 = arith.constant 0 : i32
    %jit3A_272 = arith.constant 19 : i32
    %max3A_273 = vector.broadcast %jit3A_271 : i32 to vector<16xi32>
    %max3A_274 = arith.maxsi %max3A_273, %convert_element_type3A_270 : vector<16xi32>
    %min3A_275 = vector.broadcast %jit3A_272 : i32 to vector<16xi32>
    %min3A_276 = arith.minsi %min3A_275, %max3A_274 : vector<16xi32>
    %gt3A_277 = arith.constant 0.000000e+00 : f32
    %gt3A_278 = vector.broadcast %gt3A_277 : f32 to vector<16xf32>
    %gt3A_279 = arith.cmpf ogt, %get3A_267, %gt3A_278 : vector<16xf32>
    %gt3A_280 = arith.constant 0.000000e+00 : f32
    %gt3A_281 = vector.broadcast %gt3A_280 : f32 to vector<16xf32>
    %gt3A_282 = arith.cmpf ogt, %get3A_265, %gt3A_281 : vector<16xf32>
    %and3A_283 = arith.andi %gt3A_279, %gt3A_282 : vector<16xi1>
    %unique3A_284, %unique3A_285 = tpu.scan_count mask(%and3A_283 : vector<16xi1>) value(%min3A_276 : vector<16xi32>) : vector<16xi1>, vector<16xi32>
    %gather3A_286 = tpu.vector_load_idx %arg11[%min3A_276] : memref<32xi32, #tpu.memory_space<vmem>>[vector<16xi32>], vector<16xi32>,
    %add3A_287 = arith.addi %gather3A_286, %unique3A_285 : vector<16xi32>
    %and3A_288 = arith.andi %unique3A_284, %and3A_283 : vector<16xi1>
    tpu.vector_store_idx %arg11[%min3A_276], %add3A_287 masked %and3A_288 : memref<32xi32, #tpu.memory_space<vmem>>[vector<16xi32>], vector<16xi32>, vector<16xi1>
    %get3A_289 = arith.constant 176 : index
    %get3A_290 = tpu.vector_load %arg6[%get3A_289] {strides = array<i32>} : memref<208xf32, #tpu.memory_space<vmem>>, vector<16xf32>,
    %get3A_291 = arith.constant 176 : index
    %get3A_292 = tpu.vector_load %arg7[%get3A_291] {strides = array<i32>} : memref<208xf32, #tpu.memory_space<vmem>>, vector<16xf32>,
    %get3A_293 = arith.constant 176 : index
    %get3A_294 = tpu.vector_load %arg8[%get3A_293] {strides = array<i32>} : memref<208xf32, #tpu.memory_space<vmem>>, vector<16xf32>,
    %convert_element_type3A_295 = arith.fptosi %get3A_294 : vector<16xf32> to vector<16xi32>
    %jit3A_296 = arith.constant 0 : i32
    %jit3A_297 = arith.constant 19 : i32
    %max3A_298 = vector.broadcast %jit3A_296 : i32 to vector<16xi32>
    %max3A_299 = arith.maxsi %max3A_298, %convert_element_type3A_295 : vector<16xi32>
    %min3A_300 = vector.broadcast %jit3A_297 : i32 to vector<16xi32>
    %min3A_301 = arith.minsi %min3A_300, %max3A_299 : vector<16xi32>
    %gt3A_302 = arith.constant 0.000000e+00 : f32
    %gt3A_303 = vector.broadcast %gt3A_302 : f32 to vector<16xf32>
    %gt3A_304 = arith.cmpf ogt, %get3A_292, %gt3A_303 : vector<16xf32>
    %gt3A_305 = arith.constant 0.000000e+00 : f32
    %gt3A_306 = vector.broadcast %gt3A_305 : f32 to vector<16xf32>
    %gt3A_307 = arith.cmpf ogt, %get3A_290, %gt3A_306 : vector<16xf32>
    %and3A_308 = arith.andi %gt3A_304, %gt3A_307 : vector<16xi1>
    %unique3A_309, %unique3A_310 = tpu.scan_count mask(%and3A_308 : vector<16xi1>) value(%min3A_301 : vector<16xi32>) : vector<16xi1>, vector<16xi32>
    %gather3A_311 = tpu.vector_load_idx %arg11[%min3A_301] : memref<32xi32, #tpu.memory_space<vmem>>[vector<16xi32>], vector<16xi32>,
    %add3A_312 = arith.addi %gather3A_311, %unique3A_310 : vector<16xi32>
    %and3A_313 = arith.andi %unique3A_309, %and3A_308 : vector<16xi1>
    tpu.vector_store_idx %arg11[%min3A_301], %add3A_312 masked %and3A_313 : memref<32xi32, #tpu.memory_space<vmem>>[vector<16xi32>], vector<16xi32>, vector<16xi1>
    %get3A_314 = arith.constant 192 : index
    %get3A_315 = tpu.vector_load %arg6[%get3A_314] {strides = array<i32>} : memref<208xf32, #tpu.memory_space<vmem>>, vector<16xf32>,
    %get3A_316 = arith.constant 192 : index
    %get3A_317 = tpu.vector_load %arg7[%get3A_316] {strides = array<i32>} : memref<208xf32, #tpu.memory_space<vmem>>, vector<16xf32>,
    %get3A_318 = arith.constant 192 : index
    %get3A_319 = tpu.vector_load %arg8[%get3A_318] {strides = array<i32>} : memref<208xf32, #tpu.memory_space<vmem>>, vector<16xf32>,
    %convert_element_type3A_320 = arith.fptosi %get3A_319 : vector<16xf32> to vector<16xi32>
    %jit3A_321 = arith.constant 0 : i32
    %jit3A_322 = arith.constant 19 : i32
    %max3A_323 = vector.broadcast %jit3A_321 : i32 to vector<16xi32>
    %max3A_324 = arith.maxsi %max3A_323, %convert_element_type3A_320 : vector<16xi32>
    %min3A_325 = vector.broadcast %jit3A_322 : i32 to vector<16xi32>
    %min3A_326 = arith.minsi %min3A_325, %max3A_324 : vector<16xi32>
    %gt3A_327 = arith.constant 0.000000e+00 : f32
    %gt3A_328 = vector.broadcast %gt3A_327 : f32 to vector<16xf32>
    %gt3A_329 = arith.cmpf ogt, %get3A_317, %gt3A_328 : vector<16xf32>
    %gt3A_330 = arith.constant 0.000000e+00 : f32
    %gt3A_331 = vector.broadcast %gt3A_330 : f32 to vector<16xf32>
    %gt3A_332 = arith.cmpf ogt, %get3A_315, %gt3A_331 : vector<16xf32>
    %and3A_333 = arith.andi %gt3A_329, %gt3A_332 : vector<16xi1>
    %lt3A = arith.constant 8 : i32
    %lt3A_334 = vector.broadcast %lt3A : i32 to vector<16xi32>
    %lt3A_335 = arith.cmpi slt, %iota3A, %lt3A_334 : vector<16xi32>
    %and3A_336 = arith.andi %and3A_333, %lt3A_335 : vector<16xi1>
    %unique3A_337, %unique3A_338 = tpu.scan_count mask(%and3A_336 : vector<16xi1>) value(%min3A_326 : vector<16xi32>) : vector<16xi1>, vector<16xi32>
    %gather3A_339 = tpu.vector_load_idx %arg11[%min3A_326] : memref<32xi32, #tpu.memory_space<vmem>>[vector<16xi32>], vector<16xi32>,
    %add3A_340 = arith.addi %gather3A_339, %unique3A_338 : vector<16xi32>
    %and3A_341 = arith.andi %unique3A_337, %and3A_336 : vector<16xi1>
    tpu.vector_store_idx %arg11[%min3A_326], %add3A_340 masked %and3A_341 : memref<32xi32, #tpu.memory_space<vmem>>[vector<16xi32>], vector<16xi32>, vector<16xi1>
    %get3A_342 = arith.constant 0 : index
    %get3A_343 = tpu.vector_load %arg11[%get3A_342] {strides = array<i32>} : memref<32xi32, #tpu.memory_space<vmem>>, vector<16xi32>,
    %get3A_344 = arith.constant 16 : index
    %get3A_345 = tpu.vector_load %arg11[%get3A_344] {strides = array<i32>} : memref<32xi32, #tpu.memory_space<vmem>>, vector<16xi32>,
    %broadcast_in_dim3A_346 = arith.constant true
    %broadcast_in_dim3A_347 = vector.broadcast %broadcast_in_dim3A_346 : i1 to vector<16xi1>
    %masked_cumsum3A = tpu.scan <sum>, %get3A_343 masked %broadcast_in_dim3A_347 : vector<16xi32>, vector<16xi1> -> vector<16xi32>
    %sub3A = arith.subi %masked_cumsum3A, %get3A_343 : vector<16xi32>
    %slice3A = vector.extract_strided_slice %masked_cumsum3A {offsets = [15], sizes = [1], strides = [1]} : vector<16xi32> to vector<1xi32>
    %squeeze3A = vector.extract %slice3A[0] : i32 from vector<1xi32>
    %broadcast_in_dim3A_348 = vector.broadcast %squeeze3A : i32 to vector<16xi32>
    %broadcast_in_dim3A_349 = arith.constant true
    %broadcast_in_dim3A_350 = vector.broadcast %broadcast_in_dim3A_349 : i1 to vector<16xi1>
    %masked_cumsum3A_351 = tpu.scan <sum>, %get3A_345 masked %broadcast_in_dim3A_350 : vector<16xi32>, vector<16xi1> -> vector<16xi32>
    %add3A_352 = arith.addi %masked_cumsum3A_351, %broadcast_in_dim3A_348 : vector<16xi32>
    %sub3A_353 = arith.subi %add3A_352, %get3A_345 : vector<16xi32>
    %swap3A_354 = arith.constant 0 : index
    %swap3A_355 = tpu.vector_load %arg13[%swap3A_354] {strides = array<i32>} : memref<48xi32, #tpu.memory_space<vmem>>, vector<16xi32>,
    tpu.vector_store %arg13[%swap3A_354], %sub3A {strides = array<i32>} : memref<48xi32, #tpu.memory_space<vmem>>, vector<16xi32>,
    %swap3A_356 = arith.constant 16 : index
    %swap3A_357 = tpu.vector_load %arg13[%swap3A_356] {strides = array<i32>} : memref<48xi32, #tpu.memory_space<vmem>>, vector<16xi32>,
    tpu.vector_store %arg13[%swap3A_356], %sub3A_353 {strides = array<i32>} : memref<48xi32, #tpu.memory_space<vmem>>, vector<16xi32>,
    %get3A_358 = arith.constant 0 : index
    %get3A_359 = tpu.vector_load %arg6[%get3A_358] {strides = array<i32>} : memref<208xf32, #tpu.memory_space<vmem>>, vector<16xf32>,
    %get3A_360 = arith.constant 0 : index
    %get3A_361 = tpu.vector_load %arg7[%get3A_360] {strides = array<i32>} : memref<208xf32, #tpu.memory_space<vmem>>, vector<16xf32>,
    %get3A_362 = arith.constant 0 : index
    %get3A_363 = tpu.vector_load %arg8[%get3A_362] {strides = array<i32>} : memref<208xf32, #tpu.memory_space<vmem>>, vector<16xf32>,
    %convert_element_type3A_364 = arith.fptosi %get3A_363 : vector<16xf32> to vector<16xi32>
    %jit3A_365 = arith.constant 0 : i32
    %jit3A_366 = arith.constant 19 : i32
    %max3A_367 = vector.broadcast %jit3A_365 : i32 to vector<16xi32>
    %max3A_368 = arith.maxsi %max3A_367, %convert_element_type3A_364 : vector<16xi32>
    %min3A_369 = vector.broadcast %jit3A_366 : i32 to vector<16xi32>
    %min3A_370 = arith.minsi %min3A_369, %max3A_368 : vector<16xi32>
    %gt3A_371 = arith.constant 0.000000e+00 : f32
    %gt3A_372 = vector.broadcast %gt3A_371 : f32 to vector<16xf32>
    %gt3A_373 = arith.cmpf ogt, %get3A_361, %gt3A_372 : vector<16xf32>
    %gt3A_374 = arith.constant 0.000000e+00 : f32
    %gt3A_375 = vector.broadcast %gt3A_374 : f32 to vector<16xf32>
    %gt3A_376 = arith.cmpf ogt, %get3A_359, %gt3A_375 : vector<16xf32>
    %and3A_377 = arith.andi %gt3A_373, %gt3A_376 : vector<16xi1>
    %mul3A_378 = arith.constant 1.600000e+04 : f32
    %mul3A_379 = vector.broadcast %mul3A_378 : f32 to vector<16xf32>
    %mul3A_380 = arith.mulf %get3A_359, %mul3A_379 : vector<16xf32>
    %convert_element_type3A_381 = arith.fptosi %mul3A_380 : vector<16xf32> to vector<16xi32>
    %unique3A_382, %unique3A_383 = tpu.scan_count mask(%and3A_377 : vector<16xi1>) value(%min3A_370 : vector<16xi32>) : vector<16xi1>, vector<16xi32>
    %gather3A_384 = tpu.vector_load_idx %arg12[%min3A_370] : memref<32xi32, #tpu.memory_space<vmem>>[vector<16xi32>], vector<16xi32>,
    %gather3A_385 = tpu.vector_load_idx %arg13[%min3A_370] : memref<48xi32, #tpu.memory_space<vmem>>[vector<16xi32>], vector<16xi32>,
    %add3A_386 = arith.addi %gather3A_385, %gather3A_384 : vector<16xi32>
    %add3A_387 = arith.addi %add3A_386, %unique3A_383 : vector<16xi32>
    %sub3A_388 = arith.constant 1 : i32
    %sub3A_389 = vector.broadcast %sub3A_388 : i32 to vector<16xi32>
    %sub3A_390 = arith.subi %add3A_387, %sub3A_389 : vector<16xi32>
    tpu.vector_store_idx %arg9[%sub3A_390], %convert_element_type3A_381 masked %and3A_377 : memref<224xi32, #tpu.memory_space<vmem>>[vector<16xi32>], vector<16xi32>, vector<16xi1>
    tpu.vector_store_idx %arg10[%sub3A_390], %get3A_361 masked %and3A_377 : memref<224xf32, #tpu.memory_space<vmem>>[vector<16xi32>], vector<16xf32>, vector<16xi1>
    %add3A_391 = arith.addi %gather3A_384, %unique3A_383 : vector<16xi32>
    %and3A_392 = arith.andi %unique3A_382, %and3A_377 : vector<16xi1>
    tpu.vector_store_idx %arg12[%min3A_370], %add3A_391 masked %and3A_392 : memref<32xi32, #tpu.memory_space<vmem>>[vector<16xi32>], vector<16xi32>, vector<16xi1>
    %get3A_393 = arith.constant 16 : index
    %get3A_394 = tpu.vector_load %arg6[%get3A_393] {strides = array<i32>} : memref<208xf32, #tpu.memory_space<vmem>>, vector<16xf32>,
    %get3A_395 = arith.constant 16 : index
    %get3A_396 = tpu.vector_load %arg7[%get3A_395] {strides = array<i32>} : memref<208xf32, #tpu.memory_space<vmem>>, vector<16xf32>,
    %get3A_397 = arith.constant 16 : index
    %get3A_398 = tpu.vector_load %arg8[%get3A_397] {strides = array<i32>} : memref<208xf32, #tpu.memory_space<vmem>>, vector<16xf32>,
    %convert_element_type3A_399 = arith.fptosi %get3A_398 : vector<16xf32> to vector<16xi32>
    %jit3A_400 = arith.constant 0 : i32
    %jit3A_401 = arith.constant 19 : i32
    %max3A_402 = vector.broadcast %jit3A_400 : i32 to vector<16xi32>
    %max3A_403 = arith.maxsi %max3A_402, %convert_element_type3A_399 : vector<16xi32>
    %min3A_404 = vector.broadcast %jit3A_401 : i32 to vector<16xi32>
    %min3A_405 = arith.minsi %min3A_404, %max3A_403 : vector<16xi32>
    %gt3A_406 = arith.constant 0.000000e+00 : f32
    %gt3A_407 = vector.broadcast %gt3A_406 : f32 to vector<16xf32>
    %gt3A_408 = arith.cmpf ogt, %get3A_396, %gt3A_407 : vector<16xf32>
    %gt3A_409 = arith.constant 0.000000e+00 : f32
    %gt3A_410 = vector.broadcast %gt3A_409 : f32 to vector<16xf32>
    %gt3A_411 = arith.cmpf ogt, %get3A_394, %gt3A_410 : vector<16xf32>
    %and3A_412 = arith.andi %gt3A_408, %gt3A_411 : vector<16xi1>
    %mul3A_413 = arith.constant 1.600000e+04 : f32
    %mul3A_414 = vector.broadcast %mul3A_413 : f32 to vector<16xf32>
    %mul3A_415 = arith.mulf %get3A_394, %mul3A_414 : vector<16xf32>
    %convert_element_type3A_416 = arith.fptosi %mul3A_415 : vector<16xf32> to vector<16xi32>
    %unique3A_417, %unique3A_418 = tpu.scan_count mask(%and3A_412 : vector<16xi1>) value(%min3A_405 : vector<16xi32>) : vector<16xi1>, vector<16xi32>
    %gather3A_419 = tpu.vector_load_idx %arg12[%min3A_405] : memref<32xi32, #tpu.memory_space<vmem>>[vector<16xi32>], vector<16xi32>,
    %gather3A_420 = tpu.vector_load_idx %arg13[%min3A_405] : memref<48xi32, #tpu.memory_space<vmem>>[vector<16xi32>], vector<16xi32>,
    %add3A_421 = arith.addi %gather3A_420, %gather3A_419 : vector<16xi32>
    %add3A_422 = arith.addi %add3A_421, %unique3A_418 : vector<16xi32>
    %sub3A_423 = arith.constant 1 : i32
    %sub3A_424 = vector.broadcast %sub3A_423 : i32 to vector<16xi32>
    %sub3A_425 = arith.subi %add3A_422, %sub3A_424 : vector<16xi32>
    tpu.vector_store_idx %arg9[%sub3A_425], %convert_element_type3A_416 masked %and3A_412 : memref<224xi32, #tpu.memory_space<vmem>>[vector<16xi32>], vector<16xi32>, vector<16xi1>
    tpu.vector_store_idx %arg10[%sub3A_425], %get3A_396 masked %and3A_412 : memref<224xf32, #tpu.memory_space<vmem>>[vector<16xi32>], vector<16xf32>, vector<16xi1>
    %add3A_426 = arith.addi %gather3A_419, %unique3A_418 : vector<16xi32>
    %and3A_427 = arith.andi %unique3A_417, %and3A_412 : vector<16xi1>
    tpu.vector_store_idx %arg12[%min3A_405], %add3A_426 masked %and3A_427 : memref<32xi32, #tpu.memory_space<vmem>>[vector<16xi32>], vector<16xi32>, vector<16xi1>
    %get3A_428 = arith.constant 32 : index
    %get3A_429 = tpu.vector_load %arg6[%get3A_428] {strides = array<i32>} : memref<208xf32, #tpu.memory_space<vmem>>, vector<16xf32>,
    %get3A_430 = arith.constant 32 : index
    %get3A_431 = tpu.vector_load %arg7[%get3A_430] {strides = array<i32>} : memref<208xf32, #tpu.memory_space<vmem>>, vector<16xf32>,
    %get3A_432 = arith.constant 32 : index
    %get3A_433 = tpu.vector_load %arg8[%get3A_432] {strides = array<i32>} : memref<208xf32, #tpu.memory_space<vmem>>, vector<16xf32>,
    %convert_element_type3A_434 = arith.fptosi %get3A_433 : vector<16xf32> to vector<16xi32>
    %jit3A_435 = arith.constant 0 : i32
    %jit3A_436 = arith.constant 19 : i32
    %max3A_437 = vector.broadcast %jit3A_435 : i32 to vector<16xi32>
    %max3A_438 = arith.maxsi %max3A_437, %convert_element_type3A_434 : vector<16xi32>
    %min3A_439 = vector.broadcast %jit3A_436 : i32 to vector<16xi32>
    %min3A_440 = arith.minsi %min3A_439, %max3A_438 : vector<16xi32>
    %gt3A_441 = arith.constant 0.000000e+00 : f32
    %gt3A_442 = vector.broadcast %gt3A_441 : f32 to vector<16xf32>
    %gt3A_443 = arith.cmpf ogt, %get3A_431, %gt3A_442 : vector<16xf32>
    %gt3A_444 = arith.constant 0.000000e+00 : f32
    %gt3A_445 = vector.broadcast %gt3A_444 : f32 to vector<16xf32>
    %gt3A_446 = arith.cmpf ogt, %get3A_429, %gt3A_445 : vector<16xf32>
    %and3A_447 = arith.andi %gt3A_443, %gt3A_446 : vector<16xi1>
    %mul3A_448 = arith.constant 1.600000e+04 : f32
    %mul3A_449 = vector.broadcast %mul3A_448 : f32 to vector<16xf32>
    %mul3A_450 = arith.mulf %get3A_429, %mul3A_449 : vector<16xf32>
    %convert_element_type3A_451 = arith.fptosi %mul3A_450 : vector<16xf32> to vector<16xi32>
    %unique3A_452, %unique3A_453 = tpu.scan_count mask(%and3A_447 : vector<16xi1>) value(%min3A_440 : vector<16xi32>) : vector<16xi1>, vector<16xi32>
    %gather3A_454 = tpu.vector_load_idx %arg12[%min3A_440] : memref<32xi32, #tpu.memory_space<vmem>>[vector<16xi32>], vector<16xi32>,
    %gather3A_455 = tpu.vector_load_idx %arg13[%min3A_440] : memref<48xi32, #tpu.memory_space<vmem>>[vector<16xi32>], vector<16xi32>,
    %add3A_456 = arith.addi %gather3A_455, %gather3A_454 : vector<16xi32>
    %add3A_457 = arith.addi %add3A_456, %unique3A_453 : vector<16xi32>
    %sub3A_458 = arith.constant 1 : i32
    %sub3A_459 = vector.broadcast %sub3A_458 : i32 to vector<16xi32>
    %sub3A_460 = arith.subi %add3A_457, %sub3A_459 : vector<16xi32>
    tpu.vector_store_idx %arg9[%sub3A_460], %convert_element_type3A_451 masked %and3A_447 : memref<224xi32, #tpu.memory_space<vmem>>[vector<16xi32>], vector<16xi32>, vector<16xi1>
    tpu.vector_store_idx %arg10[%sub3A_460], %get3A_431 masked %and3A_447 : memref<224xf32, #tpu.memory_space<vmem>>[vector<16xi32>], vector<16xf32>, vector<16xi1>
    %add3A_461 = arith.addi %gather3A_454, %unique3A_453 : vector<16xi32>
    %and3A_462 = arith.andi %unique3A_452, %and3A_447 : vector<16xi1>
    tpu.vector_store_idx %arg12[%min3A_440], %add3A_461 masked %and3A_462 : memref<32xi32, #tpu.memory_space<vmem>>[vector<16xi32>], vector<16xi32>, vector<16xi1>
    %get3A_463 = arith.constant 48 : index
    %get3A_464 = tpu.vector_load %arg6[%get3A_463] {strides = array<i32>} : memref<208xf32, #tpu.memory_space<vmem>>, vector<16xf32>,
    %get3A_465 = arith.constant 48 : index
    %get3A_466 = tpu.vector_load %arg7[%get3A_465] {strides = array<i32>} : memref<208xf32, #tpu.memory_space<vmem>>, vector<16xf32>,
    %get3A_467 = arith.constant 48 : index
    %get3A_468 = tpu.vector_load %arg8[%get3A_467] {strides = array<i32>} : memref<208xf32, #tpu.memory_space<vmem>>, vector<16xf32>,
    %convert_element_type3A_469 = arith.fptosi %get3A_468 : vector<16xf32> to vector<16xi32>
    %jit3A_470 = arith.constant 0 : i32
    %jit3A_471 = arith.constant 19 : i32
    %max3A_472 = vector.broadcast %jit3A_470 : i32 to vector<16xi32>
    %max3A_473 = arith.maxsi %max3A_472, %convert_element_type3A_469 : vector<16xi32>
    %min3A_474 = vector.broadcast %jit3A_471 : i32 to vector<16xi32>
    %min3A_475 = arith.minsi %min3A_474, %max3A_473 : vector<16xi32>
    %gt3A_476 = arith.constant 0.000000e+00 : f32
    %gt3A_477 = vector.broadcast %gt3A_476 : f32 to vector<16xf32>
    %gt3A_478 = arith.cmpf ogt, %get3A_466, %gt3A_477 : vector<16xf32>
    %gt3A_479 = arith.constant 0.000000e+00 : f32
    %gt3A_480 = vector.broadcast %gt3A_479 : f32 to vector<16xf32>
    %gt3A_481 = arith.cmpf ogt, %get3A_464, %gt3A_480 : vector<16xf32>
    %and3A_482 = arith.andi %gt3A_478, %gt3A_481 : vector<16xi1>
    %mul3A_483 = arith.constant 1.600000e+04 : f32
    %mul3A_484 = vector.broadcast %mul3A_483 : f32 to vector<16xf32>
    %mul3A_485 = arith.mulf %get3A_464, %mul3A_484 : vector<16xf32>
    %convert_element_type3A_486 = arith.fptosi %mul3A_485 : vector<16xf32> to vector<16xi32>
    %unique3A_487, %unique3A_488 = tpu.scan_count mask(%and3A_482 : vector<16xi1>) value(%min3A_475 : vector<16xi32>) : vector<16xi1>, vector<16xi32>
    %gather3A_489 = tpu.vector_load_idx %arg12[%min3A_475] : memref<32xi32, #tpu.memory_space<vmem>>[vector<16xi32>], vector<16xi32>,
    %gather3A_490 = tpu.vector_load_idx %arg13[%min3A_475] : memref<48xi32, #tpu.memory_space<vmem>>[vector<16xi32>], vector<16xi32>,
    %add3A_491 = arith.addi %gather3A_490, %gather3A_489 : vector<16xi32>
    %add3A_492 = arith.addi %add3A_491, %unique3A_488 : vector<16xi32>
    %sub3A_493 = arith.constant 1 : i32
    %sub3A_494 = vector.broadcast %sub3A_493 : i32 to vector<16xi32>
    %sub3A_495 = arith.subi %add3A_492, %sub3A_494 : vector<16xi32>
    tpu.vector_store_idx %arg9[%sub3A_495], %convert_element_type3A_486 masked %and3A_482 : memref<224xi32, #tpu.memory_space<vmem>>[vector<16xi32>], vector<16xi32>, vector<16xi1>
    tpu.vector_store_idx %arg10[%sub3A_495], %get3A_466 masked %and3A_482 : memref<224xf32, #tpu.memory_space<vmem>>[vector<16xi32>], vector<16xf32>, vector<16xi1>
    %add3A_496 = arith.addi %gather3A_489, %unique3A_488 : vector<16xi32>
    %and3A_497 = arith.andi %unique3A_487, %and3A_482 : vector<16xi1>
    tpu.vector_store_idx %arg12[%min3A_475], %add3A_496 masked %and3A_497 : memref<32xi32, #tpu.memory_space<vmem>>[vector<16xi32>], vector<16xi32>, vector<16xi1>
    %get3A_498 = arith.constant 64 : index
    %get3A_499 = tpu.vector_load %arg6[%get3A_498] {strides = array<i32>} : memref<208xf32, #tpu.memory_space<vmem>>, vector<16xf32>,
    %get3A_500 = arith.constant 64 : index
    %get3A_501 = tpu.vector_load %arg7[%get3A_500] {strides = array<i32>} : memref<208xf32, #tpu.memory_space<vmem>>, vector<16xf32>,
    %get3A_502 = arith.constant 64 : index
    %get3A_503 = tpu.vector_load %arg8[%get3A_502] {strides = array<i32>} : memref<208xf32, #tpu.memory_space<vmem>>, vector<16xf32>,
    %convert_element_type3A_504 = arith.fptosi %get3A_503 : vector<16xf32> to vector<16xi32>
    %jit3A_505 = arith.constant 0 : i32
    %jit3A_506 = arith.constant 19 : i32
    %max3A_507 = vector.broadcast %jit3A_505 : i32 to vector<16xi32>
    %max3A_508 = arith.maxsi %max3A_507, %convert_element_type3A_504 : vector<16xi32>
    %min3A_509 = vector.broadcast %jit3A_506 : i32 to vector<16xi32>
    %min3A_510 = arith.minsi %min3A_509, %max3A_508 : vector<16xi32>
    %gt3A_511 = arith.constant 0.000000e+00 : f32
    %gt3A_512 = vector.broadcast %gt3A_511 : f32 to vector<16xf32>
    %gt3A_513 = arith.cmpf ogt, %get3A_501, %gt3A_512 : vector<16xf32>
    %gt3A_514 = arith.constant 0.000000e+00 : f32
    %gt3A_515 = vector.broadcast %gt3A_514 : f32 to vector<16xf32>
    %gt3A_516 = arith.cmpf ogt, %get3A_499, %gt3A_515 : vector<16xf32>
    %and3A_517 = arith.andi %gt3A_513, %gt3A_516 : vector<16xi1>
    %mul3A_518 = arith.constant 1.600000e+04 : f32
    %mul3A_519 = vector.broadcast %mul3A_518 : f32 to vector<16xf32>
    %mul3A_520 = arith.mulf %get3A_499, %mul3A_519 : vector<16xf32>
    %convert_element_type3A_521 = arith.fptosi %mul3A_520 : vector<16xf32> to vector<16xi32>
    %unique3A_522, %unique3A_523 = tpu.scan_count mask(%and3A_517 : vector<16xi1>) value(%min3A_510 : vector<16xi32>) : vector<16xi1>, vector<16xi32>
    %gather3A_524 = tpu.vector_load_idx %arg12[%min3A_510] : memref<32xi32, #tpu.memory_space<vmem>>[vector<16xi32>], vector<16xi32>,
    %gather3A_525 = tpu.vector_load_idx %arg13[%min3A_510] : memref<48xi32, #tpu.memory_space<vmem>>[vector<16xi32>], vector<16xi32>,
    %add3A_526 = arith.addi %gather3A_525, %gather3A_524 : vector<16xi32>
    %add3A_527 = arith.addi %add3A_526, %unique3A_523 : vector<16xi32>
    %sub3A_528 = arith.constant 1 : i32
    %sub3A_529 = vector.broadcast %sub3A_528 : i32 to vector<16xi32>
    %sub3A_530 = arith.subi %add3A_527, %sub3A_529 : vector<16xi32>
    tpu.vector_store_idx %arg9[%sub3A_530], %convert_element_type3A_521 masked %and3A_517 : memref<224xi32, #tpu.memory_space<vmem>>[vector<16xi32>], vector<16xi32>, vector<16xi1>
    tpu.vector_store_idx %arg10[%sub3A_530], %get3A_501 masked %and3A_517 : memref<224xf32, #tpu.memory_space<vmem>>[vector<16xi32>], vector<16xf32>, vector<16xi1>
    %add3A_531 = arith.addi %gather3A_524, %unique3A_523 : vector<16xi32>
    %and3A_532 = arith.andi %unique3A_522, %and3A_517 : vector<16xi1>
    tpu.vector_store_idx %arg12[%min3A_510], %add3A_531 masked %and3A_532 : memref<32xi32, #tpu.memory_space<vmem>>[vector<16xi32>], vector<16xi32>, vector<16xi1>
    %get3A_533 = arith.constant 80 : index
    %get3A_534 = tpu.vector_load %arg6[%get3A_533] {strides = array<i32>} : memref<208xf32, #tpu.memory_space<vmem>>, vector<16xf32>,
    %get3A_535 = arith.constant 80 : index
    %get3A_536 = tpu.vector_load %arg7[%get3A_535] {strides = array<i32>} : memref<208xf32, #tpu.memory_space<vmem>>, vector<16xf32>,
    %get3A_537 = arith.constant 80 : index
    %get3A_538 = tpu.vector_load %arg8[%get3A_537] {strides = array<i32>} : memref<208xf32, #tpu.memory_space<vmem>>, vector<16xf32>,
    %convert_element_type3A_539 = arith.fptosi %get3A_538 : vector<16xf32> to vector<16xi32>
    %jit3A_540 = arith.constant 0 : i32
    %jit3A_541 = arith.constant 19 : i32
    %max3A_542 = vector.broadcast %jit3A_540 : i32 to vector<16xi32>
    %max3A_543 = arith.maxsi %max3A_542, %convert_element_type3A_539 : vector<16xi32>
    %min3A_544 = vector.broadcast %jit3A_541 : i32 to vector<16xi32>
    %min3A_545 = arith.minsi %min3A_544, %max3A_543 : vector<16xi32>
    %gt3A_546 = arith.constant 0.000000e+00 : f32
    %gt3A_547 = vector.broadcast %gt3A_546 : f32 to vector<16xf32>
    %gt3A_548 = arith.cmpf ogt, %get3A_536, %gt3A_547 : vector<16xf32>
    %gt3A_549 = arith.constant 0.000000e+00 : f32
    %gt3A_550 = vector.broadcast %gt3A_549 : f32 to vector<16xf32>
    %gt3A_551 = arith.cmpf ogt, %get3A_534, %gt3A_550 : vector<16xf32>
    %and3A_552 = arith.andi %gt3A_548, %gt3A_551 : vector<16xi1>
    %mul3A_553 = arith.constant 1.600000e+04 : f32
    %mul3A_554 = vector.broadcast %mul3A_553 : f32 to vector<16xf32>
    %mul3A_555 = arith.mulf %get3A_534, %mul3A_554 : vector<16xf32>
    %convert_element_type3A_556 = arith.fptosi %mul3A_555 : vector<16xf32> to vector<16xi32>
    %unique3A_557, %unique3A_558 = tpu.scan_count mask(%and3A_552 : vector<16xi1>) value(%min3A_545 : vector<16xi32>) : vector<16xi1>, vector<16xi32>
    %gather3A_559 = tpu.vector_load_idx %arg12[%min3A_545] : memref<32xi32, #tpu.memory_space<vmem>>[vector<16xi32>], vector<16xi32>,
    %gather3A_560 = tpu.vector_load_idx %arg13[%min3A_545] : memref<48xi32, #tpu.memory_space<vmem>>[vector<16xi32>], vector<16xi32>,
    %add3A_561 = arith.addi %gather3A_560, %gather3A_559 : vector<16xi32>
    %add3A_562 = arith.addi %add3A_561, %unique3A_558 : vector<16xi32>
    %sub3A_563 = arith.constant 1 : i32
    %sub3A_564 = vector.broadcast %sub3A_563 : i32 to vector<16xi32>
    %sub3A_565 = arith.subi %add3A_562, %sub3A_564 : vector<16xi32>
    tpu.vector_store_idx %arg9[%sub3A_565], %convert_element_type3A_556 masked %and3A_552 : memref<224xi32, #tpu.memory_space<vmem>>[vector<16xi32>], vector<16xi32>, vector<16xi1>
    tpu.vector_store_idx %arg10[%sub3A_565], %get3A_536 masked %and3A_552 : memref<224xf32, #tpu.memory_space<vmem>>[vector<16xi32>], vector<16xf32>, vector<16xi1>
    %add3A_566 = arith.addi %gather3A_559, %unique3A_558 : vector<16xi32>
    %and3A_567 = arith.andi %unique3A_557, %and3A_552 : vector<16xi1>
    tpu.vector_store_idx %arg12[%min3A_545], %add3A_566 masked %and3A_567 : memref<32xi32, #tpu.memory_space<vmem>>[vector<16xi32>], vector<16xi32>, vector<16xi1>
    %get3A_568 = arith.constant 96 : index
    %get3A_569 = tpu.vector_load %arg6[%get3A_568] {strides = array<i32>} : memref<208xf32, #tpu.memory_space<vmem>>, vector<16xf32>,
    %get3A_570 = arith.constant 96 : index
    %get3A_571 = tpu.vector_load %arg7[%get3A_570] {strides = array<i32>} : memref<208xf32, #tpu.memory_space<vmem>>, vector<16xf32>,
    %get3A_572 = arith.constant 96 : index
    %get3A_573 = tpu.vector_load %arg8[%get3A_572] {strides = array<i32>} : memref<208xf32, #tpu.memory_space<vmem>>, vector<16xf32>,
    %convert_element_type3A_574 = arith.fptosi %get3A_573 : vector<16xf32> to vector<16xi32>
    %jit3A_575 = arith.constant 0 : i32
    %jit3A_576 = arith.constant 19 : i32
    %max3A_577 = vector.broadcast %jit3A_575 : i32 to vector<16xi32>
    %max3A_578 = arith.maxsi %max3A_577, %convert_element_type3A_574 : vector<16xi32>
    %min3A_579 = vector.broadcast %jit3A_576 : i32 to vector<16xi32>
    %min3A_580 = arith.minsi %min3A_579, %max3A_578 : vector<16xi32>
    %gt3A_581 = arith.constant 0.000000e+00 : f32
    %gt3A_582 = vector.broadcast %gt3A_581 : f32 to vector<16xf32>
    %gt3A_583 = arith.cmpf ogt, %get3A_571, %gt3A_582 : vector<16xf32>
    %gt3A_584 = arith.constant 0.000000e+00 : f32
    %gt3A_585 = vector.broadcast %gt3A_584 : f32 to vector<16xf32>
    %gt3A_586 = arith.cmpf ogt, %get3A_569, %gt3A_585 : vector<16xf32>
    %and3A_587 = arith.andi %gt3A_583, %gt3A_586 : vector<16xi1>
    %mul3A_588 = arith.constant 1.600000e+04 : f32
    %mul3A_589 = vector.broadcast %mul3A_588 : f32 to vector<16xf32>
    %mul3A_590 = arith.mulf %get3A_569, %mul3A_589 : vector<16xf32>
    %convert_element_type3A_591 = arith.fptosi %mul3A_590 : vector<16xf32> to vector<16xi32>
    %unique3A_592, %unique3A_593 = tpu.scan_count mask(%and3A_587 : vector<16xi1>) value(%min3A_580 : vector<16xi32>) : vector<16xi1>, vector<16xi32>
    %gather3A_594 = tpu.vector_load_idx %arg12[%min3A_580] : memref<32xi32, #tpu.memory_space<vmem>>[vector<16xi32>], vector<16xi32>,
    %gather3A_595 = tpu.vector_load_idx %arg13[%min3A_580] : memref<48xi32, #tpu.memory_space<vmem>>[vector<16xi32>], vector<16xi32>,
    %add3A_596 = arith.addi %gather3A_595, %gather3A_594 : vector<16xi32>
    %add3A_597 = arith.addi %add3A_596, %unique3A_593 : vector<16xi32>
    %sub3A_598 = arith.constant 1 : i32
    %sub3A_599 = vector.broadcast %sub3A_598 : i32 to vector<16xi32>
    %sub3A_600 = arith.subi %add3A_597, %sub3A_599 : vector<16xi32>
    tpu.vector_store_idx %arg9[%sub3A_600], %convert_element_type3A_591 masked %and3A_587 : memref<224xi32, #tpu.memory_space<vmem>>[vector<16xi32>], vector<16xi32>, vector<16xi1>
    tpu.vector_store_idx %arg10[%sub3A_600], %get3A_571 masked %and3A_587 : memref<224xf32, #tpu.memory_space<vmem>>[vector<16xi32>], vector<16xf32>, vector<16xi1>
    %add3A_601 = arith.addi %gather3A_594, %unique3A_593 : vector<16xi32>
    %and3A_602 = arith.andi %unique3A_592, %and3A_587 : vector<16xi1>
    tpu.vector_store_idx %arg12[%min3A_580], %add3A_601 masked %and3A_602 : memref<32xi32, #tpu.memory_space<vmem>>[vector<16xi32>], vector<16xi32>, vector<16xi1>
    %get3A_603 = arith.constant 112 : index
    %get3A_604 = tpu.vector_load %arg6[%get3A_603] {strides = array<i32>} : memref<208xf32, #tpu.memory_space<vmem>>, vector<16xf32>,
    %get3A_605 = arith.constant 112 : index
    %get3A_606 = tpu.vector_load %arg7[%get3A_605] {strides = array<i32>} : memref<208xf32, #tpu.memory_space<vmem>>, vector<16xf32>,
    %get3A_607 = arith.constant 112 : index
    %get3A_608 = tpu.vector_load %arg8[%get3A_607] {strides = array<i32>} : memref<208xf32, #tpu.memory_space<vmem>>, vector<16xf32>,
    %convert_element_type3A_609 = arith.fptosi %get3A_608 : vector<16xf32> to vector<16xi32>
    %jit3A_610 = arith.constant 0 : i32
    %jit3A_611 = arith.constant 19 : i32
    %max3A_612 = vector.broadcast %jit3A_610 : i32 to vector<16xi32>
    %max3A_613 = arith.maxsi %max3A_612, %convert_element_type3A_609 : vector<16xi32>
    %min3A_614 = vector.broadcast %jit3A_611 : i32 to vector<16xi32>
    %min3A_615 = arith.minsi %min3A_614, %max3A_613 : vector<16xi32>
    %gt3A_616 = arith.constant 0.000000e+00 : f32
    %gt3A_617 = vector.broadcast %gt3A_616 : f32 to vector<16xf32>
    %gt3A_618 = arith.cmpf ogt, %get3A_606, %gt3A_617 : vector<16xf32>
    %gt3A_619 = arith.constant 0.000000e+00 : f32
    %gt3A_620 = vector.broadcast %gt3A_619 : f32 to vector<16xf32>
    %gt3A_621 = arith.cmpf ogt, %get3A_604, %gt3A_620 : vector<16xf32>
    %and3A_622 = arith.andi %gt3A_618, %gt3A_621 : vector<16xi1>
    %mul3A_623 = arith.constant 1.600000e+04 : f32
    %mul3A_624 = vector.broadcast %mul3A_623 : f32 to vector<16xf32>
    %mul3A_625 = arith.mulf %get3A_604, %mul3A_624 : vector<16xf32>
    %convert_element_type3A_626 = arith.fptosi %mul3A_625 : vector<16xf32> to vector<16xi32>
    %unique3A_627, %unique3A_628 = tpu.scan_count mask(%and3A_622 : vector<16xi1>) value(%min3A_615 : vector<16xi32>) : vector<16xi1>, vector<16xi32>
    %gather3A_629 = tpu.vector_load_idx %arg12[%min3A_615] : memref<32xi32, #tpu.memory_space<vmem>>[vector<16xi32>], vector<16xi32>,
    %gather3A_630 = tpu.vector_load_idx %arg13[%min3A_615] : memref<48xi32, #tpu.memory_space<vmem>>[vector<16xi32>], vector<16xi32>,
    %add3A_631 = arith.addi %gather3A_630, %gather3A_629 : vector<16xi32>
    %add3A_632 = arith.addi %add3A_631, %unique3A_628 : vector<16xi32>
    %sub3A_633 = arith.constant 1 : i32
    %sub3A_634 = vector.broadcast %sub3A_633 : i32 to vector<16xi32>
    %sub3A_635 = arith.subi %add3A_632, %sub3A_634 : vector<16xi32>
    tpu.vector_store_idx %arg9[%sub3A_635], %convert_element_type3A_626 masked %and3A_622 : memref<224xi32, #tpu.memory_space<vmem>>[vector<16xi32>], vector<16xi32>, vector<16xi1>
    tpu.vector_store_idx %arg10[%sub3A_635], %get3A_606 masked %and3A_622 : memref<224xf32, #tpu.memory_space<vmem>>[vector<16xi32>], vector<16xf32>, vector<16xi1>
    %add3A_636 = arith.addi %gather3A_629, %unique3A_628 : vector<16xi32>
    %and3A_637 = arith.andi %unique3A_627, %and3A_622 : vector<16xi1>
    tpu.vector_store_idx %arg12[%min3A_615], %add3A_636 masked %and3A_637 : memref<32xi32, #tpu.memory_space<vmem>>[vector<16xi32>], vector<16xi32>, vector<16xi1>
    %get3A_638 = arith.constant 128 : index
    %get3A_639 = tpu.vector_load %arg6[%get3A_638] {strides = array<i32>} : memref<208xf32, #tpu.memory_space<vmem>>, vector<16xf32>,
    %get3A_640 = arith.constant 128 : index
    %get3A_641 = tpu.vector_load %arg7[%get3A_640] {strides = array<i32>} : memref<208xf32, #tpu.memory_space<vmem>>, vector<16xf32>,
    %get3A_642 = arith.constant 128 : index
    %get3A_643 = tpu.vector_load %arg8[%get3A_642] {strides = array<i32>} : memref<208xf32, #tpu.memory_space<vmem>>, vector<16xf32>,
    %convert_element_type3A_644 = arith.fptosi %get3A_643 : vector<16xf32> to vector<16xi32>
    %jit3A_645 = arith.constant 0 : i32
    %jit3A_646 = arith.constant 19 : i32
    %max3A_647 = vector.broadcast %jit3A_645 : i32 to vector<16xi32>
    %max3A_648 = arith.maxsi %max3A_647, %convert_element_type3A_644 : vector<16xi32>
    %min3A_649 = vector.broadcast %jit3A_646 : i32 to vector<16xi32>
    %min3A_650 = arith.minsi %min3A_649, %max3A_648 : vector<16xi32>
    %gt3A_651 = arith.constant 0.000000e+00 : f32
    %gt3A_652 = vector.broadcast %gt3A_651 : f32 to vector<16xf32>
    %gt3A_653 = arith.cmpf ogt, %get3A_641, %gt3A_652 : vector<16xf32>
    %gt3A_654 = arith.constant 0.000000e+00 : f32
    %gt3A_655 = vector.broadcast %gt3A_654 : f32 to vector<16xf32>
    %gt3A_656 = arith.cmpf ogt, %get3A_639, %gt3A_655 : vector<16xf32>
    %and3A_657 = arith.andi %gt3A_653, %gt3A_656 : vector<16xi1>
    %mul3A_658 = arith.constant 1.600000e+04 : f32
    %mul3A_659 = vector.broadcast %mul3A_658 : f32 to vector<16xf32>
    %mul3A_660 = arith.mulf %get3A_639, %mul3A_659 : vector<16xf32>
    %convert_element_type3A_661 = arith.fptosi %mul3A_660 : vector<16xf32> to vector<16xi32>
    %unique3A_662, %unique3A_663 = tpu.scan_count mask(%and3A_657 : vector<16xi1>) value(%min3A_650 : vector<16xi32>) : vector<16xi1>, vector<16xi32>
    %gather3A_664 = tpu.vector_load_idx %arg12[%min3A_650] : memref<32xi32, #tpu.memory_space<vmem>>[vector<16xi32>], vector<16xi32>,
    %gather3A_665 = tpu.vector_load_idx %arg13[%min3A_650] : memref<48xi32, #tpu.memory_space<vmem>>[vector<16xi32>], vector<16xi32>,
    %add3A_666 = arith.addi %gather3A_665, %gather3A_664 : vector<16xi32>
    %add3A_667 = arith.addi %add3A_666, %unique3A_663 : vector<16xi32>
    %sub3A_668 = arith.constant 1 : i32
    %sub3A_669 = vector.broadcast %sub3A_668 : i32 to vector<16xi32>
    %sub3A_670 = arith.subi %add3A_667, %sub3A_669 : vector<16xi32>
    tpu.vector_store_idx %arg9[%sub3A_670], %convert_element_type3A_661 masked %and3A_657 : memref<224xi32, #tpu.memory_space<vmem>>[vector<16xi32>], vector<16xi32>, vector<16xi1>
    tpu.vector_store_idx %arg10[%sub3A_670], %get3A_641 masked %and3A_657 : memref<224xf32, #tpu.memory_space<vmem>>[vector<16xi32>], vector<16xf32>, vector<16xi1>
    %add3A_671 = arith.addi %gather3A_664, %unique3A_663 : vector<16xi32>
    %and3A_672 = arith.andi %unique3A_662, %and3A_657 : vector<16xi1>
    tpu.vector_store_idx %arg12[%min3A_650], %add3A_671 masked %and3A_672 : memref<32xi32, #tpu.memory_space<vmem>>[vector<16xi32>], vector<16xi32>, vector<16xi1>
    %get3A_673 = arith.constant 144 : index
    %get3A_674 = tpu.vector_load %arg6[%get3A_673] {strides = array<i32>} : memref<208xf32, #tpu.memory_space<vmem>>, vector<16xf32>,
    %get3A_675 = arith.constant 144 : index
    %get3A_676 = tpu.vector_load %arg7[%get3A_675] {strides = array<i32>} : memref<208xf32, #tpu.memory_space<vmem>>, vector<16xf32>,
    %get3A_677 = arith.constant 144 : index
    %get3A_678 = tpu.vector_load %arg8[%get3A_677] {strides = array<i32>} : memref<208xf32, #tpu.memory_space<vmem>>, vector<16xf32>,
    %convert_element_type3A_679 = arith.fptosi %get3A_678 : vector<16xf32> to vector<16xi32>
    %jit3A_680 = arith.constant 0 : i32
    %jit3A_681 = arith.constant 19 : i32
    %max3A_682 = vector.broadcast %jit3A_680 : i32 to vector<16xi32>
    %max3A_683 = arith.maxsi %max3A_682, %convert_element_type3A_679 : vector<16xi32>
    %min3A_684 = vector.broadcast %jit3A_681 : i32 to vector<16xi32>
    %min3A_685 = arith.minsi %min3A_684, %max3A_683 : vector<16xi32>
    %gt3A_686 = arith.constant 0.000000e+00 : f32
    %gt3A_687 = vector.broadcast %gt3A_686 : f32 to vector<16xf32>
    %gt3A_688 = arith.cmpf ogt, %get3A_676, %gt3A_687 : vector<16xf32>
    %gt3A_689 = arith.constant 0.000000e+00 : f32
    %gt3A_690 = vector.broadcast %gt3A_689 : f32 to vector<16xf32>
    %gt3A_691 = arith.cmpf ogt, %get3A_674, %gt3A_690 : vector<16xf32>
    %and3A_692 = arith.andi %gt3A_688, %gt3A_691 : vector<16xi1>
    %mul3A_693 = arith.constant 1.600000e+04 : f32
    %mul3A_694 = vector.broadcast %mul3A_693 : f32 to vector<16xf32>
    %mul3A_695 = arith.mulf %get3A_674, %mul3A_694 : vector<16xf32>
    %convert_element_type3A_696 = arith.fptosi %mul3A_695 : vector<16xf32> to vector<16xi32>
    %unique3A_697, %unique3A_698 = tpu.scan_count mask(%and3A_692 : vector<16xi1>) value(%min3A_685 : vector<16xi32>) : vector<16xi1>, vector<16xi32>
    %gather3A_699 = tpu.vector_load_idx %arg12[%min3A_685] : memref<32xi32, #tpu.memory_space<vmem>>[vector<16xi32>], vector<16xi32>,
    %gather3A_700 = tpu.vector_load_idx %arg13[%min3A_685] : memref<48xi32, #tpu.memory_space<vmem>>[vector<16xi32>], vector<16xi32>,
    %add3A_701 = arith.addi %gather3A_700, %gather3A_699 : vector<16xi32>
    %add3A_702 = arith.addi %add3A_701, %unique3A_698 : vector<16xi32>
    %sub3A_703 = arith.constant 1 : i32
    %sub3A_704 = vector.broadcast %sub3A_703 : i32 to vector<16xi32>
    %sub3A_705 = arith.subi %add3A_702, %sub3A_704 : vector<16xi32>
    tpu.vector_store_idx %arg9[%sub3A_705], %convert_element_type3A_696 masked %and3A_692 : memref<224xi32, #tpu.memory_space<vmem>>[vector<16xi32>], vector<16xi32>, vector<16xi1>
    tpu.vector_store_idx %arg10[%sub3A_705], %get3A_676 masked %and3A_692 : memref<224xf32, #tpu.memory_space<vmem>>[vector<16xi32>], vector<16xf32>, vector<16xi1>
    %add3A_706 = arith.addi %gather3A_699, %unique3A_698 : vector<16xi32>
    %and3A_707 = arith.andi %unique3A_697, %and3A_692 : vector<16xi1>
    tpu.vector_store_idx %arg12[%min3A_685], %add3A_706 masked %and3A_707 : memref<32xi32, #tpu.memory_space<vmem>>[vector<16xi32>], vector<16xi32>, vector<16xi1>
    %get3A_708 = arith.constant 160 : index
    %get3A_709 = tpu.vector_load %arg6[%get3A_708] {strides = array<i32>} : memref<208xf32, #tpu.memory_space<vmem>>, vector<16xf32>,
    %get3A_710 = arith.constant 160 : index
    %get3A_711 = tpu.vector_load %arg7[%get3A_710] {strides = array<i32>} : memref<208xf32, #tpu.memory_space<vmem>>, vector<16xf32>,
    %get3A_712 = arith.constant 160 : index
    %get3A_713 = tpu.vector_load %arg8[%get3A_712] {strides = array<i32>} : memref<208xf32, #tpu.memory_space<vmem>>, vector<16xf32>,
    %convert_element_type3A_714 = arith.fptosi %get3A_713 : vector<16xf32> to vector<16xi32>
    %jit3A_715 = arith.constant 0 : i32
    %jit3A_716 = arith.constant 19 : i32
    %max3A_717 = vector.broadcast %jit3A_715 : i32 to vector<16xi32>
    %max3A_718 = arith.maxsi %max3A_717, %convert_element_type3A_714 : vector<16xi32>
    %min3A_719 = vector.broadcast %jit3A_716 : i32 to vector<16xi32>
    %min3A_720 = arith.minsi %min3A_719, %max3A_718 : vector<16xi32>
    %gt3A_721 = arith.constant 0.000000e+00 : f32
    %gt3A_722 = vector.broadcast %gt3A_721 : f32 to vector<16xf32>
    %gt3A_723 = arith.cmpf ogt, %get3A_711, %gt3A_722 : vector<16xf32>
    %gt3A_724 = arith.constant 0.000000e+00 : f32
    %gt3A_725 = vector.broadcast %gt3A_724 : f32 to vector<16xf32>
    %gt3A_726 = arith.cmpf ogt, %get3A_709, %gt3A_725 : vector<16xf32>
    %and3A_727 = arith.andi %gt3A_723, %gt3A_726 : vector<16xi1>
    %mul3A_728 = arith.constant 1.600000e+04 : f32
    %mul3A_729 = vector.broadcast %mul3A_728 : f32 to vector<16xf32>
    %mul3A_730 = arith.mulf %get3A_709, %mul3A_729 : vector<16xf32>
    %convert_element_type3A_731 = arith.fptosi %mul3A_730 : vector<16xf32> to vector<16xi32>
    %unique3A_732, %unique3A_733 = tpu.scan_count mask(%and3A_727 : vector<16xi1>) value(%min3A_720 : vector<16xi32>) : vector<16xi1>, vector<16xi32>
    %gather3A_734 = tpu.vector_load_idx %arg12[%min3A_720] : memref<32xi32, #tpu.memory_space<vmem>>[vector<16xi32>], vector<16xi32>,
    %gather3A_735 = tpu.vector_load_idx %arg13[%min3A_720] : memref<48xi32, #tpu.memory_space<vmem>>[vector<16xi32>], vector<16xi32>,
    %add3A_736 = arith.addi %gather3A_735, %gather3A_734 : vector<16xi32>
    %add3A_737 = arith.addi %add3A_736, %unique3A_733 : vector<16xi32>
    %sub3A_738 = arith.constant 1 : i32
    %sub3A_739 = vector.broadcast %sub3A_738 : i32 to vector<16xi32>
    %sub3A_740 = arith.subi %add3A_737, %sub3A_739 : vector<16xi32>
    tpu.vector_store_idx %arg9[%sub3A_740], %convert_element_type3A_731 masked %and3A_727 : memref<224xi32, #tpu.memory_space<vmem>>[vector<16xi32>], vector<16xi32>, vector<16xi1>
    tpu.vector_store_idx %arg10[%sub3A_740], %get3A_711 masked %and3A_727 : memref<224xf32, #tpu.memory_space<vmem>>[vector<16xi32>], vector<16xf32>, vector<16xi1>
    %add3A_741 = arith.addi %gather3A_734, %unique3A_733 : vector<16xi32>
    %and3A_742 = arith.andi %unique3A_732, %and3A_727 : vector<16xi1>
    tpu.vector_store_idx %arg12[%min3A_720], %add3A_741 masked %and3A_742 : memref<32xi32, #tpu.memory_space<vmem>>[vector<16xi32>], vector<16xi32>, vector<16xi1>
    %get3A_743 = arith.constant 176 : index
    %get3A_744 = tpu.vector_load %arg6[%get3A_743] {strides = array<i32>} : memref<208xf32, #tpu.memory_space<vmem>>, vector<16xf32>,
    %get3A_745 = arith.constant 176 : index
    %get3A_746 = tpu.vector_load %arg7[%get3A_745] {strides = array<i32>} : memref<208xf32, #tpu.memory_space<vmem>>, vector<16xf32>,
    %get3A_747 = arith.constant 176 : index
    %get3A_748 = tpu.vector_load %arg8[%get3A_747] {strides = array<i32>} : memref<208xf32, #tpu.memory_space<vmem>>, vector<16xf32>,
    %convert_element_type3A_749 = arith.fptosi %get3A_748 : vector<16xf32> to vector<16xi32>
    %jit3A_750 = arith.constant 0 : i32
    %jit3A_751 = arith.constant 19 : i32
    %max3A_752 = vector.broadcast %jit3A_750 : i32 to vector<16xi32>
    %max3A_753 = arith.maxsi %max3A_752, %convert_element_type3A_749 : vector<16xi32>
    %min3A_754 = vector.broadcast %jit3A_751 : i32 to vector<16xi32>
    %min3A_755 = arith.minsi %min3A_754, %max3A_753 : vector<16xi32>
    %gt3A_756 = arith.constant 0.000000e+00 : f32
    %gt3A_757 = vector.broadcast %gt3A_756 : f32 to vector<16xf32>
    %gt3A_758 = arith.cmpf ogt, %get3A_746, %gt3A_757 : vector<16xf32>
    %gt3A_759 = arith.constant 0.000000e+00 : f32
    %gt3A_760 = vector.broadcast %gt3A_759 : f32 to vector<16xf32>
    %gt3A_761 = arith.cmpf ogt, %get3A_744, %gt3A_760 : vector<16xf32>
    %and3A_762 = arith.andi %gt3A_758, %gt3A_761 : vector<16xi1>
    %mul3A_763 = arith.constant 1.600000e+04 : f32
    %mul3A_764 = vector.broadcast %mul3A_763 : f32 to vector<16xf32>
    %mul3A_765 = arith.mulf %get3A_744, %mul3A_764 : vector<16xf32>
    %convert_element_type3A_766 = arith.fptosi %mul3A_765 : vector<16xf32> to vector<16xi32>
    %unique3A_767, %unique3A_768 = tpu.scan_count mask(%and3A_762 : vector<16xi1>) value(%min3A_755 : vector<16xi32>) : vector<16xi1>, vector<16xi32>
    %gather3A_769 = tpu.vector_load_idx %arg12[%min3A_755] : memref<32xi32, #tpu.memory_space<vmem>>[vector<16xi32>], vector<16xi32>,
    %gather3A_770 = tpu.vector_load_idx %arg13[%min3A_755] : memref<48xi32, #tpu.memory_space<vmem>>[vector<16xi32>], vector<16xi32>,
    %add3A_771 = arith.addi %gather3A_770, %gather3A_769 : vector<16xi32>
    %add3A_772 = arith.addi %add3A_771, %unique3A_768 : vector<16xi32>
    %sub3A_773 = arith.constant 1 : i32
    %sub3A_774 = vector.broadcast %sub3A_773 : i32 to vector<16xi32>
    %sub3A_775 = arith.subi %add3A_772, %sub3A_774 : vector<16xi32>
    tpu.vector_store_idx %arg9[%sub3A_775], %convert_element_type3A_766 masked %and3A_762 : memref<224xi32, #tpu.memory_space<vmem>>[vector<16xi32>], vector<16xi32>, vector<16xi1>
    tpu.vector_store_idx %arg10[%sub3A_775], %get3A_746 masked %and3A_762 : memref<224xf32, #tpu.memory_space<vmem>>[vector<16xi32>], vector<16xf32>, vector<16xi1>
    %add3A_776 = arith.addi %gather3A_769, %unique3A_768 : vector<16xi32>
    %and3A_777 = arith.andi %unique3A_767, %and3A_762 : vector<16xi1>
    tpu.vector_store_idx %arg12[%min3A_755], %add3A_776 masked %and3A_777 : memref<32xi32, #tpu.memory_space<vmem>>[vector<16xi32>], vector<16xi32>, vector<16xi1>
    %get3A_778 = arith.constant 192 : index
    %get3A_779 = tpu.vector_load %arg6[%get3A_778] {strides = array<i32>} : memref<208xf32, #tpu.memory_space<vmem>>, vector<16xf32>,
    %get3A_780 = arith.constant 192 : index
    %get3A_781 = tpu.vector_load %arg7[%get3A_780] {strides = array<i32>} : memref<208xf32, #tpu.memory_space<vmem>>, vector<16xf32>,
    %get3A_782 = arith.constant 192 : index
    %get3A_783 = tpu.vector_load %arg8[%get3A_782] {strides = array<i32>} : memref<208xf32, #tpu.memory_space<vmem>>, vector<16xf32>,
    %convert_element_type3A_784 = arith.fptosi %get3A_783 : vector<16xf32> to vector<16xi32>
    %jit3A_785 = arith.constant 0 : i32
    %jit3A_786 = arith.constant 19 : i32
    %max3A_787 = vector.broadcast %jit3A_785 : i32 to vector<16xi32>
    %max3A_788 = arith.maxsi %max3A_787, %convert_element_type3A_784 : vector<16xi32>
    %min3A_789 = vector.broadcast %jit3A_786 : i32 to vector<16xi32>
    %min3A_790 = arith.minsi %min3A_789, %max3A_788 : vector<16xi32>
    %gt3A_791 = arith.constant 0.000000e+00 : f32
    %gt3A_792 = vector.broadcast %gt3A_791 : f32 to vector<16xf32>
    %gt3A_793 = arith.cmpf ogt, %get3A_781, %gt3A_792 : vector<16xf32>
    %gt3A_794 = arith.constant 0.000000e+00 : f32
    %gt3A_795 = vector.broadcast %gt3A_794 : f32 to vector<16xf32>
    %gt3A_796 = arith.cmpf ogt, %get3A_779, %gt3A_795 : vector<16xf32>
    %and3A_797 = arith.andi %gt3A_793, %gt3A_796 : vector<16xi1>
    %lt3A_798 = arith.constant 8 : i32
    %lt3A_799 = vector.broadcast %lt3A_798 : i32 to vector<16xi32>
    %lt3A_800 = arith.cmpi slt, %iota3A, %lt3A_799 : vector<16xi32>
    %and3A_801 = arith.andi %and3A_797, %lt3A_800 : vector<16xi1>
    %mul3A_802 = arith.constant 1.600000e+04 : f32
    %mul3A_803 = vector.broadcast %mul3A_802 : f32 to vector<16xf32>
    %mul3A_804 = arith.mulf %get3A_779, %mul3A_803 : vector<16xf32>
    %convert_element_type3A_805 = arith.fptosi %mul3A_804 : vector<16xf32> to vector<16xi32>
    %unique3A_806, %unique3A_807 = tpu.scan_count mask(%and3A_801 : vector<16xi1>) value(%min3A_790 : vector<16xi32>) : vector<16xi1>, vector<16xi32>
    %gather3A_808 = tpu.vector_load_idx %arg12[%min3A_790] : memref<32xi32, #tpu.memory_space<vmem>>[vector<16xi32>], vector<16xi32>,
    %gather3A_809 = tpu.vector_load_idx %arg13[%min3A_790] : memref<48xi32, #tpu.memory_space<vmem>>[vector<16xi32>], vector<16xi32>,
    %add3A_810 = arith.addi %gather3A_809, %gather3A_808 : vector<16xi32>
    %add3A_811 = arith.addi %add3A_810, %unique3A_807 : vector<16xi32>
    %sub3A_812 = arith.constant 1 : i32
    %sub3A_813 = vector.broadcast %sub3A_812 : i32 to vector<16xi32>
    %sub3A_814 = arith.subi %add3A_811, %sub3A_813 : vector<16xi32>
    tpu.vector_store_idx %arg9[%sub3A_814], %convert_element_type3A_805 masked %and3A_801 : memref<224xi32, #tpu.memory_space<vmem>>[vector<16xi32>], vector<16xi32>, vector<16xi1>
    tpu.vector_store_idx %arg10[%sub3A_814], %get3A_781 masked %and3A_801 : memref<224xf32, #tpu.memory_space<vmem>>[vector<16xi32>], vector<16xf32>, vector<16xi1>
    %add3A_815 = arith.addi %gather3A_808, %unique3A_807 : vector<16xi32>
    %and3A_816 = arith.andi %unique3A_806, %and3A_801 : vector<16xi1>
    tpu.vector_store_idx %arg12[%min3A_790], %add3A_815 masked %and3A_816 : memref<32xi32, #tpu.memory_space<vmem>>[vector<16xi32>], vector<16xi32>, vector<16xi1>
    %scan3A = arith.constant 0 : i32
    %scan3A_817 = arith.constant 20 : i32
    %scan3A_818 = arith.addi %scan3A, %scan3A_817 : i32
    %scan3A_819 = arith.constant 1 : i32
    scf.for %scan3A_1691 = %scan3A to %scan3A_818 step %scan3A_819  : i32 {
      %mul3A_1692 = arith.constant 1 : i32
      %mul3A_1693 = arith.muli %scan3A_1691, %mul3A_1692 : i32
      %add3A_1694 = arith.constant 0 : i32
      %add3A_1695 = arith.addi %add3A_1694, %mul3A_1693 : i32
      %get3A_1696 = arith.index_cast %add3A_1695 : i32 to index
      %get3A_1697 = tpu.vector_load %arg13[%get3A_1696] {strides = array<i32>} : memref<48xi32, #tpu.memory_space<vmem>>, vector<16xi32>,
      %slice3A_1698 = vector.extract_strided_slice %get3A_1697 {offsets = [0], sizes = [1], strides = [1]} : vector<16xi32> to vector<1xi32>
      %squeeze3A_1699 = vector.extract %slice3A_1698[0] : i32 from vector<1xi32>
      %slice3A_1700 = vector.extract_strided_slice %get3A_1697 {offsets = [1], sizes = [1], strides = [1]} : vector<16xi32> to vector<1xi32>
      %squeeze3A_1701 = vector.extract %slice3A_1700[0] : i32 from vector<1xi32>
      %gt3A_1702 = arith.cmpi sgt, %squeeze3A_1701, %squeeze3A_1699 : i32
      %convert_element_type3A_1703 = arith.extui %gt3A_1702 : i1 to i32
      %cond3A = arith.constant 0 : i32
      %cond3A_1704 = arith.cmpi ne, %convert_element_type3A_1703, %cond3A : i32
      scf.if %cond3A_1704 {
        %mul3A_1705 = arith.constant 1024 : i32
        %mul3A_1706 = arith.muli %add3A_1695, %mul3A_1705 : i32
        %add3A_1707 = arith.constant 0 : i32
        %add3A_1708 = arith.addi %mul3A_1706, %add3A_1707 : i32
        %add3A_1709 = arith.constant 0 : i32
        %add3A_1710 = arith.addi %add3A_1708, %add3A_1709 : i32
        %get3A_1711 = arith.index_cast %add3A_1710 : i32 to index
        %get3A_1712 = tpu.vector_load %arg4[%get3A_1711] {strides = array<i32>} : memref<20480xf32, #tpu.memory_space<vmem>>, vector<16xf32>,
        %add3A_1713 = arith.constant 16 : i32
        %add3A_1714 = arith.addi %add3A_1708, %add3A_1713 : i32
        %get3A_1715 = arith.index_cast %add3A_1714 : i32 to index
        %get3A_1716 = tpu.vector_load %arg4[%get3A_1715] {strides = array<i32>} : memref<20480xf32, #tpu.memory_space<vmem>>, vector<16xf32>,
        %add3A_1717 = arith.constant 32 : i32
        %add3A_1718 = arith.addi %add3A_1708, %add3A_1717 : i32
        %get3A_1719 = arith.index_cast %add3A_1718 : i32 to index
        %get3A_1720 = tpu.vector_load %arg4[%get3A_1719] {strides = array<i32>} : memref<20480xf32, #tpu.memory_space<vmem>>, vector<16xf32>,
        %add3A_1721 = arith.constant 48 : i32
        %add3A_1722 = arith.addi %add3A_1708, %add3A_1721 : i32
        %get3A_1723 = arith.index_cast %add3A_1722 : i32 to index
        %get3A_1724 = tpu.vector_load %arg4[%get3A_1723] {strides = array<i32>} : memref<20480xf32, #tpu.memory_space<vmem>>, vector<16xf32>,
        %add3A_1725 = arith.constant 64 : i32
        %add3A_1726 = arith.addi %add3A_1708, %add3A_1725 : i32
        %get3A_1727 = arith.index_cast %add3A_1726 : i32 to index
        %get3A_1728 = tpu.vector_load %arg4[%get3A_1727] {strides = array<i32>} : memref<20480xf32, #tpu.memory_space<vmem>>, vector<16xf32>,
        %add3A_1729 = arith.constant 80 : i32
        %add3A_1730 = arith.addi %add3A_1708, %add3A_1729 : i32
        %get3A_1731 = arith.index_cast %add3A_1730 : i32 to index
        %get3A_1732 = tpu.vector_load %arg4[%get3A_1731] {strides = array<i32>} : memref<20480xf32, #tpu.memory_space<vmem>>, vector<16xf32>,
        %add3A_1733 = arith.constant 96 : i32
        %add3A_1734 = arith.addi %add3A_1708, %add3A_1733 : i32
        %get3A_1735 = arith.index_cast %add3A_1734 : i32 to index
        %get3A_1736 = tpu.vector_load %arg4[%get3A_1735] {strides = array<i32>} : memref<20480xf32, #tpu.memory_space<vmem>>, vector<16xf32>,
        %add3A_1737 = arith.constant 112 : i32
        %add3A_1738 = arith.addi %add3A_1708, %add3A_1737 : i32
        %get3A_1739 = arith.index_cast %add3A_1738 : i32 to index
        %get3A_1740 = tpu.vector_load %arg4[%get3A_1739] {strides = array<i32>} : memref<20480xf32, #tpu.memory_space<vmem>>, vector<16xf32>,
        %add3A_1741 = arith.constant 128 : i32
        %add3A_1742 = arith.addi %add3A_1708, %add3A_1741 : i32
        %get3A_1743 = arith.index_cast %add3A_1742 : i32 to index
        %get3A_1744 = tpu.vector_load %arg4[%get3A_1743] {strides = array<i32>} : memref<20480xf32, #tpu.memory_space<vmem>>, vector<16xf32>,
        %add3A_1745 = arith.constant 144 : i32
        %add3A_1746 = arith.addi %add3A_1708, %add3A_1745 : i32
        %get3A_1747 = arith.index_cast %add3A_1746 : i32 to index
        %get3A_1748 = tpu.vector_load %arg4[%get3A_1747] {strides = array<i32>} : memref<20480xf32, #tpu.memory_space<vmem>>, vector<16xf32>,
        %add3A_1749 = arith.constant 160 : i32
        %add3A_1750 = arith.addi %add3A_1708, %add3A_1749 : i32
        %get3A_1751 = arith.index_cast %add3A_1750 : i32 to index
        %get3A_1752 = tpu.vector_load %arg4[%get3A_1751] {strides = array<i32>} : memref<20480xf32, #tpu.memory_space<vmem>>, vector<16xf32>,
        %add3A_1753 = arith.constant 176 : i32
        %add3A_1754 = arith.addi %add3A_1708, %add3A_1753 : i32
        %get3A_1755 = arith.index_cast %add3A_1754 : i32 to index
        %get3A_1756 = tpu.vector_load %arg4[%get3A_1755] {strides = array<i32>} : memref<20480xf32, #tpu.memory_space<vmem>>, vector<16xf32>,
        %add3A_1757 = arith.constant 192 : i32
        %add3A_1758 = arith.addi %add3A_1708, %add3A_1757 : i32
        %get3A_1759 = arith.index_cast %add3A_1758 : i32 to index
        %get3A_1760 = tpu.vector_load %arg4[%get3A_1759] {strides = array<i32>} : memref<20480xf32, #tpu.memory_space<vmem>>, vector<16xf32>,
        %add3A_1761 = arith.constant 208 : i32
        %add3A_1762 = arith.addi %add3A_1708, %add3A_1761 : i32
        %get3A_1763 = arith.index_cast %add3A_1762 : i32 to index
        %get3A_1764 = tpu.vector_load %arg4[%get3A_1763] {strides = array<i32>} : memref<20480xf32, #tpu.memory_space<vmem>>, vector<16xf32>,
        %add3A_1765 = arith.constant 224 : i32
        %add3A_1766 = arith.addi %add3A_1708, %add3A_1765 : i32
        %get3A_1767 = arith.index_cast %add3A_1766 : i32 to index
        %get3A_1768 = tpu.vector_load %arg4[%get3A_1767] {strides = array<i32>} : memref<20480xf32, #tpu.memory_space<vmem>>, vector<16xf32>,
        %add3A_1769 = arith.constant 240 : i32
        %add3A_1770 = arith.addi %add3A_1708, %add3A_1769 : i32
        %get3A_1771 = arith.index_cast %add3A_1770 : i32 to index
        %get3A_1772 = tpu.vector_load %arg4[%get3A_1771] {strides = array<i32>} : memref<20480xf32, #tpu.memory_space<vmem>>, vector<16xf32>,
        %add3A_1773 = arith.constant 256 : i32
        %add3A_1774 = arith.addi %add3A_1708, %add3A_1773 : i32
        %get3A_1775 = arith.index_cast %add3A_1774 : i32 to index
        %get3A_1776 = tpu.vector_load %arg4[%get3A_1775] {strides = array<i32>} : memref<20480xf32, #tpu.memory_space<vmem>>, vector<16xf32>,
        %add3A_1777 = arith.constant 272 : i32
        %add3A_1778 = arith.addi %add3A_1708, %add3A_1777 : i32
        %get3A_1779 = arith.index_cast %add3A_1778 : i32 to index
        %get3A_1780 = tpu.vector_load %arg4[%get3A_1779] {strides = array<i32>} : memref<20480xf32, #tpu.memory_space<vmem>>, vector<16xf32>,
        %add3A_1781 = arith.constant 288 : i32
        %add3A_1782 = arith.addi %add3A_1708, %add3A_1781 : i32
        %get3A_1783 = arith.index_cast %add3A_1782 : i32 to index
        %get3A_1784 = tpu.vector_load %arg4[%get3A_1783] {strides = array<i32>} : memref<20480xf32, #tpu.memory_space<vmem>>, vector<16xf32>,
        %add3A_1785 = arith.constant 304 : i32
        %add3A_1786 = arith.addi %add3A_1708, %add3A_1785 : i32
        %get3A_1787 = arith.index_cast %add3A_1786 : i32 to index
        %get3A_1788 = tpu.vector_load %arg4[%get3A_1787] {strides = array<i32>} : memref<20480xf32, #tpu.memory_space<vmem>>, vector<16xf32>,
        %add3A_1789 = arith.constant 320 : i32
        %add3A_1790 = arith.addi %add3A_1708, %add3A_1789 : i32
        %get3A_1791 = arith.index_cast %add3A_1790 : i32 to index
        %get3A_1792 = tpu.vector_load %arg4[%get3A_1791] {strides = array<i32>} : memref<20480xf32, #tpu.memory_space<vmem>>, vector<16xf32>,
        %add3A_1793 = arith.constant 336 : i32
        %add3A_1794 = arith.addi %add3A_1708, %add3A_1793 : i32
        %get3A_1795 = arith.index_cast %add3A_1794 : i32 to index
        %get3A_1796 = tpu.vector_load %arg4[%get3A_1795] {strides = array<i32>} : memref<20480xf32, #tpu.memory_space<vmem>>, vector<16xf32>,
        %add3A_1797 = arith.constant 352 : i32
        %add3A_1798 = arith.addi %add3A_1708, %add3A_1797 : i32
        %get3A_1799 = arith.index_cast %add3A_1798 : i32 to index
        %get3A_1800 = tpu.vector_load %arg4[%get3A_1799] {strides = array<i32>} : memref<20480xf32, #tpu.memory_space<vmem>>, vector<16xf32>,
        %add3A_1801 = arith.constant 368 : i32
        %add3A_1802 = arith.addi %add3A_1708, %add3A_1801 : i32
        %get3A_1803 = arith.index_cast %add3A_1802 : i32 to index
        %get3A_1804 = tpu.vector_load %arg4[%get3A_1803] {strides = array<i32>} : memref<20480xf32, #tpu.memory_space<vmem>>, vector<16xf32>,
        %add3A_1805 = arith.constant 384 : i32
        %add3A_1806 = arith.addi %add3A_1708, %add3A_1805 : i32
        %get3A_1807 = arith.index_cast %add3A_1806 : i32 to index
        %get3A_1808 = tpu.vector_load %arg4[%get3A_1807] {strides = array<i32>} : memref<20480xf32, #tpu.memory_space<vmem>>, vector<16xf32>,
        %add3A_1809 = arith.constant 400 : i32
        %add3A_1810 = arith.addi %add3A_1708, %add3A_1809 : i32
        %get3A_1811 = arith.index_cast %add3A_1810 : i32 to index
        %get3A_1812 = tpu.vector_load %arg4[%get3A_1811] {strides = array<i32>} : memref<20480xf32, #tpu.memory_space<vmem>>, vector<16xf32>,
        %add3A_1813 = arith.constant 416 : i32
        %add3A_1814 = arith.addi %add3A_1708, %add3A_1813 : i32
        %get3A_1815 = arith.index_cast %add3A_1814 : i32 to index
        %get3A_1816 = tpu.vector_load %arg4[%get3A_1815] {strides = array<i32>} : memref<20480xf32, #tpu.memory_space<vmem>>, vector<16xf32>,
        %add3A_1817 = arith.constant 432 : i32
        %add3A_1818 = arith.addi %add3A_1708, %add3A_1817 : i32
        %get3A_1819 = arith.index_cast %add3A_1818 : i32 to index
        %get3A_1820 = tpu.vector_load %arg4[%get3A_1819] {strides = array<i32>} : memref<20480xf32, #tpu.memory_space<vmem>>, vector<16xf32>,
        %add3A_1821 = arith.constant 448 : i32
        %add3A_1822 = arith.addi %add3A_1708, %add3A_1821 : i32
        %get3A_1823 = arith.index_cast %add3A_1822 : i32 to index
        %get3A_1824 = tpu.vector_load %arg4[%get3A_1823] {strides = array<i32>} : memref<20480xf32, #tpu.memory_space<vmem>>, vector<16xf32>,
        %add3A_1825 = arith.constant 464 : i32
        %add3A_1826 = arith.addi %add3A_1708, %add3A_1825 : i32
        %get3A_1827 = arith.index_cast %add3A_1826 : i32 to index
        %get3A_1828 = tpu.vector_load %arg4[%get3A_1827] {strides = array<i32>} : memref<20480xf32, #tpu.memory_space<vmem>>, vector<16xf32>,
        %add3A_1829 = arith.constant 480 : i32
        %add3A_1830 = arith.addi %add3A_1708, %add3A_1829 : i32
        %get3A_1831 = arith.index_cast %add3A_1830 : i32 to index
        %get3A_1832 = tpu.vector_load %arg4[%get3A_1831] {strides = array<i32>} : memref<20480xf32, #tpu.memory_space<vmem>>, vector<16xf32>,
        %add3A_1833 = arith.constant 496 : i32
        %add3A_1834 = arith.addi %add3A_1708, %add3A_1833 : i32
        %get3A_1835 = arith.index_cast %add3A_1834 : i32 to index
        %get3A_1836 = tpu.vector_load %arg4[%get3A_1835] {strides = array<i32>} : memref<20480xf32, #tpu.memory_space<vmem>>, vector<16xf32>,
        %get3A_1837 = arith.index_cast %squeeze3A_1699 : i32 to index
        %get3A_1838 = tpu.vector_load %arg9[%get3A_1837] {strides = array<i32>} : memref<224xi32, #tpu.memory_space<vmem>>, vector<16xi32>,
        %get3A_1839 = arith.index_cast %squeeze3A_1699 : i32 to index
        %get3A_1840 = tpu.vector_load %arg10[%get3A_1839] {strides = array<i32>} : memref<224xf32, #tpu.memory_space<vmem>>, vector<16xf32>,
        %slice3A_1841 = vector.extract_strided_slice %get3A_1838 {offsets = [0], sizes = [1], strides = [1]} : vector<16xi32> to vector<1xi32>
        %squeeze3A_1842 = vector.extract %slice3A_1841[0] : i32 from vector<1xi32>
        %slice3A_1843 = vector.extract_strided_slice %get3A_1840 {offsets = [0], sizes = [1], strides = [1]} : vector<16xf32> to vector<1xf32>
        %squeeze3A_1844 = vector.extract %slice3A_1843[0] : f32 from vector<1xf32>
        %sub3A_1845 = arith.subi %squeeze3A_1701, %squeeze3A_1699 : i32
        %sub3A_1846 = arith.constant 1 : i32
        %sub3A_1847 = arith.constant 1 : i32
        %sub3A_1848 = arith.subi %sub3A_1846, %sub3A_1847 : i32
        %add3A_1849 = arith.addi %sub3A_1845, %sub3A_1848 : i32
        %div3A_1850 = arith.constant 1 : i32
        %div3A_1851 = arith.divsi %add3A_1849, %div3A_1850 : i32
        %while3A = arith.constant 1 : i32
        %while3A_1852 = arith.constant 0 : i32
        %while3A_1853 = arith.subi %div3A_1851, %while3A_1852 : i32
        %while3A_1854 = arith.addi %while3A_1852, %while3A_1853 : i32
        %while3A_1855 = arith.constant 1 : i32
        %while3A_1856 = arith.divsi %while3A_1853, %while3A_1855 : i32
        %while3A_1857 = arith.muli %while3A_1856, %while3A_1855 : i32
        %while3A_1858 = arith.addi %while3A_1852, %while3A_1857 : i32
        %while3A_1859 = arith.constant 1 : i32
        %while3A_1860:2 = scf.for %while3A_2022 = %while3A_1852 to %while3A_1858 step %while3A_1859 iter_args(%while3A_2023 = %squeeze3A_1842, %while3A_2024 = %squeeze3A_1844) -> (i32, f32)  : i32 {
          %mul3A_2025 = arith.muli %while3A_2022, %while3A : i32
          %add3A_2026 = arith.addi %squeeze3A_1699, %mul3A_2025 : i32
          %add3A_2027 = arith.constant 1 : i32
          %add3A_2028 = arith.addi %add3A_2026, %add3A_2027 : i32
          %get3A_2029 = arith.index_cast %add3A_2028 : i32 to index
          %get3A_2030 = tpu.vector_load %arg9[%get3A_2029] {strides = array<i32>} : memref<224xi32, #tpu.memory_space<vmem>>, vector<16xi32>,
          %add3A_2031 = arith.constant 1 : i32
          %add3A_2032 = arith.addi %add3A_2026, %add3A_2031 : i32
          %get3A_2033 = arith.index_cast %add3A_2032 : i32 to index
          %get3A_2034 = tpu.vector_load %arg10[%get3A_2033] {strides = array<i32>} : memref<224xf32, #tpu.memory_space<vmem>>, vector<16xf32>,
          %broadcast_in_dim3A_2035 = vector.broadcast %while3A_2024 : f32 to vector<16xf32>
          %add3A_2036 = arith.constant 0 : i32
          %add3A_2037 = arith.addi %while3A_2023, %add3A_2036 : i32
          %add3A_2038 = arith.constant 0 : i32
          %add3A_2039 = arith.addi %add3A_2037, %add3A_2038 : i32
          %mul3A_2040 = arith.mulf %broadcast_in_dim3A_2035, %get3A_1712 : vector<16xf32>
          %swap3A_2041 = arith.index_cast %add3A_2039 : i32 to index
          %swap3A_2042 = tpu.vector_load %arg5[%swap3A_2041] {strides = array<i32>} : memref<48000xf32, #tpu.memory_space<vmem>>, vector<16xf32>,
          tpu.vector_store %arg5[%swap3A_2041], %mul3A_2040 {add = true, strides = array<i32>} : memref<48000xf32, #tpu.memory_space<vmem>>, vector<16xf32>,
          %add3A_2043 = arith.constant 16 : i32
          %add3A_2044 = arith.addi %add3A_2037, %add3A_2043 : i32
          %mul3A_2045 = arith.mulf %broadcast_in_dim3A_2035, %get3A_1716 : vector<16xf32>
          %swap3A_2046 = arith.index_cast %add3A_2044 : i32 to index
          %swap3A_2047 = tpu.vector_load %arg5[%swap3A_2046] {strides = array<i32>} : memref<48000xf32, #tpu.memory_space<vmem>>, vector<16xf32>,
          tpu.vector_store %arg5[%swap3A_2046], %mul3A_2045 {add = true, strides = array<i32>} : memref<48000xf32, #tpu.memory_space<vmem>>, vector<16xf32>,
          %add3A_2048 = arith.constant 32 : i32
          %add3A_2049 = arith.addi %add3A_2037, %add3A_2048 : i32
          %mul3A_2050 = arith.mulf %broadcast_in_dim3A_2035, %get3A_1720 : vector<16xf32>
          %swap3A_2051 = arith.index_cast %add3A_2049 : i32 to index
          %swap3A_2052 = tpu.vector_load %arg5[%swap3A_2051] {strides = array<i32>} : memref<48000xf32, #tpu.memory_space<vmem>>, vector<16xf32>,
          tpu.vector_store %arg5[%swap3A_2051], %mul3A_2050 {add = true, strides = array<i32>} : memref<48000xf32, #tpu.memory_space<vmem>>, vector<16xf32>,
          %add3A_2053 = arith.constant 48 : i32
          %add3A_2054 = arith.addi %add3A_2037, %add3A_2053 : i32
          %mul3A_2055 = arith.mulf %broadcast_in_dim3A_2035, %get3A_1724 : vector<16xf32>
          %swap3A_2056 = arith.index_cast %add3A_2054 : i32 to index
          %swap3A_2057 = tpu.vector_load %arg5[%swap3A_2056] {strides = array<i32>} : memref<48000xf32, #tpu.memory_space<vmem>>, vector<16xf32>,
          tpu.vector_store %arg5[%swap3A_2056], %mul3A_2055 {add = true, strides = array<i32>} : memref<48000xf32, #tpu.memory_space<vmem>>, vector<16xf32>,
          %add3A_2058 = arith.constant 64 : i32
          %add3A_2059 = arith.addi %add3A_2037, %add3A_2058 : i32
          %mul3A_2060 = arith.mulf %broadcast_in_dim3A_2035, %get3A_1728 : vector<16xf32>
          %swap3A_2061 = arith.index_cast %add3A_2059 : i32 to index
          %swap3A_2062 = tpu.vector_load %arg5[%swap3A_2061] {strides = array<i32>} : memref<48000xf32, #tpu.memory_space<vmem>>, vector<16xf32>,
          tpu.vector_store %arg5[%swap3A_2061], %mul3A_2060 {add = true, strides = array<i32>} : memref<48000xf32, #tpu.memory_space<vmem>>, vector<16xf32>,
          %add3A_2063 = arith.constant 80 : i32
          %add3A_2064 = arith.addi %add3A_2037, %add3A_2063 : i32
          %mul3A_2065 = arith.mulf %broadcast_in_dim3A_2035, %get3A_1732 : vector<16xf32>
          %swap3A_2066 = arith.index_cast %add3A_2064 : i32 to index
          %swap3A_2067 = tpu.vector_load %arg5[%swap3A_2066] {strides = array<i32>} : memref<48000xf32, #tpu.memory_space<vmem>>, vector<16xf32>,
          tpu.vector_store %arg5[%swap3A_2066], %mul3A_2065 {add = true, strides = array<i32>} : memref<48000xf32, #tpu.memory_space<vmem>>, vector<16xf32>,
          %add3A_2068 = arith.constant 96 : i32
          %add3A_2069 = arith.addi %add3A_2037, %add3A_2068 : i32
          %mul3A_2070 = arith.mulf %broadcast_in_dim3A_2035, %get3A_1736 : vector<16xf32>
          %swap3A_2071 = arith.index_cast %add3A_2069 : i32 to index
          %swap3A_2072 = tpu.vector_load %arg5[%swap3A_2071] {strides = array<i32>} : memref<48000xf32, #tpu.memory_space<vmem>>, vector<16xf32>,
          tpu.vector_store %arg5[%swap3A_2071], %mul3A_2070 {add = true, strides = array<i32>} : memref<48000xf32, #tpu.memory_space<vmem>>, vector<16xf32>,
          %add3A_2073 = arith.constant 112 : i32
          %add3A_2074 = arith.addi %add3A_2037, %add3A_2073 : i32
          %mul3A_2075 = arith.mulf %broadcast_in_dim3A_2035, %get3A_1740 : vector<16xf32>
          %swap3A_2076 = arith.index_cast %add3A_2074 : i32 to index
          %swap3A_2077 = tpu.vector_load %arg5[%swap3A_2076] {strides = array<i32>} : memref<48000xf32, #tpu.memory_space<vmem>>, vector<16xf32>,
          tpu.vector_store %arg5[%swap3A_2076], %mul3A_2075 {add = true, strides = array<i32>} : memref<48000xf32, #tpu.memory_space<vmem>>, vector<16xf32>,
          %add3A_2078 = arith.constant 128 : i32
          %add3A_2079 = arith.addi %add3A_2037, %add3A_2078 : i32
          %mul3A_2080 = arith.mulf %broadcast_in_dim3A_2035, %get3A_1744 : vector<16xf32>
          %swap3A_2081 = arith.index_cast %add3A_2079 : i32 to index
          %swap3A_2082 = tpu.vector_load %arg5[%swap3A_2081] {strides = array<i32>} : memref<48000xf32, #tpu.memory_space<vmem>>, vector<16xf32>,
          tpu.vector_store %arg5[%swap3A_2081], %mul3A_2080 {add = true, strides = array<i32>} : memref<48000xf32, #tpu.memory_space<vmem>>, vector<16xf32>,
          %add3A_2083 = arith.constant 144 : i32
          %add3A_2084 = arith.addi %add3A_2037, %add3A_2083 : i32
          %mul3A_2085 = arith.mulf %broadcast_in_dim3A_2035, %get3A_1748 : vector<16xf32>
          %swap3A_2086 = arith.index_cast %add3A_2084 : i32 to index
          %swap3A_2087 = tpu.vector_load %arg5[%swap3A_2086] {strides = array<i32>} : memref<48000xf32, #tpu.memory_space<vmem>>, vector<16xf32>,
          tpu.vector_store %arg5[%swap3A_2086], %mul3A_2085 {add = true, strides = array<i32>} : memref<48000xf32, #tpu.memory_space<vmem>>, vector<16xf32>,
          %add3A_2088 = arith.constant 160 : i32
          %add3A_2089 = arith.addi %add3A_2037, %add3A_2088 : i32
          %mul3A_2090 = arith.mulf %broadcast_in_dim3A_2035, %get3A_1752 : vector<16xf32>
          %swap3A_2091 = arith.index_cast %add3A_2089 : i32 to index
          %swap3A_2092 = tpu.vector_load %arg5[%swap3A_2091] {strides = array<i32>} : memref<48000xf32, #tpu.memory_space<vmem>>, vector<16xf32>,
          tpu.vector_store %arg5[%swap3A_2091], %mul3A_2090 {add = true, strides = array<i32>} : memref<48000xf32, #tpu.memory_space<vmem>>, vector<16xf32>,
          %add3A_2093 = arith.constant 176 : i32
          %add3A_2094 = arith.addi %add3A_2037, %add3A_2093 : i32
          %mul3A_2095 = arith.mulf %broadcast_in_dim3A_2035, %get3A_1756 : vector<16xf32>
          %swap3A_2096 = arith.index_cast %add3A_2094 : i32 to index
          %swap3A_2097 = tpu.vector_load %arg5[%swap3A_2096] {strides = array<i32>} : memref<48000xf32, #tpu.memory_space<vmem>>, vector<16xf32>,
          tpu.vector_store %arg5[%swap3A_2096], %mul3A_2095 {add = true, strides = array<i32>} : memref<48000xf32, #tpu.memory_space<vmem>>, vector<16xf32>,
          %add3A_2098 = arith.constant 192 : i32
          %add3A_2099 = arith.addi %add3A_2037, %add3A_2098 : i32
          %mul3A_2100 = arith.mulf %broadcast_in_dim3A_2035, %get3A_1760 : vector<16xf32>
          %swap3A_2101 = arith.index_cast %add3A_2099 : i32 to index
          %swap3A_2102 = tpu.vector_load %arg5[%swap3A_2101] {strides = array<i32>} : memref<48000xf32, #tpu.memory_space<vmem>>, vector<16xf32>,
          tpu.vector_store %arg5[%swap3A_2101], %mul3A_2100 {add = true, strides = array<i32>} : memref<48000xf32, #tpu.memory_space<vmem>>, vector<16xf32>,
          %add3A_2103 = arith.constant 208 : i32
          %add3A_2104 = arith.addi %add3A_2037, %add3A_2103 : i32
          %mul3A_2105 = arith.mulf %broadcast_in_dim3A_2035, %get3A_1764 : vector<16xf32>
          %swap3A_2106 = arith.index_cast %add3A_2104 : i32 to index
          %swap3A_2107 = tpu.vector_load %arg5[%swap3A_2106] {strides = array<i32>} : memref<48000xf32, #tpu.memory_space<vmem>>, vector<16xf32>,
          tpu.vector_store %arg5[%swap3A_2106], %mul3A_2105 {add = true, strides = array<i32>} : memref<48000xf32, #tpu.memory_space<vmem>>, vector<16xf32>,
          %add3A_2108 = arith.constant 224 : i32
          %add3A_2109 = arith.addi %add3A_2037, %add3A_2108 : i32
          %mul3A_2110 = arith.mulf %broadcast_in_dim3A_2035, %get3A_1768 : vector<16xf32>
          %swap3A_2111 = arith.index_cast %add3A_2109 : i32 to index
          %swap3A_2112 = tpu.vector_load %arg5[%swap3A_2111] {strides = array<i32>} : memref<48000xf32, #tpu.memory_space<vmem>>, vector<16xf32>,
          tpu.vector_store %arg5[%swap3A_2111], %mul3A_2110 {add = true, strides = array<i32>} : memref<48000xf32, #tpu.memory_space<vmem>>, vector<16xf32>,
          %add3A_2113 = arith.constant 240 : i32
          %add3A_2114 = arith.addi %add3A_2037, %add3A_2113 : i32
          %mul3A_2115 = arith.mulf %broadcast_in_dim3A_2035, %get3A_1772 : vector<16xf32>
          %swap3A_2116 = arith.index_cast %add3A_2114 : i32 to index
          %swap3A_2117 = tpu.vector_load %arg5[%swap3A_2116] {strides = array<i32>} : memref<48000xf32, #tpu.memory_space<vmem>>, vector<16xf32>,
          tpu.vector_store %arg5[%swap3A_2116], %mul3A_2115 {add = true, strides = array<i32>} : memref<48000xf32, #tpu.memory_space<vmem>>, vector<16xf32>,
          %add3A_2118 = arith.constant 256 : i32
          %add3A_2119 = arith.addi %add3A_2037, %add3A_2118 : i32
          %mul3A_2120 = arith.mulf %broadcast_in_dim3A_2035, %get3A_1776 : vector<16xf32>
          %swap3A_2121 = arith.index_cast %add3A_2119 : i32 to index
          %swap3A_2122 = tpu.vector_load %arg5[%swap3A_2121] {strides = array<i32>} : memref<48000xf32, #tpu.memory_space<vmem>>, vector<16xf32>,
          tpu.vector_store %arg5[%swap3A_2121], %mul3A_2120 {add = true, strides = array<i32>} : memref<48000xf32, #tpu.memory_space<vmem>>, vector<16xf32>,
          %add3A_2123 = arith.constant 272 : i32
          %add3A_2124 = arith.addi %add3A_2037, %add3A_2123 : i32
          %mul3A_2125 = arith.mulf %broadcast_in_dim3A_2035, %get3A_1780 : vector<16xf32>
          %swap3A_2126 = arith.index_cast %add3A_2124 : i32 to index
          %swap3A_2127 = tpu.vector_load %arg5[%swap3A_2126] {strides = array<i32>} : memref<48000xf32, #tpu.memory_space<vmem>>, vector<16xf32>,
          tpu.vector_store %arg5[%swap3A_2126], %mul3A_2125 {add = true, strides = array<i32>} : memref<48000xf32, #tpu.memory_space<vmem>>, vector<16xf32>,
          %add3A_2128 = arith.constant 288 : i32
          %add3A_2129 = arith.addi %add3A_2037, %add3A_2128 : i32
          %mul3A_2130 = arith.mulf %broadcast_in_dim3A_2035, %get3A_1784 : vector<16xf32>
          %swap3A_2131 = arith.index_cast %add3A_2129 : i32 to index
          %swap3A_2132 = tpu.vector_load %arg5[%swap3A_2131] {strides = array<i32>} : memref<48000xf32, #tpu.memory_space<vmem>>, vector<16xf32>,
          tpu.vector_store %arg5[%swap3A_2131], %mul3A_2130 {add = true, strides = array<i32>} : memref<48000xf32, #tpu.memory_space<vmem>>, vector<16xf32>,
          %add3A_2133 = arith.constant 304 : i32
          %add3A_2134 = arith.addi %add3A_2037, %add3A_2133 : i32
          %mul3A_2135 = arith.mulf %broadcast_in_dim3A_2035, %get3A_1788 : vector<16xf32>
          %swap3A_2136 = arith.index_cast %add3A_2134 : i32 to index
          %swap3A_2137 = tpu.vector_load %arg5[%swap3A_2136] {strides = array<i32>} : memref<48000xf32, #tpu.memory_space<vmem>>, vector<16xf32>,
          tpu.vector_store %arg5[%swap3A_2136], %mul3A_2135 {add = true, strides = array<i32>} : memref<48000xf32, #tpu.memory_space<vmem>>, vector<16xf32>,
          %add3A_2138 = arith.constant 320 : i32
          %add3A_2139 = arith.addi %add3A_2037, %add3A_2138 : i32
          %mul3A_2140 = arith.mulf %broadcast_in_dim3A_2035, %get3A_1792 : vector<16xf32>
          %swap3A_2141 = arith.index_cast %add3A_2139 : i32 to index
          %swap3A_2142 = tpu.vector_load %arg5[%swap3A_2141] {strides = array<i32>} : memref<48000xf32, #tpu.memory_space<vmem>>, vector<16xf32>,
          tpu.vector_store %arg5[%swap3A_2141], %mul3A_2140 {add = true, strides = array<i32>} : memref<48000xf32, #tpu.memory_space<vmem>>, vector<16xf32>,
          %add3A_2143 = arith.constant 336 : i32
          %add3A_2144 = arith.addi %add3A_2037, %add3A_2143 : i32
          %mul3A_2145 = arith.mulf %broadcast_in_dim3A_2035, %get3A_1796 : vector<16xf32>
          %swap3A_2146 = arith.index_cast %add3A_2144 : i32 to index
          %swap3A_2147 = tpu.vector_load %arg5[%swap3A_2146] {strides = array<i32>} : memref<48000xf32, #tpu.memory_space<vmem>>, vector<16xf32>,
          tpu.vector_store %arg5[%swap3A_2146], %mul3A_2145 {add = true, strides = array<i32>} : memref<48000xf32, #tpu.memory_space<vmem>>, vector<16xf32>,
          %add3A_2148 = arith.constant 352 : i32
          %add3A_2149 = arith.addi %add3A_2037, %add3A_2148 : i32
          %mul3A_2150 = arith.mulf %broadcast_in_dim3A_2035, %get3A_1800 : vector<16xf32>
          %swap3A_2151 = arith.index_cast %add3A_2149 : i32 to index
          %swap3A_2152 = tpu.vector_load %arg5[%swap3A_2151] {strides = array<i32>} : memref<48000xf32, #tpu.memory_space<vmem>>, vector<16xf32>,
          tpu.vector_store %arg5[%swap3A_2151], %mul3A_2150 {add = true, strides = array<i32>} : memref<48000xf32, #tpu.memory_space<vmem>>, vector<16xf32>,
          %add3A_2153 = arith.constant 368 : i32
          %add3A_2154 = arith.addi %add3A_2037, %add3A_2153 : i32
          %mul3A_2155 = arith.mulf %broadcast_in_dim3A_2035, %get3A_1804 : vector<16xf32>
          %swap3A_2156 = arith.index_cast %add3A_2154 : i32 to index
          %swap3A_2157 = tpu.vector_load %arg5[%swap3A_2156] {strides = array<i32>} : memref<48000xf32, #tpu.memory_space<vmem>>, vector<16xf32>,
          tpu.vector_store %arg5[%swap3A_2156], %mul3A_2155 {add = true, strides = array<i32>} : memref<48000xf32, #tpu.memory_space<vmem>>, vector<16xf32>,
          %add3A_2158 = arith.constant 384 : i32
          %add3A_2159 = arith.addi %add3A_2037, %add3A_2158 : i32
          %mul3A_2160 = arith.mulf %broadcast_in_dim3A_2035, %get3A_1808 : vector<16xf32>
          %swap3A_2161 = arith.index_cast %add3A_2159 : i32 to index
          %swap3A_2162 = tpu.vector_load %arg5[%swap3A_2161] {strides = array<i32>} : memref<48000xf32, #tpu.memory_space<vmem>>, vector<16xf32>,
          tpu.vector_store %arg5[%swap3A_2161], %mul3A_2160 {add = true, strides = array<i32>} : memref<48000xf32, #tpu.memory_space<vmem>>, vector<16xf32>,
          %add3A_2163 = arith.constant 400 : i32
          %add3A_2164 = arith.addi %add3A_2037, %add3A_2163 : i32
          %mul3A_2165 = arith.mulf %broadcast_in_dim3A_2035, %get3A_1812 : vector<16xf32>
          %swap3A_2166 = arith.index_cast %add3A_2164 : i32 to index
          %swap3A_2167 = tpu.vector_load %arg5[%swap3A_2166] {strides = array<i32>} : memref<48000xf32, #tpu.memory_space<vmem>>, vector<16xf32>,
          tpu.vector_store %arg5[%swap3A_2166], %mul3A_2165 {add = true, strides = array<i32>} : memref<48000xf32, #tpu.memory_space<vmem>>, vector<16xf32>,
          %add3A_2168 = arith.constant 416 : i32
          %add3A_2169 = arith.addi %add3A_2037, %add3A_2168 : i32
          %mul3A_2170 = arith.mulf %broadcast_in_dim3A_2035, %get3A_1816 : vector<16xf32>
          %swap3A_2171 = arith.index_cast %add3A_2169 : i32 to index
          %swap3A_2172 = tpu.vector_load %arg5[%swap3A_2171] {strides = array<i32>} : memref<48000xf32, #tpu.memory_space<vmem>>, vector<16xf32>,
          tpu.vector_store %arg5[%swap3A_2171], %mul3A_2170 {add = true, strides = array<i32>} : memref<48000xf32, #tpu.memory_space<vmem>>, vector<16xf32>,
          %add3A_2173 = arith.constant 432 : i32
          %add3A_2174 = arith.addi %add3A_2037, %add3A_2173 : i32
          %mul3A_2175 = arith.mulf %broadcast_in_dim3A_2035, %get3A_1820 : vector<16xf32>
          %swap3A_2176 = arith.index_cast %add3A_2174 : i32 to index
          %swap3A_2177 = tpu.vector_load %arg5[%swap3A_2176] {strides = array<i32>} : memref<48000xf32, #tpu.memory_space<vmem>>, vector<16xf32>,
          tpu.vector_store %arg5[%swap3A_2176], %mul3A_2175 {add = true, strides = array<i32>} : memref<48000xf32, #tpu.memory_space<vmem>>, vector<16xf32>,
          %add3A_2178 = arith.constant 448 : i32
          %add3A_2179 = arith.addi %add3A_2037, %add3A_2178 : i32
          %mul3A_2180 = arith.mulf %broadcast_in_dim3A_2035, %get3A_1824 : vector<16xf32>
          %swap3A_2181 = arith.index_cast %add3A_2179 : i32 to index
          %swap3A_2182 = tpu.vector_load %arg5[%swap3A_2181] {strides = array<i32>} : memref<48000xf32, #tpu.memory_space<vmem>>, vector<16xf32>,
          tpu.vector_store %arg5[%swap3A_2181], %mul3A_2180 {add = true, strides = array<i32>} : memref<48000xf32, #tpu.memory_space<vmem>>, vector<16xf32>,
          %add3A_2183 = arith.constant 464 : i32
          %add3A_2184 = arith.addi %add3A_2037, %add3A_2183 : i32
          %mul3A_2185 = arith.mulf %broadcast_in_dim3A_2035, %get3A_1828 : vector<16xf32>
          %swap3A_2186 = arith.index_cast %add3A_2184 : i32 to index
          %swap3A_2187 = tpu.vector_load %arg5[%swap3A_2186] {strides = array<i32>} : memref<48000xf32, #tpu.memory_space<vmem>>, vector<16xf32>,
          tpu.vector_store %arg5[%swap3A_2186], %mul3A_2185 {add = true, strides = array<i32>} : memref<48000xf32, #tpu.memory_space<vmem>>, vector<16xf32>,
          %add3A_2188 = arith.constant 480 : i32
          %add3A_2189 = arith.addi %add3A_2037, %add3A_2188 : i32
          %mul3A_2190 = arith.mulf %broadcast_in_dim3A_2035, %get3A_1832 : vector<16xf32>
          %swap3A_2191 = arith.index_cast %add3A_2189 : i32 to index
          %swap3A_2192 = tpu.vector_load %arg5[%swap3A_2191] {strides = array<i32>} : memref<48000xf32, #tpu.memory_space<vmem>>, vector<16xf32>,
          tpu.vector_store %arg5[%swap3A_2191], %mul3A_2190 {add = true, strides = array<i32>} : memref<48000xf32, #tpu.memory_space<vmem>>, vector<16xf32>,
          %add3A_2193 = arith.constant 496 : i32
          %add3A_2194 = arith.addi %add3A_2037, %add3A_2193 : i32
          %mul3A_2195 = arith.mulf %broadcast_in_dim3A_2035, %get3A_1836 : vector<16xf32>
          %swap3A_2196 = arith.index_cast %add3A_2194 : i32 to index
          %swap3A_2197 = tpu.vector_load %arg5[%swap3A_2196] {strides = array<i32>} : memref<48000xf32, #tpu.memory_space<vmem>>, vector<16xf32>,
          tpu.vector_store %arg5[%swap3A_2196], %mul3A_2195 {add = true, strides = array<i32>} : memref<48000xf32, #tpu.memory_space<vmem>>, vector<16xf32>,
          %slice3A_2198 = vector.extract_strided_slice %get3A_2030 {offsets = [0], sizes = [1], strides = [1]} : vector<16xi32> to vector<1xi32>
          %squeeze3A_2199 = vector.extract %slice3A_2198[0] : i32 from vector<1xi32>
          %slice3A_2200 = vector.extract_strided_slice %get3A_2034 {offsets = [0], sizes = [1], strides = [1]} : vector<16xf32> to vector<1xf32>
          %squeeze3A_2201 = vector.extract %slice3A_2200[0] : f32 from vector<1xf32>
          scf.yield %squeeze3A_2199, %squeeze3A_2201 : i32, f32
        }
        %while3A_1861 = arith.constant 1 : i32
        %while3A_1862:2 = scf.for %while3A_2022 = %while3A_1858 to %while3A_1854 step %while3A_1861 iter_args(%while3A_2023 = %while3A_1860#0, %while3A_2024 = %while3A_1860#1) -> (i32, f32)  : i32 {
          %mul3A_2025 = arith.muli %while3A_2022, %while3A : i32
          %add3A_2026 = arith.addi %squeeze3A_1699, %mul3A_2025 : i32
          %add3A_2027 = arith.constant 1 : i32
          %add3A_2028 = arith.addi %add3A_2026, %add3A_2027 : i32
          %get3A_2029 = arith.index_cast %add3A_2028 : i32 to index
          %get3A_2030 = tpu.vector_load %arg9[%get3A_2029] {strides = array<i32>} : memref<224xi32, #tpu.memory_space<vmem>>, vector<16xi32>,
          %add3A_2031 = arith.constant 1 : i32
          %add3A_2032 = arith.addi %add3A_2026, %add3A_2031 : i32
          %get3A_2033 = arith.index_cast %add3A_2032 : i32 to index
          %get3A_2034 = tpu.vector_load %arg10[%get3A_2033] {strides = array<i32>} : memref<224xf32, #tpu.memory_space<vmem>>, vector<16xf32>,
          %broadcast_in_dim3A_2035 = vector.broadcast %while3A_2024 : f32 to vector<16xf32>
          %add3A_2036 = arith.constant 0 : i32
          %add3A_2037 = arith.addi %while3A_2023, %add3A_2036 : i32
          %add3A_2038 = arith.constant 0 : i32
          %add3A_2039 = arith.addi %add3A_2037, %add3A_2038 : i32
          %mul3A_2040 = arith.mulf %broadcast_in_dim3A_2035, %get3A_1712 : vector<16xf32>
          %swap3A_2041 = arith.index_cast %add3A_2039 : i32 to index
          %swap3A_2042 = tpu.vector_load %arg5[%swap3A_2041] {strides = array<i32>} : memref<48000xf32, #tpu.memory_space<vmem>>, vector<16xf32>,
          tpu.vector_store %arg5[%swap3A_2041], %mul3A_2040 {add = true, strides = array<i32>} : memref<48000xf32, #tpu.memory_space<vmem>>, vector<16xf32>,
          %add3A_2043 = arith.constant 16 : i32
          %add3A_2044 = arith.addi %add3A_2037, %add3A_2043 : i32
          %mul3A_2045 = arith.mulf %broadcast_in_dim3A_2035, %get3A_1716 : vector<16xf32>
          %swap3A_2046 = arith.index_cast %add3A_2044 : i32 to index
          %swap3A_2047 = tpu.vector_load %arg5[%swap3A_2046] {strides = array<i32>} : memref<48000xf32, #tpu.memory_space<vmem>>, vector<16xf32>,
          tpu.vector_store %arg5[%swap3A_2046], %mul3A_2045 {add = true, strides = array<i32>} : memref<48000xf32, #tpu.memory_space<vmem>>, vector<16xf32>,
          %add3A_2048 = arith.constant 32 : i32
          %add3A_2049 = arith.addi %add3A_2037, %add3A_2048 : i32
          %mul3A_2050 = arith.mulf %broadcast_in_dim3A_2035, %get3A_1720 : vector<16xf32>
          %swap3A_2051 = arith.index_cast %add3A_2049 : i32 to index
          %swap3A_2052 = tpu.vector_load %arg5[%swap3A_2051] {strides = array<i32>} : memref<48000xf32, #tpu.memory_space<vmem>>, vector<16xf32>,
          tpu.vector_store %arg5[%swap3A_2051], %mul3A_2050 {add = true, strides = array<i32>} : memref<48000xf32, #tpu.memory_space<vmem>>, vector<16xf32>,
          %add3A_2053 = arith.constant 48 : i32
          %add3A_2054 = arith.addi %add3A_2037, %add3A_2053 : i32
          %mul3A_2055 = arith.mulf %broadcast_in_dim3A_2035, %get3A_1724 : vector<16xf32>
          %swap3A_2056 = arith.index_cast %add3A_2054 : i32 to index
          %swap3A_2057 = tpu.vector_load %arg5[%swap3A_2056] {strides = array<i32>} : memref<48000xf32, #tpu.memory_space<vmem>>, vector<16xf32>,
          tpu.vector_store %arg5[%swap3A_2056], %mul3A_2055 {add = true, strides = array<i32>} : memref<48000xf32, #tpu.memory_space<vmem>>, vector<16xf32>,
          %add3A_2058 = arith.constant 64 : i32
          %add3A_2059 = arith.addi %add3A_2037, %add3A_2058 : i32
          %mul3A_2060 = arith.mulf %broadcast_in_dim3A_2035, %get3A_1728 : vector<16xf32>
          %swap3A_2061 = arith.index_cast %add3A_2059 : i32 to index
          %swap3A_2062 = tpu.vector_load %arg5[%swap3A_2061] {strides = array<i32>} : memref<48000xf32, #tpu.memory_space<vmem>>, vector<16xf32>,
          tpu.vector_store %arg5[%swap3A_2061], %mul3A_2060 {add = true, strides = array<i32>} : memref<48000xf32, #tpu.memory_space<vmem>>, vector<16xf32>,
          %add3A_2063 = arith.constant 80 : i32
          %add3A_2064 = arith.addi %add3A_2037, %add3A_2063 : i32
          %mul3A_2065 = arith.mulf %broadcast_in_dim3A_2035, %get3A_1732 : vector<16xf32>
          %swap3A_2066 = arith.index_cast %add3A_2064 : i32 to index
          %swap3A_2067 = tpu.vector_load %arg5[%swap3A_2066] {strides = array<i32>} : memref<48000xf32, #tpu.memory_space<vmem>>, vector<16xf32>,
          tpu.vector_store %arg5[%swap3A_2066], %mul3A_2065 {add = true, strides = array<i32>} : memref<48000xf32, #tpu.memory_space<vmem>>, vector<16xf32>,
          %add3A_2068 = arith.constant 96 : i32
          %add3A_2069 = arith.addi %add3A_2037, %add3A_2068 : i32
          %mul3A_2070 = arith.mulf %broadcast_in_dim3A_2035, %get3A_1736 : vector<16xf32>
          %swap3A_2071 = arith.index_cast %add3A_2069 : i32 to index
          %swap3A_2072 = tpu.vector_load %arg5[%swap3A_2071] {strides = array<i32>} : memref<48000xf32, #tpu.memory_space<vmem>>, vector<16xf32>,
          tpu.vector_store %arg5[%swap3A_2071], %mul3A_2070 {add = true, strides = array<i32>} : memref<48000xf32, #tpu.memory_space<vmem>>, vector<16xf32>,
          %add3A_2073 = arith.constant 112 : i32
          %add3A_2074 = arith.addi %add3A_2037, %add3A_2073 : i32
          %mul3A_2075 = arith.mulf %broadcast_in_dim3A_2035, %get3A_1740 : vector<16xf32>
          %swap3A_2076 = arith.index_cast %add3A_2074 : i32 to index
          %swap3A_2077 = tpu.vector_load %arg5[%swap3A_2076] {strides = array<i32>} : memref<48000xf32, #tpu.memory_space<vmem>>, vector<16xf32>,
          tpu.vector_store %arg5[%swap3A_2076], %mul3A_2075 {add = true, strides = array<i32>} : memref<48000xf32, #tpu.memory_space<vmem>>, vector<16xf32>,
          %add3A_2078 = arith.constant 128 : i32
          %add3A_2079 = arith.addi %add3A_2037, %add3A_2078 : i32
          %mul3A_2080 = arith.mulf %broadcast_in_dim3A_2035, %get3A_1744 : vector<16xf32>
          %swap3A_2081 = arith.index_cast %add3A_2079 : i32 to index
          %swap3A_2082 = tpu.vector_load %arg5[%swap3A_2081] {strides = array<i32>} : memref<48000xf32, #tpu.memory_space<vmem>>, vector<16xf32>,
          tpu.vector_store %arg5[%swap3A_2081], %mul3A_2080 {add = true, strides = array<i32>} : memref<48000xf32, #tpu.memory_space<vmem>>, vector<16xf32>,
          %add3A_2083 = arith.constant 144 : i32
          %add3A_2084 = arith.addi %add3A_2037, %add3A_2083 : i32
          %mul3A_2085 = arith.mulf %broadcast_in_dim3A_2035, %get3A_1748 : vector<16xf32>
          %swap3A_2086 = arith.index_cast %add3A_2084 : i32 to index
          %swap3A_2087 = tpu.vector_load %arg5[%swap3A_2086] {strides = array<i32>} : memref<48000xf32, #tpu.memory_space<vmem>>, vector<16xf32>,
          tpu.vector_store %arg5[%swap3A_2086], %mul3A_2085 {add = true, strides = array<i32>} : memref<48000xf32, #tpu.memory_space<vmem>>, vector<16xf32>,
          %add3A_2088 = arith.constant 160 : i32
          %add3A_2089 = arith.addi %add3A_2037, %add3A_2088 : i32
          %mul3A_2090 = arith.mulf %broadcast_in_dim3A_2035, %get3A_1752 : vector<16xf32>
          %swap3A_2091 = arith.index_cast %add3A_2089 : i32 to index
          %swap3A_2092 = tpu.vector_load %arg5[%swap3A_2091] {strides = array<i32>} : memref<48000xf32, #tpu.memory_space<vmem>>, vector<16xf32>,
          tpu.vector_store %arg5[%swap3A_2091], %mul3A_2090 {add = true, strides = array<i32>} : memref<48000xf32, #tpu.memory_space<vmem>>, vector<16xf32>,
          %add3A_2093 = arith.constant 176 : i32
          %add3A_2094 = arith.addi %add3A_2037, %add3A_2093 : i32
          %mul3A_2095 = arith.mulf %broadcast_in_dim3A_2035, %get3A_1756 : vector<16xf32>
          %swap3A_2096 = arith.index_cast %add3A_2094 : i32 to index
          %swap3A_2097 = tpu.vector_load %arg5[%swap3A_2096] {strides = array<i32>} : memref<48000xf32, #tpu.memory_space<vmem>>, vector<16xf32>,
          tpu.vector_store %arg5[%swap3A_2096], %mul3A_2095 {add = true, strides = array<i32>} : memref<48000xf32, #tpu.memory_space<vmem>>, vector<16xf32>,
          %add3A_2098 = arith.constant 192 : i32
          %add3A_2099 = arith.addi %add3A_2037, %add3A_2098 : i32
          %mul3A_2100 = arith.mulf %broadcast_in_dim3A_2035, %get3A_1760 : vector<16xf32>
          %swap3A_2101 = arith.index_cast %add3A_2099 : i32 to index
          %swap3A_2102 = tpu.vector_load %arg5[%swap3A_2101] {strides = array<i32>} : memref<48000xf32, #tpu.memory_space<vmem>>, vector<16xf32>,
          tpu.vector_store %arg5[%swap3A_2101], %mul3A_2100 {add = true, strides = array<i32>} : memref<48000xf32, #tpu.memory_space<vmem>>, vector<16xf32>,
          %add3A_2103 = arith.constant 208 : i32
          %add3A_2104 = arith.addi %add3A_2037, %add3A_2103 : i32
          %mul3A_2105 = arith.mulf %broadcast_in_dim3A_2035, %get3A_1764 : vector<16xf32>
          %swap3A_2106 = arith.index_cast %add3A_2104 : i32 to index
          %swap3A_2107 = tpu.vector_load %arg5[%swap3A_2106] {strides = array<i32>} : memref<48000xf32, #tpu.memory_space<vmem>>, vector<16xf32>,
          tpu.vector_store %arg5[%swap3A_2106], %mul3A_2105 {add = true, strides = array<i32>} : memref<48000xf32, #tpu.memory_space<vmem>>, vector<16xf32>,
          %add3A_2108 = arith.constant 224 : i32
          %add3A_2109 = arith.addi %add3A_2037, %add3A_2108 : i32
          %mul3A_2110 = arith.mulf %broadcast_in_dim3A_2035, %get3A_1768 : vector<16xf32>
          %swap3A_2111 = arith.index_cast %add3A_2109 : i32 to index
          %swap3A_2112 = tpu.vector_load %arg5[%swap3A_2111] {strides = array<i32>} : memref<48000xf32, #tpu.memory_space<vmem>>, vector<16xf32>,
          tpu.vector_store %arg5[%swap3A_2111], %mul3A_2110 {add = true, strides = array<i32>} : memref<48000xf32, #tpu.memory_space<vmem>>, vector<16xf32>,
          %add3A_2113 = arith.constant 240 : i32
          %add3A_2114 = arith.addi %add3A_2037, %add3A_2113 : i32
          %mul3A_2115 = arith.mulf %broadcast_in_dim3A_2035, %get3A_1772 : vector<16xf32>
          %swap3A_2116 = arith.index_cast %add3A_2114 : i32 to index
          %swap3A_2117 = tpu.vector_load %arg5[%swap3A_2116] {strides = array<i32>} : memref<48000xf32, #tpu.memory_space<vmem>>, vector<16xf32>,
          tpu.vector_store %arg5[%swap3A_2116], %mul3A_2115 {add = true, strides = array<i32>} : memref<48000xf32, #tpu.memory_space<vmem>>, vector<16xf32>,
          %add3A_2118 = arith.constant 256 : i32
          %add3A_2119 = arith.addi %add3A_2037, %add3A_2118 : i32
          %mul3A_2120 = arith.mulf %broadcast_in_dim3A_2035, %get3A_1776 : vector<16xf32>
          %swap3A_2121 = arith.index_cast %add3A_2119 : i32 to index
          %swap3A_2122 = tpu.vector_load %arg5[%swap3A_2121] {strides = array<i32>} : memref<48000xf32, #tpu.memory_space<vmem>>, vector<16xf32>,
          tpu.vector_store %arg5[%swap3A_2121], %mul3A_2120 {add = true, strides = array<i32>} : memref<48000xf32, #tpu.memory_space<vmem>>, vector<16xf32>,
          %add3A_2123 = arith.constant 272 : i32
          %add3A_2124 = arith.addi %add3A_2037, %add3A_2123 : i32
          %mul3A_2125 = arith.mulf %broadcast_in_dim3A_2035, %get3A_1780 : vector<16xf32>
          %swap3A_2126 = arith.index_cast %add3A_2124 : i32 to index
          %swap3A_2127 = tpu.vector_load %arg5[%swap3A_2126] {strides = array<i32>} : memref<48000xf32, #tpu.memory_space<vmem>>, vector<16xf32>,
          tpu.vector_store %arg5[%swap3A_2126], %mul3A_2125 {add = true, strides = array<i32>} : memref<48000xf32, #tpu.memory_space<vmem>>, vector<16xf32>,
          %add3A_2128 = arith.constant 288 : i32
          %add3A_2129 = arith.addi %add3A_2037, %add3A_2128 : i32
          %mul3A_2130 = arith.mulf %broadcast_in_dim3A_2035, %get3A_1784 : vector<16xf32>
          %swap3A_2131 = arith.index_cast %add3A_2129 : i32 to index
          %swap3A_2132 = tpu.vector_load %arg5[%swap3A_2131] {strides = array<i32>} : memref<48000xf32, #tpu.memory_space<vmem>>, vector<16xf32>,
          tpu.vector_store %arg5[%swap3A_2131], %mul3A_2130 {add = true, strides = array<i32>} : memref<48000xf32, #tpu.memory_space<vmem>>, vector<16xf32>,
          %add3A_2133 = arith.constant 304 : i32
          %add3A_2134 = arith.addi %add3A_2037, %add3A_2133 : i32
          %mul3A_2135 = arith.mulf %broadcast_in_dim3A_2035, %get3A_1788 : vector<16xf32>
          %swap3A_2136 = arith.index_cast %add3A_2134 : i32 to index
          %swap3A_2137 = tpu.vector_load %arg5[%swap3A_2136] {strides = array<i32>} : memref<48000xf32, #tpu.memory_space<vmem>>, vector<16xf32>,
          tpu.vector_store %arg5[%swap3A_2136], %mul3A_2135 {add = true, strides = array<i32>} : memref<48000xf32, #tpu.memory_space<vmem>>, vector<16xf32>,
          %add3A_2138 = arith.constant 320 : i32
          %add3A_2139 = arith.addi %add3A_2037, %add3A_2138 : i32
          %mul3A_2140 = arith.mulf %broadcast_in_dim3A_2035, %get3A_1792 : vector<16xf32>
          %swap3A_2141 = arith.index_cast %add3A_2139 : i32 to index
          %swap3A_2142 = tpu.vector_load %arg5[%swap3A_2141] {strides = array<i32>} : memref<48000xf32, #tpu.memory_space<vmem>>, vector<16xf32>,
          tpu.vector_store %arg5[%swap3A_2141], %mul3A_2140 {add = true, strides = array<i32>} : memref<48000xf32, #tpu.memory_space<vmem>>, vector<16xf32>,
          %add3A_2143 = arith.constant 336 : i32
          %add3A_2144 = arith.addi %add3A_2037, %add3A_2143 : i32
          %mul3A_2145 = arith.mulf %broadcast_in_dim3A_2035, %get3A_1796 : vector<16xf32>
          %swap3A_2146 = arith.index_cast %add3A_2144 : i32 to index
          %swap3A_2147 = tpu.vector_load %arg5[%swap3A_2146] {strides = array<i32>} : memref<48000xf32, #tpu.memory_space<vmem>>, vector<16xf32>,
          tpu.vector_store %arg5[%swap3A_2146], %mul3A_2145 {add = true, strides = array<i32>} : memref<48000xf32, #tpu.memory_space<vmem>>, vector<16xf32>,
          %add3A_2148 = arith.constant 352 : i32
          %add3A_2149 = arith.addi %add3A_2037, %add3A_2148 : i32
          %mul3A_2150 = arith.mulf %broadcast_in_dim3A_2035, %get3A_1800 : vector<16xf32>
          %swap3A_2151 = arith.index_cast %add3A_2149 : i32 to index
          %swap3A_2152 = tpu.vector_load %arg5[%swap3A_2151] {strides = array<i32>} : memref<48000xf32, #tpu.memory_space<vmem>>, vector<16xf32>,
          tpu.vector_store %arg5[%swap3A_2151], %mul3A_2150 {add = true, strides = array<i32>} : memref<48000xf32, #tpu.memory_space<vmem>>, vector<16xf32>,
          %add3A_2153 = arith.constant 368 : i32
          %add3A_2154 = arith.addi %add3A_2037, %add3A_2153 : i32
          %mul3A_2155 = arith.mulf %broadcast_in_dim3A_2035, %get3A_1804 : vector<16xf32>
          %swap3A_2156 = arith.index_cast %add3A_2154 : i32 to index
          %swap3A_2157 = tpu.vector_load %arg5[%swap3A_2156] {strides = array<i32>} : memref<48000xf32, #tpu.memory_space<vmem>>, vector<16xf32>,
          tpu.vector_store %arg5[%swap3A_2156], %mul3A_2155 {add = true, strides = array<i32>} : memref<48000xf32, #tpu.memory_space<vmem>>, vector<16xf32>,
          %add3A_2158 = arith.constant 384 : i32
          %add3A_2159 = arith.addi %add3A_2037, %add3A_2158 : i32
          %mul3A_2160 = arith.mulf %broadcast_in_dim3A_2035, %get3A_1808 : vector<16xf32>
          %swap3A_2161 = arith.index_cast %add3A_2159 : i32 to index
          %swap3A_2162 = tpu.vector_load %arg5[%swap3A_2161] {strides = array<i32>} : memref<48000xf32, #tpu.memory_space<vmem>>, vector<16xf32>,
          tpu.vector_store %arg5[%swap3A_2161], %mul3A_2160 {add = true, strides = array<i32>} : memref<48000xf32, #tpu.memory_space<vmem>>, vector<16xf32>,
          %add3A_2163 = arith.constant 400 : i32
          %add3A_2164 = arith.addi %add3A_2037, %add3A_2163 : i32
          %mul3A_2165 = arith.mulf %broadcast_in_dim3A_2035, %get3A_1812 : vector<16xf32>
          %swap3A_2166 = arith.index_cast %add3A_2164 : i32 to index
          %swap3A_2167 = tpu.vector_load %arg5[%swap3A_2166] {strides = array<i32>} : memref<48000xf32, #tpu.memory_space<vmem>>, vector<16xf32>,
          tpu.vector_store %arg5[%swap3A_2166], %mul3A_2165 {add = true, strides = array<i32>} : memref<48000xf32, #tpu.memory_space<vmem>>, vector<16xf32>,
          %add3A_2168 = arith.constant 416 : i32
          %add3A_2169 = arith.addi %add3A_2037, %add3A_2168 : i32
          %mul3A_2170 = arith.mulf %broadcast_in_dim3A_2035, %get3A_1816 : vector<16xf32>
          %swap3A_2171 = arith.index_cast %add3A_2169 : i32 to index
          %swap3A_2172 = tpu.vector_load %arg5[%swap3A_2171] {strides = array<i32>} : memref<48000xf32, #tpu.memory_space<vmem>>, vector<16xf32>,
          tpu.vector_store %arg5[%swap3A_2171], %mul3A_2170 {add = true, strides = array<i32>} : memref<48000xf32, #tpu.memory_space<vmem>>, vector<16xf32>,
          %add3A_2173 = arith.constant 432 : i32
          %add3A_2174 = arith.addi %add3A_2037, %add3A_2173 : i32
          %mul3A_2175 = arith.mulf %broadcast_in_dim3A_2035, %get3A_1820 : vector<16xf32>
          %swap3A_2176 = arith.index_cast %add3A_2174 : i32 to index
          %swap3A_2177 = tpu.vector_load %arg5[%swap3A_2176] {strides = array<i32>} : memref<48000xf32, #tpu.memory_space<vmem>>, vector<16xf32>,
          tpu.vector_store %arg5[%swap3A_2176], %mul3A_2175 {add = true, strides = array<i32>} : memref<48000xf32, #tpu.memory_space<vmem>>, vector<16xf32>,
          %add3A_2178 = arith.constant 448 : i32
          %add3A_2179 = arith.addi %add3A_2037, %add3A_2178 : i32
          %mul3A_2180 = arith.mulf %broadcast_in_dim3A_2035, %get3A_1824 : vector<16xf32>
          %swap3A_2181 = arith.index_cast %add3A_2179 : i32 to index
          %swap3A_2182 = tpu.vector_load %arg5[%swap3A_2181] {strides = array<i32>} : memref<48000xf32, #tpu.memory_space<vmem>>, vector<16xf32>,
          tpu.vector_store %arg5[%swap3A_2181], %mul3A_2180 {add = true, strides = array<i32>} : memref<48000xf32, #tpu.memory_space<vmem>>, vector<16xf32>,
          %add3A_2183 = arith.constant 464 : i32
          %add3A_2184 = arith.addi %add3A_2037, %add3A_2183 : i32
          %mul3A_2185 = arith.mulf %broadcast_in_dim3A_2035, %get3A_1828 : vector<16xf32>
          %swap3A_2186 = arith.index_cast %add3A_2184 : i32 to index
          %swap3A_2187 = tpu.vector_load %arg5[%swap3A_2186] {strides = array<i32>} : memref<48000xf32, #tpu.memory_space<vmem>>, vector<16xf32>,
          tpu.vector_store %arg5[%swap3A_2186], %mul3A_2185 {add = true, strides = array<i32>} : memref<48000xf32, #tpu.memory_space<vmem>>, vector<16xf32>,
          %add3A_2188 = arith.constant 480 : i32
          %add3A_2189 = arith.addi %add3A_2037, %add3A_2188 : i32
          %mul3A_2190 = arith.mulf %broadcast_in_dim3A_2035, %get3A_1832 : vector<16xf32>
          %swap3A_2191 = arith.index_cast %add3A_2189 : i32 to index
          %swap3A_2192 = tpu.vector_load %arg5[%swap3A_2191] {strides = array<i32>} : memref<48000xf32, #tpu.memory_space<vmem>>, vector<16xf32>,
          tpu.vector_store %arg5[%swap3A_2191], %mul3A_2190 {add = true, strides = array<i32>} : memref<48000xf32, #tpu.memory_space<vmem>>, vector<16xf32>,
          %add3A_2193 = arith.constant 496 : i32
          %add3A_2194 = arith.addi %add3A_2037, %add3A_2193 : i32
          %mul3A_2195 = arith.mulf %broadcast_in_dim3A_2035, %get3A_1836 : vector<16xf32>
          %swap3A_2196 = arith.index_cast %add3A_2194 : i32 to index
          %swap3A_2197 = tpu.vector_load %arg5[%swap3A_2196] {strides = array<i32>} : memref<48000xf32, #tpu.memory_space<vmem>>, vector<16xf32>,
          tpu.vector_store %arg5[%swap3A_2196], %mul3A_2195 {add = true, strides = array<i32>} : memref<48000xf32, #tpu.memory_space<vmem>>, vector<16xf32>,
          %slice3A_2198 = vector.extract_strided_slice %get3A_2030 {offsets = [0], sizes = [1], strides = [1]} : vector<16xi32> to vector<1xi32>
          %squeeze3A_2199 = vector.extract %slice3A_2198[0] : i32 from vector<1xi32>
          %slice3A_2200 = vector.extract_strided_slice %get3A_2034 {offsets = [0], sizes = [1], strides = [1]} : vector<16xf32> to vector<1xf32>
          %squeeze3A_2201 = vector.extract %slice3A_2200[0] : f32 from vector<1xf32>
          scf.yield %squeeze3A_2199, %squeeze3A_2201 : i32, f32
        }
        %mul3A_1863 = arith.constant 1024 : i32
        %mul3A_1864 = arith.muli %add3A_1695, %mul3A_1863 : i32
        %add3A_1865 = arith.constant 512 : i32
        %add3A_1866 = arith.addi %mul3A_1864, %add3A_1865 : i32
        %add3A_1867 = arith.constant 0 : i32
        %add3A_1868 = arith.addi %add3A_1866, %add3A_1867 : i32
        %get3A_1869 = arith.index_cast %add3A_1868 : i32 to index
        %get3A_1870 = tpu.vector_load %arg4[%get3A_1869] {strides = array<i32>} : memref<20480xf32, #tpu.memory_space<vmem>>, vector<16xf32>,
        %add3A_1871 = arith.constant 16 : i32
        %add3A_1872 = arith.addi %add3A_1866, %add3A_1871 : i32
        %get3A_1873 = arith.index_cast %add3A_1872 : i32 to index
        %get3A_1874 = tpu.vector_load %arg4[%get3A_1873] {strides = array<i32>} : memref<20480xf32, #tpu.memory_space<vmem>>, vector<16xf32>,
        %add3A_1875 = arith.constant 32 : i32
        %add3A_1876 = arith.addi %add3A_1866, %add3A_1875 : i32
        %get3A_1877 = arith.index_cast %add3A_1876 : i32 to index
        %get3A_1878 = tpu.vector_load %arg4[%get3A_1877] {strides = array<i32>} : memref<20480xf32, #tpu.memory_space<vmem>>, vector<16xf32>,
        %add3A_1879 = arith.constant 48 : i32
        %add3A_1880 = arith.addi %add3A_1866, %add3A_1879 : i32
        %get3A_1881 = arith.index_cast %add3A_1880 : i32 to index
        %get3A_1882 = tpu.vector_load %arg4[%get3A_1881] {strides = array<i32>} : memref<20480xf32, #tpu.memory_space<vmem>>, vector<16xf32>,
        %add3A_1883 = arith.constant 64 : i32
        %add3A_1884 = arith.addi %add3A_1866, %add3A_1883 : i32
        %get3A_1885 = arith.index_cast %add3A_1884 : i32 to index
        %get3A_1886 = tpu.vector_load %arg4[%get3A_1885] {strides = array<i32>} : memref<20480xf32, #tpu.memory_space<vmem>>, vector<16xf32>,
        %add3A_1887 = arith.constant 80 : i32
        %add3A_1888 = arith.addi %add3A_1866, %add3A_1887 : i32
        %get3A_1889 = arith.index_cast %add3A_1888 : i32 to index
        %get3A_1890 = tpu.vector_load %arg4[%get3A_1889] {strides = array<i32>} : memref<20480xf32, #tpu.memory_space<vmem>>, vector<16xf32>,
        %add3A_1891 = arith.constant 96 : i32
        %add3A_1892 = arith.addi %add3A_1866, %add3A_1891 : i32
        %get3A_1893 = arith.index_cast %add3A_1892 : i32 to index
        %get3A_1894 = tpu.vector_load %arg4[%get3A_1893] {strides = array<i32>} : memref<20480xf32, #tpu.memory_space<vmem>>, vector<16xf32>,
        %add3A_1895 = arith.constant 112 : i32
        %add3A_1896 = arith.addi %add3A_1866, %add3A_1895 : i32
        %get3A_1897 = arith.index_cast %add3A_1896 : i32 to index
        %get3A_1898 = tpu.vector_load %arg4[%get3A_1897] {strides = array<i32>} : memref<20480xf32, #tpu.memory_space<vmem>>, vector<16xf32>,
        %add3A_1899 = arith.constant 128 : i32
        %add3A_1900 = arith.addi %add3A_1866, %add3A_1899 : i32
        %get3A_1901 = arith.index_cast %add3A_1900 : i32 to index
        %get3A_1902 = tpu.vector_load %arg4[%get3A_1901] {strides = array<i32>} : memref<20480xf32, #tpu.memory_space<vmem>>, vector<16xf32>,
        %add3A_1903 = arith.constant 144 : i32
        %add3A_1904 = arith.addi %add3A_1866, %add3A_1903 : i32
        %get3A_1905 = arith.index_cast %add3A_1904 : i32 to index
        %get3A_1906 = tpu.vector_load %arg4[%get3A_1905] {strides = array<i32>} : memref<20480xf32, #tpu.memory_space<vmem>>, vector<16xf32>,
        %add3A_1907 = arith.constant 160 : i32
        %add3A_1908 = arith.addi %add3A_1866, %add3A_1907 : i32
        %get3A_1909 = arith.index_cast %add3A_1908 : i32 to index
        %get3A_1910 = tpu.vector_load %arg4[%get3A_1909] {strides = array<i32>} : memref<20480xf32, #tpu.memory_space<vmem>>, vector<16xf32>,
        %add3A_1911 = arith.constant 176 : i32
        %add3A_1912 = arith.addi %add3A_1866, %add3A_1911 : i32
        %get3A_1913 = arith.index_cast %add3A_1912 : i32 to index
        %get3A_1914 = tpu.vector_load %arg4[%get3A_1913] {strides = array<i32>} : memref<20480xf32, #tpu.memory_space<vmem>>, vector<16xf32>,
        %add3A_1915 = arith.constant 192 : i32
        %add3A_1916 = arith.addi %add3A_1866, %add3A_1915 : i32
        %get3A_1917 = arith.index_cast %add3A_1916 : i32 to index
        %get3A_1918 = tpu.vector_load %arg4[%get3A_1917] {strides = array<i32>} : memref<20480xf32, #tpu.memory_space<vmem>>, vector<16xf32>,
        %add3A_1919 = arith.constant 208 : i32
        %add3A_1920 = arith.addi %add3A_1866, %add3A_1919 : i32
        %get3A_1921 = arith.index_cast %add3A_1920 : i32 to index
        %get3A_1922 = tpu.vector_load %arg4[%get3A_1921] {strides = array<i32>} : memref<20480xf32, #tpu.memory_space<vmem>>, vector<16xf32>,
        %add3A_1923 = arith.constant 224 : i32
        %add3A_1924 = arith.addi %add3A_1866, %add3A_1923 : i32
        %get3A_1925 = arith.index_cast %add3A_1924 : i32 to index
        %get3A_1926 = tpu.vector_load %arg4[%get3A_1925] {strides = array<i32>} : memref<20480xf32, #tpu.memory_space<vmem>>, vector<16xf32>,
        %add3A_1927 = arith.constant 240 : i32
        %add3A_1928 = arith.addi %add3A_1866, %add3A_1927 : i32
        %get3A_1929 = arith.index_cast %add3A_1928 : i32 to index
        %get3A_1930 = tpu.vector_load %arg4[%get3A_1929] {strides = array<i32>} : memref<20480xf32, #tpu.memory_space<vmem>>, vector<16xf32>,
        %add3A_1931 = arith.constant 256 : i32
        %add3A_1932 = arith.addi %add3A_1866, %add3A_1931 : i32
        %get3A_1933 = arith.index_cast %add3A_1932 : i32 to index
        %get3A_1934 = tpu.vector_load %arg4[%get3A_1933] {strides = array<i32>} : memref<20480xf32, #tpu.memory_space<vmem>>, vector<16xf32>,
        %add3A_1935 = arith.constant 272 : i32
        %add3A_1936 = arith.addi %add3A_1866, %add3A_1935 : i32
        %get3A_1937 = arith.index_cast %add3A_1936 : i32 to index
        %get3A_1938 = tpu.vector_load %arg4[%get3A_1937] {strides = array<i32>} : memref<20480xf32, #tpu.memory_space<vmem>>, vector<16xf32>,
        %add3A_1939 = arith.constant 288 : i32
        %add3A_1940 = arith.addi %add3A_1866, %add3A_1939 : i32
        %get3A_1941 = arith.index_cast %add3A_1940 : i32 to index
        %get3A_1942 = tpu.vector_load %arg4[%get3A_1941] {strides = array<i32>} : memref<20480xf32, #tpu.memory_space<vmem>>, vector<16xf32>,
        %add3A_1943 = arith.constant 304 : i32
        %add3A_1944 = arith.addi %add3A_1866, %add3A_1943 : i32
        %get3A_1945 = arith.index_cast %add3A_1944 : i32 to index
        %get3A_1946 = tpu.vector_load %arg4[%get3A_1945] {strides = array<i32>} : memref<20480xf32, #tpu.memory_space<vmem>>, vector<16xf32>,
        %add3A_1947 = arith.constant 320 : i32
        %add3A_1948 = arith.addi %add3A_1866, %add3A_1947 : i32
        %get3A_1949 = arith.index_cast %add3A_1948 : i32 to index
        %get3A_1950 = tpu.vector_load %arg4[%get3A_1949] {strides = array<i32>} : memref<20480xf32, #tpu.memory_space<vmem>>, vector<16xf32>,
        %add3A_1951 = arith.constant 336 : i32
        %add3A_1952 = arith.addi %add3A_1866, %add3A_1951 : i32
        %get3A_1953 = arith.index_cast %add3A_1952 : i32 to index
        %get3A_1954 = tpu.vector_load %arg4[%get3A_1953] {strides = array<i32>} : memref<20480xf32, #tpu.memory_space<vmem>>, vector<16xf32>,
        %add3A_1955 = arith.constant 352 : i32
        %add3A_1956 = arith.addi %add3A_1866, %add3A_1955 : i32
        %get3A_1957 = arith.index_cast %add3A_1956 : i32 to index
        %get3A_1958 = tpu.vector_load %arg4[%get3A_1957] {strides = array<i32>} : memref<20480xf32, #tpu.memory_space<vmem>>, vector<16xf32>,
        %add3A_1959 = arith.constant 368 : i32
        %add3A_1960 = arith.addi %add3A_1866, %add3A_1959 : i32
        %get3A_1961 = arith.index_cast %add3A_1960 : i32 to index
        %get3A_1962 = tpu.vector_load %arg4[%get3A_1961] {strides = array<i32>} : memref<20480xf32, #tpu.memory_space<vmem>>, vector<16xf32>,
        %add3A_1963 = arith.constant 384 : i32
        %add3A_1964 = arith.addi %add3A_1866, %add3A_1963 : i32
        %get3A_1965 = arith.index_cast %add3A_1964 : i32 to index
        %get3A_1966 = tpu.vector_load %arg4[%get3A_1965] {strides = array<i32>} : memref<20480xf32, #tpu.memory_space<vmem>>, vector<16xf32>,
        %add3A_1967 = arith.constant 400 : i32
        %add3A_1968 = arith.addi %add3A_1866, %add3A_1967 : i32
        %get3A_1969 = arith.index_cast %add3A_1968 : i32 to index
        %get3A_1970 = tpu.vector_load %arg4[%get3A_1969] {strides = array<i32>} : memref<20480xf32, #tpu.memory_space<vmem>>, vector<16xf32>,
        %add3A_1971 = arith.constant 416 : i32
        %add3A_1972 = arith.addi %add3A_1866, %add3A_1971 : i32
        %get3A_1973 = arith.index_cast %add3A_1972 : i32 to index
        %get3A_1974 = tpu.vector_load %arg4[%get3A_1973] {strides = array<i32>} : memref<20480xf32, #tpu.memory_space<vmem>>, vector<16xf32>,
        %add3A_1975 = arith.constant 432 : i32
        %add3A_1976 = arith.addi %add3A_1866, %add3A_1975 : i32
        %get3A_1977 = arith.index_cast %add3A_1976 : i32 to index
        %get3A_1978 = tpu.vector_load %arg4[%get3A_1977] {strides = array<i32>} : memref<20480xf32, #tpu.memory_space<vmem>>, vector<16xf32>,
        %add3A_1979 = arith.constant 448 : i32
        %add3A_1980 = arith.addi %add3A_1866, %add3A_1979 : i32
        %get3A_1981 = arith.index_cast %add3A_1980 : i32 to index
        %get3A_1982 = tpu.vector_load %arg4[%get3A_1981] {strides = array<i32>} : memref<20480xf32, #tpu.memory_space<vmem>>, vector<16xf32>,
        %add3A_1983 = arith.constant 464 : i32
        %add3A_1984 = arith.addi %add3A_1866, %add3A_1983 : i32
        %get3A_1985 = arith.index_cast %add3A_1984 : i32 to index
        %get3A_1986 = tpu.vector_load %arg4[%get3A_1985] {strides = array<i32>} : memref<20480xf32, #tpu.memory_space<vmem>>, vector<16xf32>,
        %add3A_1987 = arith.constant 480 : i32
        %add3A_1988 = arith.addi %add3A_1866, %add3A_1987 : i32
        %get3A_1989 = arith.index_cast %add3A_1988 : i32 to index
        %get3A_1990 = tpu.vector_load %arg4[%get3A_1989] {strides = array<i32>} : memref<20480xf32, #tpu.memory_space<vmem>>, vector<16xf32>,
        %add3A_1991 = arith.constant 496 : i32
        %add3A_1992 = arith.addi %add3A_1866, %add3A_1991 : i32
        %get3A_1993 = arith.index_cast %add3A_1992 : i32 to index
        %get3A_1994 = tpu.vector_load %arg4[%get3A_1993] {strides = array<i32>} : memref<20480xf32, #tpu.memory_space<vmem>>, vector<16xf32>,
        %get3A_1995 = arith.index_cast %squeeze3A_1699 : i32 to index
        %get3A_1996 = tpu.vector_load %arg9[%get3A_1995] {strides = array<i32>} : memref<224xi32, #tpu.memory_space<vmem>>, vector<16xi32>,
        %get3A_1997 = arith.index_cast %squeeze3A_1699 : i32 to index
        %get3A_1998 = tpu.vector_load %arg10[%get3A_1997] {strides = array<i32>} : memref<224xf32, #tpu.memory_space<vmem>>, vector<16xf32>,
        %slice3A_1999 = vector.extract_strided_slice %get3A_1996 {offsets = [0], sizes = [1], strides = [1]} : vector<16xi32> to vector<1xi32>
        %squeeze3A_2000 = vector.extract %slice3A_1999[0] : i32 from vector<1xi32>
        %slice3A_2001 = vector.extract_strided_slice %get3A_1998 {offsets = [0], sizes = [1], strides = [1]} : vector<16xf32> to vector<1xf32>
        %squeeze3A_2002 = vector.extract %slice3A_2001[0] : f32 from vector<1xf32>
        %sub3A_2003 = arith.subi %squeeze3A_1701, %squeeze3A_1699 : i32
        %sub3A_2004 = arith.constant 1 : i32
        %sub3A_2005 = arith.constant 1 : i32
        %sub3A_2006 = arith.subi %sub3A_2004, %sub3A_2005 : i32
        %add3A_2007 = arith.addi %sub3A_2003, %sub3A_2006 : i32
        %div3A_2008 = arith.constant 1 : i32
        %div3A_2009 = arith.divsi %add3A_2007, %div3A_2008 : i32
        %while3A_2010 = arith.constant 1 : i32
        %while3A_2011 = arith.constant 0 : i32
        %while3A_2012 = arith.subi %div3A_2009, %while3A_2011 : i32
        %while3A_2013 = arith.addi %while3A_2011, %while3A_2012 : i32
        %while3A_2014 = arith.constant 1 : i32
        %while3A_2015 = arith.divsi %while3A_2012, %while3A_2014 : i32
        %while3A_2016 = arith.muli %while3A_2015, %while3A_2014 : i32
        %while3A_2017 = arith.addi %while3A_2011, %while3A_2016 : i32
        %while3A_2018 = arith.constant 1 : i32
        %while3A_2019:2 = scf.for %while3A_2022 = %while3A_2011 to %while3A_2017 step %while3A_2018 iter_args(%while3A_2023 = %squeeze3A_2000, %while3A_2024 = %squeeze3A_2002) -> (i32, f32)  : i32 {
          %mul3A_2025 = arith.muli %while3A_2022, %while3A_2010 : i32
          %add3A_2026 = arith.addi %squeeze3A_1699, %mul3A_2025 : i32
          %add3A_2027 = arith.constant 1 : i32
          %add3A_2028 = arith.addi %add3A_2026, %add3A_2027 : i32
          %get3A_2029 = arith.index_cast %add3A_2028 : i32 to index
          %get3A_2030 = tpu.vector_load %arg9[%get3A_2029] {strides = array<i32>} : memref<224xi32, #tpu.memory_space<vmem>>, vector<16xi32>,
          %add3A_2031 = arith.constant 1 : i32
          %add3A_2032 = arith.addi %add3A_2026, %add3A_2031 : i32
          %get3A_2033 = arith.index_cast %add3A_2032 : i32 to index
          %get3A_2034 = tpu.vector_load %arg10[%get3A_2033] {strides = array<i32>} : memref<224xf32, #tpu.memory_space<vmem>>, vector<16xf32>,
          %broadcast_in_dim3A_2035 = vector.broadcast %while3A_2024 : f32 to vector<16xf32>
          %add3A_2036 = arith.constant 512 : i32
          %add3A_2037 = arith.addi %while3A_2023, %add3A_2036 : i32
          %add3A_2038 = arith.constant 0 : i32
          %add3A_2039 = arith.addi %add3A_2037, %add3A_2038 : i32
          %mul3A_2040 = arith.mulf %broadcast_in_dim3A_2035, %get3A_1870 : vector<16xf32>
          %swap3A_2041 = arith.index_cast %add3A_2039 : i32 to index
          %swap3A_2042 = tpu.vector_load %arg5[%swap3A_2041] {strides = array<i32>} : memref<48000xf32, #tpu.memory_space<vmem>>, vector<16xf32>,
          tpu.vector_store %arg5[%swap3A_2041], %mul3A_2040 {add = true, strides = array<i32>} : memref<48000xf32, #tpu.memory_space<vmem>>, vector<16xf32>,
          %add3A_2043 = arith.constant 16 : i32
          %add3A_2044 = arith.addi %add3A_2037, %add3A_2043 : i32
          %mul3A_2045 = arith.mulf %broadcast_in_dim3A_2035, %get3A_1874 : vector<16xf32>
          %swap3A_2046 = arith.index_cast %add3A_2044 : i32 to index
          %swap3A_2047 = tpu.vector_load %arg5[%swap3A_2046] {strides = array<i32>} : memref<48000xf32, #tpu.memory_space<vmem>>, vector<16xf32>,
          tpu.vector_store %arg5[%swap3A_2046], %mul3A_2045 {add = true, strides = array<i32>} : memref<48000xf32, #tpu.memory_space<vmem>>, vector<16xf32>,
          %add3A_2048 = arith.constant 32 : i32
          %add3A_2049 = arith.addi %add3A_2037, %add3A_2048 : i32
          %mul3A_2050 = arith.mulf %broadcast_in_dim3A_2035, %get3A_1878 : vector<16xf32>
          %swap3A_2051 = arith.index_cast %add3A_2049 : i32 to index
          %swap3A_2052 = tpu.vector_load %arg5[%swap3A_2051] {strides = array<i32>} : memref<48000xf32, #tpu.memory_space<vmem>>, vector<16xf32>,
          tpu.vector_store %arg5[%swap3A_2051], %mul3A_2050 {add = true, strides = array<i32>} : memref<48000xf32, #tpu.memory_space<vmem>>, vector<16xf32>,
          %add3A_2053 = arith.constant 48 : i32
          %add3A_2054 = arith.addi %add3A_2037, %add3A_2053 : i32
          %mul3A_2055 = arith.mulf %broadcast_in_dim3A_2035, %get3A_1882 : vector<16xf32>
          %swap3A_2056 = arith.index_cast %add3A_2054 : i32 to index
          %swap3A_2057 = tpu.vector_load %arg5[%swap3A_2056] {strides = array<i32>} : memref<48000xf32, #tpu.memory_space<vmem>>, vector<16xf32>,
          tpu.vector_store %arg5[%swap3A_2056], %mul3A_2055 {add = true, strides = array<i32>} : memref<48000xf32, #tpu.memory_space<vmem>>, vector<16xf32>,
          %add3A_2058 = arith.constant 64 : i32
          %add3A_2059 = arith.addi %add3A_2037, %add3A_2058 : i32
          %mul3A_2060 = arith.mulf %broadcast_in_dim3A_2035, %get3A_1886 : vector<16xf32>
          %swap3A_2061 = arith.index_cast %add3A_2059 : i32 to index
          %swap3A_2062 = tpu.vector_load %arg5[%swap3A_2061] {strides = array<i32>} : memref<48000xf32, #tpu.memory_space<vmem>>, vector<16xf32>,
          tpu.vector_store %arg5[%swap3A_2061], %mul3A_2060 {add = true, strides = array<i32>} : memref<48000xf32, #tpu.memory_space<vmem>>, vector<16xf32>,
          %add3A_2063 = arith.constant 80 : i32
          %add3A_2064 = arith.addi %add3A_2037, %add3A_2063 : i32
          %mul3A_2065 = arith.mulf %broadcast_in_dim3A_2035, %get3A_1890 : vector<16xf32>
          %swap3A_2066 = arith.index_cast %add3A_2064 : i32 to index
          %swap3A_2067 = tpu.vector_load %arg5[%swap3A_2066] {strides = array<i32>} : memref<48000xf32, #tpu.memory_space<vmem>>, vector<16xf32>,
          tpu.vector_store %arg5[%swap3A_2066], %mul3A_2065 {add = true, strides = array<i32>} : memref<48000xf32, #tpu.memory_space<vmem>>, vector<16xf32>,
          %add3A_2068 = arith.constant 96 : i32
          %add3A_2069 = arith.addi %add3A_2037, %add3A_2068 : i32
          %mul3A_2070 = arith.mulf %broadcast_in_dim3A_2035, %get3A_1894 : vector<16xf32>
          %swap3A_2071 = arith.index_cast %add3A_2069 : i32 to index
          %swap3A_2072 = tpu.vector_load %arg5[%swap3A_2071] {strides = array<i32>} : memref<48000xf32, #tpu.memory_space<vmem>>, vector<16xf32>,
          tpu.vector_store %arg5[%swap3A_2071], %mul3A_2070 {add = true, strides = array<i32>} : memref<48000xf32, #tpu.memory_space<vmem>>, vector<16xf32>,
          %add3A_2073 = arith.constant 112 : i32
          %add3A_2074 = arith.addi %add3A_2037, %add3A_2073 : i32
          %mul3A_2075 = arith.mulf %broadcast_in_dim3A_2035, %get3A_1898 : vector<16xf32>
          %swap3A_2076 = arith.index_cast %add3A_2074 : i32 to index
          %swap3A_2077 = tpu.vector_load %arg5[%swap3A_2076] {strides = array<i32>} : memref<48000xf32, #tpu.memory_space<vmem>>, vector<16xf32>,
          tpu.vector_store %arg5[%swap3A_2076], %mul3A_2075 {add = true, strides = array<i32>} : memref<48000xf32, #tpu.memory_space<vmem>>, vector<16xf32>,
          %add3A_2078 = arith.constant 128 : i32
          %add3A_2079 = arith.addi %add3A_2037, %add3A_2078 : i32
          %mul3A_2080 = arith.mulf %broadcast_in_dim3A_2035, %get3A_1902 : vector<16xf32>
          %swap3A_2081 = arith.index_cast %add3A_2079 : i32 to index
          %swap3A_2082 = tpu.vector_load %arg5[%swap3A_2081] {strides = array<i32>} : memref<48000xf32, #tpu.memory_space<vmem>>, vector<16xf32>,
          tpu.vector_store %arg5[%swap3A_2081], %mul3A_2080 {add = true, strides = array<i32>} : memref<48000xf32, #tpu.memory_space<vmem>>, vector<16xf32>,
          %add3A_2083 = arith.constant 144 : i32
          %add3A_2084 = arith.addi %add3A_2037, %add3A_2083 : i32
          %mul3A_2085 = arith.mulf %broadcast_in_dim3A_2035, %get3A_1906 : vector<16xf32>
          %swap3A_2086 = arith.index_cast %add3A_2084 : i32 to index
          %swap3A_2087 = tpu.vector_load %arg5[%swap3A_2086] {strides = array<i32>} : memref<48000xf32, #tpu.memory_space<vmem>>, vector<16xf32>,
          tpu.vector_store %arg5[%swap3A_2086], %mul3A_2085 {add = true, strides = array<i32>} : memref<48000xf32, #tpu.memory_space<vmem>>, vector<16xf32>,
          %add3A_2088 = arith.constant 160 : i32
          %add3A_2089 = arith.addi %add3A_2037, %add3A_2088 : i32
          %mul3A_2090 = arith.mulf %broadcast_in_dim3A_2035, %get3A_1910 : vector<16xf32>
          %swap3A_2091 = arith.index_cast %add3A_2089 : i32 to index
          %swap3A_2092 = tpu.vector_load %arg5[%swap3A_2091] {strides = array<i32>} : memref<48000xf32, #tpu.memory_space<vmem>>, vector<16xf32>,
          tpu.vector_store %arg5[%swap3A_2091], %mul3A_2090 {add = true, strides = array<i32>} : memref<48000xf32, #tpu.memory_space<vmem>>, vector<16xf32>,
          %add3A_2093 = arith.constant 176 : i32
          %add3A_2094 = arith.addi %add3A_2037, %add3A_2093 : i32
          %mul3A_2095 = arith.mulf %broadcast_in_dim3A_2035, %get3A_1914 : vector<16xf32>
          %swap3A_2096 = arith.index_cast %add3A_2094 : i32 to index
          %swap3A_2097 = tpu.vector_load %arg5[%swap3A_2096] {strides = array<i32>} : memref<48000xf32, #tpu.memory_space<vmem>>, vector<16xf32>,
          tpu.vector_store %arg5[%swap3A_2096], %mul3A_2095 {add = true, strides = array<i32>} : memref<48000xf32, #tpu.memory_space<vmem>>, vector<16xf32>,
          %add3A_2098 = arith.constant 192 : i32
          %add3A_2099 = arith.addi %add3A_2037, %add3A_2098 : i32
          %mul3A_2100 = arith.mulf %broadcast_in_dim3A_2035, %get3A_1918 : vector<16xf32>
          %swap3A_2101 = arith.index_cast %add3A_2099 : i32 to index
          %swap3A_2102 = tpu.vector_load %arg5[%swap3A_2101] {strides = array<i32>} : memref<48000xf32, #tpu.memory_space<vmem>>, vector<16xf32>,
          tpu.vector_store %arg5[%swap3A_2101], %mul3A_2100 {add = true, strides = array<i32>} : memref<48000xf32, #tpu.memory_space<vmem>>, vector<16xf32>,
          %add3A_2103 = arith.constant 208 : i32
          %add3A_2104 = arith.addi %add3A_2037, %add3A_2103 : i32
          %mul3A_2105 = arith.mulf %broadcast_in_dim3A_2035, %get3A_1922 : vector<16xf32>
          %swap3A_2106 = arith.index_cast %add3A_2104 : i32 to index
          %swap3A_2107 = tpu.vector_load %arg5[%swap3A_2106] {strides = array<i32>} : memref<48000xf32, #tpu.memory_space<vmem>>, vector<16xf32>,
          tpu.vector_store %arg5[%swap3A_2106], %mul3A_2105 {add = true, strides = array<i32>} : memref<48000xf32, #tpu.memory_space<vmem>>, vector<16xf32>,
          %add3A_2108 = arith.constant 224 : i32
          %add3A_2109 = arith.addi %add3A_2037, %add3A_2108 : i32
          %mul3A_2110 = arith.mulf %broadcast_in_dim3A_2035, %get3A_1926 : vector<16xf32>
          %swap3A_2111 = arith.index_cast %add3A_2109 : i32 to index
          %swap3A_2112 = tpu.vector_load %arg5[%swap3A_2111] {strides = array<i32>} : memref<48000xf32, #tpu.memory_space<vmem>>, vector<16xf32>,
          tpu.vector_store %arg5[%swap3A_2111], %mul3A_2110 {add = true, strides = array<i32>} : memref<48000xf32, #tpu.memory_space<vmem>>, vector<16xf32>,
          %add3A_2113 = arith.constant 240 : i32
          %add3A_2114 = arith.addi %add3A_2037, %add3A_2113 : i32
          %mul3A_2115 = arith.mulf %broadcast_in_dim3A_2035, %get3A_1930 : vector<16xf32>
          %swap3A_2116 = arith.index_cast %add3A_2114 : i32 to index
          %swap3A_2117 = tpu.vector_load %arg5[%swap3A_2116] {strides = array<i32>} : memref<48000xf32, #tpu.memory_space<vmem>>, vector<16xf32>,
          tpu.vector_store %arg5[%swap3A_2116], %mul3A_2115 {add = true, strides = array<i32>} : memref<48000xf32, #tpu.memory_space<vmem>>, vector<16xf32>,
          %add3A_2118 = arith.constant 256 : i32
          %add3A_2119 = arith.addi %add3A_2037, %add3A_2118 : i32
          %mul3A_2120 = arith.mulf %broadcast_in_dim3A_2035, %get3A_1934 : vector<16xf32>
          %swap3A_2121 = arith.index_cast %add3A_2119 : i32 to index
          %swap3A_2122 = tpu.vector_load %arg5[%swap3A_2121] {strides = array<i32>} : memref<48000xf32, #tpu.memory_space<vmem>>, vector<16xf32>,
          tpu.vector_store %arg5[%swap3A_2121], %mul3A_2120 {add = true, strides = array<i32>} : memref<48000xf32, #tpu.memory_space<vmem>>, vector<16xf32>,
          %add3A_2123 = arith.constant 272 : i32
          %add3A_2124 = arith.addi %add3A_2037, %add3A_2123 : i32
          %mul3A_2125 = arith.mulf %broadcast_in_dim3A_2035, %get3A_1938 : vector<16xf32>
          %swap3A_2126 = arith.index_cast %add3A_2124 : i32 to index
          %swap3A_2127 = tpu.vector_load %arg5[%swap3A_2126] {strides = array<i32>} : memref<48000xf32, #tpu.memory_space<vmem>>, vector<16xf32>,
          tpu.vector_store %arg5[%swap3A_2126], %mul3A_2125 {add = true, strides = array<i32>} : memref<48000xf32, #tpu.memory_space<vmem>>, vector<16xf32>,
          %add3A_2128 = arith.constant 288 : i32
          %add3A_2129 = arith.addi %add3A_2037, %add3A_2128 : i32
          %mul3A_2130 = arith.mulf %broadcast_in_dim3A_2035, %get3A_1942 : vector<16xf32>
          %swap3A_2131 = arith.index_cast %add3A_2129 : i32 to index
          %swap3A_2132 = tpu.vector_load %arg5[%swap3A_2131] {strides = array<i32>} : memref<48000xf32, #tpu.memory_space<vmem>>, vector<16xf32>,
          tpu.vector_store %arg5[%swap3A_2131], %mul3A_2130 {add = true, strides = array<i32>} : memref<48000xf32, #tpu.memory_space<vmem>>, vector<16xf32>,
          %add3A_2133 = arith.constant 304 : i32
          %add3A_2134 = arith.addi %add3A_2037, %add3A_2133 : i32
          %mul3A_2135 = arith.mulf %broadcast_in_dim3A_2035, %get3A_1946 : vector<16xf32>
          %swap3A_2136 = arith.index_cast %add3A_2134 : i32 to index
          %swap3A_2137 = tpu.vector_load %arg5[%swap3A_2136] {strides = array<i32>} : memref<48000xf32, #tpu.memory_space<vmem>>, vector<16xf32>,
          tpu.vector_store %arg5[%swap3A_2136], %mul3A_2135 {add = true, strides = array<i32>} : memref<48000xf32, #tpu.memory_space<vmem>>, vector<16xf32>,
          %add3A_2138 = arith.constant 320 : i32
          %add3A_2139 = arith.addi %add3A_2037, %add3A_2138 : i32
          %mul3A_2140 = arith.mulf %broadcast_in_dim3A_2035, %get3A_1950 : vector<16xf32>
          %swap3A_2141 = arith.index_cast %add3A_2139 : i32 to index
          %swap3A_2142 = tpu.vector_load %arg5[%swap3A_2141] {strides = array<i32>} : memref<48000xf32, #tpu.memory_space<vmem>>, vector<16xf32>,
          tpu.vector_store %arg5[%swap3A_2141], %mul3A_2140 {add = true, strides = array<i32>} : memref<48000xf32, #tpu.memory_space<vmem>>, vector<16xf32>,
          %add3A_2143 = arith.constant 336 : i32
          %add3A_2144 = arith.addi %add3A_2037, %add3A_2143 : i32
          %mul3A_2145 = arith.mulf %broadcast_in_dim3A_2035, %get3A_1954 : vector<16xf32>
          %swap3A_2146 = arith.index_cast %add3A_2144 : i32 to index
          %swap3A_2147 = tpu.vector_load %arg5[%swap3A_2146] {strides = array<i32>} : memref<48000xf32, #tpu.memory_space<vmem>>, vector<16xf32>,
          tpu.vector_store %arg5[%swap3A_2146], %mul3A_2145 {add = true, strides = array<i32>} : memref<48000xf32, #tpu.memory_space<vmem>>, vector<16xf32>,
          %add3A_2148 = arith.constant 352 : i32
          %add3A_2149 = arith.addi %add3A_2037, %add3A_2148 : i32
          %mul3A_2150 = arith.mulf %broadcast_in_dim3A_2035, %get3A_1958 : vector<16xf32>
          %swap3A_2151 = arith.index_cast %add3A_2149 : i32 to index
          %swap3A_2152 = tpu.vector_load %arg5[%swap3A_2151] {strides = array<i32>} : memref<48000xf32, #tpu.memory_space<vmem>>, vector<16xf32>,
          tpu.vector_store %arg5[%swap3A_2151], %mul3A_2150 {add = true, strides = array<i32>} : memref<48000xf32, #tpu.memory_space<vmem>>, vector<16xf32>,
          %add3A_2153 = arith.constant 368 : i32
          %add3A_2154 = arith.addi %add3A_2037, %add3A_2153 : i32
          %mul3A_2155 = arith.mulf %broadcast_in_dim3A_2035, %get3A_1962 : vector<16xf32>
          %swap3A_2156 = arith.index_cast %add3A_2154 : i32 to index
          %swap3A_2157 = tpu.vector_load %arg5[%swap3A_2156] {strides = array<i32>} : memref<48000xf32, #tpu.memory_space<vmem>>, vector<16xf32>,
          tpu.vector_store %arg5[%swap3A_2156], %mul3A_2155 {add = true, strides = array<i32>} : memref<48000xf32, #tpu.memory_space<vmem>>, vector<16xf32>,
          %add3A_2158 = arith.constant 384 : i32
          %add3A_2159 = arith.addi %add3A_2037, %add3A_2158 : i32
          %mul3A_2160 = arith.mulf %broadcast_in_dim3A_2035, %get3A_1966 : vector<16xf32>
          %swap3A_2161 = arith.index_cast %add3A_2159 : i32 to index
          %swap3A_2162 = tpu.vector_load %arg5[%swap3A_2161] {strides = array<i32>} : memref<48000xf32, #tpu.memory_space<vmem>>, vector<16xf32>,
          tpu.vector_store %arg5[%swap3A_2161], %mul3A_2160 {add = true, strides = array<i32>} : memref<48000xf32, #tpu.memory_space<vmem>>, vector<16xf32>,
          %add3A_2163 = arith.constant 400 : i32
          %add3A_2164 = arith.addi %add3A_2037, %add3A_2163 : i32
          %mul3A_2165 = arith.mulf %broadcast_in_dim3A_2035, %get3A_1970 : vector<16xf32>
          %swap3A_2166 = arith.index_cast %add3A_2164 : i32 to index
          %swap3A_2167 = tpu.vector_load %arg5[%swap3A_2166] {strides = array<i32>} : memref<48000xf32, #tpu.memory_space<vmem>>, vector<16xf32>,
          tpu.vector_store %arg5[%swap3A_2166], %mul3A_2165 {add = true, strides = array<i32>} : memref<48000xf32, #tpu.memory_space<vmem>>, vector<16xf32>,
          %add3A_2168 = arith.constant 416 : i32
          %add3A_2169 = arith.addi %add3A_2037, %add3A_2168 : i32
          %mul3A_2170 = arith.mulf %broadcast_in_dim3A_2035, %get3A_1974 : vector<16xf32>
          %swap3A_2171 = arith.index_cast %add3A_2169 : i32 to index
          %swap3A_2172 = tpu.vector_load %arg5[%swap3A_2171] {strides = array<i32>} : memref<48000xf32, #tpu.memory_space<vmem>>, vector<16xf32>,
          tpu.vector_store %arg5[%swap3A_2171], %mul3A_2170 {add = true, strides = array<i32>} : memref<48000xf32, #tpu.memory_space<vmem>>, vector<16xf32>,
          %add3A_2173 = arith.constant 432 : i32
          %add3A_2174 = arith.addi %add3A_2037, %add3A_2173 : i32
          %mul3A_2175 = arith.mulf %broadcast_in_dim3A_2035, %get3A_1978 : vector<16xf32>
          %swap3A_2176 = arith.index_cast %add3A_2174 : i32 to index
          %swap3A_2177 = tpu.vector_load %arg5[%swap3A_2176] {strides = array<i32>} : memref<48000xf32, #tpu.memory_space<vmem>>, vector<16xf32>,
          tpu.vector_store %arg5[%swap3A_2176], %mul3A_2175 {add = true, strides = array<i32>} : memref<48000xf32, #tpu.memory_space<vmem>>, vector<16xf32>,
          %add3A_2178 = arith.constant 448 : i32
          %add3A_2179 = arith.addi %add3A_2037, %add3A_2178 : i32
          %mul3A_2180 = arith.mulf %broadcast_in_dim3A_2035, %get3A_1982 : vector<16xf32>
          %swap3A_2181 = arith.index_cast %add3A_2179 : i32 to index
          %swap3A_2182 = tpu.vector_load %arg5[%swap3A_2181] {strides = array<i32>} : memref<48000xf32, #tpu.memory_space<vmem>>, vector<16xf32>,
          tpu.vector_store %arg5[%swap3A_2181], %mul3A_2180 {add = true, strides = array<i32>} : memref<48000xf32, #tpu.memory_space<vmem>>, vector<16xf32>,
          %add3A_2183 = arith.constant 464 : i32
          %add3A_2184 = arith.addi %add3A_2037, %add3A_2183 : i32
          %mul3A_2185 = arith.mulf %broadcast_in_dim3A_2035, %get3A_1986 : vector<16xf32>
          %swap3A_2186 = arith.index_cast %add3A_2184 : i32 to index
          %swap3A_2187 = tpu.vector_load %arg5[%swap3A_2186] {strides = array<i32>} : memref<48000xf32, #tpu.memory_space<vmem>>, vector<16xf32>,
          tpu.vector_store %arg5[%swap3A_2186], %mul3A_2185 {add = true, strides = array<i32>} : memref<48000xf32, #tpu.memory_space<vmem>>, vector<16xf32>,
          %add3A_2188 = arith.constant 480 : i32
          %add3A_2189 = arith.addi %add3A_2037, %add3A_2188 : i32
          %mul3A_2190 = arith.mulf %broadcast_in_dim3A_2035, %get3A_1990 : vector<16xf32>
          %swap3A_2191 = arith.index_cast %add3A_2189 : i32 to index
          %swap3A_2192 = tpu.vector_load %arg5[%swap3A_2191] {strides = array<i32>} : memref<48000xf32, #tpu.memory_space<vmem>>, vector<16xf32>,
          tpu.vector_store %arg5[%swap3A_2191], %mul3A_2190 {add = true, strides = array<i32>} : memref<48000xf32, #tpu.memory_space<vmem>>, vector<16xf32>,
          %add3A_2193 = arith.constant 496 : i32
          %add3A_2194 = arith.addi %add3A_2037, %add3A_2193 : i32
          %mul3A_2195 = arith.mulf %broadcast_in_dim3A_2035, %get3A_1994 : vector<16xf32>
          %swap3A_2196 = arith.index_cast %add3A_2194 : i32 to index
          %swap3A_2197 = tpu.vector_load %arg5[%swap3A_2196] {strides = array<i32>} : memref<48000xf32, #tpu.memory_space<vmem>>, vector<16xf32>,
          tpu.vector_store %arg5[%swap3A_2196], %mul3A_2195 {add = true, strides = array<i32>} : memref<48000xf32, #tpu.memory_space<vmem>>, vector<16xf32>,
          %slice3A_2198 = vector.extract_strided_slice %get3A_2030 {offsets = [0], sizes = [1], strides = [1]} : vector<16xi32> to vector<1xi32>
          %squeeze3A_2199 = vector.extract %slice3A_2198[0] : i32 from vector<1xi32>
          %slice3A_2200 = vector.extract_strided_slice %get3A_2034 {offsets = [0], sizes = [1], strides = [1]} : vector<16xf32> to vector<1xf32>
          %squeeze3A_2201 = vector.extract %slice3A_2200[0] : f32 from vector<1xf32>
          scf.yield %squeeze3A_2199, %squeeze3A_2201 : i32, f32
        }
        %while3A_2020 = arith.constant 1 : i32
        %while3A_2021:2 = scf.for %while3A_2022 = %while3A_2017 to %while3A_2013 step %while3A_2020 iter_args(%while3A_2023 = %while3A_2019#0, %while3A_2024 = %while3A_2019#1) -> (i32, f32)  : i32 {
          %mul3A_2025 = arith.muli %while3A_2022, %while3A_2010 : i32
          %add3A_2026 = arith.addi %squeeze3A_1699, %mul3A_2025 : i32
          %add3A_2027 = arith.constant 1 : i32
          %add3A_2028 = arith.addi %add3A_2026, %add3A_2027 : i32
          %get3A_2029 = arith.index_cast %add3A_2028 : i32 to index
          %get3A_2030 = tpu.vector_load %arg9[%get3A_2029] {strides = array<i32>} : memref<224xi32, #tpu.memory_space<vmem>>, vector<16xi32>,
          %add3A_2031 = arith.constant 1 : i32
          %add3A_2032 = arith.addi %add3A_2026, %add3A_2031 : i32
          %get3A_2033 = arith.index_cast %add3A_2032 : i32 to index
          %get3A_2034 = tpu.vector_load %arg10[%get3A_2033] {strides = array<i32>} : memref<224xf32, #tpu.memory_space<vmem>>, vector<16xf32>,
          %broadcast_in_dim3A_2035 = vector.broadcast %while3A_2024 : f32 to vector<16xf32>
          %add3A_2036 = arith.constant 512 : i32
          %add3A_2037 = arith.addi %while3A_2023, %add3A_2036 : i32
          %add3A_2038 = arith.constant 0 : i32
          %add3A_2039 = arith.addi %add3A_2037, %add3A_2038 : i32
          %mul3A_2040 = arith.mulf %broadcast_in_dim3A_2035, %get3A_1870 : vector<16xf32>
          %swap3A_2041 = arith.index_cast %add3A_2039 : i32 to index
          %swap3A_2042 = tpu.vector_load %arg5[%swap3A_2041] {strides = array<i32>} : memref<48000xf32, #tpu.memory_space<vmem>>, vector<16xf32>,
          tpu.vector_store %arg5[%swap3A_2041], %mul3A_2040 {add = true, strides = array<i32>} : memref<48000xf32, #tpu.memory_space<vmem>>, vector<16xf32>,
          %add3A_2043 = arith.constant 16 : i32
          %add3A_2044 = arith.addi %add3A_2037, %add3A_2043 : i32
          %mul3A_2045 = arith.mulf %broadcast_in_dim3A_2035, %get3A_1874 : vector<16xf32>
          %swap3A_2046 = arith.index_cast %add3A_2044 : i32 to index
          %swap3A_2047 = tpu.vector_load %arg5[%swap3A_2046] {strides = array<i32>} : memref<48000xf32, #tpu.memory_space<vmem>>, vector<16xf32>,
          tpu.vector_store %arg5[%swap3A_2046], %mul3A_2045 {add = true, strides = array<i32>} : memref<48000xf32, #tpu.memory_space<vmem>>, vector<16xf32>,
          %add3A_2048 = arith.constant 32 : i32
          %add3A_2049 = arith.addi %add3A_2037, %add3A_2048 : i32
          %mul3A_2050 = arith.mulf %broadcast_in_dim3A_2035, %get3A_1878 : vector<16xf32>
          %swap3A_2051 = arith.index_cast %add3A_2049 : i32 to index
          %swap3A_2052 = tpu.vector_load %arg5[%swap3A_2051] {strides = array<i32>} : memref<48000xf32, #tpu.memory_space<vmem>>, vector<16xf32>,
          tpu.vector_store %arg5[%swap3A_2051], %mul3A_2050 {add = true, strides = array<i32>} : memref<48000xf32, #tpu.memory_space<vmem>>, vector<16xf32>,
          %add3A_2053 = arith.constant 48 : i32
          %add3A_2054 = arith.addi %add3A_2037, %add3A_2053 : i32
          %mul3A_2055 = arith.mulf %broadcast_in_dim3A_2035, %get3A_1882 : vector<16xf32>
          %swap3A_2056 = arith.index_cast %add3A_2054 : i32 to index
          %swap3A_2057 = tpu.vector_load %arg5[%swap3A_2056] {strides = array<i32>} : memref<48000xf32, #tpu.memory_space<vmem>>, vector<16xf32>,
          tpu.vector_store %arg5[%swap3A_2056], %mul3A_2055 {add = true, strides = array<i32>} : memref<48000xf32, #tpu.memory_space<vmem>>, vector<16xf32>,
          %add3A_2058 = arith.constant 64 : i32
          %add3A_2059 = arith.addi %add3A_2037, %add3A_2058 : i32
          %mul3A_2060 = arith.mulf %broadcast_in_dim3A_2035, %get3A_1886 : vector<16xf32>
          %swap3A_2061 = arith.index_cast %add3A_2059 : i32 to index
          %swap3A_2062 = tpu.vector_load %arg5[%swap3A_2061] {strides = array<i32>} : memref<48000xf32, #tpu.memory_space<vmem>>, vector<16xf32>,
          tpu.vector_store %arg5[%swap3A_2061], %mul3A_2060 {add = true, strides = array<i32>} : memref<48000xf32, #tpu.memory_space<vmem>>, vector<16xf32>,
          %add3A_2063 = arith.constant 80 : i32
          %add3A_2064 = arith.addi %add3A_2037, %add3A_2063 : i32
          %mul3A_2065 = arith.mulf %broadcast_in_dim3A_2035, %get3A_1890 : vector<16xf32>
          %swap3A_2066 = arith.index_cast %add3A_2064 : i32 to index
          %swap3A_2067 = tpu.vector_load %arg5[%swap3A_2066] {strides = array<i32>} : memref<48000xf32, #tpu.memory_space<vmem>>, vector<16xf32>,
          tpu.vector_store %arg5[%swap3A_2066], %mul3A_2065 {add = true, strides = array<i32>} : memref<48000xf32, #tpu.memory_space<vmem>>, vector<16xf32>,
          %add3A_2068 = arith.constant 96 : i32
          %add3A_2069 = arith.addi %add3A_2037, %add3A_2068 : i32
          %mul3A_2070 = arith.mulf %broadcast_in_dim3A_2035, %get3A_1894 : vector<16xf32>
          %swap3A_2071 = arith.index_cast %add3A_2069 : i32 to index
          %swap3A_2072 = tpu.vector_load %arg5[%swap3A_2071] {strides = array<i32>} : memref<48000xf32, #tpu.memory_space<vmem>>, vector<16xf32>,
          tpu.vector_store %arg5[%swap3A_2071], %mul3A_2070 {add = true, strides = array<i32>} : memref<48000xf32, #tpu.memory_space<vmem>>, vector<16xf32>,
          %add3A_2073 = arith.constant 112 : i32
          %add3A_2074 = arith.addi %add3A_2037, %add3A_2073 : i32
          %mul3A_2075 = arith.mulf %broadcast_in_dim3A_2035, %get3A_1898 : vector<16xf32>
          %swap3A_2076 = arith.index_cast %add3A_2074 : i32 to index
          %swap3A_2077 = tpu.vector_load %arg5[%swap3A_2076] {strides = array<i32>} : memref<48000xf32, #tpu.memory_space<vmem>>, vector<16xf32>,
          tpu.vector_store %arg5[%swap3A_2076], %mul3A_2075 {add = true, strides = array<i32>} : memref<48000xf32, #tpu.memory_space<vmem>>, vector<16xf32>,
          %add3A_2078 = arith.constant 128 : i32
          %add3A_2079 = arith.addi %add3A_2037, %add3A_2078 : i32
          %mul3A_2080 = arith.mulf %broadcast_in_dim3A_2035, %get3A_1902 : vector<16xf32>
          %swap3A_2081 = arith.index_cast %add3A_2079 : i32 to index
          %swap3A_2082 = tpu.vector_load %arg5[%swap3A_2081] {strides = array<i32>} : memref<48000xf32, #tpu.memory_space<vmem>>, vector<16xf32>,
          tpu.vector_store %arg5[%swap3A_2081], %mul3A_2080 {add = true, strides = array<i32>} : memref<48000xf32, #tpu.memory_space<vmem>>, vector<16xf32>,
          %add3A_2083 = arith.constant 144 : i32
          %add3A_2084 = arith.addi %add3A_2037, %add3A_2083 : i32
          %mul3A_2085 = arith.mulf %broadcast_in_dim3A_2035, %get3A_1906 : vector<16xf32>
          %swap3A_2086 = arith.index_cast %add3A_2084 : i32 to index
          %swap3A_2087 = tpu.vector_load %arg5[%swap3A_2086] {strides = array<i32>} : memref<48000xf32, #tpu.memory_space<vmem>>, vector<16xf32>,
          tpu.vector_store %arg5[%swap3A_2086], %mul3A_2085 {add = true, strides = array<i32>} : memref<48000xf32, #tpu.memory_space<vmem>>, vector<16xf32>,
          %add3A_2088 = arith.constant 160 : i32
          %add3A_2089 = arith.addi %add3A_2037, %add3A_2088 : i32
          %mul3A_2090 = arith.mulf %broadcast_in_dim3A_2035, %get3A_1910 : vector<16xf32>
          %swap3A_2091 = arith.index_cast %add3A_2089 : i32 to index
          %swap3A_2092 = tpu.vector_load %arg5[%swap3A_2091] {strides = array<i32>} : memref<48000xf32, #tpu.memory_space<vmem>>, vector<16xf32>,
          tpu.vector_store %arg5[%swap3A_2091], %mul3A_2090 {add = true, strides = array<i32>} : memref<48000xf32, #tpu.memory_space<vmem>>, vector<16xf32>,
          %add3A_2093 = arith.constant 176 : i32
          %add3A_2094 = arith.addi %add3A_2037, %add3A_2093 : i32
          %mul3A_2095 = arith.mulf %broadcast_in_dim3A_2035, %get3A_1914 : vector<16xf32>
          %swap3A_2096 = arith.index_cast %add3A_2094 : i32 to index
          %swap3A_2097 = tpu.vector_load %arg5[%swap3A_2096] {strides = array<i32>} : memref<48000xf32, #tpu.memory_space<vmem>>, vector<16xf32>,
          tpu.vector_store %arg5[%swap3A_2096], %mul3A_2095 {add = true, strides = array<i32>} : memref<48000xf32, #tpu.memory_space<vmem>>, vector<16xf32>,
          %add3A_2098 = arith.constant 192 : i32
          %add3A_2099 = arith.addi %add3A_2037, %add3A_2098 : i32
          %mul3A_2100 = arith.mulf %broadcast_in_dim3A_2035, %get3A_1918 : vector<16xf32>
          %swap3A_2101 = arith.index_cast %add3A_2099 : i32 to index
          %swap3A_2102 = tpu.vector_load %arg5[%swap3A_2101] {strides = array<i32>} : memref<48000xf32, #tpu.memory_space<vmem>>, vector<16xf32>,
          tpu.vector_store %arg5[%swap3A_2101], %mul3A_2100 {add = true, strides = array<i32>} : memref<48000xf32, #tpu.memory_space<vmem>>, vector<16xf32>,
          %add3A_2103 = arith.constant 208 : i32
          %add3A_2104 = arith.addi %add3A_2037, %add3A_2103 : i32
          %mul3A_2105 = arith.mulf %broadcast_in_dim3A_2035, %get3A_1922 : vector<16xf32>
          %swap3A_2106 = arith.index_cast %add3A_2104 : i32 to index
          %swap3A_2107 = tpu.vector_load %arg5[%swap3A_2106] {strides = array<i32>} : memref<48000xf32, #tpu.memory_space<vmem>>, vector<16xf32>,
          tpu.vector_store %arg5[%swap3A_2106], %mul3A_2105 {add = true, strides = array<i32>} : memref<48000xf32, #tpu.memory_space<vmem>>, vector<16xf32>,
          %add3A_2108 = arith.constant 224 : i32
          %add3A_2109 = arith.addi %add3A_2037, %add3A_2108 : i32
          %mul3A_2110 = arith.mulf %broadcast_in_dim3A_2035, %get3A_1926 : vector<16xf32>
          %swap3A_2111 = arith.index_cast %add3A_2109 : i32 to index
          %swap3A_2112 = tpu.vector_load %arg5[%swap3A_2111] {strides = array<i32>} : memref<48000xf32, #tpu.memory_space<vmem>>, vector<16xf32>,
          tpu.vector_store %arg5[%swap3A_2111], %mul3A_2110 {add = true, strides = array<i32>} : memref<48000xf32, #tpu.memory_space<vmem>>, vector<16xf32>,
          %add3A_2113 = arith.constant 240 : i32
          %add3A_2114 = arith.addi %add3A_2037, %add3A_2113 : i32
          %mul3A_2115 = arith.mulf %broadcast_in_dim3A_2035, %get3A_1930 : vector<16xf32>
          %swap3A_2116 = arith.index_cast %add3A_2114 : i32 to index
          %swap3A_2117 = tpu.vector_load %arg5[%swap3A_2116] {strides = array<i32>} : memref<48000xf32, #tpu.memory_space<vmem>>, vector<16xf32>,
          tpu.vector_store %arg5[%swap3A_2116], %mul3A_2115 {add = true, strides = array<i32>} : memref<48000xf32, #tpu.memory_space<vmem>>, vector<16xf32>,
          %add3A_2118 = arith.constant 256 : i32
          %add3A_2119 = arith.addi %add3A_2037, %add3A_2118 : i32
          %mul3A_2120 = arith.mulf %broadcast_in_dim3A_2035, %get3A_1934 : vector<16xf32>
          %swap3A_2121 = arith.index_cast %add3A_2119 : i32 to index
          %swap3A_2122 = tpu.vector_load %arg5[%swap3A_2121] {strides = array<i32>} : memref<48000xf32, #tpu.memory_space<vmem>>, vector<16xf32>,
          tpu.vector_store %arg5[%swap3A_2121], %mul3A_2120 {add = true, strides = array<i32>} : memref<48000xf32, #tpu.memory_space<vmem>>, vector<16xf32>,
          %add3A_2123 = arith.constant 272 : i32
          %add3A_2124 = arith.addi %add3A_2037, %add3A_2123 : i32
          %mul3A_2125 = arith.mulf %broadcast_in_dim3A_2035, %get3A_1938 : vector<16xf32>
          %swap3A_2126 = arith.index_cast %add3A_2124 : i32 to index
          %swap3A_2127 = tpu.vector_load %arg5[%swap3A_2126] {strides = array<i32>} : memref<48000xf32, #tpu.memory_space<vmem>>, vector<16xf32>,
          tpu.vector_store %arg5[%swap3A_2126], %mul3A_2125 {add = true, strides = array<i32>} : memref<48000xf32, #tpu.memory_space<vmem>>, vector<16xf32>,
          %add3A_2128 = arith.constant 288 : i32
          %add3A_2129 = arith.addi %add3A_2037, %add3A_2128 : i32
          %mul3A_2130 = arith.mulf %broadcast_in_dim3A_2035, %get3A_1942 : vector<16xf32>
          %swap3A_2131 = arith.index_cast %add3A_2129 : i32 to index
          %swap3A_2132 = tpu.vector_load %arg5[%swap3A_2131] {strides = array<i32>} : memref<48000xf32, #tpu.memory_space<vmem>>, vector<16xf32>,
          tpu.vector_store %arg5[%swap3A_2131], %mul3A_2130 {add = true, strides = array<i32>} : memref<48000xf32, #tpu.memory_space<vmem>>, vector<16xf32>,
          %add3A_2133 = arith.constant 304 : i32
          %add3A_2134 = arith.addi %add3A_2037, %add3A_2133 : i32
          %mul3A_2135 = arith.mulf %broadcast_in_dim3A_2035, %get3A_1946 : vector<16xf32>
          %swap3A_2136 = arith.index_cast %add3A_2134 : i32 to index
          %swap3A_2137 = tpu.vector_load %arg5[%swap3A_2136] {strides = array<i32>} : memref<48000xf32, #tpu.memory_space<vmem>>, vector<16xf32>,
          tpu.vector_store %arg5[%swap3A_2136], %mul3A_2135 {add = true, strides = array<i32>} : memref<48000xf32, #tpu.memory_space<vmem>>, vector<16xf32>,
          %add3A_2138 = arith.constant 320 : i32
          %add3A_2139 = arith.addi %add3A_2037, %add3A_2138 : i32
          %mul3A_2140 = arith.mulf %broadcast_in_dim3A_2035, %get3A_1950 : vector<16xf32>
          %swap3A_2141 = arith.index_cast %add3A_2139 : i32 to index
          %swap3A_2142 = tpu.vector_load %arg5[%swap3A_2141] {strides = array<i32>} : memref<48000xf32, #tpu.memory_space<vmem>>, vector<16xf32>,
          tpu.vector_store %arg5[%swap3A_2141], %mul3A_2140 {add = true, strides = array<i32>} : memref<48000xf32, #tpu.memory_space<vmem>>, vector<16xf32>,
          %add3A_2143 = arith.constant 336 : i32
          %add3A_2144 = arith.addi %add3A_2037, %add3A_2143 : i32
          %mul3A_2145 = arith.mulf %broadcast_in_dim3A_2035, %get3A_1954 : vector<16xf32>
          %swap3A_2146 = arith.index_cast %add3A_2144 : i32 to index
          %swap3A_2147 = tpu.vector_load %arg5[%swap3A_2146] {strides = array<i32>} : memref<48000xf32, #tpu.memory_space<vmem>>, vector<16xf32>,
          tpu.vector_store %arg5[%swap3A_2146], %mul3A_2145 {add = true, strides = array<i32>} : memref<48000xf32, #tpu.memory_space<vmem>>, vector<16xf32>,
          %add3A_2148 = arith.constant 352 : i32
          %add3A_2149 = arith.addi %add3A_2037, %add3A_2148 : i32
          %mul3A_2150 = arith.mulf %broadcast_in_dim3A_2035, %get3A_1958 : vector<16xf32>
          %swap3A_2151 = arith.index_cast %add3A_2149 : i32 to index
          %swap3A_2152 = tpu.vector_load %arg5[%swap3A_2151] {strides = array<i32>} : memref<48000xf32, #tpu.memory_space<vmem>>, vector<16xf32>,
          tpu.vector_store %arg5[%swap3A_2151], %mul3A_2150 {add = true, strides = array<i32>} : memref<48000xf32, #tpu.memory_space<vmem>>, vector<16xf32>,
          %add3A_2153 = arith.constant 368 : i32
          %add3A_2154 = arith.addi %add3A_2037, %add3A_2153 : i32
          %mul3A_2155 = arith.mulf %broadcast_in_dim3A_2035, %get3A_1962 : vector<16xf32>
          %swap3A_2156 = arith.index_cast %add3A_2154 : i32 to index
          %swap3A_2157 = tpu.vector_load %arg5[%swap3A_2156] {strides = array<i32>} : memref<48000xf32, #tpu.memory_space<vmem>>, vector<16xf32>,
          tpu.vector_store %arg5[%swap3A_2156], %mul3A_2155 {add = true, strides = array<i32>} : memref<48000xf32, #tpu.memory_space<vmem>>, vector<16xf32>,
          %add3A_2158 = arith.constant 384 : i32
          %add3A_2159 = arith.addi %add3A_2037, %add3A_2158 : i32
          %mul3A_2160 = arith.mulf %broadcast_in_dim3A_2035, %get3A_1966 : vector<16xf32>
          %swap3A_2161 = arith.index_cast %add3A_2159 : i32 to index
          %swap3A_2162 = tpu.vector_load %arg5[%swap3A_2161] {strides = array<i32>} : memref<48000xf32, #tpu.memory_space<vmem>>, vector<16xf32>,
          tpu.vector_store %arg5[%swap3A_2161], %mul3A_2160 {add = true, strides = array<i32>} : memref<48000xf32, #tpu.memory_space<vmem>>, vector<16xf32>,
          %add3A_2163 = arith.constant 400 : i32
          %add3A_2164 = arith.addi %add3A_2037, %add3A_2163 : i32
          %mul3A_2165 = arith.mulf %broadcast_in_dim3A_2035, %get3A_1970 : vector<16xf32>
          %swap3A_2166 = arith.index_cast %add3A_2164 : i32 to index
          %swap3A_2167 = tpu.vector_load %arg5[%swap3A_2166] {strides = array<i32>} : memref<48000xf32, #tpu.memory_space<vmem>>, vector<16xf32>,
          tpu.vector_store %arg5[%swap3A_2166], %mul3A_2165 {add = true, strides = array<i32>} : memref<48000xf32, #tpu.memory_space<vmem>>, vector<16xf32>,
          %add3A_2168 = arith.constant 416 : i32
          %add3A_2169 = arith.addi %add3A_2037, %add3A_2168 : i32
          %mul3A_2170 = arith.mulf %broadcast_in_dim3A_2035, %get3A_1974 : vector<16xf32>
          %swap3A_2171 = arith.index_cast %add3A_2169 : i32 to index
          %swap3A_2172 = tpu.vector_load %arg5[%swap3A_2171] {strides = array<i32>} : memref<48000xf32, #tpu.memory_space<vmem>>, vector<16xf32>,
          tpu.vector_store %arg5[%swap3A_2171], %mul3A_2170 {add = true, strides = array<i32>} : memref<48000xf32, #tpu.memory_space<vmem>>, vector<16xf32>,
          %add3A_2173 = arith.constant 432 : i32
          %add3A_2174 = arith.addi %add3A_2037, %add3A_2173 : i32
          %mul3A_2175 = arith.mulf %broadcast_in_dim3A_2035, %get3A_1978 : vector<16xf32>
          %swap3A_2176 = arith.index_cast %add3A_2174 : i32 to index
          %swap3A_2177 = tpu.vector_load %arg5[%swap3A_2176] {strides = array<i32>} : memref<48000xf32, #tpu.memory_space<vmem>>, vector<16xf32>,
          tpu.vector_store %arg5[%swap3A_2176], %mul3A_2175 {add = true, strides = array<i32>} : memref<48000xf32, #tpu.memory_space<vmem>>, vector<16xf32>,
          %add3A_2178 = arith.constant 448 : i32
          %add3A_2179 = arith.addi %add3A_2037, %add3A_2178 : i32
          %mul3A_2180 = arith.mulf %broadcast_in_dim3A_2035, %get3A_1982 : vector<16xf32>
          %swap3A_2181 = arith.index_cast %add3A_2179 : i32 to index
          %swap3A_2182 = tpu.vector_load %arg5[%swap3A_2181] {strides = array<i32>} : memref<48000xf32, #tpu.memory_space<vmem>>, vector<16xf32>,
          tpu.vector_store %arg5[%swap3A_2181], %mul3A_2180 {add = true, strides = array<i32>} : memref<48000xf32, #tpu.memory_space<vmem>>, vector<16xf32>,
          %add3A_2183 = arith.constant 464 : i32
          %add3A_2184 = arith.addi %add3A_2037, %add3A_2183 : i32
          %mul3A_2185 = arith.mulf %broadcast_in_dim3A_2035, %get3A_1986 : vector<16xf32>
          %swap3A_2186 = arith.index_cast %add3A_2184 : i32 to index
          %swap3A_2187 = tpu.vector_load %arg5[%swap3A_2186] {strides = array<i32>} : memref<48000xf32, #tpu.memory_space<vmem>>, vector<16xf32>,
          tpu.vector_store %arg5[%swap3A_2186], %mul3A_2185 {add = true, strides = array<i32>} : memref<48000xf32, #tpu.memory_space<vmem>>, vector<16xf32>,
          %add3A_2188 = arith.constant 480 : i32
          %add3A_2189 = arith.addi %add3A_2037, %add3A_2188 : i32
          %mul3A_2190 = arith.mulf %broadcast_in_dim3A_2035, %get3A_1990 : vector<16xf32>
          %swap3A_2191 = arith.index_cast %add3A_2189 : i32 to index
          %swap3A_2192 = tpu.vector_load %arg5[%swap3A_2191] {strides = array<i32>} : memref<48000xf32, #tpu.memory_space<vmem>>, vector<16xf32>,
          tpu.vector_store %arg5[%swap3A_2191], %mul3A_2190 {add = true, strides = array<i32>} : memref<48000xf32, #tpu.memory_space<vmem>>, vector<16xf32>,
          %add3A_2193 = arith.constant 496 : i32
          %add3A_2194 = arith.addi %add3A_2037, %add3A_2193 : i32
          %mul3A_2195 = arith.mulf %broadcast_in_dim3A_2035, %get3A_1994 : vector<16xf32>
          %swap3A_2196 = arith.index_cast %add3A_2194 : i32 to index
          %swap3A_2197 = tpu.vector_load %arg5[%swap3A_2196] {strides = array<i32>} : memref<48000xf32, #tpu.memory_space<vmem>>, vector<16xf32>,
          tpu.vector_store %arg5[%swap3A_2196], %mul3A_2195 {add = true, strides = array<i32>} : memref<48000xf32, #tpu.memory_space<vmem>>, vector<16xf32>,
          %slice3A_2198 = vector.extract_strided_slice %get3A_2030 {offsets = [0], sizes = [1], strides = [1]} : vector<16xi32> to vector<1xi32>
          %squeeze3A_2199 = vector.extract %slice3A_2198[0] : i32 from vector<1xi32>
          %slice3A_2200 = vector.extract_strided_slice %get3A_2034 {offsets = [0], sizes = [1], strides = [1]} : vector<16xf32> to vector<1xf32>
          %squeeze3A_2201 = vector.extract %slice3A_2200[0] : f32 from vector<1xf32>
          scf.yield %squeeze3A_2199, %squeeze3A_2201 : i32, f32
        }
      } else {
      }
    }
    %scan3A_820 = arith.constant 20 : i32
    %broadcast_in_dim3A_821 = arith.constant 9.99999993E-9 : f32
    %broadcast_in_dim3A_822 = vector.broadcast %broadcast_in_dim3A_821 : f32 to vector<16xf32>
    %parallel_loop3A_823 = arith.constant 0 : i32
    %parallel_loop3A_824 = arith.constant 1064 : i32
    %parallel_loop3A_825 = arith.constant 1 : i32
    %parallel_loop3A_826 = scf.for %parallel_loop3A_1691 = %parallel_loop3A_823 to %parallel_loop3A_824 step %parallel_loop3A_825 iter_args(%parallel_loop3A_1692 = %broadcast_in_dim3A_822) -> (vector<16xf32>)  : i32 {
      %parallel_loop3A_1693 = arith.constant 16 : i32
      %parallel_loop3A_1694 = arith.muli %parallel_loop3A_1691, %parallel_loop3A_1693 : i32
      %parallel_loop3A_1695 = arith.index_cast %parallel_loop3A_1694 : i32 to index
      %parallel_loop3A_1696 = tpu.vector_load %arg5[%parallel_loop3A_1695] {strides = array<i32>} : memref<48000xf32, #tpu.memory_space<vmem>>, vector<16xf32>,
      %parallel_loop3A_1697 = math.absf %parallel_loop3A_1696 : vector<16xf32>
      %parallel_loop3A_1698 = arith.maximumf %parallel_loop3A_1692, %parallel_loop3A_1697 : vector<16xf32>
      scf.yield %parallel_loop3A_1698 : vector<16xf32>
    } {sc.loop_unroll_factor = 8 : i64, sc.parallel_access}
    %sort3A = arith.constant dense<true> : vector<16xi1>
    %sort3A_827, %sort3A_828, %sort3A_829 = tpu.sort %parallel_loop3A_826, %parallel_loop3A_826 masked %sort3A : (vector<16xf32>, vector<16xf32>, vector<16xi1>) -> (vector<16xi1>, vector<16xf32>, vector<16xf32>)
    %slice3A_830 = vector.extract_strided_slice %sort3A_828 {offsets = [15], sizes = [1], strides = [1]} : vector<16xf32> to vector<1xf32>
    %squeeze3A_831 = vector.extract %slice3A_830[0] : f32 from vector<1xf32>
    %broadcast_in_dim3A_832 = vector.broadcast %squeeze3A_831 : f32 to vector<16xf32>
    %div3A = arith.constant 1.000000e+00 : f32
    %div3A_833 = vector.broadcast %div3A : f32 to vector<16xf32>
    %div3A_834 = arith.divf %div3A_833, %broadcast_in_dim3A_832 : vector<16xf32>
    %parallel_loop3A_835 = arith.constant 0 : i32
    %parallel_loop3A_836 = arith.constant 1064 : i32
    %parallel_loop3A_837 = arith.constant 1 : i32
    scf.for %parallel_loop3A_1691 = %parallel_loop3A_835 to %parallel_loop3A_836 step %parallel_loop3A_837  : i32 {
      %parallel_loop3A_1692 = arith.constant 16 : i32
      %parallel_loop3A_1693 = arith.muli %parallel_loop3A_1691, %parallel_loop3A_1692 : i32
      %parallel_loop3A_1694 = arith.index_cast %parallel_loop3A_1693 : i32 to index
      %parallel_loop3A_1695 = tpu.vector_load %arg5[%parallel_loop3A_1694] {strides = array<i32>} : memref<48000xf32, #tpu.memory_space<vmem>>, vector<16xf32>,
      %parallel_loop3A_1696 = arith.mulf %parallel_loop3A_1695, %div3A_834 : vector<16xf32>
      %parallel_loop3A_1697 = arith.constant 16 : i32
      %parallel_loop3A_1698 = arith.muli %parallel_loop3A_1691, %parallel_loop3A_1697 : i32
      %parallel_loop3A_1699 = arith.index_cast %parallel_loop3A_1698 : i32 to index
      %parallel_loop3A_1700 = tpu.vector_load %arg5[%parallel_loop3A_1699] {strides = array<i32>} : memref<48000xf32, #tpu.memory_space<vmem>>, vector<16xf32>,
      tpu.vector_store %arg5[%parallel_loop3A_1699], %parallel_loop3A_1696 {strides = array<i32>} : memref<48000xf32, #tpu.memory_space<vmem>>, vector<16xf32>,
    } {sc.loop_unroll_factor = 8 : i64, sc.parallel_access}
    "tpu.region"() ({
      %run_scoped3A = tpu.sem_alloc : memref<!tpu.dma_semaphore, #tpu.memory_space<semaphore_mem>>
      %dma_start3A = arith.constant 0 : i32
      %dma_start3A_1691 = tpu.memref_slice %arg3[%add3A_9, %dma_start3A] : memref<64x48000xf32, #tpu.memory_space<hbm>> -> memref<1x48000xf32, #tpu.memory_space<hbm>>
      %dma_start3A_1692 = tpu.memref_squeeze %dma_start3A_1691 : memref<1x48000xf32, #tpu.memory_space<hbm>> -> memref<48000xf32, #tpu.memory_space<hbm>>
      %dma_start3A_1693 = arith.constant 0 : i32
      %dma_start3A_1694 = tpu.memref_slice %arg3[%add3A_9, %dma_start3A_1693] : memref<64x48000xf32, #tpu.memory_space<hbm>> -> memref<1x48000xf32, #tpu.memory_space<hbm>>
      %dma_start3A_1695 = tpu.memref_squeeze %dma_start3A_1694 : memref<1x48000xf32, #tpu.memory_space<hbm>> -> memref<48000xf32, #tpu.memory_space<hbm>>
      tpu.enqueue_dma source(%arg5 : memref<48000xf32, #tpu.memory_space<vmem>>) target(%dma_start3A_1695 : memref<48000xf32, #tpu.memory_space<hbm>>) target_semaphore(%run_scoped3A : memref<!tpu.dma_semaphore, #tpu.memory_space<semaphore_mem>>)
      %dma_wait3A = arith.constant 0 : i32
      %dma_wait3A_1696 = tpu.memref_slice %arg3[%add3A_9, %dma_wait3A] : memref<64x48000xf32, #tpu.memory_space<hbm>> -> memref<1x48000xf32, #tpu.memory_space<hbm>>
      %dma_wait3A_1697 = tpu.memref_squeeze %dma_wait3A_1696 : memref<1x48000xf32, #tpu.memory_space<hbm>> -> memref<48000xf32, #tpu.memory_space<hbm>>
      %dma_wait3A_1698 = arith.constant 0 : i32
      %dma_wait3A_1699 = tpu.memref_slice %arg3[%add3A_9, %dma_wait3A_1698] : memref<64x48000xf32, #tpu.memory_space<hbm>> -> memref<1x48000xf32, #tpu.memory_space<hbm>>
      %dma_wait3A_1700 = tpu.memref_squeeze %dma_wait3A_1699 : memref<1x48000xf32, #tpu.memory_space<hbm>> -> memref<48000xf32, #tpu.memory_space<hbm>>
      tpu.wait_dma2 semaphore(%run_scoped3A : memref<!tpu.dma_semaphore, #tpu.memory_space<semaphore_mem>>) src(%arg5 : memref<48000xf32, #tpu.memory_space<vmem>>) dst(%dma_wait3A_1700 : memref<48000xf32, #tpu.memory_space<hbm>>)
      tpu.yield
    }) : () -> ()
    %parallel_loop3A_838 = arith.constant 0 : i32
    %parallel_loop3A_839 = arith.constant 1064 : i32
    %parallel_loop3A_840 = arith.constant 1 : i32
    scf.for %parallel_loop3A_1691 = %parallel_loop3A_838 to %parallel_loop3A_839 step %parallel_loop3A_840  : i32 {
      %parallel_loop3A_1692 = arith.constant 16 : i32
      %parallel_loop3A_1693 = arith.muli %parallel_loop3A_1691, %parallel_loop3A_1692 : i32
      %parallel_loop3A_1694 = arith.index_cast %parallel_loop3A_1693 : i32 to index
      %parallel_loop3A_1695 = tpu.vector_load %arg5[%parallel_loop3A_1694] {strides = array<i32>} : memref<48000xf32, #tpu.memory_space<vmem>>, vector<16xf32>,
      tpu.vector_store %arg5[%parallel_loop3A_1694], %broadcast_in_dim3A_1 {strides = array<i32>} : memref<48000xf32, #tpu.memory_space<vmem>>, vector<16xf32>,
    } {sc.loop_unroll_factor = 8 : i64, sc.parallel_access}
    %mul3A_841 = arith.constant 2 : i32
    %mul3A_842 = arith.muli %add3A, %mul3A_841 : i32
    %add3A_843 = arith.constant 1 : i32
    %add3A_844 = arith.addi %mul3A_842, %add3A_843 : i32
    %mul3A_845 = arith.constant 200 : i32
    %mul3A_846 = arith.muli %add3A_844, %mul3A_845 : i32
    "tpu.region"() ({
      %run_scoped3A = tpu.sem_alloc : memref<!tpu.dma_semaphore, #tpu.memory_space<semaphore_mem>>
      %dma_start3A = arith.constant 0 : i32
      %dma_start3A_1691 = tpu.memref_slice %arg6[%dma_start3A] : memref<208xf32, #tpu.memory_space<vmem>> -> memref<200xf32, #tpu.memory_space<vmem>>
      %dma_start3A_1692 = tpu.memref_slice %arg2[%mul3A_846] : memref<58880xf32, #tpu.memory_space<hbm>> -> memref<200xf32, #tpu.memory_space<hbm>>
      %dma_start3A_1693 = arith.constant 0 : i32
      %dma_start3A_1694 = tpu.memref_slice %arg6[%dma_start3A_1693] : memref<208xf32, #tpu.memory_space<vmem>> -> memref<200xf32, #tpu.memory_space<vmem>>
      %dma_start3A_1695 = tpu.memref_slice %arg2[%mul3A_846] : memref<58880xf32, #tpu.memory_space<hbm>> -> memref<200xf32, #tpu.memory_space<hbm>>
      tpu.enqueue_dma source(%dma_start3A_1695 : memref<200xf32, #tpu.memory_space<hbm>>) target(%dma_start3A_1694 : memref<200xf32, #tpu.memory_space<vmem>>) target_semaphore(%run_scoped3A : memref<!tpu.dma_semaphore, #tpu.memory_space<semaphore_mem>>)
      %dma_wait3A = arith.constant 0 : i32
      %dma_wait3A_1696 = tpu.memref_slice %arg6[%dma_wait3A] : memref<208xf32, #tpu.memory_space<vmem>> -> memref<200xf32, #tpu.memory_space<vmem>>
      %dma_wait3A_1697 = tpu.memref_slice %arg2[%mul3A_846] : memref<58880xf32, #tpu.memory_space<hbm>> -> memref<200xf32, #tpu.memory_space<hbm>>
      %dma_wait3A_1698 = arith.constant 0 : i32
      %dma_wait3A_1699 = tpu.memref_slice %arg6[%dma_wait3A_1698] : memref<208xf32, #tpu.memory_space<vmem>> -> memref<200xf32, #tpu.memory_space<vmem>>
      %dma_wait3A_1700 = tpu.memref_slice %arg2[%mul3A_846] : memref<58880xf32, #tpu.memory_space<hbm>> -> memref<200xf32, #tpu.memory_space<hbm>>
      tpu.wait_dma2 semaphore(%run_scoped3A : memref<!tpu.dma_semaphore, #tpu.memory_space<semaphore_mem>>) src(%dma_wait3A_1700 : memref<200xf32, #tpu.memory_space<hbm>>) dst(%dma_wait3A_1699 : memref<200xf32, #tpu.memory_space<vmem>>)
      tpu.yield
    }) : () -> ()
    %add3A_847 = arith.constant 12800 : i32
    %add3A_848 = arith.addi %add3A_847, %mul3A_846 : i32
    "tpu.region"() ({
      %run_scoped3A = tpu.sem_alloc : memref<!tpu.dma_semaphore, #tpu.memory_space<semaphore_mem>>
      %dma_start3A = arith.constant 0 : i32
      %dma_start3A_1691 = tpu.memref_slice %arg7[%dma_start3A] : memref<208xf32, #tpu.memory_space<vmem>> -> memref<200xf32, #tpu.memory_space<vmem>>
      %dma_start3A_1692 = tpu.memref_slice %arg2[%add3A_848] : memref<58880xf32, #tpu.memory_space<hbm>> -> memref<200xf32, #tpu.memory_space<hbm>>
      %dma_start3A_1693 = arith.constant 0 : i32
      %dma_start3A_1694 = tpu.memref_slice %arg7[%dma_start3A_1693] : memref<208xf32, #tpu.memory_space<vmem>> -> memref<200xf32, #tpu.memory_space<vmem>>
      %dma_start3A_1695 = tpu.memref_slice %arg2[%add3A_848] : memref<58880xf32, #tpu.memory_space<hbm>> -> memref<200xf32, #tpu.memory_space<hbm>>
      tpu.enqueue_dma source(%dma_start3A_1695 : memref<200xf32, #tpu.memory_space<hbm>>) target(%dma_start3A_1694 : memref<200xf32, #tpu.memory_space<vmem>>) target_semaphore(%run_scoped3A : memref<!tpu.dma_semaphore, #tpu.memory_space<semaphore_mem>>)
      %dma_wait3A = arith.constant 0 : i32
      %dma_wait3A_1696 = tpu.memref_slice %arg7[%dma_wait3A] : memref<208xf32, #tpu.memory_space<vmem>> -> memref<200xf32, #tpu.memory_space<vmem>>
      %dma_wait3A_1697 = tpu.memref_slice %arg2[%add3A_848] : memref<58880xf32, #tpu.memory_space<hbm>> -> memref<200xf32, #tpu.memory_space<hbm>>
      %dma_wait3A_1698 = arith.constant 0 : i32
      %dma_wait3A_1699 = tpu.memref_slice %arg7[%dma_wait3A_1698] : memref<208xf32, #tpu.memory_space<vmem>> -> memref<200xf32, #tpu.memory_space<vmem>>
      %dma_wait3A_1700 = tpu.memref_slice %arg2[%add3A_848] : memref<58880xf32, #tpu.memory_space<hbm>> -> memref<200xf32, #tpu.memory_space<hbm>>
      tpu.wait_dma2 semaphore(%run_scoped3A : memref<!tpu.dma_semaphore, #tpu.memory_space<semaphore_mem>>) src(%dma_wait3A_1700 : memref<200xf32, #tpu.memory_space<hbm>>) dst(%dma_wait3A_1699 : memref<200xf32, #tpu.memory_space<vmem>>)
      tpu.yield
    }) : () -> ()
    %add3A_849 = arith.constant 25600 : i32
    %add3A_850 = arith.addi %add3A_849, %mul3A_846 : i32
    "tpu.region"() ({
      %run_scoped3A = tpu.sem_alloc : memref<!tpu.dma_semaphore, #tpu.memory_space<semaphore_mem>>
      %dma_start3A = arith.constant 0 : i32
      %dma_start3A_1691 = tpu.memref_slice %arg8[%dma_start3A] : memref<208xf32, #tpu.memory_space<vmem>> -> memref<200xf32, #tpu.memory_space<vmem>>
      %dma_start3A_1692 = tpu.memref_slice %arg2[%add3A_850] : memref<58880xf32, #tpu.memory_space<hbm>> -> memref<200xf32, #tpu.memory_space<hbm>>
      %dma_start3A_1693 = arith.constant 0 : i32
      %dma_start3A_1694 = tpu.memref_slice %arg8[%dma_start3A_1693] : memref<208xf32, #tpu.memory_space<vmem>> -> memref<200xf32, #tpu.memory_space<vmem>>
      %dma_start3A_1695 = tpu.memref_slice %arg2[%add3A_850] : memref<58880xf32, #tpu.memory_space<hbm>> -> memref<200xf32, #tpu.memory_space<hbm>>
      tpu.enqueue_dma source(%dma_start3A_1695 : memref<200xf32, #tpu.memory_space<hbm>>) target(%dma_start3A_1694 : memref<200xf32, #tpu.memory_space<vmem>>) target_semaphore(%run_scoped3A : memref<!tpu.dma_semaphore, #tpu.memory_space<semaphore_mem>>)
      %dma_wait3A = arith.constant 0 : i32
      %dma_wait3A_1696 = tpu.memref_slice %arg8[%dma_wait3A] : memref<208xf32, #tpu.memory_space<vmem>> -> memref<200xf32, #tpu.memory_space<vmem>>
      %dma_wait3A_1697 = tpu.memref_slice %arg2[%add3A_850] : memref<58880xf32, #tpu.memory_space<hbm>> -> memref<200xf32, #tpu.memory_space<hbm>>
      %dma_wait3A_1698 = arith.constant 0 : i32
      %dma_wait3A_1699 = tpu.memref_slice %arg8[%dma_wait3A_1698] : memref<208xf32, #tpu.memory_space<vmem>> -> memref<200xf32, #tpu.memory_space<vmem>>
      %dma_wait3A_1700 = tpu.memref_slice %arg2[%add3A_850] : memref<58880xf32, #tpu.memory_space<hbm>> -> memref<200xf32, #tpu.memory_space<hbm>>
      tpu.wait_dma2 semaphore(%run_scoped3A : memref<!tpu.dma_semaphore, #tpu.memory_space<semaphore_mem>>) src(%dma_wait3A_1700 : memref<200xf32, #tpu.memory_space<hbm>>) dst(%dma_wait3A_1699 : memref<200xf32, #tpu.memory_space<vmem>>)
      tpu.yield
    }) : () -> ()
    %swap3A_851 = arith.constant 0 : index
    %swap3A_852 = tpu.vector_load %arg11[%swap3A_851] {strides = array<i32>} : memref<32xi32, #tpu.memory_space<vmem>>, vector<16xi32>,
    tpu.vector_store %arg11[%swap3A_851], %broadcast_in_dim3A_3 {strides = array<i32>} : memref<32xi32, #tpu.memory_space<vmem>>, vector<16xi32>,
    %swap3A_853 = arith.constant 0 : index
    %swap3A_854 = tpu.vector_load %arg12[%swap3A_853] {strides = array<i32>} : memref<32xi32, #tpu.memory_space<vmem>>, vector<16xi32>,
    tpu.vector_store %arg12[%swap3A_853], %broadcast_in_dim3A_3 {strides = array<i32>} : memref<32xi32, #tpu.memory_space<vmem>>, vector<16xi32>,
    %swap3A_855 = arith.constant 16 : index
    %swap3A_856 = tpu.vector_load %arg11[%swap3A_855] {strides = array<i32>} : memref<32xi32, #tpu.memory_space<vmem>>, vector<16xi32>,
    tpu.vector_store %arg11[%swap3A_855], %broadcast_in_dim3A_3 {strides = array<i32>} : memref<32xi32, #tpu.memory_space<vmem>>, vector<16xi32>,
    %swap3A_857 = arith.constant 16 : index
    %swap3A_858 = tpu.vector_load %arg12[%swap3A_857] {strides = array<i32>} : memref<32xi32, #tpu.memory_space<vmem>>, vector<16xi32>,
    tpu.vector_store %arg12[%swap3A_857], %broadcast_in_dim3A_3 {strides = array<i32>} : memref<32xi32, #tpu.memory_space<vmem>>, vector<16xi32>,
    %get3A_859 = arith.constant 0 : index
    %get3A_860 = tpu.vector_load %arg6[%get3A_859] {strides = array<i32>} : memref<208xf32, #tpu.memory_space<vmem>>, vector<16xf32>,
    %get3A_861 = arith.constant 0 : index
    %get3A_862 = tpu.vector_load %arg7[%get3A_861] {strides = array<i32>} : memref<208xf32, #tpu.memory_space<vmem>>, vector<16xf32>,
    %get3A_863 = arith.constant 0 : index
    %get3A_864 = tpu.vector_load %arg8[%get3A_863] {strides = array<i32>} : memref<208xf32, #tpu.memory_space<vmem>>, vector<16xf32>,
    %convert_element_type3A_865 = arith.fptosi %get3A_864 : vector<16xf32> to vector<16xi32>
    %jit3A_866 = arith.constant 0 : i32
    %jit3A_867 = arith.constant 19 : i32
    %max3A_868 = vector.broadcast %jit3A_866 : i32 to vector<16xi32>
    %max3A_869 = arith.maxsi %max3A_868, %convert_element_type3A_865 : vector<16xi32>
    %min3A_870 = vector.broadcast %jit3A_867 : i32 to vector<16xi32>
    %min3A_871 = arith.minsi %min3A_870, %max3A_869 : vector<16xi32>
    %gt3A_872 = arith.constant 0.000000e+00 : f32
    %gt3A_873 = vector.broadcast %gt3A_872 : f32 to vector<16xf32>
    %gt3A_874 = arith.cmpf ogt, %get3A_862, %gt3A_873 : vector<16xf32>
    %gt3A_875 = arith.constant 0.000000e+00 : f32
    %gt3A_876 = vector.broadcast %gt3A_875 : f32 to vector<16xf32>
    %gt3A_877 = arith.cmpf ogt, %get3A_860, %gt3A_876 : vector<16xf32>
    %and3A_878 = arith.andi %gt3A_874, %gt3A_877 : vector<16xi1>
    %unique3A_879, %unique3A_880 = tpu.scan_count mask(%and3A_878 : vector<16xi1>) value(%min3A_871 : vector<16xi32>) : vector<16xi1>, vector<16xi32>
    %gather3A_881 = tpu.vector_load_idx %arg11[%min3A_871] : memref<32xi32, #tpu.memory_space<vmem>>[vector<16xi32>], vector<16xi32>,
    %add3A_882 = arith.addi %gather3A_881, %unique3A_880 : vector<16xi32>
    %and3A_883 = arith.andi %unique3A_879, %and3A_878 : vector<16xi1>
    tpu.vector_store_idx %arg11[%min3A_871], %add3A_882 masked %and3A_883 : memref<32xi32, #tpu.memory_space<vmem>>[vector<16xi32>], vector<16xi32>, vector<16xi1>
    %get3A_884 = arith.constant 16 : index
    %get3A_885 = tpu.vector_load %arg6[%get3A_884] {strides = array<i32>} : memref<208xf32, #tpu.memory_space<vmem>>, vector<16xf32>,
    %get3A_886 = arith.constant 16 : index
    %get3A_887 = tpu.vector_load %arg7[%get3A_886] {strides = array<i32>} : memref<208xf32, #tpu.memory_space<vmem>>, vector<16xf32>,
    %get3A_888 = arith.constant 16 : index
    %get3A_889 = tpu.vector_load %arg8[%get3A_888] {strides = array<i32>} : memref<208xf32, #tpu.memory_space<vmem>>, vector<16xf32>,
    %convert_element_type3A_890 = arith.fptosi %get3A_889 : vector<16xf32> to vector<16xi32>
    %jit3A_891 = arith.constant 0 : i32
    %jit3A_892 = arith.constant 19 : i32
    %max3A_893 = vector.broadcast %jit3A_891 : i32 to vector<16xi32>
    %max3A_894 = arith.maxsi %max3A_893, %convert_element_type3A_890 : vector<16xi32>
    %min3A_895 = vector.broadcast %jit3A_892 : i32 to vector<16xi32>
    %min3A_896 = arith.minsi %min3A_895, %max3A_894 : vector<16xi32>
    %gt3A_897 = arith.constant 0.000000e+00 : f32
    %gt3A_898 = vector.broadcast %gt3A_897 : f32 to vector<16xf32>
    %gt3A_899 = arith.cmpf ogt, %get3A_887, %gt3A_898 : vector<16xf32>
    %gt3A_900 = arith.constant 0.000000e+00 : f32
    %gt3A_901 = vector.broadcast %gt3A_900 : f32 to vector<16xf32>
    %gt3A_902 = arith.cmpf ogt, %get3A_885, %gt3A_901 : vector<16xf32>
    %and3A_903 = arith.andi %gt3A_899, %gt3A_902 : vector<16xi1>
    %unique3A_904, %unique3A_905 = tpu.scan_count mask(%and3A_903 : vector<16xi1>) value(%min3A_896 : vector<16xi32>) : vector<16xi1>, vector<16xi32>
    %gather3A_906 = tpu.vector_load_idx %arg11[%min3A_896] : memref<32xi32, #tpu.memory_space<vmem>>[vector<16xi32>], vector<16xi32>,
    %add3A_907 = arith.addi %gather3A_906, %unique3A_905 : vector<16xi32>
    %and3A_908 = arith.andi %unique3A_904, %and3A_903 : vector<16xi1>
    tpu.vector_store_idx %arg11[%min3A_896], %add3A_907 masked %and3A_908 : memref<32xi32, #tpu.memory_space<vmem>>[vector<16xi32>], vector<16xi32>, vector<16xi1>
    %get3A_909 = arith.constant 32 : index
    %get3A_910 = tpu.vector_load %arg6[%get3A_909] {strides = array<i32>} : memref<208xf32, #tpu.memory_space<vmem>>, vector<16xf32>,
    %get3A_911 = arith.constant 32 : index
    %get3A_912 = tpu.vector_load %arg7[%get3A_911] {strides = array<i32>} : memref<208xf32, #tpu.memory_space<vmem>>, vector<16xf32>,
    %get3A_913 = arith.constant 32 : index
    %get3A_914 = tpu.vector_load %arg8[%get3A_913] {strides = array<i32>} : memref<208xf32, #tpu.memory_space<vmem>>, vector<16xf32>,
    %convert_element_type3A_915 = arith.fptosi %get3A_914 : vector<16xf32> to vector<16xi32>
    %jit3A_916 = arith.constant 0 : i32
    %jit3A_917 = arith.constant 19 : i32
    %max3A_918 = vector.broadcast %jit3A_916 : i32 to vector<16xi32>
    %max3A_919 = arith.maxsi %max3A_918, %convert_element_type3A_915 : vector<16xi32>
    %min3A_920 = vector.broadcast %jit3A_917 : i32 to vector<16xi32>
    %min3A_921 = arith.minsi %min3A_920, %max3A_919 : vector<16xi32>
    %gt3A_922 = arith.constant 0.000000e+00 : f32
    %gt3A_923 = vector.broadcast %gt3A_922 : f32 to vector<16xf32>
    %gt3A_924 = arith.cmpf ogt, %get3A_912, %gt3A_923 : vector<16xf32>
    %gt3A_925 = arith.constant 0.000000e+00 : f32
    %gt3A_926 = vector.broadcast %gt3A_925 : f32 to vector<16xf32>
    %gt3A_927 = arith.cmpf ogt, %get3A_910, %gt3A_926 : vector<16xf32>
    %and3A_928 = arith.andi %gt3A_924, %gt3A_927 : vector<16xi1>
    %unique3A_929, %unique3A_930 = tpu.scan_count mask(%and3A_928 : vector<16xi1>) value(%min3A_921 : vector<16xi32>) : vector<16xi1>, vector<16xi32>
    %gather3A_931 = tpu.vector_load_idx %arg11[%min3A_921] : memref<32xi32, #tpu.memory_space<vmem>>[vector<16xi32>], vector<16xi32>,
    %add3A_932 = arith.addi %gather3A_931, %unique3A_930 : vector<16xi32>
    %and3A_933 = arith.andi %unique3A_929, %and3A_928 : vector<16xi1>
    tpu.vector_store_idx %arg11[%min3A_921], %add3A_932 masked %and3A_933 : memref<32xi32, #tpu.memory_space<vmem>>[vector<16xi32>], vector<16xi32>, vector<16xi1>
    %get3A_934 = arith.constant 48 : index
    %get3A_935 = tpu.vector_load %arg6[%get3A_934] {strides = array<i32>} : memref<208xf32, #tpu.memory_space<vmem>>, vector<16xf32>,
    %get3A_936 = arith.constant 48 : index
    %get3A_937 = tpu.vector_load %arg7[%get3A_936] {strides = array<i32>} : memref<208xf32, #tpu.memory_space<vmem>>, vector<16xf32>,
    %get3A_938 = arith.constant 48 : index
    %get3A_939 = tpu.vector_load %arg8[%get3A_938] {strides = array<i32>} : memref<208xf32, #tpu.memory_space<vmem>>, vector<16xf32>,
    %convert_element_type3A_940 = arith.fptosi %get3A_939 : vector<16xf32> to vector<16xi32>
    %jit3A_941 = arith.constant 0 : i32
    %jit3A_942 = arith.constant 19 : i32
    %max3A_943 = vector.broadcast %jit3A_941 : i32 to vector<16xi32>
    %max3A_944 = arith.maxsi %max3A_943, %convert_element_type3A_940 : vector<16xi32>
    %min3A_945 = vector.broadcast %jit3A_942 : i32 to vector<16xi32>
    %min3A_946 = arith.minsi %min3A_945, %max3A_944 : vector<16xi32>
    %gt3A_947 = arith.constant 0.000000e+00 : f32
    %gt3A_948 = vector.broadcast %gt3A_947 : f32 to vector<16xf32>
    %gt3A_949 = arith.cmpf ogt, %get3A_937, %gt3A_948 : vector<16xf32>
    %gt3A_950 = arith.constant 0.000000e+00 : f32
    %gt3A_951 = vector.broadcast %gt3A_950 : f32 to vector<16xf32>
    %gt3A_952 = arith.cmpf ogt, %get3A_935, %gt3A_951 : vector<16xf32>
    %and3A_953 = arith.andi %gt3A_949, %gt3A_952 : vector<16xi1>
    %unique3A_954, %unique3A_955 = tpu.scan_count mask(%and3A_953 : vector<16xi1>) value(%min3A_946 : vector<16xi32>) : vector<16xi1>, vector<16xi32>
    %gather3A_956 = tpu.vector_load_idx %arg11[%min3A_946] : memref<32xi32, #tpu.memory_space<vmem>>[vector<16xi32>], vector<16xi32>,
    %add3A_957 = arith.addi %gather3A_956, %unique3A_955 : vector<16xi32>
    %and3A_958 = arith.andi %unique3A_954, %and3A_953 : vector<16xi1>
    tpu.vector_store_idx %arg11[%min3A_946], %add3A_957 masked %and3A_958 : memref<32xi32, #tpu.memory_space<vmem>>[vector<16xi32>], vector<16xi32>, vector<16xi1>
    %get3A_959 = arith.constant 64 : index
    %get3A_960 = tpu.vector_load %arg6[%get3A_959] {strides = array<i32>} : memref<208xf32, #tpu.memory_space<vmem>>, vector<16xf32>,
    %get3A_961 = arith.constant 64 : index
    %get3A_962 = tpu.vector_load %arg7[%get3A_961] {strides = array<i32>} : memref<208xf32, #tpu.memory_space<vmem>>, vector<16xf32>,
    %get3A_963 = arith.constant 64 : index
    %get3A_964 = tpu.vector_load %arg8[%get3A_963] {strides = array<i32>} : memref<208xf32, #tpu.memory_space<vmem>>, vector<16xf32>,
    %convert_element_type3A_965 = arith.fptosi %get3A_964 : vector<16xf32> to vector<16xi32>
    %jit3A_966 = arith.constant 0 : i32
    %jit3A_967 = arith.constant 19 : i32
    %max3A_968 = vector.broadcast %jit3A_966 : i32 to vector<16xi32>
    %max3A_969 = arith.maxsi %max3A_968, %convert_element_type3A_965 : vector<16xi32>
    %min3A_970 = vector.broadcast %jit3A_967 : i32 to vector<16xi32>
    %min3A_971 = arith.minsi %min3A_970, %max3A_969 : vector<16xi32>
    %gt3A_972 = arith.constant 0.000000e+00 : f32
    %gt3A_973 = vector.broadcast %gt3A_972 : f32 to vector<16xf32>
    %gt3A_974 = arith.cmpf ogt, %get3A_962, %gt3A_973 : vector<16xf32>
    %gt3A_975 = arith.constant 0.000000e+00 : f32
    %gt3A_976 = vector.broadcast %gt3A_975 : f32 to vector<16xf32>
    %gt3A_977 = arith.cmpf ogt, %get3A_960, %gt3A_976 : vector<16xf32>
    %and3A_978 = arith.andi %gt3A_974, %gt3A_977 : vector<16xi1>
    %unique3A_979, %unique3A_980 = tpu.scan_count mask(%and3A_978 : vector<16xi1>) value(%min3A_971 : vector<16xi32>) : vector<16xi1>, vector<16xi32>
    %gather3A_981 = tpu.vector_load_idx %arg11[%min3A_971] : memref<32xi32, #tpu.memory_space<vmem>>[vector<16xi32>], vector<16xi32>,
    %add3A_982 = arith.addi %gather3A_981, %unique3A_980 : vector<16xi32>
    %and3A_983 = arith.andi %unique3A_979, %and3A_978 : vector<16xi1>
    tpu.vector_store_idx %arg11[%min3A_971], %add3A_982 masked %and3A_983 : memref<32xi32, #tpu.memory_space<vmem>>[vector<16xi32>], vector<16xi32>, vector<16xi1>
    %get3A_984 = arith.constant 80 : index
    %get3A_985 = tpu.vector_load %arg6[%get3A_984] {strides = array<i32>} : memref<208xf32, #tpu.memory_space<vmem>>, vector<16xf32>,
    %get3A_986 = arith.constant 80 : index
    %get3A_987 = tpu.vector_load %arg7[%get3A_986] {strides = array<i32>} : memref<208xf32, #tpu.memory_space<vmem>>, vector<16xf32>,
    %get3A_988 = arith.constant 80 : index
    %get3A_989 = tpu.vector_load %arg8[%get3A_988] {strides = array<i32>} : memref<208xf32, #tpu.memory_space<vmem>>, vector<16xf32>,
    %convert_element_type3A_990 = arith.fptosi %get3A_989 : vector<16xf32> to vector<16xi32>
    %jit3A_991 = arith.constant 0 : i32
    %jit3A_992 = arith.constant 19 : i32
    %max3A_993 = vector.broadcast %jit3A_991 : i32 to vector<16xi32>
    %max3A_994 = arith.maxsi %max3A_993, %convert_element_type3A_990 : vector<16xi32>
    %min3A_995 = vector.broadcast %jit3A_992 : i32 to vector<16xi32>
    %min3A_996 = arith.minsi %min3A_995, %max3A_994 : vector<16xi32>
    %gt3A_997 = arith.constant 0.000000e+00 : f32
    %gt3A_998 = vector.broadcast %gt3A_997 : f32 to vector<16xf32>
    %gt3A_999 = arith.cmpf ogt, %get3A_987, %gt3A_998 : vector<16xf32>
    %gt3A_1000 = arith.constant 0.000000e+00 : f32
    %gt3A_1001 = vector.broadcast %gt3A_1000 : f32 to vector<16xf32>
    %gt3A_1002 = arith.cmpf ogt, %get3A_985, %gt3A_1001 : vector<16xf32>
    %and3A_1003 = arith.andi %gt3A_999, %gt3A_1002 : vector<16xi1>
    %unique3A_1004, %unique3A_1005 = tpu.scan_count mask(%and3A_1003 : vector<16xi1>) value(%min3A_996 : vector<16xi32>) : vector<16xi1>, vector<16xi32>
    %gather3A_1006 = tpu.vector_load_idx %arg11[%min3A_996] : memref<32xi32, #tpu.memory_space<vmem>>[vector<16xi32>], vector<16xi32>,
    %add3A_1007 = arith.addi %gather3A_1006, %unique3A_1005 : vector<16xi32>
    %and3A_1008 = arith.andi %unique3A_1004, %and3A_1003 : vector<16xi1>
    tpu.vector_store_idx %arg11[%min3A_996], %add3A_1007 masked %and3A_1008 : memref<32xi32, #tpu.memory_space<vmem>>[vector<16xi32>], vector<16xi32>, vector<16xi1>
    %get3A_1009 = arith.constant 96 : index
    %get3A_1010 = tpu.vector_load %arg6[%get3A_1009] {strides = array<i32>} : memref<208xf32, #tpu.memory_space<vmem>>, vector<16xf32>,
    %get3A_1011 = arith.constant 96 : index
    %get3A_1012 = tpu.vector_load %arg7[%get3A_1011] {strides = array<i32>} : memref<208xf32, #tpu.memory_space<vmem>>, vector<16xf32>,
    %get3A_1013 = arith.constant 96 : index
    %get3A_1014 = tpu.vector_load %arg8[%get3A_1013] {strides = array<i32>} : memref<208xf32, #tpu.memory_space<vmem>>, vector<16xf32>,
    %convert_element_type3A_1015 = arith.fptosi %get3A_1014 : vector<16xf32> to vector<16xi32>
    %jit3A_1016 = arith.constant 0 : i32
    %jit3A_1017 = arith.constant 19 : i32
    %max3A_1018 = vector.broadcast %jit3A_1016 : i32 to vector<16xi32>
    %max3A_1019 = arith.maxsi %max3A_1018, %convert_element_type3A_1015 : vector<16xi32>
    %min3A_1020 = vector.broadcast %jit3A_1017 : i32 to vector<16xi32>
    %min3A_1021 = arith.minsi %min3A_1020, %max3A_1019 : vector<16xi32>
    %gt3A_1022 = arith.constant 0.000000e+00 : f32
    %gt3A_1023 = vector.broadcast %gt3A_1022 : f32 to vector<16xf32>
    %gt3A_1024 = arith.cmpf ogt, %get3A_1012, %gt3A_1023 : vector<16xf32>
    %gt3A_1025 = arith.constant 0.000000e+00 : f32
    %gt3A_1026 = vector.broadcast %gt3A_1025 : f32 to vector<16xf32>
    %gt3A_1027 = arith.cmpf ogt, %get3A_1010, %gt3A_1026 : vector<16xf32>
    %and3A_1028 = arith.andi %gt3A_1024, %gt3A_1027 : vector<16xi1>
    %unique3A_1029, %unique3A_1030 = tpu.scan_count mask(%and3A_1028 : vector<16xi1>) value(%min3A_1021 : vector<16xi32>) : vector<16xi1>, vector<16xi32>
    %gather3A_1031 = tpu.vector_load_idx %arg11[%min3A_1021] : memref<32xi32, #tpu.memory_space<vmem>>[vector<16xi32>], vector<16xi32>,
    %add3A_1032 = arith.addi %gather3A_1031, %unique3A_1030 : vector<16xi32>
    %and3A_1033 = arith.andi %unique3A_1029, %and3A_1028 : vector<16xi1>
    tpu.vector_store_idx %arg11[%min3A_1021], %add3A_1032 masked %and3A_1033 : memref<32xi32, #tpu.memory_space<vmem>>[vector<16xi32>], vector<16xi32>, vector<16xi1>
    %get3A_1034 = arith.constant 112 : index
    %get3A_1035 = tpu.vector_load %arg6[%get3A_1034] {strides = array<i32>} : memref<208xf32, #tpu.memory_space<vmem>>, vector<16xf32>,
    %get3A_1036 = arith.constant 112 : index
    %get3A_1037 = tpu.vector_load %arg7[%get3A_1036] {strides = array<i32>} : memref<208xf32, #tpu.memory_space<vmem>>, vector<16xf32>,
    %get3A_1038 = arith.constant 112 : index
    %get3A_1039 = tpu.vector_load %arg8[%get3A_1038] {strides = array<i32>} : memref<208xf32, #tpu.memory_space<vmem>>, vector<16xf32>,
    %convert_element_type3A_1040 = arith.fptosi %get3A_1039 : vector<16xf32> to vector<16xi32>
    %jit3A_1041 = arith.constant 0 : i32
    %jit3A_1042 = arith.constant 19 : i32
    %max3A_1043 = vector.broadcast %jit3A_1041 : i32 to vector<16xi32>
    %max3A_1044 = arith.maxsi %max3A_1043, %convert_element_type3A_1040 : vector<16xi32>
    %min3A_1045 = vector.broadcast %jit3A_1042 : i32 to vector<16xi32>
    %min3A_1046 = arith.minsi %min3A_1045, %max3A_1044 : vector<16xi32>
    %gt3A_1047 = arith.constant 0.000000e+00 : f32
    %gt3A_1048 = vector.broadcast %gt3A_1047 : f32 to vector<16xf32>
    %gt3A_1049 = arith.cmpf ogt, %get3A_1037, %gt3A_1048 : vector<16xf32>
    %gt3A_1050 = arith.constant 0.000000e+00 : f32
    %gt3A_1051 = vector.broadcast %gt3A_1050 : f32 to vector<16xf32>
    %gt3A_1052 = arith.cmpf ogt, %get3A_1035, %gt3A_1051 : vector<16xf32>
    %and3A_1053 = arith.andi %gt3A_1049, %gt3A_1052 : vector<16xi1>
    %unique3A_1054, %unique3A_1055 = tpu.scan_count mask(%and3A_1053 : vector<16xi1>) value(%min3A_1046 : vector<16xi32>) : vector<16xi1>, vector<16xi32>
    %gather3A_1056 = tpu.vector_load_idx %arg11[%min3A_1046] : memref<32xi32, #tpu.memory_space<vmem>>[vector<16xi32>], vector<16xi32>,
    %add3A_1057 = arith.addi %gather3A_1056, %unique3A_1055 : vector<16xi32>
    %and3A_1058 = arith.andi %unique3A_1054, %and3A_1053 : vector<16xi1>
    tpu.vector_store_idx %arg11[%min3A_1046], %add3A_1057 masked %and3A_1058 : memref<32xi32, #tpu.memory_space<vmem>>[vector<16xi32>], vector<16xi32>, vector<16xi1>
    %get3A_1059 = arith.constant 128 : index
    %get3A_1060 = tpu.vector_load %arg6[%get3A_1059] {strides = array<i32>} : memref<208xf32, #tpu.memory_space<vmem>>, vector<16xf32>,
    %get3A_1061 = arith.constant 128 : index
    %get3A_1062 = tpu.vector_load %arg7[%get3A_1061] {strides = array<i32>} : memref<208xf32, #tpu.memory_space<vmem>>, vector<16xf32>,
    %get3A_1063 = arith.constant 128 : index
    %get3A_1064 = tpu.vector_load %arg8[%get3A_1063] {strides = array<i32>} : memref<208xf32, #tpu.memory_space<vmem>>, vector<16xf32>,
    %convert_element_type3A_1065 = arith.fptosi %get3A_1064 : vector<16xf32> to vector<16xi32>
    %jit3A_1066 = arith.constant 0 : i32
    %jit3A_1067 = arith.constant 19 : i32
    %max3A_1068 = vector.broadcast %jit3A_1066 : i32 to vector<16xi32>
    %max3A_1069 = arith.maxsi %max3A_1068, %convert_element_type3A_1065 : vector<16xi32>
    %min3A_1070 = vector.broadcast %jit3A_1067 : i32 to vector<16xi32>
    %min3A_1071 = arith.minsi %min3A_1070, %max3A_1069 : vector<16xi32>
    %gt3A_1072 = arith.constant 0.000000e+00 : f32
    %gt3A_1073 = vector.broadcast %gt3A_1072 : f32 to vector<16xf32>
    %gt3A_1074 = arith.cmpf ogt, %get3A_1062, %gt3A_1073 : vector<16xf32>
    %gt3A_1075 = arith.constant 0.000000e+00 : f32
    %gt3A_1076 = vector.broadcast %gt3A_1075 : f32 to vector<16xf32>
    %gt3A_1077 = arith.cmpf ogt, %get3A_1060, %gt3A_1076 : vector<16xf32>
    %and3A_1078 = arith.andi %gt3A_1074, %gt3A_1077 : vector<16xi1>
    %unique3A_1079, %unique3A_1080 = tpu.scan_count mask(%and3A_1078 : vector<16xi1>) value(%min3A_1071 : vector<16xi32>) : vector<16xi1>, vector<16xi32>
    %gather3A_1081 = tpu.vector_load_idx %arg11[%min3A_1071] : memref<32xi32, #tpu.memory_space<vmem>>[vector<16xi32>], vector<16xi32>,
    %add3A_1082 = arith.addi %gather3A_1081, %unique3A_1080 : vector<16xi32>
    %and3A_1083 = arith.andi %unique3A_1079, %and3A_1078 : vector<16xi1>
    tpu.vector_store_idx %arg11[%min3A_1071], %add3A_1082 masked %and3A_1083 : memref<32xi32, #tpu.memory_space<vmem>>[vector<16xi32>], vector<16xi32>, vector<16xi1>
    %get3A_1084 = arith.constant 144 : index
    %get3A_1085 = tpu.vector_load %arg6[%get3A_1084] {strides = array<i32>} : memref<208xf32, #tpu.memory_space<vmem>>, vector<16xf32>,
    %get3A_1086 = arith.constant 144 : index
    %get3A_1087 = tpu.vector_load %arg7[%get3A_1086] {strides = array<i32>} : memref<208xf32, #tpu.memory_space<vmem>>, vector<16xf32>,
    %get3A_1088 = arith.constant 144 : index
    %get3A_1089 = tpu.vector_load %arg8[%get3A_1088] {strides = array<i32>} : memref<208xf32, #tpu.memory_space<vmem>>, vector<16xf32>,
    %convert_element_type3A_1090 = arith.fptosi %get3A_1089 : vector<16xf32> to vector<16xi32>
    %jit3A_1091 = arith.constant 0 : i32
    %jit3A_1092 = arith.constant 19 : i32
    %max3A_1093 = vector.broadcast %jit3A_1091 : i32 to vector<16xi32>
    %max3A_1094 = arith.maxsi %max3A_1093, %convert_element_type3A_1090 : vector<16xi32>
    %min3A_1095 = vector.broadcast %jit3A_1092 : i32 to vector<16xi32>
    %min3A_1096 = arith.minsi %min3A_1095, %max3A_1094 : vector<16xi32>
    %gt3A_1097 = arith.constant 0.000000e+00 : f32
    %gt3A_1098 = vector.broadcast %gt3A_1097 : f32 to vector<16xf32>
    %gt3A_1099 = arith.cmpf ogt, %get3A_1087, %gt3A_1098 : vector<16xf32>
    %gt3A_1100 = arith.constant 0.000000e+00 : f32
    %gt3A_1101 = vector.broadcast %gt3A_1100 : f32 to vector<16xf32>
    %gt3A_1102 = arith.cmpf ogt, %get3A_1085, %gt3A_1101 : vector<16xf32>
    %and3A_1103 = arith.andi %gt3A_1099, %gt3A_1102 : vector<16xi1>
    %unique3A_1104, %unique3A_1105 = tpu.scan_count mask(%and3A_1103 : vector<16xi1>) value(%min3A_1096 : vector<16xi32>) : vector<16xi1>, vector<16xi32>
    %gather3A_1106 = tpu.vector_load_idx %arg11[%min3A_1096] : memref<32xi32, #tpu.memory_space<vmem>>[vector<16xi32>], vector<16xi32>,
    %add3A_1107 = arith.addi %gather3A_1106, %unique3A_1105 : vector<16xi32>
    %and3A_1108 = arith.andi %unique3A_1104, %and3A_1103 : vector<16xi1>
    tpu.vector_store_idx %arg11[%min3A_1096], %add3A_1107 masked %and3A_1108 : memref<32xi32, #tpu.memory_space<vmem>>[vector<16xi32>], vector<16xi32>, vector<16xi1>
    %get3A_1109 = arith.constant 160 : index
    %get3A_1110 = tpu.vector_load %arg6[%get3A_1109] {strides = array<i32>} : memref<208xf32, #tpu.memory_space<vmem>>, vector<16xf32>,
    %get3A_1111 = arith.constant 160 : index
    %get3A_1112 = tpu.vector_load %arg7[%get3A_1111] {strides = array<i32>} : memref<208xf32, #tpu.memory_space<vmem>>, vector<16xf32>,
    %get3A_1113 = arith.constant 160 : index
    %get3A_1114 = tpu.vector_load %arg8[%get3A_1113] {strides = array<i32>} : memref<208xf32, #tpu.memory_space<vmem>>, vector<16xf32>,
    %convert_element_type3A_1115 = arith.fptosi %get3A_1114 : vector<16xf32> to vector<16xi32>
    %jit3A_1116 = arith.constant 0 : i32
    %jit3A_1117 = arith.constant 19 : i32
    %max3A_1118 = vector.broadcast %jit3A_1116 : i32 to vector<16xi32>
    %max3A_1119 = arith.maxsi %max3A_1118, %convert_element_type3A_1115 : vector<16xi32>
    %min3A_1120 = vector.broadcast %jit3A_1117 : i32 to vector<16xi32>
    %min3A_1121 = arith.minsi %min3A_1120, %max3A_1119 : vector<16xi32>
    %gt3A_1122 = arith.constant 0.000000e+00 : f32
    %gt3A_1123 = vector.broadcast %gt3A_1122 : f32 to vector<16xf32>
    %gt3A_1124 = arith.cmpf ogt, %get3A_1112, %gt3A_1123 : vector<16xf32>
    %gt3A_1125 = arith.constant 0.000000e+00 : f32
    %gt3A_1126 = vector.broadcast %gt3A_1125 : f32 to vector<16xf32>
    %gt3A_1127 = arith.cmpf ogt, %get3A_1110, %gt3A_1126 : vector<16xf32>
    %and3A_1128 = arith.andi %gt3A_1124, %gt3A_1127 : vector<16xi1>
    %unique3A_1129, %unique3A_1130 = tpu.scan_count mask(%and3A_1128 : vector<16xi1>) value(%min3A_1121 : vector<16xi32>) : vector<16xi1>, vector<16xi32>
    %gather3A_1131 = tpu.vector_load_idx %arg11[%min3A_1121] : memref<32xi32, #tpu.memory_space<vmem>>[vector<16xi32>], vector<16xi32>,
    %add3A_1132 = arith.addi %gather3A_1131, %unique3A_1130 : vector<16xi32>
    %and3A_1133 = arith.andi %unique3A_1129, %and3A_1128 : vector<16xi1>
    tpu.vector_store_idx %arg11[%min3A_1121], %add3A_1132 masked %and3A_1133 : memref<32xi32, #tpu.memory_space<vmem>>[vector<16xi32>], vector<16xi32>, vector<16xi1>
    %get3A_1134 = arith.constant 176 : index
    %get3A_1135 = tpu.vector_load %arg6[%get3A_1134] {strides = array<i32>} : memref<208xf32, #tpu.memory_space<vmem>>, vector<16xf32>,
    %get3A_1136 = arith.constant 176 : index
    %get3A_1137 = tpu.vector_load %arg7[%get3A_1136] {strides = array<i32>} : memref<208xf32, #tpu.memory_space<vmem>>, vector<16xf32>,
    %get3A_1138 = arith.constant 176 : index
    %get3A_1139 = tpu.vector_load %arg8[%get3A_1138] {strides = array<i32>} : memref<208xf32, #tpu.memory_space<vmem>>, vector<16xf32>,
    %convert_element_type3A_1140 = arith.fptosi %get3A_1139 : vector<16xf32> to vector<16xi32>
    %jit3A_1141 = arith.constant 0 : i32
    %jit3A_1142 = arith.constant 19 : i32
    %max3A_1143 = vector.broadcast %jit3A_1141 : i32 to vector<16xi32>
    %max3A_1144 = arith.maxsi %max3A_1143, %convert_element_type3A_1140 : vector<16xi32>
    %min3A_1145 = vector.broadcast %jit3A_1142 : i32 to vector<16xi32>
    %min3A_1146 = arith.minsi %min3A_1145, %max3A_1144 : vector<16xi32>
    %gt3A_1147 = arith.constant 0.000000e+00 : f32
    %gt3A_1148 = vector.broadcast %gt3A_1147 : f32 to vector<16xf32>
    %gt3A_1149 = arith.cmpf ogt, %get3A_1137, %gt3A_1148 : vector<16xf32>
    %gt3A_1150 = arith.constant 0.000000e+00 : f32
    %gt3A_1151 = vector.broadcast %gt3A_1150 : f32 to vector<16xf32>
    %gt3A_1152 = arith.cmpf ogt, %get3A_1135, %gt3A_1151 : vector<16xf32>
    %and3A_1153 = arith.andi %gt3A_1149, %gt3A_1152 : vector<16xi1>
    %unique3A_1154, %unique3A_1155 = tpu.scan_count mask(%and3A_1153 : vector<16xi1>) value(%min3A_1146 : vector<16xi32>) : vector<16xi1>, vector<16xi32>
    %gather3A_1156 = tpu.vector_load_idx %arg11[%min3A_1146] : memref<32xi32, #tpu.memory_space<vmem>>[vector<16xi32>], vector<16xi32>,
    %add3A_1157 = arith.addi %gather3A_1156, %unique3A_1155 : vector<16xi32>
    %and3A_1158 = arith.andi %unique3A_1154, %and3A_1153 : vector<16xi1>
    tpu.vector_store_idx %arg11[%min3A_1146], %add3A_1157 masked %and3A_1158 : memref<32xi32, #tpu.memory_space<vmem>>[vector<16xi32>], vector<16xi32>, vector<16xi1>
    %get3A_1159 = arith.constant 192 : index
    %get3A_1160 = tpu.vector_load %arg6[%get3A_1159] {strides = array<i32>} : memref<208xf32, #tpu.memory_space<vmem>>, vector<16xf32>,
    %get3A_1161 = arith.constant 192 : index
    %get3A_1162 = tpu.vector_load %arg7[%get3A_1161] {strides = array<i32>} : memref<208xf32, #tpu.memory_space<vmem>>, vector<16xf32>,
    %get3A_1163 = arith.constant 192 : index
    %get3A_1164 = tpu.vector_load %arg8[%get3A_1163] {strides = array<i32>} : memref<208xf32, #tpu.memory_space<vmem>>, vector<16xf32>,
    %convert_element_type3A_1165 = arith.fptosi %get3A_1164 : vector<16xf32> to vector<16xi32>
    %jit3A_1166 = arith.constant 0 : i32
    %jit3A_1167 = arith.constant 19 : i32
    %max3A_1168 = vector.broadcast %jit3A_1166 : i32 to vector<16xi32>
    %max3A_1169 = arith.maxsi %max3A_1168, %convert_element_type3A_1165 : vector<16xi32>
    %min3A_1170 = vector.broadcast %jit3A_1167 : i32 to vector<16xi32>
    %min3A_1171 = arith.minsi %min3A_1170, %max3A_1169 : vector<16xi32>
    %gt3A_1172 = arith.constant 0.000000e+00 : f32
    %gt3A_1173 = vector.broadcast %gt3A_1172 : f32 to vector<16xf32>
    %gt3A_1174 = arith.cmpf ogt, %get3A_1162, %gt3A_1173 : vector<16xf32>
    %gt3A_1175 = arith.constant 0.000000e+00 : f32
    %gt3A_1176 = vector.broadcast %gt3A_1175 : f32 to vector<16xf32>
    %gt3A_1177 = arith.cmpf ogt, %get3A_1160, %gt3A_1176 : vector<16xf32>
    %and3A_1178 = arith.andi %gt3A_1174, %gt3A_1177 : vector<16xi1>
    %lt3A_1179 = arith.constant 8 : i32
    %lt3A_1180 = vector.broadcast %lt3A_1179 : i32 to vector<16xi32>
    %lt3A_1181 = arith.cmpi slt, %iota3A, %lt3A_1180 : vector<16xi32>
    %and3A_1182 = arith.andi %and3A_1178, %lt3A_1181 : vector<16xi1>
    %unique3A_1183, %unique3A_1184 = tpu.scan_count mask(%and3A_1182 : vector<16xi1>) value(%min3A_1171 : vector<16xi32>) : vector<16xi1>, vector<16xi32>
    %gather3A_1185 = tpu.vector_load_idx %arg11[%min3A_1171] : memref<32xi32, #tpu.memory_space<vmem>>[vector<16xi32>], vector<16xi32>,
    %add3A_1186 = arith.addi %gather3A_1185, %unique3A_1184 : vector<16xi32>
    %and3A_1187 = arith.andi %unique3A_1183, %and3A_1182 : vector<16xi1>
    tpu.vector_store_idx %arg11[%min3A_1171], %add3A_1186 masked %and3A_1187 : memref<32xi32, #tpu.memory_space<vmem>>[vector<16xi32>], vector<16xi32>, vector<16xi1>
    %get3A_1188 = arith.constant 0 : index
    %get3A_1189 = tpu.vector_load %arg11[%get3A_1188] {strides = array<i32>} : memref<32xi32, #tpu.memory_space<vmem>>, vector<16xi32>,
    %get3A_1190 = arith.constant 16 : index
    %get3A_1191 = tpu.vector_load %arg11[%get3A_1190] {strides = array<i32>} : memref<32xi32, #tpu.memory_space<vmem>>, vector<16xi32>,
    %broadcast_in_dim3A_1192 = arith.constant true
    %broadcast_in_dim3A_1193 = vector.broadcast %broadcast_in_dim3A_1192 : i1 to vector<16xi1>
    %masked_cumsum3A_1194 = tpu.scan <sum>, %get3A_1189 masked %broadcast_in_dim3A_1193 : vector<16xi32>, vector<16xi1> -> vector<16xi32>
    %sub3A_1195 = arith.subi %masked_cumsum3A_1194, %get3A_1189 : vector<16xi32>
    %slice3A_1196 = vector.extract_strided_slice %masked_cumsum3A_1194 {offsets = [15], sizes = [1], strides = [1]} : vector<16xi32> to vector<1xi32>
    %squeeze3A_1197 = vector.extract %slice3A_1196[0] : i32 from vector<1xi32>
    %broadcast_in_dim3A_1198 = vector.broadcast %squeeze3A_1197 : i32 to vector<16xi32>
    %broadcast_in_dim3A_1199 = arith.constant true
    %broadcast_in_dim3A_1200 = vector.broadcast %broadcast_in_dim3A_1199 : i1 to vector<16xi1>
    %masked_cumsum3A_1201 = tpu.scan <sum>, %get3A_1191 masked %broadcast_in_dim3A_1200 : vector<16xi32>, vector<16xi1> -> vector<16xi32>
    %add3A_1202 = arith.addi %masked_cumsum3A_1201, %broadcast_in_dim3A_1198 : vector<16xi32>
    %sub3A_1203 = arith.subi %add3A_1202, %get3A_1191 : vector<16xi32>
    %swap3A_1204 = arith.constant 0 : index
    %swap3A_1205 = tpu.vector_load %arg13[%swap3A_1204] {strides = array<i32>} : memref<48xi32, #tpu.memory_space<vmem>>, vector<16xi32>,
    tpu.vector_store %arg13[%swap3A_1204], %sub3A_1195 {strides = array<i32>} : memref<48xi32, #tpu.memory_space<vmem>>, vector<16xi32>,
    %swap3A_1206 = arith.constant 16 : index
    %swap3A_1207 = tpu.vector_load %arg13[%swap3A_1206] {strides = array<i32>} : memref<48xi32, #tpu.memory_space<vmem>>, vector<16xi32>,
    tpu.vector_store %arg13[%swap3A_1206], %sub3A_1203 {strides = array<i32>} : memref<48xi32, #tpu.memory_space<vmem>>, vector<16xi32>,
    %get3A_1208 = arith.constant 0 : index
    %get3A_1209 = tpu.vector_load %arg6[%get3A_1208] {strides = array<i32>} : memref<208xf32, #tpu.memory_space<vmem>>, vector<16xf32>,
    %get3A_1210 = arith.constant 0 : index
    %get3A_1211 = tpu.vector_load %arg7[%get3A_1210] {strides = array<i32>} : memref<208xf32, #tpu.memory_space<vmem>>, vector<16xf32>,
    %get3A_1212 = arith.constant 0 : index
    %get3A_1213 = tpu.vector_load %arg8[%get3A_1212] {strides = array<i32>} : memref<208xf32, #tpu.memory_space<vmem>>, vector<16xf32>,
    %convert_element_type3A_1214 = arith.fptosi %get3A_1213 : vector<16xf32> to vector<16xi32>
    %jit3A_1215 = arith.constant 0 : i32
    %jit3A_1216 = arith.constant 19 : i32
    %max3A_1217 = vector.broadcast %jit3A_1215 : i32 to vector<16xi32>
    %max3A_1218 = arith.maxsi %max3A_1217, %convert_element_type3A_1214 : vector<16xi32>
    %min3A_1219 = vector.broadcast %jit3A_1216 : i32 to vector<16xi32>
    %min3A_1220 = arith.minsi %min3A_1219, %max3A_1218 : vector<16xi32>
    %gt3A_1221 = arith.constant 0.000000e+00 : f32
    %gt3A_1222 = vector.broadcast %gt3A_1221 : f32 to vector<16xf32>
    %gt3A_1223 = arith.cmpf ogt, %get3A_1211, %gt3A_1222 : vector<16xf32>
    %gt3A_1224 = arith.constant 0.000000e+00 : f32
    %gt3A_1225 = vector.broadcast %gt3A_1224 : f32 to vector<16xf32>
    %gt3A_1226 = arith.cmpf ogt, %get3A_1209, %gt3A_1225 : vector<16xf32>
    %and3A_1227 = arith.andi %gt3A_1223, %gt3A_1226 : vector<16xi1>
    %mul3A_1228 = arith.constant 1.600000e+04 : f32
    %mul3A_1229 = vector.broadcast %mul3A_1228 : f32 to vector<16xf32>
    %mul3A_1230 = arith.mulf %get3A_1209, %mul3A_1229 : vector<16xf32>
    %convert_element_type3A_1231 = arith.fptosi %mul3A_1230 : vector<16xf32> to vector<16xi32>
    %unique3A_1232, %unique3A_1233 = tpu.scan_count mask(%and3A_1227 : vector<16xi1>) value(%min3A_1220 : vector<16xi32>) : vector<16xi1>, vector<16xi32>
    %gather3A_1234 = tpu.vector_load_idx %arg12[%min3A_1220] : memref<32xi32, #tpu.memory_space<vmem>>[vector<16xi32>], vector<16xi32>,
    %gather3A_1235 = tpu.vector_load_idx %arg13[%min3A_1220] : memref<48xi32, #tpu.memory_space<vmem>>[vector<16xi32>], vector<16xi32>,
    %add3A_1236 = arith.addi %gather3A_1235, %gather3A_1234 : vector<16xi32>
    %add3A_1237 = arith.addi %add3A_1236, %unique3A_1233 : vector<16xi32>
    %sub3A_1238 = arith.constant 1 : i32
    %sub3A_1239 = vector.broadcast %sub3A_1238 : i32 to vector<16xi32>
    %sub3A_1240 = arith.subi %add3A_1237, %sub3A_1239 : vector<16xi32>
    tpu.vector_store_idx %arg9[%sub3A_1240], %convert_element_type3A_1231 masked %and3A_1227 : memref<224xi32, #tpu.memory_space<vmem>>[vector<16xi32>], vector<16xi32>, vector<16xi1>
    tpu.vector_store_idx %arg10[%sub3A_1240], %get3A_1211 masked %and3A_1227 : memref<224xf32, #tpu.memory_space<vmem>>[vector<16xi32>], vector<16xf32>, vector<16xi1>
    %add3A_1241 = arith.addi %gather3A_1234, %unique3A_1233 : vector<16xi32>
    %and3A_1242 = arith.andi %unique3A_1232, %and3A_1227 : vector<16xi1>
    tpu.vector_store_idx %arg12[%min3A_1220], %add3A_1241 masked %and3A_1242 : memref<32xi32, #tpu.memory_space<vmem>>[vector<16xi32>], vector<16xi32>, vector<16xi1>
    %get3A_1243 = arith.constant 16 : index
    %get3A_1244 = tpu.vector_load %arg6[%get3A_1243] {strides = array<i32>} : memref<208xf32, #tpu.memory_space<vmem>>, vector<16xf32>,
    %get3A_1245 = arith.constant 16 : index
    %get3A_1246 = tpu.vector_load %arg7[%get3A_1245] {strides = array<i32>} : memref<208xf32, #tpu.memory_space<vmem>>, vector<16xf32>,
    %get3A_1247 = arith.constant 16 : index
    %get3A_1248 = tpu.vector_load %arg8[%get3A_1247] {strides = array<i32>} : memref<208xf32, #tpu.memory_space<vmem>>, vector<16xf32>,
    %convert_element_type3A_1249 = arith.fptosi %get3A_1248 : vector<16xf32> to vector<16xi32>
    %jit3A_1250 = arith.constant 0 : i32
    %jit3A_1251 = arith.constant 19 : i32
    %max3A_1252 = vector.broadcast %jit3A_1250 : i32 to vector<16xi32>
    %max3A_1253 = arith.maxsi %max3A_1252, %convert_element_type3A_1249 : vector<16xi32>
    %min3A_1254 = vector.broadcast %jit3A_1251 : i32 to vector<16xi32>
    %min3A_1255 = arith.minsi %min3A_1254, %max3A_1253 : vector<16xi32>
    %gt3A_1256 = arith.constant 0.000000e+00 : f32
    %gt3A_1257 = vector.broadcast %gt3A_1256 : f32 to vector<16xf32>
    %gt3A_1258 = arith.cmpf ogt, %get3A_1246, %gt3A_1257 : vector<16xf32>
    %gt3A_1259 = arith.constant 0.000000e+00 : f32
    %gt3A_1260 = vector.broadcast %gt3A_1259 : f32 to vector<16xf32>
    %gt3A_1261 = arith.cmpf ogt, %get3A_1244, %gt3A_1260 : vector<16xf32>
    %and3A_1262 = arith.andi %gt3A_1258, %gt3A_1261 : vector<16xi1>
    %mul3A_1263 = arith.constant 1.600000e+04 : f32
    %mul3A_1264 = vector.broadcast %mul3A_1263 : f32 to vector<16xf32>
    %mul3A_1265 = arith.mulf %get3A_1244, %mul3A_1264 : vector<16xf32>
    %convert_element_type3A_1266 = arith.fptosi %mul3A_1265 : vector<16xf32> to vector<16xi32>
    %unique3A_1267, %unique3A_1268 = tpu.scan_count mask(%and3A_1262 : vector<16xi1>) value(%min3A_1255 : vector<16xi32>) : vector<16xi1>, vector<16xi32>
    %gather3A_1269 = tpu.vector_load_idx %arg12[%min3A_1255] : memref<32xi32, #tpu.memory_space<vmem>>[vector<16xi32>], vector<16xi32>,
    %gather3A_1270 = tpu.vector_load_idx %arg13[%min3A_1255] : memref<48xi32, #tpu.memory_space<vmem>>[vector<16xi32>], vector<16xi32>,
    %add3A_1271 = arith.addi %gather3A_1270, %gather3A_1269 : vector<16xi32>
    %add3A_1272 = arith.addi %add3A_1271, %unique3A_1268 : vector<16xi32>
    %sub3A_1273 = arith.constant 1 : i32
    %sub3A_1274 = vector.broadcast %sub3A_1273 : i32 to vector<16xi32>
    %sub3A_1275 = arith.subi %add3A_1272, %sub3A_1274 : vector<16xi32>
    tpu.vector_store_idx %arg9[%sub3A_1275], %convert_element_type3A_1266 masked %and3A_1262 : memref<224xi32, #tpu.memory_space<vmem>>[vector<16xi32>], vector<16xi32>, vector<16xi1>
    tpu.vector_store_idx %arg10[%sub3A_1275], %get3A_1246 masked %and3A_1262 : memref<224xf32, #tpu.memory_space<vmem>>[vector<16xi32>], vector<16xf32>, vector<16xi1>
    %add3A_1276 = arith.addi %gather3A_1269, %unique3A_1268 : vector<16xi32>
    %and3A_1277 = arith.andi %unique3A_1267, %and3A_1262 : vector<16xi1>
    tpu.vector_store_idx %arg12[%min3A_1255], %add3A_1276 masked %and3A_1277 : memref<32xi32, #tpu.memory_space<vmem>>[vector<16xi32>], vector<16xi32>, vector<16xi1>
    %get3A_1278 = arith.constant 32 : index
    %get3A_1279 = tpu.vector_load %arg6[%get3A_1278] {strides = array<i32>} : memref<208xf32, #tpu.memory_space<vmem>>, vector<16xf32>,
    %get3A_1280 = arith.constant 32 : index
    %get3A_1281 = tpu.vector_load %arg7[%get3A_1280] {strides = array<i32>} : memref<208xf32, #tpu.memory_space<vmem>>, vector<16xf32>,
    %get3A_1282 = arith.constant 32 : index
    %get3A_1283 = tpu.vector_load %arg8[%get3A_1282] {strides = array<i32>} : memref<208xf32, #tpu.memory_space<vmem>>, vector<16xf32>,
    %convert_element_type3A_1284 = arith.fptosi %get3A_1283 : vector<16xf32> to vector<16xi32>
    %jit3A_1285 = arith.constant 0 : i32
    %jit3A_1286 = arith.constant 19 : i32
    %max3A_1287 = vector.broadcast %jit3A_1285 : i32 to vector<16xi32>
    %max3A_1288 = arith.maxsi %max3A_1287, %convert_element_type3A_1284 : vector<16xi32>
    %min3A_1289 = vector.broadcast %jit3A_1286 : i32 to vector<16xi32>
    %min3A_1290 = arith.minsi %min3A_1289, %max3A_1288 : vector<16xi32>
    %gt3A_1291 = arith.constant 0.000000e+00 : f32
    %gt3A_1292 = vector.broadcast %gt3A_1291 : f32 to vector<16xf32>
    %gt3A_1293 = arith.cmpf ogt, %get3A_1281, %gt3A_1292 : vector<16xf32>
    %gt3A_1294 = arith.constant 0.000000e+00 : f32
    %gt3A_1295 = vector.broadcast %gt3A_1294 : f32 to vector<16xf32>
    %gt3A_1296 = arith.cmpf ogt, %get3A_1279, %gt3A_1295 : vector<16xf32>
    %and3A_1297 = arith.andi %gt3A_1293, %gt3A_1296 : vector<16xi1>
    %mul3A_1298 = arith.constant 1.600000e+04 : f32
    %mul3A_1299 = vector.broadcast %mul3A_1298 : f32 to vector<16xf32>
    %mul3A_1300 = arith.mulf %get3A_1279, %mul3A_1299 : vector<16xf32>
    %convert_element_type3A_1301 = arith.fptosi %mul3A_1300 : vector<16xf32> to vector<16xi32>
    %unique3A_1302, %unique3A_1303 = tpu.scan_count mask(%and3A_1297 : vector<16xi1>) value(%min3A_1290 : vector<16xi32>) : vector<16xi1>, vector<16xi32>
    %gather3A_1304 = tpu.vector_load_idx %arg12[%min3A_1290] : memref<32xi32, #tpu.memory_space<vmem>>[vector<16xi32>], vector<16xi32>,
    %gather3A_1305 = tpu.vector_load_idx %arg13[%min3A_1290] : memref<48xi32, #tpu.memory_space<vmem>>[vector<16xi32>], vector<16xi32>,
    %add3A_1306 = arith.addi %gather3A_1305, %gather3A_1304 : vector<16xi32>
    %add3A_1307 = arith.addi %add3A_1306, %unique3A_1303 : vector<16xi32>
    %sub3A_1308 = arith.constant 1 : i32
    %sub3A_1309 = vector.broadcast %sub3A_1308 : i32 to vector<16xi32>
    %sub3A_1310 = arith.subi %add3A_1307, %sub3A_1309 : vector<16xi32>
    tpu.vector_store_idx %arg9[%sub3A_1310], %convert_element_type3A_1301 masked %and3A_1297 : memref<224xi32, #tpu.memory_space<vmem>>[vector<16xi32>], vector<16xi32>, vector<16xi1>
    tpu.vector_store_idx %arg10[%sub3A_1310], %get3A_1281 masked %and3A_1297 : memref<224xf32, #tpu.memory_space<vmem>>[vector<16xi32>], vector<16xf32>, vector<16xi1>
    %add3A_1311 = arith.addi %gather3A_1304, %unique3A_1303 : vector<16xi32>
    %and3A_1312 = arith.andi %unique3A_1302, %and3A_1297 : vector<16xi1>
    tpu.vector_store_idx %arg12[%min3A_1290], %add3A_1311 masked %and3A_1312 : memref<32xi32, #tpu.memory_space<vmem>>[vector<16xi32>], vector<16xi32>, vector<16xi1>
    %get3A_1313 = arith.constant 48 : index
    %get3A_1314 = tpu.vector_load %arg6[%get3A_1313] {strides = array<i32>} : memref<208xf32, #tpu.memory_space<vmem>>, vector<16xf32>,
    %get3A_1315 = arith.constant 48 : index
    %get3A_1316 = tpu.vector_load %arg7[%get3A_1315] {strides = array<i32>} : memref<208xf32, #tpu.memory_space<vmem>>, vector<16xf32>,
    %get3A_1317 = arith.constant 48 : index
    %get3A_1318 = tpu.vector_load %arg8[%get3A_1317] {strides = array<i32>} : memref<208xf32, #tpu.memory_space<vmem>>, vector<16xf32>,
    %convert_element_type3A_1319 = arith.fptosi %get3A_1318 : vector<16xf32> to vector<16xi32>
    %jit3A_1320 = arith.constant 0 : i32
    %jit3A_1321 = arith.constant 19 : i32
    %max3A_1322 = vector.broadcast %jit3A_1320 : i32 to vector<16xi32>
    %max3A_1323 = arith.maxsi %max3A_1322, %convert_element_type3A_1319 : vector<16xi32>
    %min3A_1324 = vector.broadcast %jit3A_1321 : i32 to vector<16xi32>
    %min3A_1325 = arith.minsi %min3A_1324, %max3A_1323 : vector<16xi32>
    %gt3A_1326 = arith.constant 0.000000e+00 : f32
    %gt3A_1327 = vector.broadcast %gt3A_1326 : f32 to vector<16xf32>
    %gt3A_1328 = arith.cmpf ogt, %get3A_1316, %gt3A_1327 : vector<16xf32>
    %gt3A_1329 = arith.constant 0.000000e+00 : f32
    %gt3A_1330 = vector.broadcast %gt3A_1329 : f32 to vector<16xf32>
    %gt3A_1331 = arith.cmpf ogt, %get3A_1314, %gt3A_1330 : vector<16xf32>
    %and3A_1332 = arith.andi %gt3A_1328, %gt3A_1331 : vector<16xi1>
    %mul3A_1333 = arith.constant 1.600000e+04 : f32
    %mul3A_1334 = vector.broadcast %mul3A_1333 : f32 to vector<16xf32>
    %mul3A_1335 = arith.mulf %get3A_1314, %mul3A_1334 : vector<16xf32>
    %convert_element_type3A_1336 = arith.fptosi %mul3A_1335 : vector<16xf32> to vector<16xi32>
    %unique3A_1337, %unique3A_1338 = tpu.scan_count mask(%and3A_1332 : vector<16xi1>) value(%min3A_1325 : vector<16xi32>) : vector<16xi1>, vector<16xi32>
    %gather3A_1339 = tpu.vector_load_idx %arg12[%min3A_1325] : memref<32xi32, #tpu.memory_space<vmem>>[vector<16xi32>], vector<16xi32>,
    %gather3A_1340 = tpu.vector_load_idx %arg13[%min3A_1325] : memref<48xi32, #tpu.memory_space<vmem>>[vector<16xi32>], vector<16xi32>,
    %add3A_1341 = arith.addi %gather3A_1340, %gather3A_1339 : vector<16xi32>
    %add3A_1342 = arith.addi %add3A_1341, %unique3A_1338 : vector<16xi32>
    %sub3A_1343 = arith.constant 1 : i32
    %sub3A_1344 = vector.broadcast %sub3A_1343 : i32 to vector<16xi32>
    %sub3A_1345 = arith.subi %add3A_1342, %sub3A_1344 : vector<16xi32>
    tpu.vector_store_idx %arg9[%sub3A_1345], %convert_element_type3A_1336 masked %and3A_1332 : memref<224xi32, #tpu.memory_space<vmem>>[vector<16xi32>], vector<16xi32>, vector<16xi1>
    tpu.vector_store_idx %arg10[%sub3A_1345], %get3A_1316 masked %and3A_1332 : memref<224xf32, #tpu.memory_space<vmem>>[vector<16xi32>], vector<16xf32>, vector<16xi1>
    %add3A_1346 = arith.addi %gather3A_1339, %unique3A_1338 : vector<16xi32>
    %and3A_1347 = arith.andi %unique3A_1337, %and3A_1332 : vector<16xi1>
    tpu.vector_store_idx %arg12[%min3A_1325], %add3A_1346 masked %and3A_1347 : memref<32xi32, #tpu.memory_space<vmem>>[vector<16xi32>], vector<16xi32>, vector<16xi1>
    %get3A_1348 = arith.constant 64 : index
    %get3A_1349 = tpu.vector_load %arg6[%get3A_1348] {strides = array<i32>} : memref<208xf32, #tpu.memory_space<vmem>>, vector<16xf32>,
    %get3A_1350 = arith.constant 64 : index
    %get3A_1351 = tpu.vector_load %arg7[%get3A_1350] {strides = array<i32>} : memref<208xf32, #tpu.memory_space<vmem>>, vector<16xf32>,
    %get3A_1352 = arith.constant 64 : index
    %get3A_1353 = tpu.vector_load %arg8[%get3A_1352] {strides = array<i32>} : memref<208xf32, #tpu.memory_space<vmem>>, vector<16xf32>,
    %convert_element_type3A_1354 = arith.fptosi %get3A_1353 : vector<16xf32> to vector<16xi32>
    %jit3A_1355 = arith.constant 0 : i32
    %jit3A_1356 = arith.constant 19 : i32
    %max3A_1357 = vector.broadcast %jit3A_1355 : i32 to vector<16xi32>
    %max3A_1358 = arith.maxsi %max3A_1357, %convert_element_type3A_1354 : vector<16xi32>
    %min3A_1359 = vector.broadcast %jit3A_1356 : i32 to vector<16xi32>
    %min3A_1360 = arith.minsi %min3A_1359, %max3A_1358 : vector<16xi32>
    %gt3A_1361 = arith.constant 0.000000e+00 : f32
    %gt3A_1362 = vector.broadcast %gt3A_1361 : f32 to vector<16xf32>
    %gt3A_1363 = arith.cmpf ogt, %get3A_1351, %gt3A_1362 : vector<16xf32>
    %gt3A_1364 = arith.constant 0.000000e+00 : f32
    %gt3A_1365 = vector.broadcast %gt3A_1364 : f32 to vector<16xf32>
    %gt3A_1366 = arith.cmpf ogt, %get3A_1349, %gt3A_1365 : vector<16xf32>
    %and3A_1367 = arith.andi %gt3A_1363, %gt3A_1366 : vector<16xi1>
    %mul3A_1368 = arith.constant 1.600000e+04 : f32
    %mul3A_1369 = vector.broadcast %mul3A_1368 : f32 to vector<16xf32>
    %mul3A_1370 = arith.mulf %get3A_1349, %mul3A_1369 : vector<16xf32>
    %convert_element_type3A_1371 = arith.fptosi %mul3A_1370 : vector<16xf32> to vector<16xi32>
    %unique3A_1372, %unique3A_1373 = tpu.scan_count mask(%and3A_1367 : vector<16xi1>) value(%min3A_1360 : vector<16xi32>) : vector<16xi1>, vector<16xi32>
    %gather3A_1374 = tpu.vector_load_idx %arg12[%min3A_1360] : memref<32xi32, #tpu.memory_space<vmem>>[vector<16xi32>], vector<16xi32>,
    %gather3A_1375 = tpu.vector_load_idx %arg13[%min3A_1360] : memref<48xi32, #tpu.memory_space<vmem>>[vector<16xi32>], vector<16xi32>,
    %add3A_1376 = arith.addi %gather3A_1375, %gather3A_1374 : vector<16xi32>
    %add3A_1377 = arith.addi %add3A_1376, %unique3A_1373 : vector<16xi32>
    %sub3A_1378 = arith.constant 1 : i32
    %sub3A_1379 = vector.broadcast %sub3A_1378 : i32 to vector<16xi32>
    %sub3A_1380 = arith.subi %add3A_1377, %sub3A_1379 : vector<16xi32>
    tpu.vector_store_idx %arg9[%sub3A_1380], %convert_element_type3A_1371 masked %and3A_1367 : memref<224xi32, #tpu.memory_space<vmem>>[vector<16xi32>], vector<16xi32>, vector<16xi1>
    tpu.vector_store_idx %arg10[%sub3A_1380], %get3A_1351 masked %and3A_1367 : memref<224xf32, #tpu.memory_space<vmem>>[vector<16xi32>], vector<16xf32>, vector<16xi1>
    %add3A_1381 = arith.addi %gather3A_1374, %unique3A_1373 : vector<16xi32>
    %and3A_1382 = arith.andi %unique3A_1372, %and3A_1367 : vector<16xi1>
    tpu.vector_store_idx %arg12[%min3A_1360], %add3A_1381 masked %and3A_1382 : memref<32xi32, #tpu.memory_space<vmem>>[vector<16xi32>], vector<16xi32>, vector<16xi1>
    %get3A_1383 = arith.constant 80 : index
    %get3A_1384 = tpu.vector_load %arg6[%get3A_1383] {strides = array<i32>} : memref<208xf32, #tpu.memory_space<vmem>>, vector<16xf32>,
    %get3A_1385 = arith.constant 80 : index
    %get3A_1386 = tpu.vector_load %arg7[%get3A_1385] {strides = array<i32>} : memref<208xf32, #tpu.memory_space<vmem>>, vector<16xf32>,
    %get3A_1387 = arith.constant 80 : index
    %get3A_1388 = tpu.vector_load %arg8[%get3A_1387] {strides = array<i32>} : memref<208xf32, #tpu.memory_space<vmem>>, vector<16xf32>,
    %convert_element_type3A_1389 = arith.fptosi %get3A_1388 : vector<16xf32> to vector<16xi32>
    %jit3A_1390 = arith.constant 0 : i32
    %jit3A_1391 = arith.constant 19 : i32
    %max3A_1392 = vector.broadcast %jit3A_1390 : i32 to vector<16xi32>
    %max3A_1393 = arith.maxsi %max3A_1392, %convert_element_type3A_1389 : vector<16xi32>
    %min3A_1394 = vector.broadcast %jit3A_1391 : i32 to vector<16xi32>
    %min3A_1395 = arith.minsi %min3A_1394, %max3A_1393 : vector<16xi32>
    %gt3A_1396 = arith.constant 0.000000e+00 : f32
    %gt3A_1397 = vector.broadcast %gt3A_1396 : f32 to vector<16xf32>
    %gt3A_1398 = arith.cmpf ogt, %get3A_1386, %gt3A_1397 : vector<16xf32>
    %gt3A_1399 = arith.constant 0.000000e+00 : f32
    %gt3A_1400 = vector.broadcast %gt3A_1399 : f32 to vector<16xf32>
    %gt3A_1401 = arith.cmpf ogt, %get3A_1384, %gt3A_1400 : vector<16xf32>
    %and3A_1402 = arith.andi %gt3A_1398, %gt3A_1401 : vector<16xi1>
    %mul3A_1403 = arith.constant 1.600000e+04 : f32
    %mul3A_1404 = vector.broadcast %mul3A_1403 : f32 to vector<16xf32>
    %mul3A_1405 = arith.mulf %get3A_1384, %mul3A_1404 : vector<16xf32>
    %convert_element_type3A_1406 = arith.fptosi %mul3A_1405 : vector<16xf32> to vector<16xi32>
    %unique3A_1407, %unique3A_1408 = tpu.scan_count mask(%and3A_1402 : vector<16xi1>) value(%min3A_1395 : vector<16xi32>) : vector<16xi1>, vector<16xi32>
    %gather3A_1409 = tpu.vector_load_idx %arg12[%min3A_1395] : memref<32xi32, #tpu.memory_space<vmem>>[vector<16xi32>], vector<16xi32>,
    %gather3A_1410 = tpu.vector_load_idx %arg13[%min3A_1395] : memref<48xi32, #tpu.memory_space<vmem>>[vector<16xi32>], vector<16xi32>,
    %add3A_1411 = arith.addi %gather3A_1410, %gather3A_1409 : vector<16xi32>
    %add3A_1412 = arith.addi %add3A_1411, %unique3A_1408 : vector<16xi32>
    %sub3A_1413 = arith.constant 1 : i32
    %sub3A_1414 = vector.broadcast %sub3A_1413 : i32 to vector<16xi32>
    %sub3A_1415 = arith.subi %add3A_1412, %sub3A_1414 : vector<16xi32>
    tpu.vector_store_idx %arg9[%sub3A_1415], %convert_element_type3A_1406 masked %and3A_1402 : memref<224xi32, #tpu.memory_space<vmem>>[vector<16xi32>], vector<16xi32>, vector<16xi1>
    tpu.vector_store_idx %arg10[%sub3A_1415], %get3A_1386 masked %and3A_1402 : memref<224xf32, #tpu.memory_space<vmem>>[vector<16xi32>], vector<16xf32>, vector<16xi1>
    %add3A_1416 = arith.addi %gather3A_1409, %unique3A_1408 : vector<16xi32>
    %and3A_1417 = arith.andi %unique3A_1407, %and3A_1402 : vector<16xi1>
    tpu.vector_store_idx %arg12[%min3A_1395], %add3A_1416 masked %and3A_1417 : memref<32xi32, #tpu.memory_space<vmem>>[vector<16xi32>], vector<16xi32>, vector<16xi1>
    %get3A_1418 = arith.constant 96 : index
    %get3A_1419 = tpu.vector_load %arg6[%get3A_1418] {strides = array<i32>} : memref<208xf32, #tpu.memory_space<vmem>>, vector<16xf32>,
    %get3A_1420 = arith.constant 96 : index
    %get3A_1421 = tpu.vector_load %arg7[%get3A_1420] {strides = array<i32>} : memref<208xf32, #tpu.memory_space<vmem>>, vector<16xf32>,
    %get3A_1422 = arith.constant 96 : index
    %get3A_1423 = tpu.vector_load %arg8[%get3A_1422] {strides = array<i32>} : memref<208xf32, #tpu.memory_space<vmem>>, vector<16xf32>,
    %convert_element_type3A_1424 = arith.fptosi %get3A_1423 : vector<16xf32> to vector<16xi32>
    %jit3A_1425 = arith.constant 0 : i32
    %jit3A_1426 = arith.constant 19 : i32
    %max3A_1427 = vector.broadcast %jit3A_1425 : i32 to vector<16xi32>
    %max3A_1428 = arith.maxsi %max3A_1427, %convert_element_type3A_1424 : vector<16xi32>
    %min3A_1429 = vector.broadcast %jit3A_1426 : i32 to vector<16xi32>
    %min3A_1430 = arith.minsi %min3A_1429, %max3A_1428 : vector<16xi32>
    %gt3A_1431 = arith.constant 0.000000e+00 : f32
    %gt3A_1432 = vector.broadcast %gt3A_1431 : f32 to vector<16xf32>
    %gt3A_1433 = arith.cmpf ogt, %get3A_1421, %gt3A_1432 : vector<16xf32>
    %gt3A_1434 = arith.constant 0.000000e+00 : f32
    %gt3A_1435 = vector.broadcast %gt3A_1434 : f32 to vector<16xf32>
    %gt3A_1436 = arith.cmpf ogt, %get3A_1419, %gt3A_1435 : vector<16xf32>
    %and3A_1437 = arith.andi %gt3A_1433, %gt3A_1436 : vector<16xi1>
    %mul3A_1438 = arith.constant 1.600000e+04 : f32
    %mul3A_1439 = vector.broadcast %mul3A_1438 : f32 to vector<16xf32>
    %mul3A_1440 = arith.mulf %get3A_1419, %mul3A_1439 : vector<16xf32>
    %convert_element_type3A_1441 = arith.fptosi %mul3A_1440 : vector<16xf32> to vector<16xi32>
    %unique3A_1442, %unique3A_1443 = tpu.scan_count mask(%and3A_1437 : vector<16xi1>) value(%min3A_1430 : vector<16xi32>) : vector<16xi1>, vector<16xi32>
    %gather3A_1444 = tpu.vector_load_idx %arg12[%min3A_1430] : memref<32xi32, #tpu.memory_space<vmem>>[vector<16xi32>], vector<16xi32>,
    %gather3A_1445 = tpu.vector_load_idx %arg13[%min3A_1430] : memref<48xi32, #tpu.memory_space<vmem>>[vector<16xi32>], vector<16xi32>,
    %add3A_1446 = arith.addi %gather3A_1445, %gather3A_1444 : vector<16xi32>
    %add3A_1447 = arith.addi %add3A_1446, %unique3A_1443 : vector<16xi32>
    %sub3A_1448 = arith.constant 1 : i32
    %sub3A_1449 = vector.broadcast %sub3A_1448 : i32 to vector<16xi32>
    %sub3A_1450 = arith.subi %add3A_1447, %sub3A_1449 : vector<16xi32>
    tpu.vector_store_idx %arg9[%sub3A_1450], %convert_element_type3A_1441 masked %and3A_1437 : memref<224xi32, #tpu.memory_space<vmem>>[vector<16xi32>], vector<16xi32>, vector<16xi1>
    tpu.vector_store_idx %arg10[%sub3A_1450], %get3A_1421 masked %and3A_1437 : memref<224xf32, #tpu.memory_space<vmem>>[vector<16xi32>], vector<16xf32>, vector<16xi1>
    %add3A_1451 = arith.addi %gather3A_1444, %unique3A_1443 : vector<16xi32>
    %and3A_1452 = arith.andi %unique3A_1442, %and3A_1437 : vector<16xi1>
    tpu.vector_store_idx %arg12[%min3A_1430], %add3A_1451 masked %and3A_1452 : memref<32xi32, #tpu.memory_space<vmem>>[vector<16xi32>], vector<16xi32>, vector<16xi1>
    %get3A_1453 = arith.constant 112 : index
    %get3A_1454 = tpu.vector_load %arg6[%get3A_1453] {strides = array<i32>} : memref<208xf32, #tpu.memory_space<vmem>>, vector<16xf32>,
    %get3A_1455 = arith.constant 112 : index
    %get3A_1456 = tpu.vector_load %arg7[%get3A_1455] {strides = array<i32>} : memref<208xf32, #tpu.memory_space<vmem>>, vector<16xf32>,
    %get3A_1457 = arith.constant 112 : index
    %get3A_1458 = tpu.vector_load %arg8[%get3A_1457] {strides = array<i32>} : memref<208xf32, #tpu.memory_space<vmem>>, vector<16xf32>,
    %convert_element_type3A_1459 = arith.fptosi %get3A_1458 : vector<16xf32> to vector<16xi32>
    %jit3A_1460 = arith.constant 0 : i32
    %jit3A_1461 = arith.constant 19 : i32
    %max3A_1462 = vector.broadcast %jit3A_1460 : i32 to vector<16xi32>
    %max3A_1463 = arith.maxsi %max3A_1462, %convert_element_type3A_1459 : vector<16xi32>
    %min3A_1464 = vector.broadcast %jit3A_1461 : i32 to vector<16xi32>
    %min3A_1465 = arith.minsi %min3A_1464, %max3A_1463 : vector<16xi32>
    %gt3A_1466 = arith.constant 0.000000e+00 : f32
    %gt3A_1467 = vector.broadcast %gt3A_1466 : f32 to vector<16xf32>
    %gt3A_1468 = arith.cmpf ogt, %get3A_1456, %gt3A_1467 : vector<16xf32>
    %gt3A_1469 = arith.constant 0.000000e+00 : f32
    %gt3A_1470 = vector.broadcast %gt3A_1469 : f32 to vector<16xf32>
    %gt3A_1471 = arith.cmpf ogt, %get3A_1454, %gt3A_1470 : vector<16xf32>
    %and3A_1472 = arith.andi %gt3A_1468, %gt3A_1471 : vector<16xi1>
    %mul3A_1473 = arith.constant 1.600000e+04 : f32
    %mul3A_1474 = vector.broadcast %mul3A_1473 : f32 to vector<16xf32>
    %mul3A_1475 = arith.mulf %get3A_1454, %mul3A_1474 : vector<16xf32>
    %convert_element_type3A_1476 = arith.fptosi %mul3A_1475 : vector<16xf32> to vector<16xi32>
    %unique3A_1477, %unique3A_1478 = tpu.scan_count mask(%and3A_1472 : vector<16xi1>) value(%min3A_1465 : vector<16xi32>) : vector<16xi1>, vector<16xi32>
    %gather3A_1479 = tpu.vector_load_idx %arg12[%min3A_1465] : memref<32xi32, #tpu.memory_space<vmem>>[vector<16xi32>], vector<16xi32>,
    %gather3A_1480 = tpu.vector_load_idx %arg13[%min3A_1465] : memref<48xi32, #tpu.memory_space<vmem>>[vector<16xi32>], vector<16xi32>,
    %add3A_1481 = arith.addi %gather3A_1480, %gather3A_1479 : vector<16xi32>
    %add3A_1482 = arith.addi %add3A_1481, %unique3A_1478 : vector<16xi32>
    %sub3A_1483 = arith.constant 1 : i32
    %sub3A_1484 = vector.broadcast %sub3A_1483 : i32 to vector<16xi32>
    %sub3A_1485 = arith.subi %add3A_1482, %sub3A_1484 : vector<16xi32>
    tpu.vector_store_idx %arg9[%sub3A_1485], %convert_element_type3A_1476 masked %and3A_1472 : memref<224xi32, #tpu.memory_space<vmem>>[vector<16xi32>], vector<16xi32>, vector<16xi1>
    tpu.vector_store_idx %arg10[%sub3A_1485], %get3A_1456 masked %and3A_1472 : memref<224xf32, #tpu.memory_space<vmem>>[vector<16xi32>], vector<16xf32>, vector<16xi1>
    %add3A_1486 = arith.addi %gather3A_1479, %unique3A_1478 : vector<16xi32>
    %and3A_1487 = arith.andi %unique3A_1477, %and3A_1472 : vector<16xi1>
    tpu.vector_store_idx %arg12[%min3A_1465], %add3A_1486 masked %and3A_1487 : memref<32xi32, #tpu.memory_space<vmem>>[vector<16xi32>], vector<16xi32>, vector<16xi1>
    %get3A_1488 = arith.constant 128 : index
    %get3A_1489 = tpu.vector_load %arg6[%get3A_1488] {strides = array<i32>} : memref<208xf32, #tpu.memory_space<vmem>>, vector<16xf32>,
    %get3A_1490 = arith.constant 128 : index
    %get3A_1491 = tpu.vector_load %arg7[%get3A_1490] {strides = array<i32>} : memref<208xf32, #tpu.memory_space<vmem>>, vector<16xf32>,
    %get3A_1492 = arith.constant 128 : index
    %get3A_1493 = tpu.vector_load %arg8[%get3A_1492] {strides = array<i32>} : memref<208xf32, #tpu.memory_space<vmem>>, vector<16xf32>,
    %convert_element_type3A_1494 = arith.fptosi %get3A_1493 : vector<16xf32> to vector<16xi32>
    %jit3A_1495 = arith.constant 0 : i32
    %jit3A_1496 = arith.constant 19 : i32
    %max3A_1497 = vector.broadcast %jit3A_1495 : i32 to vector<16xi32>
    %max3A_1498 = arith.maxsi %max3A_1497, %convert_element_type3A_1494 : vector<16xi32>
    %min3A_1499 = vector.broadcast %jit3A_1496 : i32 to vector<16xi32>
    %min3A_1500 = arith.minsi %min3A_1499, %max3A_1498 : vector<16xi32>
    %gt3A_1501 = arith.constant 0.000000e+00 : f32
    %gt3A_1502 = vector.broadcast %gt3A_1501 : f32 to vector<16xf32>
    %gt3A_1503 = arith.cmpf ogt, %get3A_1491, %gt3A_1502 : vector<16xf32>
    %gt3A_1504 = arith.constant 0.000000e+00 : f32
    %gt3A_1505 = vector.broadcast %gt3A_1504 : f32 to vector<16xf32>
    %gt3A_1506 = arith.cmpf ogt, %get3A_1489, %gt3A_1505 : vector<16xf32>
    %and3A_1507 = arith.andi %gt3A_1503, %gt3A_1506 : vector<16xi1>
    %mul3A_1508 = arith.constant 1.600000e+04 : f32
    %mul3A_1509 = vector.broadcast %mul3A_1508 : f32 to vector<16xf32>
    %mul3A_1510 = arith.mulf %get3A_1489, %mul3A_1509 : vector<16xf32>
    %convert_element_type3A_1511 = arith.fptosi %mul3A_1510 : vector<16xf32> to vector<16xi32>
    %unique3A_1512, %unique3A_1513 = tpu.scan_count mask(%and3A_1507 : vector<16xi1>) value(%min3A_1500 : vector<16xi32>) : vector<16xi1>, vector<16xi32>
    %gather3A_1514 = tpu.vector_load_idx %arg12[%min3A_1500] : memref<32xi32, #tpu.memory_space<vmem>>[vector<16xi32>], vector<16xi32>,
    %gather3A_1515 = tpu.vector_load_idx %arg13[%min3A_1500] : memref<48xi32, #tpu.memory_space<vmem>>[vector<16xi32>], vector<16xi32>,
    %add3A_1516 = arith.addi %gather3A_1515, %gather3A_1514 : vector<16xi32>
    %add3A_1517 = arith.addi %add3A_1516, %unique3A_1513 : vector<16xi32>
    %sub3A_1518 = arith.constant 1 : i32
    %sub3A_1519 = vector.broadcast %sub3A_1518 : i32 to vector<16xi32>
    %sub3A_1520 = arith.subi %add3A_1517, %sub3A_1519 : vector<16xi32>
    tpu.vector_store_idx %arg9[%sub3A_1520], %convert_element_type3A_1511 masked %and3A_1507 : memref<224xi32, #tpu.memory_space<vmem>>[vector<16xi32>], vector<16xi32>, vector<16xi1>
    tpu.vector_store_idx %arg10[%sub3A_1520], %get3A_1491 masked %and3A_1507 : memref<224xf32, #tpu.memory_space<vmem>>[vector<16xi32>], vector<16xf32>, vector<16xi1>
    %add3A_1521 = arith.addi %gather3A_1514, %unique3A_1513 : vector<16xi32>
    %and3A_1522 = arith.andi %unique3A_1512, %and3A_1507 : vector<16xi1>
    tpu.vector_store_idx %arg12[%min3A_1500], %add3A_1521 masked %and3A_1522 : memref<32xi32, #tpu.memory_space<vmem>>[vector<16xi32>], vector<16xi32>, vector<16xi1>
    %get3A_1523 = arith.constant 144 : index
    %get3A_1524 = tpu.vector_load %arg6[%get3A_1523] {strides = array<i32>} : memref<208xf32, #tpu.memory_space<vmem>>, vector<16xf32>,
    %get3A_1525 = arith.constant 144 : index
    %get3A_1526 = tpu.vector_load %arg7[%get3A_1525] {strides = array<i32>} : memref<208xf32, #tpu.memory_space<vmem>>, vector<16xf32>,
    %get3A_1527 = arith.constant 144 : index
    %get3A_1528 = tpu.vector_load %arg8[%get3A_1527] {strides = array<i32>} : memref<208xf32, #tpu.memory_space<vmem>>, vector<16xf32>,
    %convert_element_type3A_1529 = arith.fptosi %get3A_1528 : vector<16xf32> to vector<16xi32>
    %jit3A_1530 = arith.constant 0 : i32
    %jit3A_1531 = arith.constant 19 : i32
    %max3A_1532 = vector.broadcast %jit3A_1530 : i32 to vector<16xi32>
    %max3A_1533 = arith.maxsi %max3A_1532, %convert_element_type3A_1529 : vector<16xi32>
    %min3A_1534 = vector.broadcast %jit3A_1531 : i32 to vector<16xi32>
    %min3A_1535 = arith.minsi %min3A_1534, %max3A_1533 : vector<16xi32>
    %gt3A_1536 = arith.constant 0.000000e+00 : f32
    %gt3A_1537 = vector.broadcast %gt3A_1536 : f32 to vector<16xf32>
    %gt3A_1538 = arith.cmpf ogt, %get3A_1526, %gt3A_1537 : vector<16xf32>
    %gt3A_1539 = arith.constant 0.000000e+00 : f32
    %gt3A_1540 = vector.broadcast %gt3A_1539 : f32 to vector<16xf32>
    %gt3A_1541 = arith.cmpf ogt, %get3A_1524, %gt3A_1540 : vector<16xf32>
    %and3A_1542 = arith.andi %gt3A_1538, %gt3A_1541 : vector<16xi1>
    %mul3A_1543 = arith.constant 1.600000e+04 : f32
    %mul3A_1544 = vector.broadcast %mul3A_1543 : f32 to vector<16xf32>
    %mul3A_1545 = arith.mulf %get3A_1524, %mul3A_1544 : vector<16xf32>
    %convert_element_type3A_1546 = arith.fptosi %mul3A_1545 : vector<16xf32> to vector<16xi32>
    %unique3A_1547, %unique3A_1548 = tpu.scan_count mask(%and3A_1542 : vector<16xi1>) value(%min3A_1535 : vector<16xi32>) : vector<16xi1>, vector<16xi32>
    %gather3A_1549 = tpu.vector_load_idx %arg12[%min3A_1535] : memref<32xi32, #tpu.memory_space<vmem>>[vector<16xi32>], vector<16xi32>,
    %gather3A_1550 = tpu.vector_load_idx %arg13[%min3A_1535] : memref<48xi32, #tpu.memory_space<vmem>>[vector<16xi32>], vector<16xi32>,
    %add3A_1551 = arith.addi %gather3A_1550, %gather3A_1549 : vector<16xi32>
    %add3A_1552 = arith.addi %add3A_1551, %unique3A_1548 : vector<16xi32>
    %sub3A_1553 = arith.constant 1 : i32
    %sub3A_1554 = vector.broadcast %sub3A_1553 : i32 to vector<16xi32>
    %sub3A_1555 = arith.subi %add3A_1552, %sub3A_1554 : vector<16xi32>
    tpu.vector_store_idx %arg9[%sub3A_1555], %convert_element_type3A_1546 masked %and3A_1542 : memref<224xi32, #tpu.memory_space<vmem>>[vector<16xi32>], vector<16xi32>, vector<16xi1>
    tpu.vector_store_idx %arg10[%sub3A_1555], %get3A_1526 masked %and3A_1542 : memref<224xf32, #tpu.memory_space<vmem>>[vector<16xi32>], vector<16xf32>, vector<16xi1>
    %add3A_1556 = arith.addi %gather3A_1549, %unique3A_1548 : vector<16xi32>
    %and3A_1557 = arith.andi %unique3A_1547, %and3A_1542 : vector<16xi1>
    tpu.vector_store_idx %arg12[%min3A_1535], %add3A_1556 masked %and3A_1557 : memref<32xi32, #tpu.memory_space<vmem>>[vector<16xi32>], vector<16xi32>, vector<16xi1>
    %get3A_1558 = arith.constant 160 : index
    %get3A_1559 = tpu.vector_load %arg6[%get3A_1558] {strides = array<i32>} : memref<208xf32, #tpu.memory_space<vmem>>, vector<16xf32>,
    %get3A_1560 = arith.constant 160 : index
    %get3A_1561 = tpu.vector_load %arg7[%get3A_1560] {strides = array<i32>} : memref<208xf32, #tpu.memory_space<vmem>>, vector<16xf32>,
    %get3A_1562 = arith.constant 160 : index
    %get3A_1563 = tpu.vector_load %arg8[%get3A_1562] {strides = array<i32>} : memref<208xf32, #tpu.memory_space<vmem>>, vector<16xf32>,
    %convert_element_type3A_1564 = arith.fptosi %get3A_1563 : vector<16xf32> to vector<16xi32>
    %jit3A_1565 = arith.constant 0 : i32
    %jit3A_1566 = arith.constant 19 : i32
    %max3A_1567 = vector.broadcast %jit3A_1565 : i32 to vector<16xi32>
    %max3A_1568 = arith.maxsi %max3A_1567, %convert_element_type3A_1564 : vector<16xi32>
    %min3A_1569 = vector.broadcast %jit3A_1566 : i32 to vector<16xi32>
    %min3A_1570 = arith.minsi %min3A_1569, %max3A_1568 : vector<16xi32>
    %gt3A_1571 = arith.constant 0.000000e+00 : f32
    %gt3A_1572 = vector.broadcast %gt3A_1571 : f32 to vector<16xf32>
    %gt3A_1573 = arith.cmpf ogt, %get3A_1561, %gt3A_1572 : vector<16xf32>
    %gt3A_1574 = arith.constant 0.000000e+00 : f32
    %gt3A_1575 = vector.broadcast %gt3A_1574 : f32 to vector<16xf32>
    %gt3A_1576 = arith.cmpf ogt, %get3A_1559, %gt3A_1575 : vector<16xf32>
    %and3A_1577 = arith.andi %gt3A_1573, %gt3A_1576 : vector<16xi1>
    %mul3A_1578 = arith.constant 1.600000e+04 : f32
    %mul3A_1579 = vector.broadcast %mul3A_1578 : f32 to vector<16xf32>
    %mul3A_1580 = arith.mulf %get3A_1559, %mul3A_1579 : vector<16xf32>
    %convert_element_type3A_1581 = arith.fptosi %mul3A_1580 : vector<16xf32> to vector<16xi32>
    %unique3A_1582, %unique3A_1583 = tpu.scan_count mask(%and3A_1577 : vector<16xi1>) value(%min3A_1570 : vector<16xi32>) : vector<16xi1>, vector<16xi32>
    %gather3A_1584 = tpu.vector_load_idx %arg12[%min3A_1570] : memref<32xi32, #tpu.memory_space<vmem>>[vector<16xi32>], vector<16xi32>,
    %gather3A_1585 = tpu.vector_load_idx %arg13[%min3A_1570] : memref<48xi32, #tpu.memory_space<vmem>>[vector<16xi32>], vector<16xi32>,
    %add3A_1586 = arith.addi %gather3A_1585, %gather3A_1584 : vector<16xi32>
    %add3A_1587 = arith.addi %add3A_1586, %unique3A_1583 : vector<16xi32>
    %sub3A_1588 = arith.constant 1 : i32
    %sub3A_1589 = vector.broadcast %sub3A_1588 : i32 to vector<16xi32>
    %sub3A_1590 = arith.subi %add3A_1587, %sub3A_1589 : vector<16xi32>
    tpu.vector_store_idx %arg9[%sub3A_1590], %convert_element_type3A_1581 masked %and3A_1577 : memref<224xi32, #tpu.memory_space<vmem>>[vector<16xi32>], vector<16xi32>, vector<16xi1>
    tpu.vector_store_idx %arg10[%sub3A_1590], %get3A_1561 masked %and3A_1577 : memref<224xf32, #tpu.memory_space<vmem>>[vector<16xi32>], vector<16xf32>, vector<16xi1>
    %add3A_1591 = arith.addi %gather3A_1584, %unique3A_1583 : vector<16xi32>
    %and3A_1592 = arith.andi %unique3A_1582, %and3A_1577 : vector<16xi1>
    tpu.vector_store_idx %arg12[%min3A_1570], %add3A_1591 masked %and3A_1592 : memref<32xi32, #tpu.memory_space<vmem>>[vector<16xi32>], vector<16xi32>, vector<16xi1>
    %get3A_1593 = arith.constant 176 : index
    %get3A_1594 = tpu.vector_load %arg6[%get3A_1593] {strides = array<i32>} : memref<208xf32, #tpu.memory_space<vmem>>, vector<16xf32>,
    %get3A_1595 = arith.constant 176 : index
    %get3A_1596 = tpu.vector_load %arg7[%get3A_1595] {strides = array<i32>} : memref<208xf32, #tpu.memory_space<vmem>>, vector<16xf32>,
    %get3A_1597 = arith.constant 176 : index
    %get3A_1598 = tpu.vector_load %arg8[%get3A_1597] {strides = array<i32>} : memref<208xf32, #tpu.memory_space<vmem>>, vector<16xf32>,
    %convert_element_type3A_1599 = arith.fptosi %get3A_1598 : vector<16xf32> to vector<16xi32>
    %jit3A_1600 = arith.constant 0 : i32
    %jit3A_1601 = arith.constant 19 : i32
    %max3A_1602 = vector.broadcast %jit3A_1600 : i32 to vector<16xi32>
    %max3A_1603 = arith.maxsi %max3A_1602, %convert_element_type3A_1599 : vector<16xi32>
    %min3A_1604 = vector.broadcast %jit3A_1601 : i32 to vector<16xi32>
    %min3A_1605 = arith.minsi %min3A_1604, %max3A_1603 : vector<16xi32>
    %gt3A_1606 = arith.constant 0.000000e+00 : f32
    %gt3A_1607 = vector.broadcast %gt3A_1606 : f32 to vector<16xf32>
    %gt3A_1608 = arith.cmpf ogt, %get3A_1596, %gt3A_1607 : vector<16xf32>
    %gt3A_1609 = arith.constant 0.000000e+00 : f32
    %gt3A_1610 = vector.broadcast %gt3A_1609 : f32 to vector<16xf32>
    %gt3A_1611 = arith.cmpf ogt, %get3A_1594, %gt3A_1610 : vector<16xf32>
    %and3A_1612 = arith.andi %gt3A_1608, %gt3A_1611 : vector<16xi1>
    %mul3A_1613 = arith.constant 1.600000e+04 : f32
    %mul3A_1614 = vector.broadcast %mul3A_1613 : f32 to vector<16xf32>
    %mul3A_1615 = arith.mulf %get3A_1594, %mul3A_1614 : vector<16xf32>
    %convert_element_type3A_1616 = arith.fptosi %mul3A_1615 : vector<16xf32> to vector<16xi32>
    %unique3A_1617, %unique3A_1618 = tpu.scan_count mask(%and3A_1612 : vector<16xi1>) value(%min3A_1605 : vector<16xi32>) : vector<16xi1>, vector<16xi32>
    %gather3A_1619 = tpu.vector_load_idx %arg12[%min3A_1605] : memref<32xi32, #tpu.memory_space<vmem>>[vector<16xi32>], vector<16xi32>,
    %gather3A_1620 = tpu.vector_load_idx %arg13[%min3A_1605] : memref<48xi32, #tpu.memory_space<vmem>>[vector<16xi32>], vector<16xi32>,
    %add3A_1621 = arith.addi %gather3A_1620, %gather3A_1619 : vector<16xi32>
    %add3A_1622 = arith.addi %add3A_1621, %unique3A_1618 : vector<16xi32>
    %sub3A_1623 = arith.constant 1 : i32
    %sub3A_1624 = vector.broadcast %sub3A_1623 : i32 to vector<16xi32>
    %sub3A_1625 = arith.subi %add3A_1622, %sub3A_1624 : vector<16xi32>
    tpu.vector_store_idx %arg9[%sub3A_1625], %convert_element_type3A_1616 masked %and3A_1612 : memref<224xi32, #tpu.memory_space<vmem>>[vector<16xi32>], vector<16xi32>, vector<16xi1>
    tpu.vector_store_idx %arg10[%sub3A_1625], %get3A_1596 masked %and3A_1612 : memref<224xf32, #tpu.memory_space<vmem>>[vector<16xi32>], vector<16xf32>, vector<16xi1>
    %add3A_1626 = arith.addi %gather3A_1619, %unique3A_1618 : vector<16xi32>
    %and3A_1627 = arith.andi %unique3A_1617, %and3A_1612 : vector<16xi1>
    tpu.vector_store_idx %arg12[%min3A_1605], %add3A_1626 masked %and3A_1627 : memref<32xi32, #tpu.memory_space<vmem>>[vector<16xi32>], vector<16xi32>, vector<16xi1>
    %get3A_1628 = arith.constant 192 : index
    %get3A_1629 = tpu.vector_load %arg6[%get3A_1628] {strides = array<i32>} : memref<208xf32, #tpu.memory_space<vmem>>, vector<16xf32>,
    %get3A_1630 = arith.constant 192 : index
    %get3A_1631 = tpu.vector_load %arg7[%get3A_1630] {strides = array<i32>} : memref<208xf32, #tpu.memory_space<vmem>>, vector<16xf32>,
    %get3A_1632 = arith.constant 192 : index
    %get3A_1633 = tpu.vector_load %arg8[%get3A_1632] {strides = array<i32>} : memref<208xf32, #tpu.memory_space<vmem>>, vector<16xf32>,
    %convert_element_type3A_1634 = arith.fptosi %get3A_1633 : vector<16xf32> to vector<16xi32>
    %jit3A_1635 = arith.constant 0 : i32
    %jit3A_1636 = arith.constant 19 : i32
    %max3A_1637 = vector.broadcast %jit3A_1635 : i32 to vector<16xi32>
    %max3A_1638 = arith.maxsi %max3A_1637, %convert_element_type3A_1634 : vector<16xi32>
    %min3A_1639 = vector.broadcast %jit3A_1636 : i32 to vector<16xi32>
    %min3A_1640 = arith.minsi %min3A_1639, %max3A_1638 : vector<16xi32>
    %gt3A_1641 = arith.constant 0.000000e+00 : f32
    %gt3A_1642 = vector.broadcast %gt3A_1641 : f32 to vector<16xf32>
    %gt3A_1643 = arith.cmpf ogt, %get3A_1631, %gt3A_1642 : vector<16xf32>
    %gt3A_1644 = arith.constant 0.000000e+00 : f32
    %gt3A_1645 = vector.broadcast %gt3A_1644 : f32 to vector<16xf32>
    %gt3A_1646 = arith.cmpf ogt, %get3A_1629, %gt3A_1645 : vector<16xf32>
    %and3A_1647 = arith.andi %gt3A_1643, %gt3A_1646 : vector<16xi1>
    %lt3A_1648 = arith.constant 8 : i32
    %lt3A_1649 = vector.broadcast %lt3A_1648 : i32 to vector<16xi32>
    %lt3A_1650 = arith.cmpi slt, %iota3A, %lt3A_1649 : vector<16xi32>
    %and3A_1651 = arith.andi %and3A_1647, %lt3A_1650 : vector<16xi1>
    %mul3A_1652 = arith.constant 1.600000e+04 : f32
    %mul3A_1653 = vector.broadcast %mul3A_1652 : f32 to vector<16xf32>
    %mul3A_1654 = arith.mulf %get3A_1629, %mul3A_1653 : vector<16xf32>
    %convert_element_type3A_1655 = arith.fptosi %mul3A_1654 : vector<16xf32> to vector<16xi32>
    %unique3A_1656, %unique3A_1657 = tpu.scan_count mask(%and3A_1651 : vector<16xi1>) value(%min3A_1640 : vector<16xi32>) : vector<16xi1>, vector<16xi32>
    %gather3A_1658 = tpu.vector_load_idx %arg12[%min3A_1640] : memref<32xi32, #tpu.memory_space<vmem>>[vector<16xi32>], vector<16xi32>,
    %gather3A_1659 = tpu.vector_load_idx %arg13[%min3A_1640] : memref<48xi32, #tpu.memory_space<vmem>>[vector<16xi32>], vector<16xi32>,
    %add3A_1660 = arith.addi %gather3A_1659, %gather3A_1658 : vector<16xi32>
    %add3A_1661 = arith.addi %add3A_1660, %unique3A_1657 : vector<16xi32>
    %sub3A_1662 = arith.constant 1 : i32
    %sub3A_1663 = vector.broadcast %sub3A_1662 : i32 to vector<16xi32>
    %sub3A_1664 = arith.subi %add3A_1661, %sub3A_1663 : vector<16xi32>
    tpu.vector_store_idx %arg9[%sub3A_1664], %convert_element_type3A_1655 masked %and3A_1651 : memref<224xi32, #tpu.memory_space<vmem>>[vector<16xi32>], vector<16xi32>, vector<16xi1>
    tpu.vector_store_idx %arg10[%sub3A_1664], %get3A_1631 masked %and3A_1651 : memref<224xf32, #tpu.memory_space<vmem>>[vector<16xi32>], vector<16xf32>, vector<16xi1>
    %add3A_1665 = arith.addi %gather3A_1658, %unique3A_1657 : vector<16xi32>
    %and3A_1666 = arith.andi %unique3A_1656, %and3A_1651 : vector<16xi1>
    tpu.vector_store_idx %arg12[%min3A_1640], %add3A_1665 masked %and3A_1666 : memref<32xi32, #tpu.memory_space<vmem>>[vector<16xi32>], vector<16xi32>, vector<16xi1>
    %scan3A_1667 = arith.constant 0 : i32
    %scan3A_1668 = arith.constant 20 : i32
    %scan3A_1669 = arith.addi %scan3A_1667, %scan3A_1668 : i32
    %scan3A_1670 = arith.constant 1 : i32
    scf.for %scan3A_1691 = %scan3A_1667 to %scan3A_1669 step %scan3A_1670  : i32 {
      %mul3A_1692 = arith.constant 1 : i32
      %mul3A_1693 = arith.muli %scan3A_1691, %mul3A_1692 : i32
      %add3A_1694 = arith.constant 0 : i32
      %add3A_1695 = arith.addi %add3A_1694, %mul3A_1693 : i32
      %get3A_1696 = arith.index_cast %add3A_1695 : i32 to index
      %get3A_1697 = tpu.vector_load %arg13[%get3A_1696] {strides = array<i32>} : memref<48xi32, #tpu.memory_space<vmem>>, vector<16xi32>,
      %slice3A_1698 = vector.extract_strided_slice %get3A_1697 {offsets = [0], sizes = [1], strides = [1]} : vector<16xi32> to vector<1xi32>
      %squeeze3A_1699 = vector.extract %slice3A_1698[0] : i32 from vector<1xi32>
      %slice3A_1700 = vector.extract_strided_slice %get3A_1697 {offsets = [1], sizes = [1], strides = [1]} : vector<16xi32> to vector<1xi32>
      %squeeze3A_1701 = vector.extract %slice3A_1700[0] : i32 from vector<1xi32>
      %gt3A_1702 = arith.cmpi sgt, %squeeze3A_1701, %squeeze3A_1699 : i32
      %convert_element_type3A_1703 = arith.extui %gt3A_1702 : i1 to i32
      %cond3A = arith.constant 0 : i32
      %cond3A_1704 = arith.cmpi ne, %convert_element_type3A_1703, %cond3A : i32
      scf.if %cond3A_1704 {
        %mul3A_1705 = arith.constant 1024 : i32
        %mul3A_1706 = arith.muli %add3A_1695, %mul3A_1705 : i32
        %add3A_1707 = arith.constant 0 : i32
        %add3A_1708 = arith.addi %mul3A_1706, %add3A_1707 : i32
        %add3A_1709 = arith.constant 0 : i32
        %add3A_1710 = arith.addi %add3A_1708, %add3A_1709 : i32
        %get3A_1711 = arith.index_cast %add3A_1710 : i32 to index
        %get3A_1712 = tpu.vector_load %arg4[%get3A_1711] {strides = array<i32>} : memref<20480xf32, #tpu.memory_space<vmem>>, vector<16xf32>,
        %add3A_1713 = arith.constant 16 : i32
        %add3A_1714 = arith.addi %add3A_1708, %add3A_1713 : i32
        %get3A_1715 = arith.index_cast %add3A_1714 : i32 to index
        %get3A_1716 = tpu.vector_load %arg4[%get3A_1715] {strides = array<i32>} : memref<20480xf32, #tpu.memory_space<vmem>>, vector<16xf32>,
        %add3A_1717 = arith.constant 32 : i32
        %add3A_1718 = arith.addi %add3A_1708, %add3A_1717 : i32
        %get3A_1719 = arith.index_cast %add3A_1718 : i32 to index
        %get3A_1720 = tpu.vector_load %arg4[%get3A_1719] {strides = array<i32>} : memref<20480xf32, #tpu.memory_space<vmem>>, vector<16xf32>,
        %add3A_1721 = arith.constant 48 : i32
        %add3A_1722 = arith.addi %add3A_1708, %add3A_1721 : i32
        %get3A_1723 = arith.index_cast %add3A_1722 : i32 to index
        %get3A_1724 = tpu.vector_load %arg4[%get3A_1723] {strides = array<i32>} : memref<20480xf32, #tpu.memory_space<vmem>>, vector<16xf32>,
        %add3A_1725 = arith.constant 64 : i32
        %add3A_1726 = arith.addi %add3A_1708, %add3A_1725 : i32
        %get3A_1727 = arith.index_cast %add3A_1726 : i32 to index
        %get3A_1728 = tpu.vector_load %arg4[%get3A_1727] {strides = array<i32>} : memref<20480xf32, #tpu.memory_space<vmem>>, vector<16xf32>,
        %add3A_1729 = arith.constant 80 : i32
        %add3A_1730 = arith.addi %add3A_1708, %add3A_1729 : i32
        %get3A_1731 = arith.index_cast %add3A_1730 : i32 to index
        %get3A_1732 = tpu.vector_load %arg4[%get3A_1731] {strides = array<i32>} : memref<20480xf32, #tpu.memory_space<vmem>>, vector<16xf32>,
        %add3A_1733 = arith.constant 96 : i32
        %add3A_1734 = arith.addi %add3A_1708, %add3A_1733 : i32
        %get3A_1735 = arith.index_cast %add3A_1734 : i32 to index
        %get3A_1736 = tpu.vector_load %arg4[%get3A_1735] {strides = array<i32>} : memref<20480xf32, #tpu.memory_space<vmem>>, vector<16xf32>,
        %add3A_1737 = arith.constant 112 : i32
        %add3A_1738 = arith.addi %add3A_1708, %add3A_1737 : i32
        %get3A_1739 = arith.index_cast %add3A_1738 : i32 to index
        %get3A_1740 = tpu.vector_load %arg4[%get3A_1739] {strides = array<i32>} : memref<20480xf32, #tpu.memory_space<vmem>>, vector<16xf32>,
        %add3A_1741 = arith.constant 128 : i32
        %add3A_1742 = arith.addi %add3A_1708, %add3A_1741 : i32
        %get3A_1743 = arith.index_cast %add3A_1742 : i32 to index
        %get3A_1744 = tpu.vector_load %arg4[%get3A_1743] {strides = array<i32>} : memref<20480xf32, #tpu.memory_space<vmem>>, vector<16xf32>,
        %add3A_1745 = arith.constant 144 : i32
        %add3A_1746 = arith.addi %add3A_1708, %add3A_1745 : i32
        %get3A_1747 = arith.index_cast %add3A_1746 : i32 to index
        %get3A_1748 = tpu.vector_load %arg4[%get3A_1747] {strides = array<i32>} : memref<20480xf32, #tpu.memory_space<vmem>>, vector<16xf32>,
        %add3A_1749 = arith.constant 160 : i32
        %add3A_1750 = arith.addi %add3A_1708, %add3A_1749 : i32
        %get3A_1751 = arith.index_cast %add3A_1750 : i32 to index
        %get3A_1752 = tpu.vector_load %arg4[%get3A_1751] {strides = array<i32>} : memref<20480xf32, #tpu.memory_space<vmem>>, vector<16xf32>,
        %add3A_1753 = arith.constant 176 : i32
        %add3A_1754 = arith.addi %add3A_1708, %add3A_1753 : i32
        %get3A_1755 = arith.index_cast %add3A_1754 : i32 to index
        %get3A_1756 = tpu.vector_load %arg4[%get3A_1755] {strides = array<i32>} : memref<20480xf32, #tpu.memory_space<vmem>>, vector<16xf32>,
        %add3A_1757 = arith.constant 192 : i32
        %add3A_1758 = arith.addi %add3A_1708, %add3A_1757 : i32
        %get3A_1759 = arith.index_cast %add3A_1758 : i32 to index
        %get3A_1760 = tpu.vector_load %arg4[%get3A_1759] {strides = array<i32>} : memref<20480xf32, #tpu.memory_space<vmem>>, vector<16xf32>,
        %add3A_1761 = arith.constant 208 : i32
        %add3A_1762 = arith.addi %add3A_1708, %add3A_1761 : i32
        %get3A_1763 = arith.index_cast %add3A_1762 : i32 to index
        %get3A_1764 = tpu.vector_load %arg4[%get3A_1763] {strides = array<i32>} : memref<20480xf32, #tpu.memory_space<vmem>>, vector<16xf32>,
        %add3A_1765 = arith.constant 224 : i32
        %add3A_1766 = arith.addi %add3A_1708, %add3A_1765 : i32
        %get3A_1767 = arith.index_cast %add3A_1766 : i32 to index
        %get3A_1768 = tpu.vector_load %arg4[%get3A_1767] {strides = array<i32>} : memref<20480xf32, #tpu.memory_space<vmem>>, vector<16xf32>,
        %add3A_1769 = arith.constant 240 : i32
        %add3A_1770 = arith.addi %add3A_1708, %add3A_1769 : i32
        %get3A_1771 = arith.index_cast %add3A_1770 : i32 to index
        %get3A_1772 = tpu.vector_load %arg4[%get3A_1771] {strides = array<i32>} : memref<20480xf32, #tpu.memory_space<vmem>>, vector<16xf32>,
        %add3A_1773 = arith.constant 256 : i32
        %add3A_1774 = arith.addi %add3A_1708, %add3A_1773 : i32
        %get3A_1775 = arith.index_cast %add3A_1774 : i32 to index
        %get3A_1776 = tpu.vector_load %arg4[%get3A_1775] {strides = array<i32>} : memref<20480xf32, #tpu.memory_space<vmem>>, vector<16xf32>,
        %add3A_1777 = arith.constant 272 : i32
        %add3A_1778 = arith.addi %add3A_1708, %add3A_1777 : i32
        %get3A_1779 = arith.index_cast %add3A_1778 : i32 to index
        %get3A_1780 = tpu.vector_load %arg4[%get3A_1779] {strides = array<i32>} : memref<20480xf32, #tpu.memory_space<vmem>>, vector<16xf32>,
        %add3A_1781 = arith.constant 288 : i32
        %add3A_1782 = arith.addi %add3A_1708, %add3A_1781 : i32
        %get3A_1783 = arith.index_cast %add3A_1782 : i32 to index
        %get3A_1784 = tpu.vector_load %arg4[%get3A_1783] {strides = array<i32>} : memref<20480xf32, #tpu.memory_space<vmem>>, vector<16xf32>,
        %add3A_1785 = arith.constant 304 : i32
        %add3A_1786 = arith.addi %add3A_1708, %add3A_1785 : i32
        %get3A_1787 = arith.index_cast %add3A_1786 : i32 to index
        %get3A_1788 = tpu.vector_load %arg4[%get3A_1787] {strides = array<i32>} : memref<20480xf32, #tpu.memory_space<vmem>>, vector<16xf32>,
        %add3A_1789 = arith.constant 320 : i32
        %add3A_1790 = arith.addi %add3A_1708, %add3A_1789 : i32
        %get3A_1791 = arith.index_cast %add3A_1790 : i32 to index
        %get3A_1792 = tpu.vector_load %arg4[%get3A_1791] {strides = array<i32>} : memref<20480xf32, #tpu.memory_space<vmem>>, vector<16xf32>,
        %add3A_1793 = arith.constant 336 : i32
        %add3A_1794 = arith.addi %add3A_1708, %add3A_1793 : i32
        %get3A_1795 = arith.index_cast %add3A_1794 : i32 to index
        %get3A_1796 = tpu.vector_load %arg4[%get3A_1795] {strides = array<i32>} : memref<20480xf32, #tpu.memory_space<vmem>>, vector<16xf32>,
        %add3A_1797 = arith.constant 352 : i32
        %add3A_1798 = arith.addi %add3A_1708, %add3A_1797 : i32
        %get3A_1799 = arith.index_cast %add3A_1798 : i32 to index
        %get3A_1800 = tpu.vector_load %arg4[%get3A_1799] {strides = array<i32>} : memref<20480xf32, #tpu.memory_space<vmem>>, vector<16xf32>,
        %add3A_1801 = arith.constant 368 : i32
        %add3A_1802 = arith.addi %add3A_1708, %add3A_1801 : i32
        %get3A_1803 = arith.index_cast %add3A_1802 : i32 to index
        %get3A_1804 = tpu.vector_load %arg4[%get3A_1803] {strides = array<i32>} : memref<20480xf32, #tpu.memory_space<vmem>>, vector<16xf32>,
        %add3A_1805 = arith.constant 384 : i32
        %add3A_1806 = arith.addi %add3A_1708, %add3A_1805 : i32
        %get3A_1807 = arith.index_cast %add3A_1806 : i32 to index
        %get3A_1808 = tpu.vector_load %arg4[%get3A_1807] {strides = array<i32>} : memref<20480xf32, #tpu.memory_space<vmem>>, vector<16xf32>,
        %add3A_1809 = arith.constant 400 : i32
        %add3A_1810 = arith.addi %add3A_1708, %add3A_1809 : i32
        %get3A_1811 = arith.index_cast %add3A_1810 : i32 to index
        %get3A_1812 = tpu.vector_load %arg4[%get3A_1811] {strides = array<i32>} : memref<20480xf32, #tpu.memory_space<vmem>>, vector<16xf32>,
        %add3A_1813 = arith.constant 416 : i32
        %add3A_1814 = arith.addi %add3A_1708, %add3A_1813 : i32
        %get3A_1815 = arith.index_cast %add3A_1814 : i32 to index
        %get3A_1816 = tpu.vector_load %arg4[%get3A_1815] {strides = array<i32>} : memref<20480xf32, #tpu.memory_space<vmem>>, vector<16xf32>,
        %add3A_1817 = arith.constant 432 : i32
        %add3A_1818 = arith.addi %add3A_1708, %add3A_1817 : i32
        %get3A_1819 = arith.index_cast %add3A_1818 : i32 to index
        %get3A_1820 = tpu.vector_load %arg4[%get3A_1819] {strides = array<i32>} : memref<20480xf32, #tpu.memory_space<vmem>>, vector<16xf32>,
        %add3A_1821 = arith.constant 448 : i32
        %add3A_1822 = arith.addi %add3A_1708, %add3A_1821 : i32
        %get3A_1823 = arith.index_cast %add3A_1822 : i32 to index
        %get3A_1824 = tpu.vector_load %arg4[%get3A_1823] {strides = array<i32>} : memref<20480xf32, #tpu.memory_space<vmem>>, vector<16xf32>,
        %add3A_1825 = arith.constant 464 : i32
        %add3A_1826 = arith.addi %add3A_1708, %add3A_1825 : i32
        %get3A_1827 = arith.index_cast %add3A_1826 : i32 to index
        %get3A_1828 = tpu.vector_load %arg4[%get3A_1827] {strides = array<i32>} : memref<20480xf32, #tpu.memory_space<vmem>>, vector<16xf32>,
        %add3A_1829 = arith.constant 480 : i32
        %add3A_1830 = arith.addi %add3A_1708, %add3A_1829 : i32
        %get3A_1831 = arith.index_cast %add3A_1830 : i32 to index
        %get3A_1832 = tpu.vector_load %arg4[%get3A_1831] {strides = array<i32>} : memref<20480xf32, #tpu.memory_space<vmem>>, vector<16xf32>,
        %add3A_1833 = arith.constant 496 : i32
        %add3A_1834 = arith.addi %add3A_1708, %add3A_1833 : i32
        %get3A_1835 = arith.index_cast %add3A_1834 : i32 to index
        %get3A_1836 = tpu.vector_load %arg4[%get3A_1835] {strides = array<i32>} : memref<20480xf32, #tpu.memory_space<vmem>>, vector<16xf32>,
        %get3A_1837 = arith.index_cast %squeeze3A_1699 : i32 to index
        %get3A_1838 = tpu.vector_load %arg9[%get3A_1837] {strides = array<i32>} : memref<224xi32, #tpu.memory_space<vmem>>, vector<16xi32>,
        %get3A_1839 = arith.index_cast %squeeze3A_1699 : i32 to index
        %get3A_1840 = tpu.vector_load %arg10[%get3A_1839] {strides = array<i32>} : memref<224xf32, #tpu.memory_space<vmem>>, vector<16xf32>,
        %slice3A_1841 = vector.extract_strided_slice %get3A_1838 {offsets = [0], sizes = [1], strides = [1]} : vector<16xi32> to vector<1xi32>
        %squeeze3A_1842 = vector.extract %slice3A_1841[0] : i32 from vector<1xi32>
        %slice3A_1843 = vector.extract_strided_slice %get3A_1840 {offsets = [0], sizes = [1], strides = [1]} : vector<16xf32> to vector<1xf32>
        %squeeze3A_1844 = vector.extract %slice3A_1843[0] : f32 from vector<1xf32>
        %sub3A_1845 = arith.subi %squeeze3A_1701, %squeeze3A_1699 : i32
        %sub3A_1846 = arith.constant 1 : i32
        %sub3A_1847 = arith.constant 1 : i32
        %sub3A_1848 = arith.subi %sub3A_1846, %sub3A_1847 : i32
        %add3A_1849 = arith.addi %sub3A_1845, %sub3A_1848 : i32
        %div3A_1850 = arith.constant 1 : i32
        %div3A_1851 = arith.divsi %add3A_1849, %div3A_1850 : i32
        %while3A = arith.constant 1 : i32
        %while3A_1852 = arith.constant 0 : i32
        %while3A_1853 = arith.subi %div3A_1851, %while3A_1852 : i32
        %while3A_1854 = arith.addi %while3A_1852, %while3A_1853 : i32
        %while3A_1855 = arith.constant 1 : i32
        %while3A_1856 = arith.divsi %while3A_1853, %while3A_1855 : i32
        %while3A_1857 = arith.muli %while3A_1856, %while3A_1855 : i32
        %while3A_1858 = arith.addi %while3A_1852, %while3A_1857 : i32
        %while3A_1859 = arith.constant 1 : i32
        %while3A_1860:2 = scf.for %while3A_2022 = %while3A_1852 to %while3A_1858 step %while3A_1859 iter_args(%while3A_2023 = %squeeze3A_1842, %while3A_2024 = %squeeze3A_1844) -> (i32, f32)  : i32 {
          %mul3A_2025 = arith.muli %while3A_2022, %while3A : i32
          %add3A_2026 = arith.addi %squeeze3A_1699, %mul3A_2025 : i32
          %add3A_2027 = arith.constant 1 : i32
          %add3A_2028 = arith.addi %add3A_2026, %add3A_2027 : i32
          %get3A_2029 = arith.index_cast %add3A_2028 : i32 to index
          %get3A_2030 = tpu.vector_load %arg9[%get3A_2029] {strides = array<i32>} : memref<224xi32, #tpu.memory_space<vmem>>, vector<16xi32>,
          %add3A_2031 = arith.constant 1 : i32
          %add3A_2032 = arith.addi %add3A_2026, %add3A_2031 : i32
          %get3A_2033 = arith.index_cast %add3A_2032 : i32 to index
          %get3A_2034 = tpu.vector_load %arg10[%get3A_2033] {strides = array<i32>} : memref<224xf32, #tpu.memory_space<vmem>>, vector<16xf32>,
          %broadcast_in_dim3A_2035 = vector.broadcast %while3A_2024 : f32 to vector<16xf32>
          %add3A_2036 = arith.constant 0 : i32
          %add3A_2037 = arith.addi %while3A_2023, %add3A_2036 : i32
          %add3A_2038 = arith.constant 0 : i32
          %add3A_2039 = arith.addi %add3A_2037, %add3A_2038 : i32
          %mul3A_2040 = arith.mulf %broadcast_in_dim3A_2035, %get3A_1712 : vector<16xf32>
          %swap3A_2041 = arith.index_cast %add3A_2039 : i32 to index
          %swap3A_2042 = tpu.vector_load %arg5[%swap3A_2041] {strides = array<i32>} : memref<48000xf32, #tpu.memory_space<vmem>>, vector<16xf32>,
          tpu.vector_store %arg5[%swap3A_2041], %mul3A_2040 {add = true, strides = array<i32>} : memref<48000xf32, #tpu.memory_space<vmem>>, vector<16xf32>,
          %add3A_2043 = arith.constant 16 : i32
          %add3A_2044 = arith.addi %add3A_2037, %add3A_2043 : i32
          %mul3A_2045 = arith.mulf %broadcast_in_dim3A_2035, %get3A_1716 : vector<16xf32>
          %swap3A_2046 = arith.index_cast %add3A_2044 : i32 to index
          %swap3A_2047 = tpu.vector_load %arg5[%swap3A_2046] {strides = array<i32>} : memref<48000xf32, #tpu.memory_space<vmem>>, vector<16xf32>,
          tpu.vector_store %arg5[%swap3A_2046], %mul3A_2045 {add = true, strides = array<i32>} : memref<48000xf32, #tpu.memory_space<vmem>>, vector<16xf32>,
          %add3A_2048 = arith.constant 32 : i32
          %add3A_2049 = arith.addi %add3A_2037, %add3A_2048 : i32
          %mul3A_2050 = arith.mulf %broadcast_in_dim3A_2035, %get3A_1720 : vector<16xf32>
          %swap3A_2051 = arith.index_cast %add3A_2049 : i32 to index
          %swap3A_2052 = tpu.vector_load %arg5[%swap3A_2051] {strides = array<i32>} : memref<48000xf32, #tpu.memory_space<vmem>>, vector<16xf32>,
          tpu.vector_store %arg5[%swap3A_2051], %mul3A_2050 {add = true, strides = array<i32>} : memref<48000xf32, #tpu.memory_space<vmem>>, vector<16xf32>,
          %add3A_2053 = arith.constant 48 : i32
          %add3A_2054 = arith.addi %add3A_2037, %add3A_2053 : i32
          %mul3A_2055 = arith.mulf %broadcast_in_dim3A_2035, %get3A_1724 : vector<16xf32>
          %swap3A_2056 = arith.index_cast %add3A_2054 : i32 to index
          %swap3A_2057 = tpu.vector_load %arg5[%swap3A_2056] {strides = array<i32>} : memref<48000xf32, #tpu.memory_space<vmem>>, vector<16xf32>,
          tpu.vector_store %arg5[%swap3A_2056], %mul3A_2055 {add = true, strides = array<i32>} : memref<48000xf32, #tpu.memory_space<vmem>>, vector<16xf32>,
          %add3A_2058 = arith.constant 64 : i32
          %add3A_2059 = arith.addi %add3A_2037, %add3A_2058 : i32
          %mul3A_2060 = arith.mulf %broadcast_in_dim3A_2035, %get3A_1728 : vector<16xf32>
          %swap3A_2061 = arith.index_cast %add3A_2059 : i32 to index
          %swap3A_2062 = tpu.vector_load %arg5[%swap3A_2061] {strides = array<i32>} : memref<48000xf32, #tpu.memory_space<vmem>>, vector<16xf32>,
          tpu.vector_store %arg5[%swap3A_2061], %mul3A_2060 {add = true, strides = array<i32>} : memref<48000xf32, #tpu.memory_space<vmem>>, vector<16xf32>,
          %add3A_2063 = arith.constant 80 : i32
          %add3A_2064 = arith.addi %add3A_2037, %add3A_2063 : i32
          %mul3A_2065 = arith.mulf %broadcast_in_dim3A_2035, %get3A_1732 : vector<16xf32>
          %swap3A_2066 = arith.index_cast %add3A_2064 : i32 to index
          %swap3A_2067 = tpu.vector_load %arg5[%swap3A_2066] {strides = array<i32>} : memref<48000xf32, #tpu.memory_space<vmem>>, vector<16xf32>,
          tpu.vector_store %arg5[%swap3A_2066], %mul3A_2065 {add = true, strides = array<i32>} : memref<48000xf32, #tpu.memory_space<vmem>>, vector<16xf32>,
          %add3A_2068 = arith.constant 96 : i32
          %add3A_2069 = arith.addi %add3A_2037, %add3A_2068 : i32
          %mul3A_2070 = arith.mulf %broadcast_in_dim3A_2035, %get3A_1736 : vector<16xf32>
          %swap3A_2071 = arith.index_cast %add3A_2069 : i32 to index
          %swap3A_2072 = tpu.vector_load %arg5[%swap3A_2071] {strides = array<i32>} : memref<48000xf32, #tpu.memory_space<vmem>>, vector<16xf32>,
          tpu.vector_store %arg5[%swap3A_2071], %mul3A_2070 {add = true, strides = array<i32>} : memref<48000xf32, #tpu.memory_space<vmem>>, vector<16xf32>,
          %add3A_2073 = arith.constant 112 : i32
          %add3A_2074 = arith.addi %add3A_2037, %add3A_2073 : i32
          %mul3A_2075 = arith.mulf %broadcast_in_dim3A_2035, %get3A_1740 : vector<16xf32>
          %swap3A_2076 = arith.index_cast %add3A_2074 : i32 to index
          %swap3A_2077 = tpu.vector_load %arg5[%swap3A_2076] {strides = array<i32>} : memref<48000xf32, #tpu.memory_space<vmem>>, vector<16xf32>,
          tpu.vector_store %arg5[%swap3A_2076], %mul3A_2075 {add = true, strides = array<i32>} : memref<48000xf32, #tpu.memory_space<vmem>>, vector<16xf32>,
          %add3A_2078 = arith.constant 128 : i32
          %add3A_2079 = arith.addi %add3A_2037, %add3A_2078 : i32
          %mul3A_2080 = arith.mulf %broadcast_in_dim3A_2035, %get3A_1744 : vector<16xf32>
          %swap3A_2081 = arith.index_cast %add3A_2079 : i32 to index
          %swap3A_2082 = tpu.vector_load %arg5[%swap3A_2081] {strides = array<i32>} : memref<48000xf32, #tpu.memory_space<vmem>>, vector<16xf32>,
          tpu.vector_store %arg5[%swap3A_2081], %mul3A_2080 {add = true, strides = array<i32>} : memref<48000xf32, #tpu.memory_space<vmem>>, vector<16xf32>,
          %add3A_2083 = arith.constant 144 : i32
          %add3A_2084 = arith.addi %add3A_2037, %add3A_2083 : i32
          %mul3A_2085 = arith.mulf %broadcast_in_dim3A_2035, %get3A_1748 : vector<16xf32>
          %swap3A_2086 = arith.index_cast %add3A_2084 : i32 to index
          %swap3A_2087 = tpu.vector_load %arg5[%swap3A_2086] {strides = array<i32>} : memref<48000xf32, #tpu.memory_space<vmem>>, vector<16xf32>,
          tpu.vector_store %arg5[%swap3A_2086], %mul3A_2085 {add = true, strides = array<i32>} : memref<48000xf32, #tpu.memory_space<vmem>>, vector<16xf32>,
          %add3A_2088 = arith.constant 160 : i32
          %add3A_2089 = arith.addi %add3A_2037, %add3A_2088 : i32
          %mul3A_2090 = arith.mulf %broadcast_in_dim3A_2035, %get3A_1752 : vector<16xf32>
          %swap3A_2091 = arith.index_cast %add3A_2089 : i32 to index
          %swap3A_2092 = tpu.vector_load %arg5[%swap3A_2091] {strides = array<i32>} : memref<48000xf32, #tpu.memory_space<vmem>>, vector<16xf32>,
          tpu.vector_store %arg5[%swap3A_2091], %mul3A_2090 {add = true, strides = array<i32>} : memref<48000xf32, #tpu.memory_space<vmem>>, vector<16xf32>,
          %add3A_2093 = arith.constant 176 : i32
          %add3A_2094 = arith.addi %add3A_2037, %add3A_2093 : i32
          %mul3A_2095 = arith.mulf %broadcast_in_dim3A_2035, %get3A_1756 : vector<16xf32>
          %swap3A_2096 = arith.index_cast %add3A_2094 : i32 to index
          %swap3A_2097 = tpu.vector_load %arg5[%swap3A_2096] {strides = array<i32>} : memref<48000xf32, #tpu.memory_space<vmem>>, vector<16xf32>,
          tpu.vector_store %arg5[%swap3A_2096], %mul3A_2095 {add = true, strides = array<i32>} : memref<48000xf32, #tpu.memory_space<vmem>>, vector<16xf32>,
          %add3A_2098 = arith.constant 192 : i32
          %add3A_2099 = arith.addi %add3A_2037, %add3A_2098 : i32
          %mul3A_2100 = arith.mulf %broadcast_in_dim3A_2035, %get3A_1760 : vector<16xf32>
          %swap3A_2101 = arith.index_cast %add3A_2099 : i32 to index
          %swap3A_2102 = tpu.vector_load %arg5[%swap3A_2101] {strides = array<i32>} : memref<48000xf32, #tpu.memory_space<vmem>>, vector<16xf32>,
          tpu.vector_store %arg5[%swap3A_2101], %mul3A_2100 {add = true, strides = array<i32>} : memref<48000xf32, #tpu.memory_space<vmem>>, vector<16xf32>,
          %add3A_2103 = arith.constant 208 : i32
          %add3A_2104 = arith.addi %add3A_2037, %add3A_2103 : i32
          %mul3A_2105 = arith.mulf %broadcast_in_dim3A_2035, %get3A_1764 : vector<16xf32>
          %swap3A_2106 = arith.index_cast %add3A_2104 : i32 to index
          %swap3A_2107 = tpu.vector_load %arg5[%swap3A_2106] {strides = array<i32>} : memref<48000xf32, #tpu.memory_space<vmem>>, vector<16xf32>,
          tpu.vector_store %arg5[%swap3A_2106], %mul3A_2105 {add = true, strides = array<i32>} : memref<48000xf32, #tpu.memory_space<vmem>>, vector<16xf32>,
          %add3A_2108 = arith.constant 224 : i32
          %add3A_2109 = arith.addi %add3A_2037, %add3A_2108 : i32
          %mul3A_2110 = arith.mulf %broadcast_in_dim3A_2035, %get3A_1768 : vector<16xf32>
          %swap3A_2111 = arith.index_cast %add3A_2109 : i32 to index
          %swap3A_2112 = tpu.vector_load %arg5[%swap3A_2111] {strides = array<i32>} : memref<48000xf32, #tpu.memory_space<vmem>>, vector<16xf32>,
          tpu.vector_store %arg5[%swap3A_2111], %mul3A_2110 {add = true, strides = array<i32>} : memref<48000xf32, #tpu.memory_space<vmem>>, vector<16xf32>,
          %add3A_2113 = arith.constant 240 : i32
          %add3A_2114 = arith.addi %add3A_2037, %add3A_2113 : i32
          %mul3A_2115 = arith.mulf %broadcast_in_dim3A_2035, %get3A_1772 : vector<16xf32>
          %swap3A_2116 = arith.index_cast %add3A_2114 : i32 to index
          %swap3A_2117 = tpu.vector_load %arg5[%swap3A_2116] {strides = array<i32>} : memref<48000xf32, #tpu.memory_space<vmem>>, vector<16xf32>,
          tpu.vector_store %arg5[%swap3A_2116], %mul3A_2115 {add = true, strides = array<i32>} : memref<48000xf32, #tpu.memory_space<vmem>>, vector<16xf32>,
          %add3A_2118 = arith.constant 256 : i32
          %add3A_2119 = arith.addi %add3A_2037, %add3A_2118 : i32
          %mul3A_2120 = arith.mulf %broadcast_in_dim3A_2035, %get3A_1776 : vector<16xf32>
          %swap3A_2121 = arith.index_cast %add3A_2119 : i32 to index
          %swap3A_2122 = tpu.vector_load %arg5[%swap3A_2121] {strides = array<i32>} : memref<48000xf32, #tpu.memory_space<vmem>>, vector<16xf32>,
          tpu.vector_store %arg5[%swap3A_2121], %mul3A_2120 {add = true, strides = array<i32>} : memref<48000xf32, #tpu.memory_space<vmem>>, vector<16xf32>,
          %add3A_2123 = arith.constant 272 : i32
          %add3A_2124 = arith.addi %add3A_2037, %add3A_2123 : i32
          %mul3A_2125 = arith.mulf %broadcast_in_dim3A_2035, %get3A_1780 : vector<16xf32>
          %swap3A_2126 = arith.index_cast %add3A_2124 : i32 to index
          %swap3A_2127 = tpu.vector_load %arg5[%swap3A_2126] {strides = array<i32>} : memref<48000xf32, #tpu.memory_space<vmem>>, vector<16xf32>,
          tpu.vector_store %arg5[%swap3A_2126], %mul3A_2125 {add = true, strides = array<i32>} : memref<48000xf32, #tpu.memory_space<vmem>>, vector<16xf32>,
          %add3A_2128 = arith.constant 288 : i32
          %add3A_2129 = arith.addi %add3A_2037, %add3A_2128 : i32
          %mul3A_2130 = arith.mulf %broadcast_in_dim3A_2035, %get3A_1784 : vector<16xf32>
          %swap3A_2131 = arith.index_cast %add3A_2129 : i32 to index
          %swap3A_2132 = tpu.vector_load %arg5[%swap3A_2131] {strides = array<i32>} : memref<48000xf32, #tpu.memory_space<vmem>>, vector<16xf32>,
          tpu.vector_store %arg5[%swap3A_2131], %mul3A_2130 {add = true, strides = array<i32>} : memref<48000xf32, #tpu.memory_space<vmem>>, vector<16xf32>,
          %add3A_2133 = arith.constant 304 : i32
          %add3A_2134 = arith.addi %add3A_2037, %add3A_2133 : i32
          %mul3A_2135 = arith.mulf %broadcast_in_dim3A_2035, %get3A_1788 : vector<16xf32>
          %swap3A_2136 = arith.index_cast %add3A_2134 : i32 to index
          %swap3A_2137 = tpu.vector_load %arg5[%swap3A_2136] {strides = array<i32>} : memref<48000xf32, #tpu.memory_space<vmem>>, vector<16xf32>,
          tpu.vector_store %arg5[%swap3A_2136], %mul3A_2135 {add = true, strides = array<i32>} : memref<48000xf32, #tpu.memory_space<vmem>>, vector<16xf32>,
          %add3A_2138 = arith.constant 320 : i32
          %add3A_2139 = arith.addi %add3A_2037, %add3A_2138 : i32
          %mul3A_2140 = arith.mulf %broadcast_in_dim3A_2035, %get3A_1792 : vector<16xf32>
          %swap3A_2141 = arith.index_cast %add3A_2139 : i32 to index
          %swap3A_2142 = tpu.vector_load %arg5[%swap3A_2141] {strides = array<i32>} : memref<48000xf32, #tpu.memory_space<vmem>>, vector<16xf32>,
          tpu.vector_store %arg5[%swap3A_2141], %mul3A_2140 {add = true, strides = array<i32>} : memref<48000xf32, #tpu.memory_space<vmem>>, vector<16xf32>,
          %add3A_2143 = arith.constant 336 : i32
          %add3A_2144 = arith.addi %add3A_2037, %add3A_2143 : i32
          %mul3A_2145 = arith.mulf %broadcast_in_dim3A_2035, %get3A_1796 : vector<16xf32>
          %swap3A_2146 = arith.index_cast %add3A_2144 : i32 to index
          %swap3A_2147 = tpu.vector_load %arg5[%swap3A_2146] {strides = array<i32>} : memref<48000xf32, #tpu.memory_space<vmem>>, vector<16xf32>,
          tpu.vector_store %arg5[%swap3A_2146], %mul3A_2145 {add = true, strides = array<i32>} : memref<48000xf32, #tpu.memory_space<vmem>>, vector<16xf32>,
          %add3A_2148 = arith.constant 352 : i32
          %add3A_2149 = arith.addi %add3A_2037, %add3A_2148 : i32
          %mul3A_2150 = arith.mulf %broadcast_in_dim3A_2035, %get3A_1800 : vector<16xf32>
          %swap3A_2151 = arith.index_cast %add3A_2149 : i32 to index
          %swap3A_2152 = tpu.vector_load %arg5[%swap3A_2151] {strides = array<i32>} : memref<48000xf32, #tpu.memory_space<vmem>>, vector<16xf32>,
          tpu.vector_store %arg5[%swap3A_2151], %mul3A_2150 {add = true, strides = array<i32>} : memref<48000xf32, #tpu.memory_space<vmem>>, vector<16xf32>,
          %add3A_2153 = arith.constant 368 : i32
          %add3A_2154 = arith.addi %add3A_2037, %add3A_2153 : i32
          %mul3A_2155 = arith.mulf %broadcast_in_dim3A_2035, %get3A_1804 : vector<16xf32>
          %swap3A_2156 = arith.index_cast %add3A_2154 : i32 to index
          %swap3A_2157 = tpu.vector_load %arg5[%swap3A_2156] {strides = array<i32>} : memref<48000xf32, #tpu.memory_space<vmem>>, vector<16xf32>,
          tpu.vector_store %arg5[%swap3A_2156], %mul3A_2155 {add = true, strides = array<i32>} : memref<48000xf32, #tpu.memory_space<vmem>>, vector<16xf32>,
          %add3A_2158 = arith.constant 384 : i32
          %add3A_2159 = arith.addi %add3A_2037, %add3A_2158 : i32
          %mul3A_2160 = arith.mulf %broadcast_in_dim3A_2035, %get3A_1808 : vector<16xf32>
          %swap3A_2161 = arith.index_cast %add3A_2159 : i32 to index
          %swap3A_2162 = tpu.vector_load %arg5[%swap3A_2161] {strides = array<i32>} : memref<48000xf32, #tpu.memory_space<vmem>>, vector<16xf32>,
          tpu.vector_store %arg5[%swap3A_2161], %mul3A_2160 {add = true, strides = array<i32>} : memref<48000xf32, #tpu.memory_space<vmem>>, vector<16xf32>,
          %add3A_2163 = arith.constant 400 : i32
          %add3A_2164 = arith.addi %add3A_2037, %add3A_2163 : i32
          %mul3A_2165 = arith.mulf %broadcast_in_dim3A_2035, %get3A_1812 : vector<16xf32>
          %swap3A_2166 = arith.index_cast %add3A_2164 : i32 to index
          %swap3A_2167 = tpu.vector_load %arg5[%swap3A_2166] {strides = array<i32>} : memref<48000xf32, #tpu.memory_space<vmem>>, vector<16xf32>,
          tpu.vector_store %arg5[%swap3A_2166], %mul3A_2165 {add = true, strides = array<i32>} : memref<48000xf32, #tpu.memory_space<vmem>>, vector<16xf32>,
          %add3A_2168 = arith.constant 416 : i32
          %add3A_2169 = arith.addi %add3A_2037, %add3A_2168 : i32
          %mul3A_2170 = arith.mulf %broadcast_in_dim3A_2035, %get3A_1816 : vector<16xf32>
          %swap3A_2171 = arith.index_cast %add3A_2169 : i32 to index
          %swap3A_2172 = tpu.vector_load %arg5[%swap3A_2171] {strides = array<i32>} : memref<48000xf32, #tpu.memory_space<vmem>>, vector<16xf32>,
          tpu.vector_store %arg5[%swap3A_2171], %mul3A_2170 {add = true, strides = array<i32>} : memref<48000xf32, #tpu.memory_space<vmem>>, vector<16xf32>,
          %add3A_2173 = arith.constant 432 : i32
          %add3A_2174 = arith.addi %add3A_2037, %add3A_2173 : i32
          %mul3A_2175 = arith.mulf %broadcast_in_dim3A_2035, %get3A_1820 : vector<16xf32>
          %swap3A_2176 = arith.index_cast %add3A_2174 : i32 to index
          %swap3A_2177 = tpu.vector_load %arg5[%swap3A_2176] {strides = array<i32>} : memref<48000xf32, #tpu.memory_space<vmem>>, vector<16xf32>,
          tpu.vector_store %arg5[%swap3A_2176], %mul3A_2175 {add = true, strides = array<i32>} : memref<48000xf32, #tpu.memory_space<vmem>>, vector<16xf32>,
          %add3A_2178 = arith.constant 448 : i32
          %add3A_2179 = arith.addi %add3A_2037, %add3A_2178 : i32
          %mul3A_2180 = arith.mulf %broadcast_in_dim3A_2035, %get3A_1824 : vector<16xf32>
          %swap3A_2181 = arith.index_cast %add3A_2179 : i32 to index
          %swap3A_2182 = tpu.vector_load %arg5[%swap3A_2181] {strides = array<i32>} : memref<48000xf32, #tpu.memory_space<vmem>>, vector<16xf32>,
          tpu.vector_store %arg5[%swap3A_2181], %mul3A_2180 {add = true, strides = array<i32>} : memref<48000xf32, #tpu.memory_space<vmem>>, vector<16xf32>,
          %add3A_2183 = arith.constant 464 : i32
          %add3A_2184 = arith.addi %add3A_2037, %add3A_2183 : i32
          %mul3A_2185 = arith.mulf %broadcast_in_dim3A_2035, %get3A_1828 : vector<16xf32>
          %swap3A_2186 = arith.index_cast %add3A_2184 : i32 to index
          %swap3A_2187 = tpu.vector_load %arg5[%swap3A_2186] {strides = array<i32>} : memref<48000xf32, #tpu.memory_space<vmem>>, vector<16xf32>,
          tpu.vector_store %arg5[%swap3A_2186], %mul3A_2185 {add = true, strides = array<i32>} : memref<48000xf32, #tpu.memory_space<vmem>>, vector<16xf32>,
          %add3A_2188 = arith.constant 480 : i32
          %add3A_2189 = arith.addi %add3A_2037, %add3A_2188 : i32
          %mul3A_2190 = arith.mulf %broadcast_in_dim3A_2035, %get3A_1832 : vector<16xf32>
          %swap3A_2191 = arith.index_cast %add3A_2189 : i32 to index
          %swap3A_2192 = tpu.vector_load %arg5[%swap3A_2191] {strides = array<i32>} : memref<48000xf32, #tpu.memory_space<vmem>>, vector<16xf32>,
          tpu.vector_store %arg5[%swap3A_2191], %mul3A_2190 {add = true, strides = array<i32>} : memref<48000xf32, #tpu.memory_space<vmem>>, vector<16xf32>,
          %add3A_2193 = arith.constant 496 : i32
          %add3A_2194 = arith.addi %add3A_2037, %add3A_2193 : i32
          %mul3A_2195 = arith.mulf %broadcast_in_dim3A_2035, %get3A_1836 : vector<16xf32>
          %swap3A_2196 = arith.index_cast %add3A_2194 : i32 to index
          %swap3A_2197 = tpu.vector_load %arg5[%swap3A_2196] {strides = array<i32>} : memref<48000xf32, #tpu.memory_space<vmem>>, vector<16xf32>,
          tpu.vector_store %arg5[%swap3A_2196], %mul3A_2195 {add = true, strides = array<i32>} : memref<48000xf32, #tpu.memory_space<vmem>>, vector<16xf32>,
          %slice3A_2198 = vector.extract_strided_slice %get3A_2030 {offsets = [0], sizes = [1], strides = [1]} : vector<16xi32> to vector<1xi32>
          %squeeze3A_2199 = vector.extract %slice3A_2198[0] : i32 from vector<1xi32>
          %slice3A_2200 = vector.extract_strided_slice %get3A_2034 {offsets = [0], sizes = [1], strides = [1]} : vector<16xf32> to vector<1xf32>
          %squeeze3A_2201 = vector.extract %slice3A_2200[0] : f32 from vector<1xf32>
          scf.yield %squeeze3A_2199, %squeeze3A_2201 : i32, f32
        }
        %while3A_1861 = arith.constant 1 : i32
        %while3A_1862:2 = scf.for %while3A_2022 = %while3A_1858 to %while3A_1854 step %while3A_1861 iter_args(%while3A_2023 = %while3A_1860#0, %while3A_2024 = %while3A_1860#1) -> (i32, f32)  : i32 {
          %mul3A_2025 = arith.muli %while3A_2022, %while3A : i32
          %add3A_2026 = arith.addi %squeeze3A_1699, %mul3A_2025 : i32
          %add3A_2027 = arith.constant 1 : i32
          %add3A_2028 = arith.addi %add3A_2026, %add3A_2027 : i32
          %get3A_2029 = arith.index_cast %add3A_2028 : i32 to index
          %get3A_2030 = tpu.vector_load %arg9[%get3A_2029] {strides = array<i32>} : memref<224xi32, #tpu.memory_space<vmem>>, vector<16xi32>,
          %add3A_2031 = arith.constant 1 : i32
          %add3A_2032 = arith.addi %add3A_2026, %add3A_2031 : i32
          %get3A_2033 = arith.index_cast %add3A_2032 : i32 to index
          %get3A_2034 = tpu.vector_load %arg10[%get3A_2033] {strides = array<i32>} : memref<224xf32, #tpu.memory_space<vmem>>, vector<16xf32>,
          %broadcast_in_dim3A_2035 = vector.broadcast %while3A_2024 : f32 to vector<16xf32>
          %add3A_2036 = arith.constant 0 : i32
          %add3A_2037 = arith.addi %while3A_2023, %add3A_2036 : i32
          %add3A_2038 = arith.constant 0 : i32
          %add3A_2039 = arith.addi %add3A_2037, %add3A_2038 : i32
          %mul3A_2040 = arith.mulf %broadcast_in_dim3A_2035, %get3A_1712 : vector<16xf32>
          %swap3A_2041 = arith.index_cast %add3A_2039 : i32 to index
          %swap3A_2042 = tpu.vector_load %arg5[%swap3A_2041] {strides = array<i32>} : memref<48000xf32, #tpu.memory_space<vmem>>, vector<16xf32>,
          tpu.vector_store %arg5[%swap3A_2041], %mul3A_2040 {add = true, strides = array<i32>} : memref<48000xf32, #tpu.memory_space<vmem>>, vector<16xf32>,
          %add3A_2043 = arith.constant 16 : i32
          %add3A_2044 = arith.addi %add3A_2037, %add3A_2043 : i32
          %mul3A_2045 = arith.mulf %broadcast_in_dim3A_2035, %get3A_1716 : vector<16xf32>
          %swap3A_2046 = arith.index_cast %add3A_2044 : i32 to index
          %swap3A_2047 = tpu.vector_load %arg5[%swap3A_2046] {strides = array<i32>} : memref<48000xf32, #tpu.memory_space<vmem>>, vector<16xf32>,
          tpu.vector_store %arg5[%swap3A_2046], %mul3A_2045 {add = true, strides = array<i32>} : memref<48000xf32, #tpu.memory_space<vmem>>, vector<16xf32>,
          %add3A_2048 = arith.constant 32 : i32
          %add3A_2049 = arith.addi %add3A_2037, %add3A_2048 : i32
          %mul3A_2050 = arith.mulf %broadcast_in_dim3A_2035, %get3A_1720 : vector<16xf32>
          %swap3A_2051 = arith.index_cast %add3A_2049 : i32 to index
          %swap3A_2052 = tpu.vector_load %arg5[%swap3A_2051] {strides = array<i32>} : memref<48000xf32, #tpu.memory_space<vmem>>, vector<16xf32>,
          tpu.vector_store %arg5[%swap3A_2051], %mul3A_2050 {add = true, strides = array<i32>} : memref<48000xf32, #tpu.memory_space<vmem>>, vector<16xf32>,
          %add3A_2053 = arith.constant 48 : i32
          %add3A_2054 = arith.addi %add3A_2037, %add3A_2053 : i32
          %mul3A_2055 = arith.mulf %broadcast_in_dim3A_2035, %get3A_1724 : vector<16xf32>
          %swap3A_2056 = arith.index_cast %add3A_2054 : i32 to index
          %swap3A_2057 = tpu.vector_load %arg5[%swap3A_2056] {strides = array<i32>} : memref<48000xf32, #tpu.memory_space<vmem>>, vector<16xf32>,
          tpu.vector_store %arg5[%swap3A_2056], %mul3A_2055 {add = true, strides = array<i32>} : memref<48000xf32, #tpu.memory_space<vmem>>, vector<16xf32>,
          %add3A_2058 = arith.constant 64 : i32
          %add3A_2059 = arith.addi %add3A_2037, %add3A_2058 : i32
          %mul3A_2060 = arith.mulf %broadcast_in_dim3A_2035, %get3A_1728 : vector<16xf32>
          %swap3A_2061 = arith.index_cast %add3A_2059 : i32 to index
          %swap3A_2062 = tpu.vector_load %arg5[%swap3A_2061] {strides = array<i32>} : memref<48000xf32, #tpu.memory_space<vmem>>, vector<16xf32>,
          tpu.vector_store %arg5[%swap3A_2061], %mul3A_2060 {add = true, strides = array<i32>} : memref<48000xf32, #tpu.memory_space<vmem>>, vector<16xf32>,
          %add3A_2063 = arith.constant 80 : i32
          %add3A_2064 = arith.addi %add3A_2037, %add3A_2063 : i32
          %mul3A_2065 = arith.mulf %broadcast_in_dim3A_2035, %get3A_1732 : vector<16xf32>
          %swap3A_2066 = arith.index_cast %add3A_2064 : i32 to index
          %swap3A_2067 = tpu.vector_load %arg5[%swap3A_2066] {strides = array<i32>} : memref<48000xf32, #tpu.memory_space<vmem>>, vector<16xf32>,
          tpu.vector_store %arg5[%swap3A_2066], %mul3A_2065 {add = true, strides = array<i32>} : memref<48000xf32, #tpu.memory_space<vmem>>, vector<16xf32>,
          %add3A_2068 = arith.constant 96 : i32
          %add3A_2069 = arith.addi %add3A_2037, %add3A_2068 : i32
          %mul3A_2070 = arith.mulf %broadcast_in_dim3A_2035, %get3A_1736 : vector<16xf32>
          %swap3A_2071 = arith.index_cast %add3A_2069 : i32 to index
          %swap3A_2072 = tpu.vector_load %arg5[%swap3A_2071] {strides = array<i32>} : memref<48000xf32, #tpu.memory_space<vmem>>, vector<16xf32>,
          tpu.vector_store %arg5[%swap3A_2071], %mul3A_2070 {add = true, strides = array<i32>} : memref<48000xf32, #tpu.memory_space<vmem>>, vector<16xf32>,
          %add3A_2073 = arith.constant 112 : i32
          %add3A_2074 = arith.addi %add3A_2037, %add3A_2073 : i32
          %mul3A_2075 = arith.mulf %broadcast_in_dim3A_2035, %get3A_1740 : vector<16xf32>
          %swap3A_2076 = arith.index_cast %add3A_2074 : i32 to index
          %swap3A_2077 = tpu.vector_load %arg5[%swap3A_2076] {strides = array<i32>} : memref<48000xf32, #tpu.memory_space<vmem>>, vector<16xf32>,
          tpu.vector_store %arg5[%swap3A_2076], %mul3A_2075 {add = true, strides = array<i32>} : memref<48000xf32, #tpu.memory_space<vmem>>, vector<16xf32>,
          %add3A_2078 = arith.constant 128 : i32
          %add3A_2079 = arith.addi %add3A_2037, %add3A_2078 : i32
          %mul3A_2080 = arith.mulf %broadcast_in_dim3A_2035, %get3A_1744 : vector<16xf32>
          %swap3A_2081 = arith.index_cast %add3A_2079 : i32 to index
          %swap3A_2082 = tpu.vector_load %arg5[%swap3A_2081] {strides = array<i32>} : memref<48000xf32, #tpu.memory_space<vmem>>, vector<16xf32>,
          tpu.vector_store %arg5[%swap3A_2081], %mul3A_2080 {add = true, strides = array<i32>} : memref<48000xf32, #tpu.memory_space<vmem>>, vector<16xf32>,
          %add3A_2083 = arith.constant 144 : i32
          %add3A_2084 = arith.addi %add3A_2037, %add3A_2083 : i32
          %mul3A_2085 = arith.mulf %broadcast_in_dim3A_2035, %get3A_1748 : vector<16xf32>
          %swap3A_2086 = arith.index_cast %add3A_2084 : i32 to index
          %swap3A_2087 = tpu.vector_load %arg5[%swap3A_2086] {strides = array<i32>} : memref<48000xf32, #tpu.memory_space<vmem>>, vector<16xf32>,
          tpu.vector_store %arg5[%swap3A_2086], %mul3A_2085 {add = true, strides = array<i32>} : memref<48000xf32, #tpu.memory_space<vmem>>, vector<16xf32>,
          %add3A_2088 = arith.constant 160 : i32
          %add3A_2089 = arith.addi %add3A_2037, %add3A_2088 : i32
          %mul3A_2090 = arith.mulf %broadcast_in_dim3A_2035, %get3A_1752 : vector<16xf32>
          %swap3A_2091 = arith.index_cast %add3A_2089 : i32 to index
          %swap3A_2092 = tpu.vector_load %arg5[%swap3A_2091] {strides = array<i32>} : memref<48000xf32, #tpu.memory_space<vmem>>, vector<16xf32>,
          tpu.vector_store %arg5[%swap3A_2091], %mul3A_2090 {add = true, strides = array<i32>} : memref<48000xf32, #tpu.memory_space<vmem>>, vector<16xf32>,
          %add3A_2093 = arith.constant 176 : i32
          %add3A_2094 = arith.addi %add3A_2037, %add3A_2093 : i32
          %mul3A_2095 = arith.mulf %broadcast_in_dim3A_2035, %get3A_1756 : vector<16xf32>
          %swap3A_2096 = arith.index_cast %add3A_2094 : i32 to index
          %swap3A_2097 = tpu.vector_load %arg5[%swap3A_2096] {strides = array<i32>} : memref<48000xf32, #tpu.memory_space<vmem>>, vector<16xf32>,
          tpu.vector_store %arg5[%swap3A_2096], %mul3A_2095 {add = true, strides = array<i32>} : memref<48000xf32, #tpu.memory_space<vmem>>, vector<16xf32>,
          %add3A_2098 = arith.constant 192 : i32
          %add3A_2099 = arith.addi %add3A_2037, %add3A_2098 : i32
          %mul3A_2100 = arith.mulf %broadcast_in_dim3A_2035, %get3A_1760 : vector<16xf32>
          %swap3A_2101 = arith.index_cast %add3A_2099 : i32 to index
          %swap3A_2102 = tpu.vector_load %arg5[%swap3A_2101] {strides = array<i32>} : memref<48000xf32, #tpu.memory_space<vmem>>, vector<16xf32>,
          tpu.vector_store %arg5[%swap3A_2101], %mul3A_2100 {add = true, strides = array<i32>} : memref<48000xf32, #tpu.memory_space<vmem>>, vector<16xf32>,
          %add3A_2103 = arith.constant 208 : i32
          %add3A_2104 = arith.addi %add3A_2037, %add3A_2103 : i32
          %mul3A_2105 = arith.mulf %broadcast_in_dim3A_2035, %get3A_1764 : vector<16xf32>
          %swap3A_2106 = arith.index_cast %add3A_2104 : i32 to index
          %swap3A_2107 = tpu.vector_load %arg5[%swap3A_2106] {strides = array<i32>} : memref<48000xf32, #tpu.memory_space<vmem>>, vector<16xf32>,
          tpu.vector_store %arg5[%swap3A_2106], %mul3A_2105 {add = true, strides = array<i32>} : memref<48000xf32, #tpu.memory_space<vmem>>, vector<16xf32>,
          %add3A_2108 = arith.constant 224 : i32
          %add3A_2109 = arith.addi %add3A_2037, %add3A_2108 : i32
          %mul3A_2110 = arith.mulf %broadcast_in_dim3A_2035, %get3A_1768 : vector<16xf32>
          %swap3A_2111 = arith.index_cast %add3A_2109 : i32 to index
          %swap3A_2112 = tpu.vector_load %arg5[%swap3A_2111] {strides = array<i32>} : memref<48000xf32, #tpu.memory_space<vmem>>, vector<16xf32>,
          tpu.vector_store %arg5[%swap3A_2111], %mul3A_2110 {add = true, strides = array<i32>} : memref<48000xf32, #tpu.memory_space<vmem>>, vector<16xf32>,
          %add3A_2113 = arith.constant 240 : i32
          %add3A_2114 = arith.addi %add3A_2037, %add3A_2113 : i32
          %mul3A_2115 = arith.mulf %broadcast_in_dim3A_2035, %get3A_1772 : vector<16xf32>
          %swap3A_2116 = arith.index_cast %add3A_2114 : i32 to index
          %swap3A_2117 = tpu.vector_load %arg5[%swap3A_2116] {strides = array<i32>} : memref<48000xf32, #tpu.memory_space<vmem>>, vector<16xf32>,
          tpu.vector_store %arg5[%swap3A_2116], %mul3A_2115 {add = true, strides = array<i32>} : memref<48000xf32, #tpu.memory_space<vmem>>, vector<16xf32>,
          %add3A_2118 = arith.constant 256 : i32
          %add3A_2119 = arith.addi %add3A_2037, %add3A_2118 : i32
          %mul3A_2120 = arith.mulf %broadcast_in_dim3A_2035, %get3A_1776 : vector<16xf32>
          %swap3A_2121 = arith.index_cast %add3A_2119 : i32 to index
          %swap3A_2122 = tpu.vector_load %arg5[%swap3A_2121] {strides = array<i32>} : memref<48000xf32, #tpu.memory_space<vmem>>, vector<16xf32>,
          tpu.vector_store %arg5[%swap3A_2121], %mul3A_2120 {add = true, strides = array<i32>} : memref<48000xf32, #tpu.memory_space<vmem>>, vector<16xf32>,
          %add3A_2123 = arith.constant 272 : i32
          %add3A_2124 = arith.addi %add3A_2037, %add3A_2123 : i32
          %mul3A_2125 = arith.mulf %broadcast_in_dim3A_2035, %get3A_1780 : vector<16xf32>
          %swap3A_2126 = arith.index_cast %add3A_2124 : i32 to index
          %swap3A_2127 = tpu.vector_load %arg5[%swap3A_2126] {strides = array<i32>} : memref<48000xf32, #tpu.memory_space<vmem>>, vector<16xf32>,
          tpu.vector_store %arg5[%swap3A_2126], %mul3A_2125 {add = true, strides = array<i32>} : memref<48000xf32, #tpu.memory_space<vmem>>, vector<16xf32>,
          %add3A_2128 = arith.constant 288 : i32
          %add3A_2129 = arith.addi %add3A_2037, %add3A_2128 : i32
          %mul3A_2130 = arith.mulf %broadcast_in_dim3A_2035, %get3A_1784 : vector<16xf32>
          %swap3A_2131 = arith.index_cast %add3A_2129 : i32 to index
          %swap3A_2132 = tpu.vector_load %arg5[%swap3A_2131] {strides = array<i32>} : memref<48000xf32, #tpu.memory_space<vmem>>, vector<16xf32>,
          tpu.vector_store %arg5[%swap3A_2131], %mul3A_2130 {add = true, strides = array<i32>} : memref<48000xf32, #tpu.memory_space<vmem>>, vector<16xf32>,
          %add3A_2133 = arith.constant 304 : i32
          %add3A_2134 = arith.addi %add3A_2037, %add3A_2133 : i32
          %mul3A_2135 = arith.mulf %broadcast_in_dim3A_2035, %get3A_1788 : vector<16xf32>
          %swap3A_2136 = arith.index_cast %add3A_2134 : i32 to index
          %swap3A_2137 = tpu.vector_load %arg5[%swap3A_2136] {strides = array<i32>} : memref<48000xf32, #tpu.memory_space<vmem>>, vector<16xf32>,
          tpu.vector_store %arg5[%swap3A_2136], %mul3A_2135 {add = true, strides = array<i32>} : memref<48000xf32, #tpu.memory_space<vmem>>, vector<16xf32>,
          %add3A_2138 = arith.constant 320 : i32
          %add3A_2139 = arith.addi %add3A_2037, %add3A_2138 : i32
          %mul3A_2140 = arith.mulf %broadcast_in_dim3A_2035, %get3A_1792 : vector<16xf32>
          %swap3A_2141 = arith.index_cast %add3A_2139 : i32 to index
          %swap3A_2142 = tpu.vector_load %arg5[%swap3A_2141] {strides = array<i32>} : memref<48000xf32, #tpu.memory_space<vmem>>, vector<16xf32>,
          tpu.vector_store %arg5[%swap3A_2141], %mul3A_2140 {add = true, strides = array<i32>} : memref<48000xf32, #tpu.memory_space<vmem>>, vector<16xf32>,
          %add3A_2143 = arith.constant 336 : i32
          %add3A_2144 = arith.addi %add3A_2037, %add3A_2143 : i32
          %mul3A_2145 = arith.mulf %broadcast_in_dim3A_2035, %get3A_1796 : vector<16xf32>
          %swap3A_2146 = arith.index_cast %add3A_2144 : i32 to index
          %swap3A_2147 = tpu.vector_load %arg5[%swap3A_2146] {strides = array<i32>} : memref<48000xf32, #tpu.memory_space<vmem>>, vector<16xf32>,
          tpu.vector_store %arg5[%swap3A_2146], %mul3A_2145 {add = true, strides = array<i32>} : memref<48000xf32, #tpu.memory_space<vmem>>, vector<16xf32>,
          %add3A_2148 = arith.constant 352 : i32
          %add3A_2149 = arith.addi %add3A_2037, %add3A_2148 : i32
          %mul3A_2150 = arith.mulf %broadcast_in_dim3A_2035, %get3A_1800 : vector<16xf32>
          %swap3A_2151 = arith.index_cast %add3A_2149 : i32 to index
          %swap3A_2152 = tpu.vector_load %arg5[%swap3A_2151] {strides = array<i32>} : memref<48000xf32, #tpu.memory_space<vmem>>, vector<16xf32>,
          tpu.vector_store %arg5[%swap3A_2151], %mul3A_2150 {add = true, strides = array<i32>} : memref<48000xf32, #tpu.memory_space<vmem>>, vector<16xf32>,
          %add3A_2153 = arith.constant 368 : i32
          %add3A_2154 = arith.addi %add3A_2037, %add3A_2153 : i32
          %mul3A_2155 = arith.mulf %broadcast_in_dim3A_2035, %get3A_1804 : vector<16xf32>
          %swap3A_2156 = arith.index_cast %add3A_2154 : i32 to index
          %swap3A_2157 = tpu.vector_load %arg5[%swap3A_2156] {strides = array<i32>} : memref<48000xf32, #tpu.memory_space<vmem>>, vector<16xf32>,
          tpu.vector_store %arg5[%swap3A_2156], %mul3A_2155 {add = true, strides = array<i32>} : memref<48000xf32, #tpu.memory_space<vmem>>, vector<16xf32>,
          %add3A_2158 = arith.constant 384 : i32
          %add3A_2159 = arith.addi %add3A_2037, %add3A_2158 : i32
          %mul3A_2160 = arith.mulf %broadcast_in_dim3A_2035, %get3A_1808 : vector<16xf32>
          %swap3A_2161 = arith.index_cast %add3A_2159 : i32 to index
          %swap3A_2162 = tpu.vector_load %arg5[%swap3A_2161] {strides = array<i32>} : memref<48000xf32, #tpu.memory_space<vmem>>, vector<16xf32>,
          tpu.vector_store %arg5[%swap3A_2161], %mul3A_2160 {add = true, strides = array<i32>} : memref<48000xf32, #tpu.memory_space<vmem>>, vector<16xf32>,
          %add3A_2163 = arith.constant 400 : i32
          %add3A_2164 = arith.addi %add3A_2037, %add3A_2163 : i32
          %mul3A_2165 = arith.mulf %broadcast_in_dim3A_2035, %get3A_1812 : vector<16xf32>
          %swap3A_2166 = arith.index_cast %add3A_2164 : i32 to index
          %swap3A_2167 = tpu.vector_load %arg5[%swap3A_2166] {strides = array<i32>} : memref<48000xf32, #tpu.memory_space<vmem>>, vector<16xf32>,
          tpu.vector_store %arg5[%swap3A_2166], %mul3A_2165 {add = true, strides = array<i32>} : memref<48000xf32, #tpu.memory_space<vmem>>, vector<16xf32>,
          %add3A_2168 = arith.constant 416 : i32
          %add3A_2169 = arith.addi %add3A_2037, %add3A_2168 : i32
          %mul3A_2170 = arith.mulf %broadcast_in_dim3A_2035, %get3A_1816 : vector<16xf32>
          %swap3A_2171 = arith.index_cast %add3A_2169 : i32 to index
          %swap3A_2172 = tpu.vector_load %arg5[%swap3A_2171] {strides = array<i32>} : memref<48000xf32, #tpu.memory_space<vmem>>, vector<16xf32>,
          tpu.vector_store %arg5[%swap3A_2171], %mul3A_2170 {add = true, strides = array<i32>} : memref<48000xf32, #tpu.memory_space<vmem>>, vector<16xf32>,
          %add3A_2173 = arith.constant 432 : i32
          %add3A_2174 = arith.addi %add3A_2037, %add3A_2173 : i32
          %mul3A_2175 = arith.mulf %broadcast_in_dim3A_2035, %get3A_1820 : vector<16xf32>
          %swap3A_2176 = arith.index_cast %add3A_2174 : i32 to index
          %swap3A_2177 = tpu.vector_load %arg5[%swap3A_2176] {strides = array<i32>} : memref<48000xf32, #tpu.memory_space<vmem>>, vector<16xf32>,
          tpu.vector_store %arg5[%swap3A_2176], %mul3A_2175 {add = true, strides = array<i32>} : memref<48000xf32, #tpu.memory_space<vmem>>, vector<16xf32>,
          %add3A_2178 = arith.constant 448 : i32
          %add3A_2179 = arith.addi %add3A_2037, %add3A_2178 : i32
          %mul3A_2180 = arith.mulf %broadcast_in_dim3A_2035, %get3A_1824 : vector<16xf32>
          %swap3A_2181 = arith.index_cast %add3A_2179 : i32 to index
          %swap3A_2182 = tpu.vector_load %arg5[%swap3A_2181] {strides = array<i32>} : memref<48000xf32, #tpu.memory_space<vmem>>, vector<16xf32>,
          tpu.vector_store %arg5[%swap3A_2181], %mul3A_2180 {add = true, strides = array<i32>} : memref<48000xf32, #tpu.memory_space<vmem>>, vector<16xf32>,
          %add3A_2183 = arith.constant 464 : i32
          %add3A_2184 = arith.addi %add3A_2037, %add3A_2183 : i32
          %mul3A_2185 = arith.mulf %broadcast_in_dim3A_2035, %get3A_1828 : vector<16xf32>
          %swap3A_2186 = arith.index_cast %add3A_2184 : i32 to index
          %swap3A_2187 = tpu.vector_load %arg5[%swap3A_2186] {strides = array<i32>} : memref<48000xf32, #tpu.memory_space<vmem>>, vector<16xf32>,
          tpu.vector_store %arg5[%swap3A_2186], %mul3A_2185 {add = true, strides = array<i32>} : memref<48000xf32, #tpu.memory_space<vmem>>, vector<16xf32>,
          %add3A_2188 = arith.constant 480 : i32
          %add3A_2189 = arith.addi %add3A_2037, %add3A_2188 : i32
          %mul3A_2190 = arith.mulf %broadcast_in_dim3A_2035, %get3A_1832 : vector<16xf32>
          %swap3A_2191 = arith.index_cast %add3A_2189 : i32 to index
          %swap3A_2192 = tpu.vector_load %arg5[%swap3A_2191] {strides = array<i32>} : memref<48000xf32, #tpu.memory_space<vmem>>, vector<16xf32>,
          tpu.vector_store %arg5[%swap3A_2191], %mul3A_2190 {add = true, strides = array<i32>} : memref<48000xf32, #tpu.memory_space<vmem>>, vector<16xf32>,
          %add3A_2193 = arith.constant 496 : i32
          %add3A_2194 = arith.addi %add3A_2037, %add3A_2193 : i32
          %mul3A_2195 = arith.mulf %broadcast_in_dim3A_2035, %get3A_1836 : vector<16xf32>
          %swap3A_2196 = arith.index_cast %add3A_2194 : i32 to index
          %swap3A_2197 = tpu.vector_load %arg5[%swap3A_2196] {strides = array<i32>} : memref<48000xf32, #tpu.memory_space<vmem>>, vector<16xf32>,
          tpu.vector_store %arg5[%swap3A_2196], %mul3A_2195 {add = true, strides = array<i32>} : memref<48000xf32, #tpu.memory_space<vmem>>, vector<16xf32>,
          %slice3A_2198 = vector.extract_strided_slice %get3A_2030 {offsets = [0], sizes = [1], strides = [1]} : vector<16xi32> to vector<1xi32>
          %squeeze3A_2199 = vector.extract %slice3A_2198[0] : i32 from vector<1xi32>
          %slice3A_2200 = vector.extract_strided_slice %get3A_2034 {offsets = [0], sizes = [1], strides = [1]} : vector<16xf32> to vector<1xf32>
          %squeeze3A_2201 = vector.extract %slice3A_2200[0] : f32 from vector<1xf32>
          scf.yield %squeeze3A_2199, %squeeze3A_2201 : i32, f32
        }
        %mul3A_1863 = arith.constant 1024 : i32
        %mul3A_1864 = arith.muli %add3A_1695, %mul3A_1863 : i32
        %add3A_1865 = arith.constant 512 : i32
        %add3A_1866 = arith.addi %mul3A_1864, %add3A_1865 : i32
        %add3A_1867 = arith.constant 0 : i32
        %add3A_1868 = arith.addi %add3A_1866, %add3A_1867 : i32
        %get3A_1869 = arith.index_cast %add3A_1868 : i32 to index
        %get3A_1870 = tpu.vector_load %arg4[%get3A_1869] {strides = array<i32>} : memref<20480xf32, #tpu.memory_space<vmem>>, vector<16xf32>,
        %add3A_1871 = arith.constant 16 : i32
        %add3A_1872 = arith.addi %add3A_1866, %add3A_1871 : i32
        %get3A_1873 = arith.index_cast %add3A_1872 : i32 to index
        %get3A_1874 = tpu.vector_load %arg4[%get3A_1873] {strides = array<i32>} : memref<20480xf32, #tpu.memory_space<vmem>>, vector<16xf32>,
        %add3A_1875 = arith.constant 32 : i32
        %add3A_1876 = arith.addi %add3A_1866, %add3A_1875 : i32
        %get3A_1877 = arith.index_cast %add3A_1876 : i32 to index
        %get3A_1878 = tpu.vector_load %arg4[%get3A_1877] {strides = array<i32>} : memref<20480xf32, #tpu.memory_space<vmem>>, vector<16xf32>,
        %add3A_1879 = arith.constant 48 : i32
        %add3A_1880 = arith.addi %add3A_1866, %add3A_1879 : i32
        %get3A_1881 = arith.index_cast %add3A_1880 : i32 to index
        %get3A_1882 = tpu.vector_load %arg4[%get3A_1881] {strides = array<i32>} : memref<20480xf32, #tpu.memory_space<vmem>>, vector<16xf32>,
        %add3A_1883 = arith.constant 64 : i32
        %add3A_1884 = arith.addi %add3A_1866, %add3A_1883 : i32
        %get3A_1885 = arith.index_cast %add3A_1884 : i32 to index
        %get3A_1886 = tpu.vector_load %arg4[%get3A_1885] {strides = array<i32>} : memref<20480xf32, #tpu.memory_space<vmem>>, vector<16xf32>,
        %add3A_1887 = arith.constant 80 : i32
        %add3A_1888 = arith.addi %add3A_1866, %add3A_1887 : i32
        %get3A_1889 = arith.index_cast %add3A_1888 : i32 to index
        %get3A_1890 = tpu.vector_load %arg4[%get3A_1889] {strides = array<i32>} : memref<20480xf32, #tpu.memory_space<vmem>>, vector<16xf32>,
        %add3A_1891 = arith.constant 96 : i32
        %add3A_1892 = arith.addi %add3A_1866, %add3A_1891 : i32
        %get3A_1893 = arith.index_cast %add3A_1892 : i32 to index
        %get3A_1894 = tpu.vector_load %arg4[%get3A_1893] {strides = array<i32>} : memref<20480xf32, #tpu.memory_space<vmem>>, vector<16xf32>,
        %add3A_1895 = arith.constant 112 : i32
        %add3A_1896 = arith.addi %add3A_1866, %add3A_1895 : i32
        %get3A_1897 = arith.index_cast %add3A_1896 : i32 to index
        %get3A_1898 = tpu.vector_load %arg4[%get3A_1897] {strides = array<i32>} : memref<20480xf32, #tpu.memory_space<vmem>>, vector<16xf32>,
        %add3A_1899 = arith.constant 128 : i32
        %add3A_1900 = arith.addi %add3A_1866, %add3A_1899 : i32
        %get3A_1901 = arith.index_cast %add3A_1900 : i32 to index
        %get3A_1902 = tpu.vector_load %arg4[%get3A_1901] {strides = array<i32>} : memref<20480xf32, #tpu.memory_space<vmem>>, vector<16xf32>,
        %add3A_1903 = arith.constant 144 : i32
        %add3A_1904 = arith.addi %add3A_1866, %add3A_1903 : i32
        %get3A_1905 = arith.index_cast %add3A_1904 : i32 to index
        %get3A_1906 = tpu.vector_load %arg4[%get3A_1905] {strides = array<i32>} : memref<20480xf32, #tpu.memory_space<vmem>>, vector<16xf32>,
        %add3A_1907 = arith.constant 160 : i32
        %add3A_1908 = arith.addi %add3A_1866, %add3A_1907 : i32
        %get3A_1909 = arith.index_cast %add3A_1908 : i32 to index
        %get3A_1910 = tpu.vector_load %arg4[%get3A_1909] {strides = array<i32>} : memref<20480xf32, #tpu.memory_space<vmem>>, vector<16xf32>,
        %add3A_1911 = arith.constant 176 : i32
        %add3A_1912 = arith.addi %add3A_1866, %add3A_1911 : i32
        %get3A_1913 = arith.index_cast %add3A_1912 : i32 to index
        %get3A_1914 = tpu.vector_load %arg4[%get3A_1913] {strides = array<i32>} : memref<20480xf32, #tpu.memory_space<vmem>>, vector<16xf32>,
        %add3A_1915 = arith.constant 192 : i32
        %add3A_1916 = arith.addi %add3A_1866, %add3A_1915 : i32
        %get3A_1917 = arith.index_cast %add3A_1916 : i32 to index
        %get3A_1918 = tpu.vector_load %arg4[%get3A_1917] {strides = array<i32>} : memref<20480xf32, #tpu.memory_space<vmem>>, vector<16xf32>,
        %add3A_1919 = arith.constant 208 : i32
        %add3A_1920 = arith.addi %add3A_1866, %add3A_1919 : i32
        %get3A_1921 = arith.index_cast %add3A_1920 : i32 to index
        %get3A_1922 = tpu.vector_load %arg4[%get3A_1921] {strides = array<i32>} : memref<20480xf32, #tpu.memory_space<vmem>>, vector<16xf32>,
        %add3A_1923 = arith.constant 224 : i32
        %add3A_1924 = arith.addi %add3A_1866, %add3A_1923 : i32
        %get3A_1925 = arith.index_cast %add3A_1924 : i32 to index
        %get3A_1926 = tpu.vector_load %arg4[%get3A_1925] {strides = array<i32>} : memref<20480xf32, #tpu.memory_space<vmem>>, vector<16xf32>,
        %add3A_1927 = arith.constant 240 : i32
        %add3A_1928 = arith.addi %add3A_1866, %add3A_1927 : i32
        %get3A_1929 = arith.index_cast %add3A_1928 : i32 to index
        %get3A_1930 = tpu.vector_load %arg4[%get3A_1929] {strides = array<i32>} : memref<20480xf32, #tpu.memory_space<vmem>>, vector<16xf32>,
        %add3A_1931 = arith.constant 256 : i32
        %add3A_1932 = arith.addi %add3A_1866, %add3A_1931 : i32
        %get3A_1933 = arith.index_cast %add3A_1932 : i32 to index
        %get3A_1934 = tpu.vector_load %arg4[%get3A_1933] {strides = array<i32>} : memref<20480xf32, #tpu.memory_space<vmem>>, vector<16xf32>,
        %add3A_1935 = arith.constant 272 : i32
        %add3A_1936 = arith.addi %add3A_1866, %add3A_1935 : i32
        %get3A_1937 = arith.index_cast %add3A_1936 : i32 to index
        %get3A_1938 = tpu.vector_load %arg4[%get3A_1937] {strides = array<i32>} : memref<20480xf32, #tpu.memory_space<vmem>>, vector<16xf32>,
        %add3A_1939 = arith.constant 288 : i32
        %add3A_1940 = arith.addi %add3A_1866, %add3A_1939 : i32
        %get3A_1941 = arith.index_cast %add3A_1940 : i32 to index
        %get3A_1942 = tpu.vector_load %arg4[%get3A_1941] {strides = array<i32>} : memref<20480xf32, #tpu.memory_space<vmem>>, vector<16xf32>,
        %add3A_1943 = arith.constant 304 : i32
        %add3A_1944 = arith.addi %add3A_1866, %add3A_1943 : i32
        %get3A_1945 = arith.index_cast %add3A_1944 : i32 to index
        %get3A_1946 = tpu.vector_load %arg4[%get3A_1945] {strides = array<i32>} : memref<20480xf32, #tpu.memory_space<vmem>>, vector<16xf32>,
        %add3A_1947 = arith.constant 320 : i32
        %add3A_1948 = arith.addi %add3A_1866, %add3A_1947 : i32
        %get3A_1949 = arith.index_cast %add3A_1948 : i32 to index
        %get3A_1950 = tpu.vector_load %arg4[%get3A_1949] {strides = array<i32>} : memref<20480xf32, #tpu.memory_space<vmem>>, vector<16xf32>,
        %add3A_1951 = arith.constant 336 : i32
        %add3A_1952 = arith.addi %add3A_1866, %add3A_1951 : i32
        %get3A_1953 = arith.index_cast %add3A_1952 : i32 to index
        %get3A_1954 = tpu.vector_load %arg4[%get3A_1953] {strides = array<i32>} : memref<20480xf32, #tpu.memory_space<vmem>>, vector<16xf32>,
        %add3A_1955 = arith.constant 352 : i32
        %add3A_1956 = arith.addi %add3A_1866, %add3A_1955 : i32
        %get3A_1957 = arith.index_cast %add3A_1956 : i32 to index
        %get3A_1958 = tpu.vector_load %arg4[%get3A_1957] {strides = array<i32>} : memref<20480xf32, #tpu.memory_space<vmem>>, vector<16xf32>,
        %add3A_1959 = arith.constant 368 : i32
        %add3A_1960 = arith.addi %add3A_1866, %add3A_1959 : i32
        %get3A_1961 = arith.index_cast %add3A_1960 : i32 to index
        %get3A_1962 = tpu.vector_load %arg4[%get3A_1961] {strides = array<i32>} : memref<20480xf32, #tpu.memory_space<vmem>>, vector<16xf32>,
        %add3A_1963 = arith.constant 384 : i32
        %add3A_1964 = arith.addi %add3A_1866, %add3A_1963 : i32
        %get3A_1965 = arith.index_cast %add3A_1964 : i32 to index
        %get3A_1966 = tpu.vector_load %arg4[%get3A_1965] {strides = array<i32>} : memref<20480xf32, #tpu.memory_space<vmem>>, vector<16xf32>,
        %add3A_1967 = arith.constant 400 : i32
        %add3A_1968 = arith.addi %add3A_1866, %add3A_1967 : i32
        %get3A_1969 = arith.index_cast %add3A_1968 : i32 to index
        %get3A_1970 = tpu.vector_load %arg4[%get3A_1969] {strides = array<i32>} : memref<20480xf32, #tpu.memory_space<vmem>>, vector<16xf32>,
        %add3A_1971 = arith.constant 416 : i32
        %add3A_1972 = arith.addi %add3A_1866, %add3A_1971 : i32
        %get3A_1973 = arith.index_cast %add3A_1972 : i32 to index
        %get3A_1974 = tpu.vector_load %arg4[%get3A_1973] {strides = array<i32>} : memref<20480xf32, #tpu.memory_space<vmem>>, vector<16xf32>,
        %add3A_1975 = arith.constant 432 : i32
        %add3A_1976 = arith.addi %add3A_1866, %add3A_1975 : i32
        %get3A_1977 = arith.index_cast %add3A_1976 : i32 to index
        %get3A_1978 = tpu.vector_load %arg4[%get3A_1977] {strides = array<i32>} : memref<20480xf32, #tpu.memory_space<vmem>>, vector<16xf32>,
        %add3A_1979 = arith.constant 448 : i32
        %add3A_1980 = arith.addi %add3A_1866, %add3A_1979 : i32
        %get3A_1981 = arith.index_cast %add3A_1980 : i32 to index
        %get3A_1982 = tpu.vector_load %arg4[%get3A_1981] {strides = array<i32>} : memref<20480xf32, #tpu.memory_space<vmem>>, vector<16xf32>,
        %add3A_1983 = arith.constant 464 : i32
        %add3A_1984 = arith.addi %add3A_1866, %add3A_1983 : i32
        %get3A_1985 = arith.index_cast %add3A_1984 : i32 to index
        %get3A_1986 = tpu.vector_load %arg4[%get3A_1985] {strides = array<i32>} : memref<20480xf32, #tpu.memory_space<vmem>>, vector<16xf32>,
        %add3A_1987 = arith.constant 480 : i32
        %add3A_1988 = arith.addi %add3A_1866, %add3A_1987 : i32
        %get3A_1989 = arith.index_cast %add3A_1988 : i32 to index
        %get3A_1990 = tpu.vector_load %arg4[%get3A_1989] {strides = array<i32>} : memref<20480xf32, #tpu.memory_space<vmem>>, vector<16xf32>,
        %add3A_1991 = arith.constant 496 : i32
        %add3A_1992 = arith.addi %add3A_1866, %add3A_1991 : i32
        %get3A_1993 = arith.index_cast %add3A_1992 : i32 to index
        %get3A_1994 = tpu.vector_load %arg4[%get3A_1993] {strides = array<i32>} : memref<20480xf32, #tpu.memory_space<vmem>>, vector<16xf32>,
        %get3A_1995 = arith.index_cast %squeeze3A_1699 : i32 to index
        %get3A_1996 = tpu.vector_load %arg9[%get3A_1995] {strides = array<i32>} : memref<224xi32, #tpu.memory_space<vmem>>, vector<16xi32>,
        %get3A_1997 = arith.index_cast %squeeze3A_1699 : i32 to index
        %get3A_1998 = tpu.vector_load %arg10[%get3A_1997] {strides = array<i32>} : memref<224xf32, #tpu.memory_space<vmem>>, vector<16xf32>,
        %slice3A_1999 = vector.extract_strided_slice %get3A_1996 {offsets = [0], sizes = [1], strides = [1]} : vector<16xi32> to vector<1xi32>
        %squeeze3A_2000 = vector.extract %slice3A_1999[0] : i32 from vector<1xi32>
        %slice3A_2001 = vector.extract_strided_slice %get3A_1998 {offsets = [0], sizes = [1], strides = [1]} : vector<16xf32> to vector<1xf32>
        %squeeze3A_2002 = vector.extract %slice3A_2001[0] : f32 from vector<1xf32>
        %sub3A_2003 = arith.subi %squeeze3A_1701, %squeeze3A_1699 : i32
        %sub3A_2004 = arith.constant 1 : i32
        %sub3A_2005 = arith.constant 1 : i32
        %sub3A_2006 = arith.subi %sub3A_2004, %sub3A_2005 : i32
        %add3A_2007 = arith.addi %sub3A_2003, %sub3A_2006 : i32
        %div3A_2008 = arith.constant 1 : i32
        %div3A_2009 = arith.divsi %add3A_2007, %div3A_2008 : i32
        %while3A_2010 = arith.constant 1 : i32
        %while3A_2011 = arith.constant 0 : i32
        %while3A_2012 = arith.subi %div3A_2009, %while3A_2011 : i32
        %while3A_2013 = arith.addi %while3A_2011, %while3A_2012 : i32
        %while3A_2014 = arith.constant 1 : i32
        %while3A_2015 = arith.divsi %while3A_2012, %while3A_2014 : i32
        %while3A_2016 = arith.muli %while3A_2015, %while3A_2014 : i32
        %while3A_2017 = arith.addi %while3A_2011, %while3A_2016 : i32
        %while3A_2018 = arith.constant 1 : i32
        %while3A_2019:2 = scf.for %while3A_2022 = %while3A_2011 to %while3A_2017 step %while3A_2018 iter_args(%while3A_2023 = %squeeze3A_2000, %while3A_2024 = %squeeze3A_2002) -> (i32, f32)  : i32 {
          %mul3A_2025 = arith.muli %while3A_2022, %while3A_2010 : i32
          %add3A_2026 = arith.addi %squeeze3A_1699, %mul3A_2025 : i32
          %add3A_2027 = arith.constant 1 : i32
          %add3A_2028 = arith.addi %add3A_2026, %add3A_2027 : i32
          %get3A_2029 = arith.index_cast %add3A_2028 : i32 to index
          %get3A_2030 = tpu.vector_load %arg9[%get3A_2029] {strides = array<i32>} : memref<224xi32, #tpu.memory_space<vmem>>, vector<16xi32>,
          %add3A_2031 = arith.constant 1 : i32
          %add3A_2032 = arith.addi %add3A_2026, %add3A_2031 : i32
          %get3A_2033 = arith.index_cast %add3A_2032 : i32 to index
          %get3A_2034 = tpu.vector_load %arg10[%get3A_2033] {strides = array<i32>} : memref<224xf32, #tpu.memory_space<vmem>>, vector<16xf32>,
          %broadcast_in_dim3A_2035 = vector.broadcast %while3A_2024 : f32 to vector<16xf32>
          %add3A_2036 = arith.constant 512 : i32
          %add3A_2037 = arith.addi %while3A_2023, %add3A_2036 : i32
          %add3A_2038 = arith.constant 0 : i32
          %add3A_2039 = arith.addi %add3A_2037, %add3A_2038 : i32
          %mul3A_2040 = arith.mulf %broadcast_in_dim3A_2035, %get3A_1870 : vector<16xf32>
          %swap3A_2041 = arith.index_cast %add3A_2039 : i32 to index
          %swap3A_2042 = tpu.vector_load %arg5[%swap3A_2041] {strides = array<i32>} : memref<48000xf32, #tpu.memory_space<vmem>>, vector<16xf32>,
          tpu.vector_store %arg5[%swap3A_2041], %mul3A_2040 {add = true, strides = array<i32>} : memref<48000xf32, #tpu.memory_space<vmem>>, vector<16xf32>,
          %add3A_2043 = arith.constant 16 : i32
          %add3A_2044 = arith.addi %add3A_2037, %add3A_2043 : i32
          %mul3A_2045 = arith.mulf %broadcast_in_dim3A_2035, %get3A_1874 : vector<16xf32>
          %swap3A_2046 = arith.index_cast %add3A_2044 : i32 to index
          %swap3A_2047 = tpu.vector_load %arg5[%swap3A_2046] {strides = array<i32>} : memref<48000xf32, #tpu.memory_space<vmem>>, vector<16xf32>,
          tpu.vector_store %arg5[%swap3A_2046], %mul3A_2045 {add = true, strides = array<i32>} : memref<48000xf32, #tpu.memory_space<vmem>>, vector<16xf32>,
          %add3A_2048 = arith.constant 32 : i32
          %add3A_2049 = arith.addi %add3A_2037, %add3A_2048 : i32
          %mul3A_2050 = arith.mulf %broadcast_in_dim3A_2035, %get3A_1878 : vector<16xf32>
          %swap3A_2051 = arith.index_cast %add3A_2049 : i32 to index
          %swap3A_2052 = tpu.vector_load %arg5[%swap3A_2051] {strides = array<i32>} : memref<48000xf32, #tpu.memory_space<vmem>>, vector<16xf32>,
          tpu.vector_store %arg5[%swap3A_2051], %mul3A_2050 {add = true, strides = array<i32>} : memref<48000xf32, #tpu.memory_space<vmem>>, vector<16xf32>,
          %add3A_2053 = arith.constant 48 : i32
          %add3A_2054 = arith.addi %add3A_2037, %add3A_2053 : i32
          %mul3A_2055 = arith.mulf %broadcast_in_dim3A_2035, %get3A_1882 : vector<16xf32>
          %swap3A_2056 = arith.index_cast %add3A_2054 : i32 to index
          %swap3A_2057 = tpu.vector_load %arg5[%swap3A_2056] {strides = array<i32>} : memref<48000xf32, #tpu.memory_space<vmem>>, vector<16xf32>,
          tpu.vector_store %arg5[%swap3A_2056], %mul3A_2055 {add = true, strides = array<i32>} : memref<48000xf32, #tpu.memory_space<vmem>>, vector<16xf32>,
          %add3A_2058 = arith.constant 64 : i32
          %add3A_2059 = arith.addi %add3A_2037, %add3A_2058 : i32
          %mul3A_2060 = arith.mulf %broadcast_in_dim3A_2035, %get3A_1886 : vector<16xf32>
          %swap3A_2061 = arith.index_cast %add3A_2059 : i32 to index
          %swap3A_2062 = tpu.vector_load %arg5[%swap3A_2061] {strides = array<i32>} : memref<48000xf32, #tpu.memory_space<vmem>>, vector<16xf32>,
          tpu.vector_store %arg5[%swap3A_2061], %mul3A_2060 {add = true, strides = array<i32>} : memref<48000xf32, #tpu.memory_space<vmem>>, vector<16xf32>,
          %add3A_2063 = arith.constant 80 : i32
          %add3A_2064 = arith.addi %add3A_2037, %add3A_2063 : i32
          %mul3A_2065 = arith.mulf %broadcast_in_dim3A_2035, %get3A_1890 : vector<16xf32>
          %swap3A_2066 = arith.index_cast %add3A_2064 : i32 to index
          %swap3A_2067 = tpu.vector_load %arg5[%swap3A_2066] {strides = array<i32>} : memref<48000xf32, #tpu.memory_space<vmem>>, vector<16xf32>,
          tpu.vector_store %arg5[%swap3A_2066], %mul3A_2065 {add = true, strides = array<i32>} : memref<48000xf32, #tpu.memory_space<vmem>>, vector<16xf32>,
          %add3A_2068 = arith.constant 96 : i32
          %add3A_2069 = arith.addi %add3A_2037, %add3A_2068 : i32
          %mul3A_2070 = arith.mulf %broadcast_in_dim3A_2035, %get3A_1894 : vector<16xf32>
          %swap3A_2071 = arith.index_cast %add3A_2069 : i32 to index
          %swap3A_2072 = tpu.vector_load %arg5[%swap3A_2071] {strides = array<i32>} : memref<48000xf32, #tpu.memory_space<vmem>>, vector<16xf32>,
          tpu.vector_store %arg5[%swap3A_2071], %mul3A_2070 {add = true, strides = array<i32>} : memref<48000xf32, #tpu.memory_space<vmem>>, vector<16xf32>,
          %add3A_2073 = arith.constant 112 : i32
          %add3A_2074 = arith.addi %add3A_2037, %add3A_2073 : i32
          %mul3A_2075 = arith.mulf %broadcast_in_dim3A_2035, %get3A_1898 : vector<16xf32>
          %swap3A_2076 = arith.index_cast %add3A_2074 : i32 to index
          %swap3A_2077 = tpu.vector_load %arg5[%swap3A_2076] {strides = array<i32>} : memref<48000xf32, #tpu.memory_space<vmem>>, vector<16xf32>,
          tpu.vector_store %arg5[%swap3A_2076], %mul3A_2075 {add = true, strides = array<i32>} : memref<48000xf32, #tpu.memory_space<vmem>>, vector<16xf32>,
          %add3A_2078 = arith.constant 128 : i32
          %add3A_2079 = arith.addi %add3A_2037, %add3A_2078 : i32
          %mul3A_2080 = arith.mulf %broadcast_in_dim3A_2035, %get3A_1902 : vector<16xf32>
          %swap3A_2081 = arith.index_cast %add3A_2079 : i32 to index
          %swap3A_2082 = tpu.vector_load %arg5[%swap3A_2081] {strides = array<i32>} : memref<48000xf32, #tpu.memory_space<vmem>>, vector<16xf32>,
          tpu.vector_store %arg5[%swap3A_2081], %mul3A_2080 {add = true, strides = array<i32>} : memref<48000xf32, #tpu.memory_space<vmem>>, vector<16xf32>,
          %add3A_2083 = arith.constant 144 : i32
          %add3A_2084 = arith.addi %add3A_2037, %add3A_2083 : i32
          %mul3A_2085 = arith.mulf %broadcast_in_dim3A_2035, %get3A_1906 : vector<16xf32>
          %swap3A_2086 = arith.index_cast %add3A_2084 : i32 to index
          %swap3A_2087 = tpu.vector_load %arg5[%swap3A_2086] {strides = array<i32>} : memref<48000xf32, #tpu.memory_space<vmem>>, vector<16xf32>,
          tpu.vector_store %arg5[%swap3A_2086], %mul3A_2085 {add = true, strides = array<i32>} : memref<48000xf32, #tpu.memory_space<vmem>>, vector<16xf32>,
          %add3A_2088 = arith.constant 160 : i32
          %add3A_2089 = arith.addi %add3A_2037, %add3A_2088 : i32
          %mul3A_2090 = arith.mulf %broadcast_in_dim3A_2035, %get3A_1910 : vector<16xf32>
          %swap3A_2091 = arith.index_cast %add3A_2089 : i32 to index
          %swap3A_2092 = tpu.vector_load %arg5[%swap3A_2091] {strides = array<i32>} : memref<48000xf32, #tpu.memory_space<vmem>>, vector<16xf32>,
          tpu.vector_store %arg5[%swap3A_2091], %mul3A_2090 {add = true, strides = array<i32>} : memref<48000xf32, #tpu.memory_space<vmem>>, vector<16xf32>,
          %add3A_2093 = arith.constant 176 : i32
          %add3A_2094 = arith.addi %add3A_2037, %add3A_2093 : i32
          %mul3A_2095 = arith.mulf %broadcast_in_dim3A_2035, %get3A_1914 : vector<16xf32>
          %swap3A_2096 = arith.index_cast %add3A_2094 : i32 to index
          %swap3A_2097 = tpu.vector_load %arg5[%swap3A_2096] {strides = array<i32>} : memref<48000xf32, #tpu.memory_space<vmem>>, vector<16xf32>,
          tpu.vector_store %arg5[%swap3A_2096], %mul3A_2095 {add = true, strides = array<i32>} : memref<48000xf32, #tpu.memory_space<vmem>>, vector<16xf32>,
          %add3A_2098 = arith.constant 192 : i32
          %add3A_2099 = arith.addi %add3A_2037, %add3A_2098 : i32
          %mul3A_2100 = arith.mulf %broadcast_in_dim3A_2035, %get3A_1918 : vector<16xf32>
          %swap3A_2101 = arith.index_cast %add3A_2099 : i32 to index
          %swap3A_2102 = tpu.vector_load %arg5[%swap3A_2101] {strides = array<i32>} : memref<48000xf32, #tpu.memory_space<vmem>>, vector<16xf32>,
          tpu.vector_store %arg5[%swap3A_2101], %mul3A_2100 {add = true, strides = array<i32>} : memref<48000xf32, #tpu.memory_space<vmem>>, vector<16xf32>,
          %add3A_2103 = arith.constant 208 : i32
          %add3A_2104 = arith.addi %add3A_2037, %add3A_2103 : i32
          %mul3A_2105 = arith.mulf %broadcast_in_dim3A_2035, %get3A_1922 : vector<16xf32>
          %swap3A_2106 = arith.index_cast %add3A_2104 : i32 to index
          %swap3A_2107 = tpu.vector_load %arg5[%swap3A_2106] {strides = array<i32>} : memref<48000xf32, #tpu.memory_space<vmem>>, vector<16xf32>,
          tpu.vector_store %arg5[%swap3A_2106], %mul3A_2105 {add = true, strides = array<i32>} : memref<48000xf32, #tpu.memory_space<vmem>>, vector<16xf32>,
          %add3A_2108 = arith.constant 224 : i32
          %add3A_2109 = arith.addi %add3A_2037, %add3A_2108 : i32
          %mul3A_2110 = arith.mulf %broadcast_in_dim3A_2035, %get3A_1926 : vector<16xf32>
          %swap3A_2111 = arith.index_cast %add3A_2109 : i32 to index
          %swap3A_2112 = tpu.vector_load %arg5[%swap3A_2111] {strides = array<i32>} : memref<48000xf32, #tpu.memory_space<vmem>>, vector<16xf32>,
          tpu.vector_store %arg5[%swap3A_2111], %mul3A_2110 {add = true, strides = array<i32>} : memref<48000xf32, #tpu.memory_space<vmem>>, vector<16xf32>,
          %add3A_2113 = arith.constant 240 : i32
          %add3A_2114 = arith.addi %add3A_2037, %add3A_2113 : i32
          %mul3A_2115 = arith.mulf %broadcast_in_dim3A_2035, %get3A_1930 : vector<16xf32>
          %swap3A_2116 = arith.index_cast %add3A_2114 : i32 to index
          %swap3A_2117 = tpu.vector_load %arg5[%swap3A_2116] {strides = array<i32>} : memref<48000xf32, #tpu.memory_space<vmem>>, vector<16xf32>,
          tpu.vector_store %arg5[%swap3A_2116], %mul3A_2115 {add = true, strides = array<i32>} : memref<48000xf32, #tpu.memory_space<vmem>>, vector<16xf32>,
          %add3A_2118 = arith.constant 256 : i32
          %add3A_2119 = arith.addi %add3A_2037, %add3A_2118 : i32
          %mul3A_2120 = arith.mulf %broadcast_in_dim3A_2035, %get3A_1934 : vector<16xf32>
          %swap3A_2121 = arith.index_cast %add3A_2119 : i32 to index
          %swap3A_2122 = tpu.vector_load %arg5[%swap3A_2121] {strides = array<i32>} : memref<48000xf32, #tpu.memory_space<vmem>>, vector<16xf32>,
          tpu.vector_store %arg5[%swap3A_2121], %mul3A_2120 {add = true, strides = array<i32>} : memref<48000xf32, #tpu.memory_space<vmem>>, vector<16xf32>,
          %add3A_2123 = arith.constant 272 : i32
          %add3A_2124 = arith.addi %add3A_2037, %add3A_2123 : i32
          %mul3A_2125 = arith.mulf %broadcast_in_dim3A_2035, %get3A_1938 : vector<16xf32>
          %swap3A_2126 = arith.index_cast %add3A_2124 : i32 to index
          %swap3A_2127 = tpu.vector_load %arg5[%swap3A_2126] {strides = array<i32>} : memref<48000xf32, #tpu.memory_space<vmem>>, vector<16xf32>,
          tpu.vector_store %arg5[%swap3A_2126], %mul3A_2125 {add = true, strides = array<i32>} : memref<48000xf32, #tpu.memory_space<vmem>>, vector<16xf32>,
          %add3A_2128 = arith.constant 288 : i32
          %add3A_2129 = arith.addi %add3A_2037, %add3A_2128 : i32
          %mul3A_2130 = arith.mulf %broadcast_in_dim3A_2035, %get3A_1942 : vector<16xf32>
          %swap3A_2131 = arith.index_cast %add3A_2129 : i32 to index
          %swap3A_2132 = tpu.vector_load %arg5[%swap3A_2131] {strides = array<i32>} : memref<48000xf32, #tpu.memory_space<vmem>>, vector<16xf32>,
          tpu.vector_store %arg5[%swap3A_2131], %mul3A_2130 {add = true, strides = array<i32>} : memref<48000xf32, #tpu.memory_space<vmem>>, vector<16xf32>,
          %add3A_2133 = arith.constant 304 : i32
          %add3A_2134 = arith.addi %add3A_2037, %add3A_2133 : i32
          %mul3A_2135 = arith.mulf %broadcast_in_dim3A_2035, %get3A_1946 : vector<16xf32>
          %swap3A_2136 = arith.index_cast %add3A_2134 : i32 to index
          %swap3A_2137 = tpu.vector_load %arg5[%swap3A_2136] {strides = array<i32>} : memref<48000xf32, #tpu.memory_space<vmem>>, vector<16xf32>,
          tpu.vector_store %arg5[%swap3A_2136], %mul3A_2135 {add = true, strides = array<i32>} : memref<48000xf32, #tpu.memory_space<vmem>>, vector<16xf32>,
          %add3A_2138 = arith.constant 320 : i32
          %add3A_2139 = arith.addi %add3A_2037, %add3A_2138 : i32
          %mul3A_2140 = arith.mulf %broadcast_in_dim3A_2035, %get3A_1950 : vector<16xf32>
          %swap3A_2141 = arith.index_cast %add3A_2139 : i32 to index
          %swap3A_2142 = tpu.vector_load %arg5[%swap3A_2141] {strides = array<i32>} : memref<48000xf32, #tpu.memory_space<vmem>>, vector<16xf32>,
          tpu.vector_store %arg5[%swap3A_2141], %mul3A_2140 {add = true, strides = array<i32>} : memref<48000xf32, #tpu.memory_space<vmem>>, vector<16xf32>,
          %add3A_2143 = arith.constant 336 : i32
          %add3A_2144 = arith.addi %add3A_2037, %add3A_2143 : i32
          %mul3A_2145 = arith.mulf %broadcast_in_dim3A_2035, %get3A_1954 : vector<16xf32>
          %swap3A_2146 = arith.index_cast %add3A_2144 : i32 to index
          %swap3A_2147 = tpu.vector_load %arg5[%swap3A_2146] {strides = array<i32>} : memref<48000xf32, #tpu.memory_space<vmem>>, vector<16xf32>,
          tpu.vector_store %arg5[%swap3A_2146], %mul3A_2145 {add = true, strides = array<i32>} : memref<48000xf32, #tpu.memory_space<vmem>>, vector<16xf32>,
          %add3A_2148 = arith.constant 352 : i32
          %add3A_2149 = arith.addi %add3A_2037, %add3A_2148 : i32
          %mul3A_2150 = arith.mulf %broadcast_in_dim3A_2035, %get3A_1958 : vector<16xf32>
          %swap3A_2151 = arith.index_cast %add3A_2149 : i32 to index
          %swap3A_2152 = tpu.vector_load %arg5[%swap3A_2151] {strides = array<i32>} : memref<48000xf32, #tpu.memory_space<vmem>>, vector<16xf32>,
          tpu.vector_store %arg5[%swap3A_2151], %mul3A_2150 {add = true, strides = array<i32>} : memref<48000xf32, #tpu.memory_space<vmem>>, vector<16xf32>,
          %add3A_2153 = arith.constant 368 : i32
          %add3A_2154 = arith.addi %add3A_2037, %add3A_2153 : i32
          %mul3A_2155 = arith.mulf %broadcast_in_dim3A_2035, %get3A_1962 : vector<16xf32>
          %swap3A_2156 = arith.index_cast %add3A_2154 : i32 to index
          %swap3A_2157 = tpu.vector_load %arg5[%swap3A_2156] {strides = array<i32>} : memref<48000xf32, #tpu.memory_space<vmem>>, vector<16xf32>,
          tpu.vector_store %arg5[%swap3A_2156], %mul3A_2155 {add = true, strides = array<i32>} : memref<48000xf32, #tpu.memory_space<vmem>>, vector<16xf32>,
          %add3A_2158 = arith.constant 384 : i32
          %add3A_2159 = arith.addi %add3A_2037, %add3A_2158 : i32
          %mul3A_2160 = arith.mulf %broadcast_in_dim3A_2035, %get3A_1966 : vector<16xf32>
          %swap3A_2161 = arith.index_cast %add3A_2159 : i32 to index
          %swap3A_2162 = tpu.vector_load %arg5[%swap3A_2161] {strides = array<i32>} : memref<48000xf32, #tpu.memory_space<vmem>>, vector<16xf32>,
          tpu.vector_store %arg5[%swap3A_2161], %mul3A_2160 {add = true, strides = array<i32>} : memref<48000xf32, #tpu.memory_space<vmem>>, vector<16xf32>,
          %add3A_2163 = arith.constant 400 : i32
          %add3A_2164 = arith.addi %add3A_2037, %add3A_2163 : i32
          %mul3A_2165 = arith.mulf %broadcast_in_dim3A_2035, %get3A_1970 : vector<16xf32>
          %swap3A_2166 = arith.index_cast %add3A_2164 : i32 to index
          %swap3A_2167 = tpu.vector_load %arg5[%swap3A_2166] {strides = array<i32>} : memref<48000xf32, #tpu.memory_space<vmem>>, vector<16xf32>,
          tpu.vector_store %arg5[%swap3A_2166], %mul3A_2165 {add = true, strides = array<i32>} : memref<48000xf32, #tpu.memory_space<vmem>>, vector<16xf32>,
          %add3A_2168 = arith.constant 416 : i32
          %add3A_2169 = arith.addi %add3A_2037, %add3A_2168 : i32
          %mul3A_2170 = arith.mulf %broadcast_in_dim3A_2035, %get3A_1974 : vector<16xf32>
          %swap3A_2171 = arith.index_cast %add3A_2169 : i32 to index
          %swap3A_2172 = tpu.vector_load %arg5[%swap3A_2171] {strides = array<i32>} : memref<48000xf32, #tpu.memory_space<vmem>>, vector<16xf32>,
          tpu.vector_store %arg5[%swap3A_2171], %mul3A_2170 {add = true, strides = array<i32>} : memref<48000xf32, #tpu.memory_space<vmem>>, vector<16xf32>,
          %add3A_2173 = arith.constant 432 : i32
          %add3A_2174 = arith.addi %add3A_2037, %add3A_2173 : i32
          %mul3A_2175 = arith.mulf %broadcast_in_dim3A_2035, %get3A_1978 : vector<16xf32>
          %swap3A_2176 = arith.index_cast %add3A_2174 : i32 to index
          %swap3A_2177 = tpu.vector_load %arg5[%swap3A_2176] {strides = array<i32>} : memref<48000xf32, #tpu.memory_space<vmem>>, vector<16xf32>,
          tpu.vector_store %arg5[%swap3A_2176], %mul3A_2175 {add = true, strides = array<i32>} : memref<48000xf32, #tpu.memory_space<vmem>>, vector<16xf32>,
          %add3A_2178 = arith.constant 448 : i32
          %add3A_2179 = arith.addi %add3A_2037, %add3A_2178 : i32
          %mul3A_2180 = arith.mulf %broadcast_in_dim3A_2035, %get3A_1982 : vector<16xf32>
          %swap3A_2181 = arith.index_cast %add3A_2179 : i32 to index
          %swap3A_2182 = tpu.vector_load %arg5[%swap3A_2181] {strides = array<i32>} : memref<48000xf32, #tpu.memory_space<vmem>>, vector<16xf32>,
          tpu.vector_store %arg5[%swap3A_2181], %mul3A_2180 {add = true, strides = array<i32>} : memref<48000xf32, #tpu.memory_space<vmem>>, vector<16xf32>,
          %add3A_2183 = arith.constant 464 : i32
          %add3A_2184 = arith.addi %add3A_2037, %add3A_2183 : i32
          %mul3A_2185 = arith.mulf %broadcast_in_dim3A_2035, %get3A_1986 : vector<16xf32>
          %swap3A_2186 = arith.index_cast %add3A_2184 : i32 to index
          %swap3A_2187 = tpu.vector_load %arg5[%swap3A_2186] {strides = array<i32>} : memref<48000xf32, #tpu.memory_space<vmem>>, vector<16xf32>,
          tpu.vector_store %arg5[%swap3A_2186], %mul3A_2185 {add = true, strides = array<i32>} : memref<48000xf32, #tpu.memory_space<vmem>>, vector<16xf32>,
          %add3A_2188 = arith.constant 480 : i32
          %add3A_2189 = arith.addi %add3A_2037, %add3A_2188 : i32
          %mul3A_2190 = arith.mulf %broadcast_in_dim3A_2035, %get3A_1990 : vector<16xf32>
          %swap3A_2191 = arith.index_cast %add3A_2189 : i32 to index
          %swap3A_2192 = tpu.vector_load %arg5[%swap3A_2191] {strides = array<i32>} : memref<48000xf32, #tpu.memory_space<vmem>>, vector<16xf32>,
          tpu.vector_store %arg5[%swap3A_2191], %mul3A_2190 {add = true, strides = array<i32>} : memref<48000xf32, #tpu.memory_space<vmem>>, vector<16xf32>,
          %add3A_2193 = arith.constant 496 : i32
          %add3A_2194 = arith.addi %add3A_2037, %add3A_2193 : i32
          %mul3A_2195 = arith.mulf %broadcast_in_dim3A_2035, %get3A_1994 : vector<16xf32>
          %swap3A_2196 = arith.index_cast %add3A_2194 : i32 to index
          %swap3A_2197 = tpu.vector_load %arg5[%swap3A_2196] {strides = array<i32>} : memref<48000xf32, #tpu.memory_space<vmem>>, vector<16xf32>,
          tpu.vector_store %arg5[%swap3A_2196], %mul3A_2195 {add = true, strides = array<i32>} : memref<48000xf32, #tpu.memory_space<vmem>>, vector<16xf32>,
          %slice3A_2198 = vector.extract_strided_slice %get3A_2030 {offsets = [0], sizes = [1], strides = [1]} : vector<16xi32> to vector<1xi32>
          %squeeze3A_2199 = vector.extract %slice3A_2198[0] : i32 from vector<1xi32>
          %slice3A_2200 = vector.extract_strided_slice %get3A_2034 {offsets = [0], sizes = [1], strides = [1]} : vector<16xf32> to vector<1xf32>
          %squeeze3A_2201 = vector.extract %slice3A_2200[0] : f32 from vector<1xf32>
          scf.yield %squeeze3A_2199, %squeeze3A_2201 : i32, f32
        }
        %while3A_2020 = arith.constant 1 : i32
        %while3A_2021:2 = scf.for %while3A_2022 = %while3A_2017 to %while3A_2013 step %while3A_2020 iter_args(%while3A_2023 = %while3A_2019#0, %while3A_2024 = %while3A_2019#1) -> (i32, f32)  : i32 {
          %mul3A_2025 = arith.muli %while3A_2022, %while3A_2010 : i32
          %add3A_2026 = arith.addi %squeeze3A_1699, %mul3A_2025 : i32
          %add3A_2027 = arith.constant 1 : i32
          %add3A_2028 = arith.addi %add3A_2026, %add3A_2027 : i32
          %get3A_2029 = arith.index_cast %add3A_2028 : i32 to index
          %get3A_2030 = tpu.vector_load %arg9[%get3A_2029] {strides = array<i32>} : memref<224xi32, #tpu.memory_space<vmem>>, vector<16xi32>,
          %add3A_2031 = arith.constant 1 : i32
          %add3A_2032 = arith.addi %add3A_2026, %add3A_2031 : i32
          %get3A_2033 = arith.index_cast %add3A_2032 : i32 to index
          %get3A_2034 = tpu.vector_load %arg10[%get3A_2033] {strides = array<i32>} : memref<224xf32, #tpu.memory_space<vmem>>, vector<16xf32>,
          %broadcast_in_dim3A_2035 = vector.broadcast %while3A_2024 : f32 to vector<16xf32>
          %add3A_2036 = arith.constant 512 : i32
          %add3A_2037 = arith.addi %while3A_2023, %add3A_2036 : i32
          %add3A_2038 = arith.constant 0 : i32
          %add3A_2039 = arith.addi %add3A_2037, %add3A_2038 : i32
          %mul3A_2040 = arith.mulf %broadcast_in_dim3A_2035, %get3A_1870 : vector<16xf32>
          %swap3A_2041 = arith.index_cast %add3A_2039 : i32 to index
          %swap3A_2042 = tpu.vector_load %arg5[%swap3A_2041] {strides = array<i32>} : memref<48000xf32, #tpu.memory_space<vmem>>, vector<16xf32>,
          tpu.vector_store %arg5[%swap3A_2041], %mul3A_2040 {add = true, strides = array<i32>} : memref<48000xf32, #tpu.memory_space<vmem>>, vector<16xf32>,
          %add3A_2043 = arith.constant 16 : i32
          %add3A_2044 = arith.addi %add3A_2037, %add3A_2043 : i32
          %mul3A_2045 = arith.mulf %broadcast_in_dim3A_2035, %get3A_1874 : vector<16xf32>
          %swap3A_2046 = arith.index_cast %add3A_2044 : i32 to index
          %swap3A_2047 = tpu.vector_load %arg5[%swap3A_2046] {strides = array<i32>} : memref<48000xf32, #tpu.memory_space<vmem>>, vector<16xf32>,
          tpu.vector_store %arg5[%swap3A_2046], %mul3A_2045 {add = true, strides = array<i32>} : memref<48000xf32, #tpu.memory_space<vmem>>, vector<16xf32>,
          %add3A_2048 = arith.constant 32 : i32
          %add3A_2049 = arith.addi %add3A_2037, %add3A_2048 : i32
          %mul3A_2050 = arith.mulf %broadcast_in_dim3A_2035, %get3A_1878 : vector<16xf32>
          %swap3A_2051 = arith.index_cast %add3A_2049 : i32 to index
          %swap3A_2052 = tpu.vector_load %arg5[%swap3A_2051] {strides = array<i32>} : memref<48000xf32, #tpu.memory_space<vmem>>, vector<16xf32>,
          tpu.vector_store %arg5[%swap3A_2051], %mul3A_2050 {add = true, strides = array<i32>} : memref<48000xf32, #tpu.memory_space<vmem>>, vector<16xf32>,
          %add3A_2053 = arith.constant 48 : i32
          %add3A_2054 = arith.addi %add3A_2037, %add3A_2053 : i32
          %mul3A_2055 = arith.mulf %broadcast_in_dim3A_2035, %get3A_1882 : vector<16xf32>
          %swap3A_2056 = arith.index_cast %add3A_2054 : i32 to index
          %swap3A_2057 = tpu.vector_load %arg5[%swap3A_2056] {strides = array<i32>} : memref<48000xf32, #tpu.memory_space<vmem>>, vector<16xf32>,
          tpu.vector_store %arg5[%swap3A_2056], %mul3A_2055 {add = true, strides = array<i32>} : memref<48000xf32, #tpu.memory_space<vmem>>, vector<16xf32>,
          %add3A_2058 = arith.constant 64 : i32
          %add3A_2059 = arith.addi %add3A_2037, %add3A_2058 : i32
          %mul3A_2060 = arith.mulf %broadcast_in_dim3A_2035, %get3A_1886 : vector<16xf32>
          %swap3A_2061 = arith.index_cast %add3A_2059 : i32 to index
          %swap3A_2062 = tpu.vector_load %arg5[%swap3A_2061] {strides = array<i32>} : memref<48000xf32, #tpu.memory_space<vmem>>, vector<16xf32>,
          tpu.vector_store %arg5[%swap3A_2061], %mul3A_2060 {add = true, strides = array<i32>} : memref<48000xf32, #tpu.memory_space<vmem>>, vector<16xf32>,
          %add3A_2063 = arith.constant 80 : i32
          %add3A_2064 = arith.addi %add3A_2037, %add3A_2063 : i32
          %mul3A_2065 = arith.mulf %broadcast_in_dim3A_2035, %get3A_1890 : vector<16xf32>
          %swap3A_2066 = arith.index_cast %add3A_2064 : i32 to index
          %swap3A_2067 = tpu.vector_load %arg5[%swap3A_2066] {strides = array<i32>} : memref<48000xf32, #tpu.memory_space<vmem>>, vector<16xf32>,
          tpu.vector_store %arg5[%swap3A_2066], %mul3A_2065 {add = true, strides = array<i32>} : memref<48000xf32, #tpu.memory_space<vmem>>, vector<16xf32>,
          %add3A_2068 = arith.constant 96 : i32
          %add3A_2069 = arith.addi %add3A_2037, %add3A_2068 : i32
          %mul3A_2070 = arith.mulf %broadcast_in_dim3A_2035, %get3A_1894 : vector<16xf32>
          %swap3A_2071 = arith.index_cast %add3A_2069 : i32 to index
          %swap3A_2072 = tpu.vector_load %arg5[%swap3A_2071] {strides = array<i32>} : memref<48000xf32, #tpu.memory_space<vmem>>, vector<16xf32>,
          tpu.vector_store %arg5[%swap3A_2071], %mul3A_2070 {add = true, strides = array<i32>} : memref<48000xf32, #tpu.memory_space<vmem>>, vector<16xf32>,
          %add3A_2073 = arith.constant 112 : i32
          %add3A_2074 = arith.addi %add3A_2037, %add3A_2073 : i32
          %mul3A_2075 = arith.mulf %broadcast_in_dim3A_2035, %get3A_1898 : vector<16xf32>
          %swap3A_2076 = arith.index_cast %add3A_2074 : i32 to index
          %swap3A_2077 = tpu.vector_load %arg5[%swap3A_2076] {strides = array<i32>} : memref<48000xf32, #tpu.memory_space<vmem>>, vector<16xf32>,
          tpu.vector_store %arg5[%swap3A_2076], %mul3A_2075 {add = true, strides = array<i32>} : memref<48000xf32, #tpu.memory_space<vmem>>, vector<16xf32>,
          %add3A_2078 = arith.constant 128 : i32
          %add3A_2079 = arith.addi %add3A_2037, %add3A_2078 : i32
          %mul3A_2080 = arith.mulf %broadcast_in_dim3A_2035, %get3A_1902 : vector<16xf32>
          %swap3A_2081 = arith.index_cast %add3A_2079 : i32 to index
          %swap3A_2082 = tpu.vector_load %arg5[%swap3A_2081] {strides = array<i32>} : memref<48000xf32, #tpu.memory_space<vmem>>, vector<16xf32>,
          tpu.vector_store %arg5[%swap3A_2081], %mul3A_2080 {add = true, strides = array<i32>} : memref<48000xf32, #tpu.memory_space<vmem>>, vector<16xf32>,
          %add3A_2083 = arith.constant 144 : i32
          %add3A_2084 = arith.addi %add3A_2037, %add3A_2083 : i32
          %mul3A_2085 = arith.mulf %broadcast_in_dim3A_2035, %get3A_1906 : vector<16xf32>
          %swap3A_2086 = arith.index_cast %add3A_2084 : i32 to index
          %swap3A_2087 = tpu.vector_load %arg5[%swap3A_2086] {strides = array<i32>} : memref<48000xf32, #tpu.memory_space<vmem>>, vector<16xf32>,
          tpu.vector_store %arg5[%swap3A_2086], %mul3A_2085 {add = true, strides = array<i32>} : memref<48000xf32, #tpu.memory_space<vmem>>, vector<16xf32>,
          %add3A_2088 = arith.constant 160 : i32
          %add3A_2089 = arith.addi %add3A_2037, %add3A_2088 : i32
          %mul3A_2090 = arith.mulf %broadcast_in_dim3A_2035, %get3A_1910 : vector<16xf32>
          %swap3A_2091 = arith.index_cast %add3A_2089 : i32 to index
          %swap3A_2092 = tpu.vector_load %arg5[%swap3A_2091] {strides = array<i32>} : memref<48000xf32, #tpu.memory_space<vmem>>, vector<16xf32>,
          tpu.vector_store %arg5[%swap3A_2091], %mul3A_2090 {add = true, strides = array<i32>} : memref<48000xf32, #tpu.memory_space<vmem>>, vector<16xf32>,
          %add3A_2093 = arith.constant 176 : i32
          %add3A_2094 = arith.addi %add3A_2037, %add3A_2093 : i32
          %mul3A_2095 = arith.mulf %broadcast_in_dim3A_2035, %get3A_1914 : vector<16xf32>
          %swap3A_2096 = arith.index_cast %add3A_2094 : i32 to index
          %swap3A_2097 = tpu.vector_load %arg5[%swap3A_2096] {strides = array<i32>} : memref<48000xf32, #tpu.memory_space<vmem>>, vector<16xf32>,
          tpu.vector_store %arg5[%swap3A_2096], %mul3A_2095 {add = true, strides = array<i32>} : memref<48000xf32, #tpu.memory_space<vmem>>, vector<16xf32>,
          %add3A_2098 = arith.constant 192 : i32
          %add3A_2099 = arith.addi %add3A_2037, %add3A_2098 : i32
          %mul3A_2100 = arith.mulf %broadcast_in_dim3A_2035, %get3A_1918 : vector<16xf32>
          %swap3A_2101 = arith.index_cast %add3A_2099 : i32 to index
          %swap3A_2102 = tpu.vector_load %arg5[%swap3A_2101] {strides = array<i32>} : memref<48000xf32, #tpu.memory_space<vmem>>, vector<16xf32>,
          tpu.vector_store %arg5[%swap3A_2101], %mul3A_2100 {add = true, strides = array<i32>} : memref<48000xf32, #tpu.memory_space<vmem>>, vector<16xf32>,
          %add3A_2103 = arith.constant 208 : i32
          %add3A_2104 = arith.addi %add3A_2037, %add3A_2103 : i32
          %mul3A_2105 = arith.mulf %broadcast_in_dim3A_2035, %get3A_1922 : vector<16xf32>
          %swap3A_2106 = arith.index_cast %add3A_2104 : i32 to index
          %swap3A_2107 = tpu.vector_load %arg5[%swap3A_2106] {strides = array<i32>} : memref<48000xf32, #tpu.memory_space<vmem>>, vector<16xf32>,
          tpu.vector_store %arg5[%swap3A_2106], %mul3A_2105 {add = true, strides = array<i32>} : memref<48000xf32, #tpu.memory_space<vmem>>, vector<16xf32>,
          %add3A_2108 = arith.constant 224 : i32
          %add3A_2109 = arith.addi %add3A_2037, %add3A_2108 : i32
          %mul3A_2110 = arith.mulf %broadcast_in_dim3A_2035, %get3A_1926 : vector<16xf32>
          %swap3A_2111 = arith.index_cast %add3A_2109 : i32 to index
          %swap3A_2112 = tpu.vector_load %arg5[%swap3A_2111] {strides = array<i32>} : memref<48000xf32, #tpu.memory_space<vmem>>, vector<16xf32>,
          tpu.vector_store %arg5[%swap3A_2111], %mul3A_2110 {add = true, strides = array<i32>} : memref<48000xf32, #tpu.memory_space<vmem>>, vector<16xf32>,
          %add3A_2113 = arith.constant 240 : i32
          %add3A_2114 = arith.addi %add3A_2037, %add3A_2113 : i32
          %mul3A_2115 = arith.mulf %broadcast_in_dim3A_2035, %get3A_1930 : vector<16xf32>
          %swap3A_2116 = arith.index_cast %add3A_2114 : i32 to index
          %swap3A_2117 = tpu.vector_load %arg5[%swap3A_2116] {strides = array<i32>} : memref<48000xf32, #tpu.memory_space<vmem>>, vector<16xf32>,
          tpu.vector_store %arg5[%swap3A_2116], %mul3A_2115 {add = true, strides = array<i32>} : memref<48000xf32, #tpu.memory_space<vmem>>, vector<16xf32>,
          %add3A_2118 = arith.constant 256 : i32
          %add3A_2119 = arith.addi %add3A_2037, %add3A_2118 : i32
          %mul3A_2120 = arith.mulf %broadcast_in_dim3A_2035, %get3A_1934 : vector<16xf32>
          %swap3A_2121 = arith.index_cast %add3A_2119 : i32 to index
          %swap3A_2122 = tpu.vector_load %arg5[%swap3A_2121] {strides = array<i32>} : memref<48000xf32, #tpu.memory_space<vmem>>, vector<16xf32>,
          tpu.vector_store %arg5[%swap3A_2121], %mul3A_2120 {add = true, strides = array<i32>} : memref<48000xf32, #tpu.memory_space<vmem>>, vector<16xf32>,
          %add3A_2123 = arith.constant 272 : i32
          %add3A_2124 = arith.addi %add3A_2037, %add3A_2123 : i32
          %mul3A_2125 = arith.mulf %broadcast_in_dim3A_2035, %get3A_1938 : vector<16xf32>
          %swap3A_2126 = arith.index_cast %add3A_2124 : i32 to index
          %swap3A_2127 = tpu.vector_load %arg5[%swap3A_2126] {strides = array<i32>} : memref<48000xf32, #tpu.memory_space<vmem>>, vector<16xf32>,
          tpu.vector_store %arg5[%swap3A_2126], %mul3A_2125 {add = true, strides = array<i32>} : memref<48000xf32, #tpu.memory_space<vmem>>, vector<16xf32>,
          %add3A_2128 = arith.constant 288 : i32
          %add3A_2129 = arith.addi %add3A_2037, %add3A_2128 : i32
          %mul3A_2130 = arith.mulf %broadcast_in_dim3A_2035, %get3A_1942 : vector<16xf32>
          %swap3A_2131 = arith.index_cast %add3A_2129 : i32 to index
          %swap3A_2132 = tpu.vector_load %arg5[%swap3A_2131] {strides = array<i32>} : memref<48000xf32, #tpu.memory_space<vmem>>, vector<16xf32>,
          tpu.vector_store %arg5[%swap3A_2131], %mul3A_2130 {add = true, strides = array<i32>} : memref<48000xf32, #tpu.memory_space<vmem>>, vector<16xf32>,
          %add3A_2133 = arith.constant 304 : i32
          %add3A_2134 = arith.addi %add3A_2037, %add3A_2133 : i32
          %mul3A_2135 = arith.mulf %broadcast_in_dim3A_2035, %get3A_1946 : vector<16xf32>
          %swap3A_2136 = arith.index_cast %add3A_2134 : i32 to index
          %swap3A_2137 = tpu.vector_load %arg5[%swap3A_2136] {strides = array<i32>} : memref<48000xf32, #tpu.memory_space<vmem>>, vector<16xf32>,
          tpu.vector_store %arg5[%swap3A_2136], %mul3A_2135 {add = true, strides = array<i32>} : memref<48000xf32, #tpu.memory_space<vmem>>, vector<16xf32>,
          %add3A_2138 = arith.constant 320 : i32
          %add3A_2139 = arith.addi %add3A_2037, %add3A_2138 : i32
          %mul3A_2140 = arith.mulf %broadcast_in_dim3A_2035, %get3A_1950 : vector<16xf32>
          %swap3A_2141 = arith.index_cast %add3A_2139 : i32 to index
          %swap3A_2142 = tpu.vector_load %arg5[%swap3A_2141] {strides = array<i32>} : memref<48000xf32, #tpu.memory_space<vmem>>, vector<16xf32>,
          tpu.vector_store %arg5[%swap3A_2141], %mul3A_2140 {add = true, strides = array<i32>} : memref<48000xf32, #tpu.memory_space<vmem>>, vector<16xf32>,
          %add3A_2143 = arith.constant 336 : i32
          %add3A_2144 = arith.addi %add3A_2037, %add3A_2143 : i32
          %mul3A_2145 = arith.mulf %broadcast_in_dim3A_2035, %get3A_1954 : vector<16xf32>
          %swap3A_2146 = arith.index_cast %add3A_2144 : i32 to index
          %swap3A_2147 = tpu.vector_load %arg5[%swap3A_2146] {strides = array<i32>} : memref<48000xf32, #tpu.memory_space<vmem>>, vector<16xf32>,
          tpu.vector_store %arg5[%swap3A_2146], %mul3A_2145 {add = true, strides = array<i32>} : memref<48000xf32, #tpu.memory_space<vmem>>, vector<16xf32>,
          %add3A_2148 = arith.constant 352 : i32
          %add3A_2149 = arith.addi %add3A_2037, %add3A_2148 : i32
          %mul3A_2150 = arith.mulf %broadcast_in_dim3A_2035, %get3A_1958 : vector<16xf32>
          %swap3A_2151 = arith.index_cast %add3A_2149 : i32 to index
          %swap3A_2152 = tpu.vector_load %arg5[%swap3A_2151] {strides = array<i32>} : memref<48000xf32, #tpu.memory_space<vmem>>, vector<16xf32>,
          tpu.vector_store %arg5[%swap3A_2151], %mul3A_2150 {add = true, strides = array<i32>} : memref<48000xf32, #tpu.memory_space<vmem>>, vector<16xf32>,
          %add3A_2153 = arith.constant 368 : i32
          %add3A_2154 = arith.addi %add3A_2037, %add3A_2153 : i32
          %mul3A_2155 = arith.mulf %broadcast_in_dim3A_2035, %get3A_1962 : vector<16xf32>
          %swap3A_2156 = arith.index_cast %add3A_2154 : i32 to index
          %swap3A_2157 = tpu.vector_load %arg5[%swap3A_2156] {strides = array<i32>} : memref<48000xf32, #tpu.memory_space<vmem>>, vector<16xf32>,
          tpu.vector_store %arg5[%swap3A_2156], %mul3A_2155 {add = true, strides = array<i32>} : memref<48000xf32, #tpu.memory_space<vmem>>, vector<16xf32>,
          %add3A_2158 = arith.constant 384 : i32
          %add3A_2159 = arith.addi %add3A_2037, %add3A_2158 : i32
          %mul3A_2160 = arith.mulf %broadcast_in_dim3A_2035, %get3A_1966 : vector<16xf32>
          %swap3A_2161 = arith.index_cast %add3A_2159 : i32 to index
          %swap3A_2162 = tpu.vector_load %arg5[%swap3A_2161] {strides = array<i32>} : memref<48000xf32, #tpu.memory_space<vmem>>, vector<16xf32>,
          tpu.vector_store %arg5[%swap3A_2161], %mul3A_2160 {add = true, strides = array<i32>} : memref<48000xf32, #tpu.memory_space<vmem>>, vector<16xf32>,
          %add3A_2163 = arith.constant 400 : i32
          %add3A_2164 = arith.addi %add3A_2037, %add3A_2163 : i32
          %mul3A_2165 = arith.mulf %broadcast_in_dim3A_2035, %get3A_1970 : vector<16xf32>
          %swap3A_2166 = arith.index_cast %add3A_2164 : i32 to index
          %swap3A_2167 = tpu.vector_load %arg5[%swap3A_2166] {strides = array<i32>} : memref<48000xf32, #tpu.memory_space<vmem>>, vector<16xf32>,
          tpu.vector_store %arg5[%swap3A_2166], %mul3A_2165 {add = true, strides = array<i32>} : memref<48000xf32, #tpu.memory_space<vmem>>, vector<16xf32>,
          %add3A_2168 = arith.constant 416 : i32
          %add3A_2169 = arith.addi %add3A_2037, %add3A_2168 : i32
          %mul3A_2170 = arith.mulf %broadcast_in_dim3A_2035, %get3A_1974 : vector<16xf32>
          %swap3A_2171 = arith.index_cast %add3A_2169 : i32 to index
          %swap3A_2172 = tpu.vector_load %arg5[%swap3A_2171] {strides = array<i32>} : memref<48000xf32, #tpu.memory_space<vmem>>, vector<16xf32>,
          tpu.vector_store %arg5[%swap3A_2171], %mul3A_2170 {add = true, strides = array<i32>} : memref<48000xf32, #tpu.memory_space<vmem>>, vector<16xf32>,
          %add3A_2173 = arith.constant 432 : i32
          %add3A_2174 = arith.addi %add3A_2037, %add3A_2173 : i32
          %mul3A_2175 = arith.mulf %broadcast_in_dim3A_2035, %get3A_1978 : vector<16xf32>
          %swap3A_2176 = arith.index_cast %add3A_2174 : i32 to index
          %swap3A_2177 = tpu.vector_load %arg5[%swap3A_2176] {strides = array<i32>} : memref<48000xf32, #tpu.memory_space<vmem>>, vector<16xf32>,
          tpu.vector_store %arg5[%swap3A_2176], %mul3A_2175 {add = true, strides = array<i32>} : memref<48000xf32, #tpu.memory_space<vmem>>, vector<16xf32>,
          %add3A_2178 = arith.constant 448 : i32
          %add3A_2179 = arith.addi %add3A_2037, %add3A_2178 : i32
          %mul3A_2180 = arith.mulf %broadcast_in_dim3A_2035, %get3A_1982 : vector<16xf32>
          %swap3A_2181 = arith.index_cast %add3A_2179 : i32 to index
          %swap3A_2182 = tpu.vector_load %arg5[%swap3A_2181] {strides = array<i32>} : memref<48000xf32, #tpu.memory_space<vmem>>, vector<16xf32>,
          tpu.vector_store %arg5[%swap3A_2181], %mul3A_2180 {add = true, strides = array<i32>} : memref<48000xf32, #tpu.memory_space<vmem>>, vector<16xf32>,
          %add3A_2183 = arith.constant 464 : i32
          %add3A_2184 = arith.addi %add3A_2037, %add3A_2183 : i32
          %mul3A_2185 = arith.mulf %broadcast_in_dim3A_2035, %get3A_1986 : vector<16xf32>
          %swap3A_2186 = arith.index_cast %add3A_2184 : i32 to index
          %swap3A_2187 = tpu.vector_load %arg5[%swap3A_2186] {strides = array<i32>} : memref<48000xf32, #tpu.memory_space<vmem>>, vector<16xf32>,
          tpu.vector_store %arg5[%swap3A_2186], %mul3A_2185 {add = true, strides = array<i32>} : memref<48000xf32, #tpu.memory_space<vmem>>, vector<16xf32>,
          %add3A_2188 = arith.constant 480 : i32
          %add3A_2189 = arith.addi %add3A_2037, %add3A_2188 : i32
          %mul3A_2190 = arith.mulf %broadcast_in_dim3A_2035, %get3A_1990 : vector<16xf32>
          %swap3A_2191 = arith.index_cast %add3A_2189 : i32 to index
          %swap3A_2192 = tpu.vector_load %arg5[%swap3A_2191] {strides = array<i32>} : memref<48000xf32, #tpu.memory_space<vmem>>, vector<16xf32>,
          tpu.vector_store %arg5[%swap3A_2191], %mul3A_2190 {add = true, strides = array<i32>} : memref<48000xf32, #tpu.memory_space<vmem>>, vector<16xf32>,
          %add3A_2193 = arith.constant 496 : i32
          %add3A_2194 = arith.addi %add3A_2037, %add3A_2193 : i32
          %mul3A_2195 = arith.mulf %broadcast_in_dim3A_2035, %get3A_1994 : vector<16xf32>
          %swap3A_2196 = arith.index_cast %add3A_2194 : i32 to index
          %swap3A_2197 = tpu.vector_load %arg5[%swap3A_2196] {strides = array<i32>} : memref<48000xf32, #tpu.memory_space<vmem>>, vector<16xf32>,
          tpu.vector_store %arg5[%swap3A_2196], %mul3A_2195 {add = true, strides = array<i32>} : memref<48000xf32, #tpu.memory_space<vmem>>, vector<16xf32>,
          %slice3A_2198 = vector.extract_strided_slice %get3A_2030 {offsets = [0], sizes = [1], strides = [1]} : vector<16xi32> to vector<1xi32>
          %squeeze3A_2199 = vector.extract %slice3A_2198[0] : i32 from vector<1xi32>
          %slice3A_2200 = vector.extract_strided_slice %get3A_2034 {offsets = [0], sizes = [1], strides = [1]} : vector<16xf32> to vector<1xf32>
          %squeeze3A_2201 = vector.extract %slice3A_2200[0] : f32 from vector<1xf32>
          scf.yield %squeeze3A_2199, %squeeze3A_2201 : i32, f32
        }
      } else {
      }
    }
    %scan3A_1671 = arith.constant 20 : i32
    %broadcast_in_dim3A_1672 = arith.constant 9.99999993E-9 : f32
    %broadcast_in_dim3A_1673 = vector.broadcast %broadcast_in_dim3A_1672 : f32 to vector<16xf32>
    %parallel_loop3A_1674 = arith.constant 0 : i32
    %parallel_loop3A_1675 = arith.constant 1064 : i32
    %parallel_loop3A_1676 = arith.constant 1 : i32
    %parallel_loop3A_1677 = scf.for %parallel_loop3A_1691 = %parallel_loop3A_1674 to %parallel_loop3A_1675 step %parallel_loop3A_1676 iter_args(%parallel_loop3A_1692 = %broadcast_in_dim3A_1673) -> (vector<16xf32>)  : i32 {
      %parallel_loop3A_1693 = arith.constant 16 : i32
      %parallel_loop3A_1694 = arith.muli %parallel_loop3A_1691, %parallel_loop3A_1693 : i32
      %parallel_loop3A_1695 = arith.index_cast %parallel_loop3A_1694 : i32 to index
      %parallel_loop3A_1696 = tpu.vector_load %arg5[%parallel_loop3A_1695] {strides = array<i32>} : memref<48000xf32, #tpu.memory_space<vmem>>, vector<16xf32>,
      %parallel_loop3A_1697 = math.absf %parallel_loop3A_1696 : vector<16xf32>
      %parallel_loop3A_1698 = arith.maximumf %parallel_loop3A_1692, %parallel_loop3A_1697 : vector<16xf32>
      scf.yield %parallel_loop3A_1698 : vector<16xf32>
    } {sc.loop_unroll_factor = 8 : i64, sc.parallel_access}
    %sort3A_1678 = arith.constant dense<true> : vector<16xi1>
    %sort3A_1679, %sort3A_1680, %sort3A_1681 = tpu.sort %parallel_loop3A_1677, %parallel_loop3A_1677 masked %sort3A_1678 : (vector<16xf32>, vector<16xf32>, vector<16xi1>) -> (vector<16xi1>, vector<16xf32>, vector<16xf32>)
    %slice3A_1682 = vector.extract_strided_slice %sort3A_1680 {offsets = [15], sizes = [1], strides = [1]} : vector<16xf32> to vector<1xf32>
    %squeeze3A_1683 = vector.extract %slice3A_1682[0] : f32 from vector<1xf32>
    %broadcast_in_dim3A_1684 = vector.broadcast %squeeze3A_1683 : f32 to vector<16xf32>
    %div3A_1685 = arith.constant 1.000000e+00 : f32
    %div3A_1686 = vector.broadcast %div3A_1685 : f32 to vector<16xf32>
    %div3A_1687 = arith.divf %div3A_1686, %broadcast_in_dim3A_1684 : vector<16xf32>
    %parallel_loop3A_1688 = arith.constant 0 : i32
    %parallel_loop3A_1689 = arith.constant 1064 : i32
    %parallel_loop3A_1690 = arith.constant 1 : i32
    scf.for %parallel_loop3A_1691 = %parallel_loop3A_1688 to %parallel_loop3A_1689 step %parallel_loop3A_1690  : i32 {
      %parallel_loop3A_1692 = arith.constant 16 : i32
      %parallel_loop3A_1693 = arith.muli %parallel_loop3A_1691, %parallel_loop3A_1692 : i32
      %parallel_loop3A_1694 = arith.index_cast %parallel_loop3A_1693 : i32 to index
      %parallel_loop3A_1695 = tpu.vector_load %arg5[%parallel_loop3A_1694] {strides = array<i32>} : memref<48000xf32, #tpu.memory_space<vmem>>, vector<16xf32>,
      %parallel_loop3A_1696 = arith.mulf %parallel_loop3A_1695, %div3A_1687 : vector<16xf32>
      %parallel_loop3A_1697 = arith.constant 16 : i32
      %parallel_loop3A_1698 = arith.muli %parallel_loop3A_1691, %parallel_loop3A_1697 : i32
      %parallel_loop3A_1699 = arith.index_cast %parallel_loop3A_1698 : i32 to index
      %parallel_loop3A_1700 = tpu.vector_load %arg5[%parallel_loop3A_1699] {strides = array<i32>} : memref<48000xf32, #tpu.memory_space<vmem>>, vector<16xf32>,
      tpu.vector_store %arg5[%parallel_loop3A_1699], %parallel_loop3A_1696 {strides = array<i32>} : memref<48000xf32, #tpu.memory_space<vmem>>, vector<16xf32>,
    } {sc.loop_unroll_factor = 8 : i64, sc.parallel_access}
    "tpu.region"() ({
      %run_scoped3A = tpu.sem_alloc : memref<!tpu.dma_semaphore, #tpu.memory_space<semaphore_mem>>
      %dma_start3A = arith.constant 0 : i32
      %dma_start3A_1691 = tpu.memref_slice %arg3[%add3A_844, %dma_start3A] : memref<64x48000xf32, #tpu.memory_space<hbm>> -> memref<1x48000xf32, #tpu.memory_space<hbm>>
      %dma_start3A_1692 = tpu.memref_squeeze %dma_start3A_1691 : memref<1x48000xf32, #tpu.memory_space<hbm>> -> memref<48000xf32, #tpu.memory_space<hbm>>
      %dma_start3A_1693 = arith.constant 0 : i32
      %dma_start3A_1694 = tpu.memref_slice %arg3[%add3A_844, %dma_start3A_1693] : memref<64x48000xf32, #tpu.memory_space<hbm>> -> memref<1x48000xf32, #tpu.memory_space<hbm>>
      %dma_start3A_1695 = tpu.memref_squeeze %dma_start3A_1694 : memref<1x48000xf32, #tpu.memory_space<hbm>> -> memref<48000xf32, #tpu.memory_space<hbm>>
      tpu.enqueue_dma source(%arg5 : memref<48000xf32, #tpu.memory_space<vmem>>) target(%dma_start3A_1695 : memref<48000xf32, #tpu.memory_space<hbm>>) target_semaphore(%run_scoped3A : memref<!tpu.dma_semaphore, #tpu.memory_space<semaphore_mem>>)
      %dma_wait3A = arith.constant 0 : i32
      %dma_wait3A_1696 = tpu.memref_slice %arg3[%add3A_844, %dma_wait3A] : memref<64x48000xf32, #tpu.memory_space<hbm>> -> memref<1x48000xf32, #tpu.memory_space<hbm>>
      %dma_wait3A_1697 = tpu.memref_squeeze %dma_wait3A_1696 : memref<1x48000xf32, #tpu.memory_space<hbm>> -> memref<48000xf32, #tpu.memory_space<hbm>>
      %dma_wait3A_1698 = arith.constant 0 : i32
      %dma_wait3A_1699 = tpu.memref_slice %arg3[%add3A_844, %dma_wait3A_1698] : memref<64x48000xf32, #tpu.memory_space<hbm>> -> memref<1x48000xf32, #tpu.memory_space<hbm>>
      %dma_wait3A_1700 = tpu.memref_squeeze %dma_wait3A_1699 : memref<1x48000xf32, #tpu.memory_space<hbm>> -> memref<48000xf32, #tpu.memory_space<hbm>>
      tpu.wait_dma2 semaphore(%run_scoped3A : memref<!tpu.dma_semaphore, #tpu.memory_space<semaphore_mem>>) src(%arg5 : memref<48000xf32, #tpu.memory_space<vmem>>) dst(%dma_wait3A_1700 : memref<48000xf32, #tpu.memory_space<hbm>>)
      tpu.yield
    }) : () -> ()
    return
  }
}

</mosaic_0001>

<sc_bundles>
// kernel: _sc_call.3.cloned.1.call-start
scs
__scs_entry_jumppad:
0x0: {  	(pc) =	sbr.rel $0x88, $3  }
0x1: {  	(tag) =	ssettag $0x0;
	lr =	simm.s32 $0x1  }
0x2: {  	[smem:$0x3FA0] =	sst lr;
	_ =	strace $0xD0000000  }
0x3: {  	_ = 	snop  }
0x4: {  	_ = 	snop  }
0x5: {  	_ = 	snop  }
0x6: {  	_ = 	snop  }
0x7: {  	_ = 	snop  }
__scs_overlays_trampoline_lowered:
0x8: {  	[smem:$0x3FAF] =	sst s0  }
0x9: {  	[smem:$0x3FB0] =	sst s1  }
0xa: {  	[smem:$0x3FB1] =	sst s2  }
0xb: {  	[smem:$0x3FB2] =	sst s3  }
0xc: {  	[smem:$0x3FB3] =	sst s4  }
0xd: {  	[smem:$0x3FB4] =	sst s5  }
0xe: {  	[smem:$0x3FB5] =	sst s6  }
0xf: {  	[smem:$0x3FB6] =	sst s7  }
0x10: {  	[smem:$0x3FB7] =	sst s8  }
0x11: {  	[smem:$0x3FB8] =	sst s9;
	s0 =	simm.s32 @!p0 $0x0  }
0x12: {  	s1 =	sld [smem:$0x3F9E];
	s0 =	simm.s32 @p0 $0x1  }
0x13: {  	[smem:$0x3FB9] =	sst s0;
	s0 =	simm.s32 @!p1 $0x0  }
0x14: {  	s2 =	sld [smem:$0x3F9D];
	s0 =	simm.s32 @p1 $0x1  }
0x15: {  	[smem:$0x3FBA] =	sst s0;
	s0 =	simm.s32 @!p2 $0x0  }
0x16: {  	s3 =	sld [smem:$0x3FDB];
	s0 =	simm.s32 @p2 $0x1  }
0x17: {  	s4 =	simm.s32 $0x1BF5;
	[smem:$0x3FBC] =	sst s0  }
0x18: {  	s0 =	sld [smem:$0x3F9F];
	_ =	swait.ge [sflag:s4], $0x0  }
0x19: {  	s7 =	sld [smem:$0x3FA0]  }
0x1a: {  	s8 =	sadd.s32 $0xFFFFE003, lr  }
0x1b: {  	s9 =	sadd.s32 $0xFFFFFEF7, lr;
	s5 =	simm.s32 $0xFFFFFFFF;
	p2 =	slt.u32 s8, $0xFFFFF086  }
0x1c: {  	p1 =	slt.u32 s9, $0xF7A;
	s5 =	simm.s32 @!p2 $0x0  }
0x1d: {  	s5 =	simm.s32 @p1 $0x1;
	p0 =	seq.s32 s7, s2  }
0x1e: {  	s7 =	smul.u32 @!p0 $0xF7A, s2;
	p2 =	seq.s32 @!p0 s5, $0x0  }
0x1f: {  	s9 =	smul.u32 $0xF7A, s1;
	s8 =	simm.s32 @!p0 $0x1BF5;
	p2 =	por !p2, p0  }
0x20: {  	[sflag:s8] =	ssyncset.s32 @!p0 $0xFFFFF086;
	s6 =	sadd.s32 @!p0 s3, s7;
	s7 =	simm.s32 @!p0 $0x108  }
0x21: {  	s3 =	sadd.s32 s3, s9;
	s6 =	sadd.s32 @!p0 $0x88, s6;
	s7 =	simm.s32 @p2 $0x1082  }
0x22: {  	[simem:s7], [sflag:s8] =	dma.local @!p0 [hbm:s6], $0xF7A  }
0x23: {  	s9 =	sor.u32 $0xD0000000, s2;
	s6 =	simm.s32 $0x108;
	_ =	swait.ge @!p0 [sflag:s8], $0x0  }
0x24: {  	s3 =	sadd.s32 $0x88, s3;
	s6 =	simm.s32 @!p1 $0x1082;
	[sflag:s4] =	ssyncset.s32 $0xFFFFF086  }
0x25: {  	[simem:s6], [sflag:s4] =	dma.local [hbm:s3], $0xF7A  }
0x26: {  	[smem:$0x3FA0] =	sst s1;
	(tag) =	ssettag s2;
	_ =	strace s9  }
0x27: {  	s1 =	sld [smem:$0x3FB0]  }
0x28: {  	s2 =	sld [smem:$0x3FB1]  }
0x29: {  	s4 =	sld [smem:$0x3FB3]  }
0x2a: {  	p0 =	seq.s32 s5, $0x0;
	s5 =	sld [smem:$0x3FB4]  }
0x2b: {  	s6 =	sld [smem:$0x3FB5]  }
0x2c: {  	s7 =	sld [smem:$0x3FB6]  }
0x2d: {  	s3 =	simm.s32 $0x108;
	s8 =	sld [smem:$0x3FB7]  }
0x2e: {  	s3 =	simm.s32 @!p0 $0x1082;
	s9 =	sld [smem:$0x3FB8]  }
0x2f: {  	lr =	sadd.s32 s0, s3;
	s0 =	sld [smem:$0x3FAF]  }
0x30: {  	s3 =	sld [smem:$0x3FB2]  }
0x31: {  	[smem:$0x3FBB] =	sst s10  }
0x32: {  	s10 =	sld [smem:$0x3FB9];
	_ =	sdelay $0x3  }
0x33: {  	p0 =	seq.s32 s10, $0x1;
	s10 =	sld [smem:$0x3FBB];
	_ =	sdelay $0x3  }
0x34: {  	[smem:$0x3FBB] =	sst s10  }
0x35: {  	s10 =	sld [smem:$0x3FBA];
	_ =	sdelay $0x3  }
0x36: {  	p1 =	seq.s32 s10, $0x1;
	s10 =	sld [smem:$0x3FBB];
	_ =	sdelay $0x3  }
0x37: {  	[smem:$0x3FBB] =	sst s10  }
0x38: {  	s10 =	sld [smem:$0x3FBC]  }
0x39: {  	_ = 	snop;
	(pc) =	sbr.ind lr, $3  }
0x3a: {  	_ = 	snop  }
0x3b: {  	_ = 	snop  }
0x3c: {  	p2 =	seq.s32 s10, $0x1;
	s10 =	sld [smem:$0x3FBB]  }
0x3d: {  	_ =	shalt  }
0x3e: {  	_ =	shalt  }
0x3f: {  	_ =	shalt  }
0x40: {  	_ =	shalt  }
0x41: {  	_ =	shalt  }
0x42: {  	_ =	shalt  }
0x43: {  	_ =	shalt  }
0x44: {  	_ =	shalt  }
0x45: {  	_ =	shalt  }
0x46: {  	_ =	shalt  }
0x47: {  	_ =	shalt  }
0x48: {  	_ =	shalt  }
0x49: {  	_ =	shalt  }
0x4a: {  	_ =	shalt  }
0x4b: {  	_ =	shalt  }
0x4c: {  	_ =	shalt  }
0x4d: {  	_ =	shalt  }
0x4e: {  	_ =	shalt  }
0x4f: {  	_ =	shalt  }
0x50: {  	_ =	shalt  }
0x51: {  	_ =	shalt  }
0x52: {  	_ =	shalt  }
0x53: {  	_ =	shalt  }
0x54: {  	_ =	shalt  }
0x55: {  	_ =	shalt  }
0x56: {  	_ =	shalt  }
0x57: {  	_ =	shalt  }
0x58: {  	_ =	shalt  }
0x59: {  	_ =	shalt  }
0x5a: {  	_ =	shalt  }
0x5b: {  	_ =	shalt  }
0x5c: {  	_ =	shalt  }
0x5d: {  	_ =	shalt  }
0x5e: {  	_ =	shalt  }
0x5f: {  	_ =	shalt  }
0x60: {  	_ =	shalt  }
0x61: {  	_ =	shalt  }
0x62: {  	_ =	shalt  }
0x63: {  	_ =	shalt  }
0x64: {  	_ =	shalt  }
0x65: {  	_ =	shalt  }
0x66: {  	_ =	shalt  }
0x67: {  	_ =	shalt  }
0x68: {  	_ =	shalt  }
0x69: {  	_ =	shalt  }
0x6a: {  	_ =	shalt  }
0x6b: {  	_ =	shalt  }
0x6c: {  	_ =	shalt  }
0x6d: {  	_ =	shalt  }
0x6e: {  	_ =	shalt  }
0x6f: {  	_ =	shalt  }
0x70: {  	_ =	shalt  }
0x71: {  	_ =	shalt  }
0x72: {  	_ =	shalt  }
0x73: {  	_ =	shalt  }
0x74: {  	_ =	shalt  }
0x75: {  	_ =	shalt  }
0x76: {  	_ =	shalt  }
0x77: {  	_ =	shalt  }
0x78: {  	_ =	shalt  }
0x79: {  	_ =	shalt  }
0x7a: {  	_ =	shalt  }
0x7b: {  	_ =	shalt  }
0x7c: {  	_ =	shalt  }
0x7d: {  	_ =	shalt  }
0x7e: {  	_ =	shalt  }
0x7f: {  	_ =	shalt  }
0x80: {  	_ =	shalt  }
0x81: {  	_ =	shalt  }
0x82: {  	_ =	shalt  }
0x83: {  	_ =	shalt  }
0x84: {  	_ =	shalt  }
0x85: {  	_ =	shalt  }
0x86: {  	_ =	shalt  }
0x87: {  	_ =	shalt  }
.Lfunc_end0:
.L_simem_size_0:
called_computation_lowered:
.L_overlay_start_0:
0x88: {  	s2 =	sld [smem:$0x3FD9]  }
0x89: {  	s3 =	sld [smem:$0x3FFE];
	_ =	sdelay $0x1  }
0x8a: {  	s1 =	srdreg.scid  }
0x8b: {  	s0 =	sand.u32 $0x1, s1  }
0x8c: {  	s18 =	sshll.u32 s0, $0xA;
	s2 =	sadd.s32 s3, s2  }
0x8d: {  	s2 =	sadd.s32 s2, s18  }
0x8e: {  	[smem:$0x3FC7] =	sst s2  }
0x8f: {  	_ = 	snop  }
0x90: {  	s2 =	sld [smem:$0x3FC9]  }
0x91: {  	s19 =	sld [smem:$0x3FD0];
	(tm) =	ssettm $0x1  }
0x92: {  	s4 =	sld [smem:$0x3FFB];
	_ =	sdelay $0x3  }
0x93: {  	_ =	strace s4  }
0x94: {  	s4 =	sld [smem:$0x3FFC];
	_ =	sdelay $0x3  }
0x95: {  	_ =	strace s4  }
0x96: {  	s4 =	sld [smem:$0x3FFD];
	_ =	sdelay $0x3  }
0x97: {  	_ =	strace s4  }
0x98: {  	_ =	strace $0x8FFFFFFF  }
0x99: {  	s20 =	sld [smem:$0x3FDB];
	_ =	sdelay $0x1  }
0x9a: {  	s5 =	simm.s32 $_scs_section_size  }
0x9b: {  	s6 =	simm.s32 $_size__tile_overlayer_lowered;
	s7 =	simm.s32 $_tile_overlayer_lowered  }
0x9c: {  	s23 =	simm.s32 $0x1BFF;
	s22 =	sshll.u32 s7, $0x1;
	s4 =	sadd.s32 s5, s20  }
0x9d: {  	s8 =	simm.s32 $0x0;
	s21 =	sshll.u32 s6, $0x1;
	s6 =	sadd.s32 s22, s4  }
0x9e: {  	[timem:s8], [sflag:s23] =	dma.local [hbm:s6], s21  }
0x9f: {  	_ =	swait.ge [sflag:s23], s21  }
0xa0: {  	s5 =	ssub.s32 $0x0, s21;
	[sflag:s23] =	ssyncset.done $0x0  }
0xa1: {  	[sflag:s23] =	ssyncadd.s32 s5;
	_ =	sdelay $0x1  }
0xa2: {  	s24 =	simm.s32 $0x1B8B  }
0xa3: {  	_ =	swait.ge [sflag:s24], $0x1  }
0xa4: {  	[sflag:s24] =	ssyncset.done $0x0  }
0xa5: {  	s25 =	simm.s32 $0x1B8E;
	[sflag:s24] =	ssyncadd.s32 $0xFFFFFFFF  }
0xa6: {  	s26 =	simm.s32 $execute0_lowered;
	[smem:$0x3FD2] =	sst s25  }
0xa7: {  	s5 =	sshll.u32 s26, $0x1;
	_ =	strace $0x80000046;
	[dreg:$0x1] =	wrdreg $0xFFFFFFFF  }
0xa8: {  	s28 =	simm.s32 $_size_execute0_lowered;
	s4 =	sadd.s32 s4, s5;
	[dreg:$0x0] =	wrdreg $0x0  }
0xa9: {  	s5 =	sshll.u32 s28, $0x1;
	[dreg:$0x2] =	wrdreg s4  }
0xaa: {  	[dreg:$0x3] =	wrdreg s5  }
0xab: {  	[dreg:$0x4] =	wrdreg $0xC0  }
0xac: {  	_ =	task [dreg:s8], $0x5FFFF  }
0xad: {  	[dreg:$0x1] =	wrdreg $0xFFFFFFFF  }
0xae: {  	[dreg:$0x0] =	wrdreg $0x60  }
0xaf: {  	[dreg:$0x2] =	wrdreg s2  }
0xb0: {  	[dreg:$0x3] =	wrdreg s19  }
0xb1: {  	[dreg:$0x4] =	wrdreg $0x9  }
0xb2: {  	_ =	task.clear_ibuf [dreg:s8], $0x5FFFF;
	_ =	strace $0x90000046  }
0xb3: {  	s29 =	simm.s32 $0x9;
	_ =	strace $0x80000048  }
0xb4: {  	_ =	swait.ge [sflag:s29], $0x1  }
0xb5: {  	[sflag:s29] =	ssyncadd.s32 $0xFFFFFFFF  }
0xb6: {  	_ =	strace $0x90000048  }
0xb7: {  	_ =	sfence  }
0xb8: {  	s30 =	sld [smem:$0x0];
	_ =	sdelay $0x2  }
0xb9: {  	s31 =	sshll.u32 s1, $0xD;
	s1 =	sshrl.u32 s1, $0x2  }
0xba: {  	s3 =	sand.u32 $0x4000, s31;
	s1 =	sadd.s32 s1, s30  }
0xbb: {  	s0 =	sor.u32 s3, s0;
	s1 =	sshll.u32 s1, $0x11  }
0xbc: {  	s0 =	sor.u32 s1, s0  }
0xbd: {  	s0 =	sadd.s32 $0x8F2B, s0  }
0xbe: {  	[sflag:s0] =	ssyncadd.remote.s32 $0x1  }
0xbf: {  	_ =	sfence.sel $0xFFFF  }
0xc0: {  	[dreg:$0x0] =	wrdreg $0xFFFFFFFF;
	(pc) =	sbr.abs _section_cstart, $3  }
0xc1: {  	[dreg:$0x1] =	wrdreg $0xFFFFFFFF  }
0xc2: {  	_ =	task.clear_ibuf [dreg:s8], $0x2FFFF;
	_ =	strace $0x9FFFFFFF  }
0xc3: {  	(tm) =	ssettm $0x7FFFFFFF  }
tec
execute0_lowered:
.L_overlay_start_1:
0x0: {  	(tag) =	ssettag $0x1  }
0x1: {  	s0 =	rddreg [dreg:$0x0]  }
0x2: {  	s1 =	srdreg.scid;
	s6 =	stileid.u32  }
0x3: {  	s2 =	rddreg [dreg:$0x1];
	s4 =	simm.s32 $0x0;
	s13 =	simm.s32 $0x1  }
0x4: {  	s17 =	simm.s32 $0x11080;
	s18 =	simm.s32 $0x11100;
	s19 =	simm.s32 $0x11180  }
0x5: {  	s20 =	simm.s32 $0x10E80;
	s21 =	simm.s32 $0x10F80;
	s22 =	simm.s32 $0x80  }
0x6: {  	s23 =	simm.s32 $0x400;
	s24 =	simm.s32 $0x5000;
	s25 =	simm.s32 $0x0  }
0x7: {  	s1 =	sand.u32 $0x1, s1;
	s3 =	sshll.u32 s6, $0x1;
	s6 =	sshrl.u32 s6, $0x1  }
0x8: {  	[smem:$0x7FF] =	sst s4;
	s5 =	sor.u32 s1, s3;
	s9 =	smul.u32 $0x5DC00, s6  }
0x9: {  	s1 =	ssub.s32 $0x2, s1;
	_ =	strace $0x80000047;
	s3 =	smul.u32 $0x190, s5  }
0xa: {  	s28 =	sshrl.u32 s1, $0x1;
	s30 =	sshll.u32 s5, $0x8;
	s7 =	sshllo.u32 s5, $0x1  }
0xb: {  	s1 =	ssub.s32 s1, s28;
	s8 =	sand.u32 $0x300, s30;
	s10 =	smul.u32 $0xC8, s7  }
0xc: {  	s7 =	sshll.u32 s7, $0x7;
	s29 =	sshrl.u32 s3, $0x3;
	s3 =	sadd.s32 $0x12C0, s0  }
0xd: {  	s8 =	sor.u32 s9, s8;
	s11 =	sand.u32 $0x380, s7;
	s12 =	smax.u32 s1, $0x1  }
0xe: {  	s4 =	sadd.s32 s0, s29;
	s8 =	sshrl.u32 s8, $0x3;
	s10 =	sshrl.u32 s10, $0x3  }
0xf: {  	s31 =	sor.u32 s9, s11;
	s5 =	sadd.s32 $0x640, s4;
	s6 =	sadd.s32 $0xC80, s4  }
0x10: {  	s7 =	sadd.s32 s2, s8;
	s8 =	sadd.s32 s0, s10;
	s0 =	sshrl.u32 s31, $0x3  }
0x11: {  	v0 =	vimm.f32 $0.0e+00;
	v1 =	vimm.s32 $0x0;
	vm0 =	vmmov $0xff;
	s9 =	sadd.s32 $0x640, s8;
	s10 =	sadd.s32 $0xC80, s8;
	s11 =	sadd.s32 s2, s0  }
.LBB2_1:
0x12: {  	s0 =	simm.s32 $0x0  }
0x13: {  	[tilespmem:s0], [sflag:$0x1] =	stream.linear.gather [hbm4b:s3+s0], $0x5000, $0x38;
	[tilespmem:$0x11200] =	vst v63  }
0x14: {  	_ =	swait.ge [sflag:s13], $0x5000  }
0x15: {  	[sflag:s13] =	ssyncset.done $0x0  }
0x16: {  	s0 =	simm.s32 $0x5040;
	[sflag:s13] =	ssyncadd.s32 $0xFFFFB000  }
0x17: {  	[tilespmem:s0+$0xFFFFFFC0] =	vst v0  }
0x18: {  	[tilespmem:s0+$0x30] =	vst v0  }
0x19: {  	[tilespmem:s0+$0x20] =	vst v0  }
0x1a: {  	[tilespmem:s0+$0x10] =	vst v0  }
0x1b: {  	[tilespmem:s0+$0x0] =	vst v0  }
0x1c: {  	[tilespmem:s0+$0xFFFFFFF0] =	vst v0  }
0x1d: {  	s1 =	simm.s32 $0x0;
	[tilespmem:s0+$0xFFFFFFE0] =	vst v0  }
.LBB2_2:
0x1e: {  	s1 =	sadd.s32 $0x8, s1;
	[tilespmem:s0+$0xFFFFFFD0] =	vst v0;
	s0 =	sadd.s32 $0x80, s0  }
0x1f: {  	[tilespmem:s0+$0xFFFFFFC0] =	vst v0;
	p0 =	slt.u32 s1, $0xBB0  }
0x20: {  	[tilespmem:s0+$0x30] =	vst v0  }
.Ltmp0:
0x21: {  	[tilespmem:s0+$0x20] =	vst v0;
	(pc) =	sbr.rel @p0 .LBB2_2-.Ltmp0, $4  }
0x22: {  	[tilespmem:s0+$0x10] =	vst v0  }
0x23: {  	[tilespmem:s0+$0x0] =	vst v0  }
0x24: {  	[tilespmem:s0+$0xFFFFFFF0] =	vst v0  }
0x25: {  	[tilespmem:s0+$0xFFFFFFE0] =	vst v0  }
0x26: {  	[tilespmem:s0+$0xFFFFFFD0] =	vst v0;
	s26 =	simm.s32 $0x0;
	s29 =	simm.s32 $0x10B80  }
0x27: {  	[tilespmem:s29], [sflag:$0x1] =	stream.linear.gather [hbm4b:s4+s26], $0xC8, $0x38;
	[tilespmem:$0x11200] =	vst v63  }
0x28: {  	_ =	swait.ge [sflag:s13], $0xC8  }
0x29: {  	[sflag:s13] =	ssyncset.done $0x0  }
0x2a: {  	s30 =	simm.s32 $0x10C80;
	[sflag:s13] =	ssyncadd.s32 $0xFFFFFF38  }
0x2b: {  	[tilespmem:s30], [sflag:$0x1] =	stream.linear.gather [hbm4b:s5+s26], $0xC8, $0x38;
	[tilespmem:$0x11200] =	vst v63  }
0x2c: {  	_ =	swait.ge [sflag:s13], $0xC8  }
0x2d: {  	[sflag:s13] =	ssyncset.done $0x0  }
0x2e: {  	s31 =	simm.s32 $0x10D80;
	[sflag:s13] =	ssyncadd.s32 $0xFFFFFF38  }
0x2f: {  	[tilespmem:s31], [sflag:$0x1] =	stream.linear.gather [hbm4b:s6+s26], $0xC8, $0x38;
	[tilespmem:$0x11200] =	vst v63  }
0x30: {  	_ =	swait.ge [sflag:s13], $0xC8  }
0x31: {  	[sflag:s13] =	ssyncset.done $0x0  }
0x32: {  	[sflag:s13] =	ssyncadd.s32 $0xFFFFFF38  }
0x33: {  	v2 =	vld [tilespmem:$0x10D80];
	_ =	sdelay $0x2  }
0x34: {  	v3 =	vld [tilespmem:$0x10B80]  }
0x35: {  	v4 =	vld [tilespmem:$0x10C80]  }
0x36: {  	v2 =	vtrunc.f32 v2  }
0x37: {  	v2 =	vcvt.f32.s32 v2;
	_ =	sdelay $0x1  }
0x38: {  	vm1 =	vgt.s32 v2, $0x0  }
0x39: {  	vm2 =	vgt.f32 v3, $0.0e+00;
	v2 =	vnsel vm1, $0x0, v2;
	vm1 =	vgt.f32 v4, $0.0e+00  }
0x3a: {  	v2 =	vmin.u32 v2, $0x13;
	vm1 =	vmand vm2, vm1  }
0x3b: {  	(xrf1) =	vunique.msk.u32 vm1, v2;
	_ =	sdelay $0xa  }
0x3c: {  	[tilespmem:$0x11080] =	vst v1  }
0x3d: {  	[tilespmem:$0x11100] =	vst v1  }
0x3e: {  	[tilespmem:$0x11090] =	vst v1  }
0x3f: {  	[tilespmem:$0x11110] =	vst v1;
	_, v3, vm2 =	vpop (xrf1)  }
0x40: {  	v24 =	vld.idx.msk [tilespmem:v2+s17+$0x0], $0xffff;
	vm1 =	vmand vm1, vm2;
	_ =	sdelay $0x4  }
0x41: {  	v3 =	vadd.s32 v24, v3  }
0x42: {  	[tilespmem:v2+s17+$0x0] =	vst.idx.msk vm1, v3  }
0x43: {  	v2 =	vld [tilespmem:$0x10D90];
	_ =	sdelay $0x2  }
0x44: {  	v3 =	vld [tilespmem:$0x10B90]  }
0x45: {  	v25 =	vld [tilespmem:$0x10C90]  }
0x46: {  	v2 =	vtrunc.f32 v2  }
0x47: {  	v2 =	vcvt.f32.s32 v2;
	_ =	sdelay $0x1  }
0x48: {  	vm1 =	vgt.s32 v2, $0x0  }
0x49: {  	vm2 =	vgt.f32 v3, $0.0e+00;
	v2 =	vnsel vm1, $0x0, v2;
	vm1 =	vgt.f32 v25, $0.0e+00  }
0x4a: {  	v2 =	vmin.u32 v2, $0x13;
	vm1 =	vmand vm2, vm1  }
0x4b: {  	(xrf1) =	vunique.msk.u32 vm1, v2;
	_ =	sdelay $0xd  }
0x4c: {  	_, v3, vm2 =	vpop (xrf1)  }
0x4d: {  	v26 =	vld.idx.msk [tilespmem:v2+s17+$0x0], $0xffff;
	vm1 =	vmand vm1, vm2;
	_ =	sdelay $0x4  }
0x4e: {  	v3 =	vadd.s32 v26, v3  }
0x4f: {  	[tilespmem:v2+s17+$0x0] =	vst.idx.msk vm1, v3  }
0x50: {  	v2 =	vld [tilespmem:$0x10DA0];
	_ =	sdelay $0x2  }
0x51: {  	v3 =	vld [tilespmem:$0x10BA0]  }
0x52: {  	v27 =	vld [tilespmem:$0x10CA0]  }
0x53: {  	v2 =	vtrunc.f32 v2  }
0x54: {  	v2 =	vcvt.f32.s32 v2;
	_ =	sdelay $0x1  }
0x55: {  	vm1 =	vgt.s32 v2, $0x0  }
0x56: {  	vm2 =	vgt.f32 v3, $0.0e+00;
	v2 =	vnsel vm1, $0x0, v2;
	vm1 =	vgt.f32 v27, $0.0e+00  }
0x57: {  	v2 =	vmin.u32 v2, $0x13;
	vm1 =	vmand vm2, vm1  }
0x58: {  	(xrf1) =	vunique.msk.u32 vm1, v2;
	_ =	sdelay $0xd  }
0x59: {  	_, v3, vm2 =	vpop (xrf1)  }
0x5a: {  	v28 =	vld.idx.msk [tilespmem:v2+s17+$0x0], $0xffff;
	vm1 =	vmand vm1, vm2;
	_ =	sdelay $0x4  }
0x5b: {  	v3 =	vadd.s32 v28, v3  }
0x5c: {  	[tilespmem:v2+s17+$0x0] =	vst.idx.msk vm1, v3  }
0x5d: {  	v2 =	vld [tilespmem:$0x10DB0];
	_ =	sdelay $0x2  }
0x5e: {  	v3 =	vld [tilespmem:$0x10BB0]  }
0x5f: {  	v29 =	vld [tilespmem:$0x10CB0]  }
0x60: {  	v2 =	vtrunc.f32 v2  }
0x61: {  	v2 =	vcvt.f32.s32 v2;
	_ =	sdelay $0x1  }
0x62: {  	vm1 =	vgt.s32 v2, $0x0  }
0x63: {  	vm2 =	vgt.f32 v3, $0.0e+00;
	v2 =	vnsel vm1, $0x0, v2;
	vm1 =	vgt.f32 v29, $0.0e+00  }
0x64: {  	v2 =	vmin.u32 v2, $0x13;
	vm1 =	vmand vm2, vm1  }
0x65: {  	(xrf1) =	vunique.msk.u32 vm1, v2;
	_ =	sdelay $0xd  }
0x66: {  	_, v3, vm2 =	vpop (xrf1)  }
0x67: {  	v30 =	vld.idx.msk [tilespmem:v2+s17+$0x0], $0xffff;
	vm1 =	vmand vm1, vm2;
	_ =	sdelay $0x4  }
0x68: {  	v3 =	vadd.s32 v30, v3  }
0x69: {  	[tilespmem:v2+s17+$0x0] =	vst.idx.msk vm1, v3  }
0x6a: {  	v2 =	vld [tilespmem:$0x10DC0];
	_ =	sdelay $0x2  }
0x6b: {  	v3 =	vld [tilespmem:$0x10BC0]  }
0x6c: {  	v31 =	vld [tilespmem:$0x10CC0]  }
0x6d: {  	v2 =	vtrunc.f32 v2  }
0x6e: {  	v2 =	vcvt.f32.s32 v2;
	_ =	sdelay $0x1  }
0x6f: {  	vm1 =	vgt.s32 v2, $0x0  }
0x70: {  	vm2 =	vgt.f32 v3, $0.0e+00;
	v2 =	vnsel vm1, $0x0, v2;
	vm1 =	vgt.f32 v31, $0.0e+00  }
0x71: {  	v2 =	vmin.u32 v2, $0x13;
	vm1 =	vmand vm2, vm1  }
0x72: {  	(xrf1) =	vunique.msk.u32 vm1, v2;
	_ =	sdelay $0xd  }
0x73: {  	_, v3, vm2 =	vpop (xrf1)  }
0x74: {  	v32 =	vld.idx.msk [tilespmem:v2+s17+$0x0], $0xffff;
	vm1 =	vmand vm1, vm2;
	_ =	sdelay $0x4  }
0x75: {  	v3 =	vadd.s32 v32, v3  }
0x76: {  	[tilespmem:v2+s17+$0x0] =	vst.idx.msk vm1, v3  }
0x77: {  	v2 =	vld [tilespmem:$0x10DD0];
	_ =	sdelay $0x2  }
0x78: {  	v3 =	vld [tilespmem:$0x10BD0]  }
0x79: {  	v33 =	vld [tilespmem:$0x10CD0]  }
0x7a: {  	v2 =	vtrunc.f32 v2  }
0x7b: {  	v2 =	vcvt.f32.s32 v2;
	_ =	sdelay $0x1  }
0x7c: {  	vm1 =	vgt.s32 v2, $0x0  }
0x7d: {  	vm2 =	vgt.f32 v3, $0.0e+00;
	v2 =	vnsel vm1, $0x0, v2;
	vm1 =	vgt.f32 v33, $0.0e+00  }
0x7e: {  	v2 =	vmin.u32 v2, $0x13;
	vm1 =	vmand vm2, vm1  }
0x7f: {  	(xrf1) =	vunique.msk.u32 vm1, v2;
	_ =	sdelay $0xd  }
0x80: {  	_, v3, vm2 =	vpop (xrf1)  }
0x81: {  	v34 =	vld.idx.msk [tilespmem:v2+s17+$0x0], $0xffff;
	vm1 =	vmand vm1, vm2;
	_ =	sdelay $0x4  }
0x82: {  	v3 =	vadd.s32 v34, v3  }
0x83: {  	[tilespmem:v2+s17+$0x0] =	vst.idx.msk vm1, v3  }
0x84: {  	v2 =	vld [tilespmem:$0x10DE0];
	_ =	sdelay $0x2  }
0x85: {  	v3 =	vld [tilespmem:$0x10BE0]  }
0x86: {  	v35 =	vld [tilespmem:$0x10CE0]  }
0x87: {  	v2 =	vtrunc.f32 v2  }
0x88: {  	v2 =	vcvt.f32.s32 v2;
	_ =	sdelay $0x1  }
0x89: {  	vm1 =	vgt.s32 v2, $0x0  }
0x8a: {  	vm2 =	vgt.f32 v3, $0.0e+00;
	v2 =	vnsel vm1, $0x0, v2;
	vm1 =	vgt.f32 v35, $0.0e+00  }
0x8b: {  	v2 =	vmin.u32 v2, $0x13;
	vm1 =	vmand vm2, vm1  }
0x8c: {  	(xrf1) =	vunique.msk.u32 vm1, v2;
	_ =	sdelay $0xd  }
0x8d: {  	_, v3, vm2 =	vpop (xrf1)  }
0x8e: {  	v36 =	vld.idx.msk [tilespmem:v2+s17+$0x0], $0xffff;
	vm1 =	vmand vm1, vm2;
	_ =	sdelay $0x4  }
0x8f: {  	v3 =	vadd.s32 v36, v3  }
0x90: {  	[tilespmem:v2+s17+$0x0] =	vst.idx.msk vm1, v3  }
0x91: {  	v2 =	vld [tilespmem:$0x10DF0];
	_ =	sdelay $0x2  }
0x92: {  	v3 =	vld [tilespmem:$0x10BF0]  }
0x93: {  	v37 =	vld [tilespmem:$0x10CF0]  }
0x94: {  	v2 =	vtrunc.f32 v2  }
0x95: {  	v2 =	vcvt.f32.s32 v2;
	_ =	sdelay $0x1  }
0x96: {  	vm1 =	vgt.s32 v2, $0x0  }
0x97: {  	vm2 =	vgt.f32 v3, $0.0e+00;
	v2 =	vnsel vm1, $0x0, v2;
	vm1 =	vgt.f32 v37, $0.0e+00  }
0x98: {  	v2 =	vmin.u32 v2, $0x13;
	vm1 =	vmand vm2, vm1  }
0x99: {  	(xrf1) =	vunique.msk.u32 vm1, v2;
	_ =	sdelay $0xd  }
0x9a: {  	_, v3, vm2 =	vpop (xrf1)  }
0x9b: {  	v38 =	vld.idx.msk [tilespmem:v2+s17+$0x0], $0xffff;
	vm1 =	vmand vm1, vm2;
	_ =	sdelay $0x4  }
0x9c: {  	v3 =	vadd.s32 v38, v3  }
0x9d: {  	[tilespmem:v2+s17+$0x0] =	vst.idx.msk vm1, v3  }
0x9e: {  	v2 =	vld [tilespmem:$0x10E00];
	_ =	sdelay $0x2  }
0x9f: {  	v3 =	vld [tilespmem:$0x10C00]  }
0xa0: {  	v39 =	vld [tilespmem:$0x10D00]  }
0xa1: {  	v2 =	vtrunc.f32 v2  }
0xa2: {  	v2 =	vcvt.f32.s32 v2;
	_ =	sdelay $0x1  }
0xa3: {  	vm1 =	vgt.s32 v2, $0x0  }
0xa4: {  	vm2 =	vgt.f32 v3, $0.0e+00;
	v2 =	vnsel vm1, $0x0, v2;
	vm1 =	vgt.f32 v39, $0.0e+00  }
0xa5: {  	v2 =	vmin.u32 v2, $0x13;
	vm1 =	vmand vm2, vm1  }
0xa6: {  	(xrf1) =	vunique.msk.u32 vm1, v2;
	_ =	sdelay $0xd  }
0xa7: {  	_, v3, vm2 =	vpop (xrf1)  }
0xa8: {  	v40 =	vld.idx.msk [tilespmem:v2+s17+$0x0], $0xffff;
	vm1 =	vmand vm1, vm2;
	_ =	sdelay $0x4  }
0xa9: {  	v3 =	vadd.s32 v40, v3  }
0xaa: {  	[tilespmem:v2+s17+$0x0] =	vst.idx.msk vm1, v3  }
0xab: {  	v2 =	vld [tilespmem:$0x10E10];
	_ =	sdelay $0x2  }
0xac: {  	v3 =	vld [tilespmem:$0x10C10]  }
0xad: {  	v41 =	vld [tilespmem:$0x10D10]  }
0xae: {  	v2 =	vtrunc.f32 v2  }
0xaf: {  	v2 =	vcvt.f32.s32 v2;
	_ =	sdelay $0x1  }
0xb0: {  	vm1 =	vgt.s32 v2, $0x0  }
0xb1: {  	vm2 =	vgt.f32 v3, $0.0e+00;
	v2 =	vnsel vm1, $0x0, v2;
	vm1 =	vgt.f32 v41, $0.0e+00  }
0xb2: {  	v2 =	vmin.u32 v2, $0x13;
	vm1 =	vmand vm2, vm1  }
0xb3: {  	(xrf1) =	vunique.msk.u32 vm1, v2;
	_ =	sdelay $0xd  }
0xb4: {  	_, v3, vm2 =	vpop (xrf1)  }
0xb5: {  	v42 =	vld.idx.msk [tilespmem:v2+s17+$0x0], $0xffff;
	vm1 =	vmand vm1, vm2;
	_ =	sdelay $0x4  }
0xb6: {  	v3 =	vadd.s32 v42, v3  }
0xb7: {  	[tilespmem:v2+s17+$0x0] =	vst.idx.msk vm1, v3  }
0xb8: {  	v2 =	vld [tilespmem:$0x10E20];
	_ =	sdelay $0x2  }
0xb9: {  	v3 =	vld [tilespmem:$0x10C20]  }
0xba: {  	v43 =	vld [tilespmem:$0x10D20]  }
0xbb: {  	v2 =	vtrunc.f32 v2  }
0xbc: {  	v2 =	vcvt.f32.s32 v2;
	_ =	sdelay $0x1  }
0xbd: {  	vm1 =	vgt.s32 v2, $0x0  }
0xbe: {  	vm2 =	vgt.f32 v3, $0.0e+00;
	v2 =	vnsel vm1, $0x0, v2;
	vm1 =	vgt.f32 v43, $0.0e+00  }
0xbf: {  	v2 =	vmin.u32 v2, $0x13;
	vm1 =	vmand vm2, vm1  }
0xc0: {  	(xrf1) =	vunique.msk.u32 vm1, v2;
	_ =	sdelay $0xd  }
0xc1: {  	_, v3, vm2 =	vpop (xrf1)  }
0xc2: {  	v44 =	vld.idx.msk [tilespmem:v2+s17+$0x0], $0xffff;
	vm1 =	vmand vm1, vm2;
	_ =	sdelay $0x4  }
0xc3: {  	v3 =	vadd.s32 v44, v3  }
0xc4: {  	[tilespmem:v2+s17+$0x0] =	vst.idx.msk vm1, v3  }
0xc5: {  	v2 =	vld [tilespmem:$0x10E30];
	_ =	sdelay $0x2  }
0xc6: {  	v3 =	vld [tilespmem:$0x10C30]  }
0xc7: {  	v45 =	vld [tilespmem:$0x10D30]  }
0xc8: {  	v2 =	vtrunc.f32 v2  }
0xc9: {  	v2 =	vcvt.f32.s32 v2;
	_ =	sdelay $0x1  }
0xca: {  	vm1 =	vgt.s32 v2, $0x0  }
0xcb: {  	vm2 =	vgt.f32 v3, $0.0e+00;
	v2 =	vnsel vm1, $0x0, v2;
	vm1 =	vgt.f32 v45, $0.0e+00  }
0xcc: {  	v2 =	vmin.u32 v2, $0x13;
	vm1 =	vmand vm2, vm1  }
0xcd: {  	(xrf1) =	vunique.msk.u32 vm1, v2;
	_ =	sdelay $0xd  }
0xce: {  	_, v3, vm2 =	vpop (xrf1)  }
0xcf: {  	v46 =	vld.idx.msk [tilespmem:v2+s17+$0x0], $0xffff;
	vm1 =	vmand vm1, vm2;
	_ =	sdelay $0x4  }
0xd0: {  	v3 =	vadd.s32 v46, v3  }
0xd1: {  	[tilespmem:v2+s17+$0x0] =	vst.idx.msk vm1, v3  }
0xd2: {  	v2 =	vld [tilespmem:$0x10E40];
	_ =	sdelay $0x1  }
0xd3: {  	v3 =	vld [tilespmem:$0x10C40]  }
0xd4: {  	v47 =	vld [tilespmem:$0x10D40];
	_ =	sdelay $0x1  }
0xd5: {  	v2 =	vtrunc.f32 v2  }
0xd6: {  	v2 =	vcvt.f32.s32 v2;
	_ =	sdelay $0x1  }
0xd7: {  	vm2 =	vgt.f32 v47, $0.0e+00;
	vm3 =	vgt.f32 v3, $0.0e+00;
	vm1 =	vgt.s32 v2, $0x0  }
0xd8: {  	v2 =	vnsel vm1, $0x0, v2;
	vm1 =	vmand vm3, vm2  }
0xd9: {  	v2 =	vmin.u32 v2, $0x13;
	vm1 =	vmand vm1, vm0  }
0xda: {  	(xrf1) =	vunique.msk.u32 vm1, v2;
	_ =	sdelay $0xd  }
0xdb: {  	_, v3, vm2 =	vpop (xrf1)  }
0xdc: {  	v48 =	vld.idx.msk [tilespmem:v2+s17+$0x0], $0xffff;
	vm1 =	vmand vm1, vm2;
	_ =	sdelay $0x4  }
0xdd: {  	v3 =	vadd.s32 v48, v3  }
0xde: {  	[tilespmem:v2+s17+$0x0] =	vst.idx.msk vm1, v3  }
0xdf: {  	v2 =	vld [tilespmem:$0x10D80];
	_ =	sdelay $0x1  }
0xe0: {  	v3 =	vld [tilespmem:$0x11080]  }
0xe1: {  	v49 =	vld [tilespmem:$0x10B80]  }
0xe2: {  	v5 =	vld [tilespmem:$0x10C80]  }
0xe3: {  	v2 =	vtrunc.f32 v2  }
0xe4: {  	v2 =	vcvt.f32.s32 v2  }
0xe5: {  	v6 =	vld [tilespmem:$0x11090]  }
0xe6: {  	vm1 =	vgt.s32 v2, $0x0  }
0xe7: {  	(xrf0) =	vadd.scan.msk.s32 $0xffff, v3;
	vm2 =	vgt.f32 v49, $0.0e+00;
	v2 =	vnsel vm1, $0x0, v2;
	vm1 =	vgt.f32 v5, $0.0e+00  }
0xe8: {  	v2 =	vmin.u32 v2, $0x13;
	vm1 =	vmand vm2, vm1  }
0xe9: {  	(xrf1) =	vunique.msk.u32 vm1, v2  }
0xea: {  	(xrf0) =	vadd.scan.msk.s32 $0xffff, v6;
	_ =	sdelay $0x2  }
0xeb: {  	v7, _, _ =	vpop (xrf0)  }
0xec: {  	v8 =	vbroadcast v7, $0xF;
	_ =	sdelay $0x1  }
0xed: {  	v3 =	vsub.s32 v7, v3;
	v50, _, _ =	vpop (xrf0);
	v6 =	vsub.s32 v8, v6  }
0xee: {  	[tilespmem:$0x11180] =	vst v3;
	v6 =	vadd.s32 v50, v6  }
0xef: {  	[tilespmem:$0x11190] =	vst v6  }
0xf0: {  	v3 =	vld.idx.msk [tilespmem:v2+s18+$0x0], $0xffff  }
0xf1: {  	v6 =	vld.idx.msk [tilespmem:v2+s19+$0x0], $0xffff;
	_ =	sdelay $0x2  }
0xf2: {  	_, v51, vm2 =	vpop (xrf1)  }
0xf3: {  	v3 =	vadd.s32 v3, v51  }
0xf4: {  	v6 =	vadd.s32 v6, v3  }
0xf5: {  	v4 =	vmul.f32 $1.600000000e+04, v49;
	v6 =	vadd.s32 $0xFFFFFFFF, v6  }
0xf6: {  	vm2 =	vmand vm1, vm2  }
0xf7: {  	v4 =	vtrunc.f32 v4  }
0xf8: {  	v4 =	vcvt.f32.s32 v4;
	_ =	sdelay $0x1  }
0xf9: {  	[tilespmem:v6+s20+$0x0] =	vst.idx.msk vm1, v4  }
0xfa: {  	[tilespmem:v6+s21+$0x0] =	vst.idx.msk vm1, v5  }
0xfb: {  	[tilespmem:v2+s18+$0x0] =	vst.idx.msk vm2, v3  }
0xfc: {  	v2 =	vld [tilespmem:$0x10D90];
	_ =	sdelay $0x2  }
0xfd: {  	v3 =	vld [tilespmem:$0x10B90]  }
0xfe: {  	v4 =	vld [tilespmem:$0x10C90]  }
0xff: {  	v2 =	vtrunc.f32 v2  }
0x100: {  	v2 =	vcvt.f32.s32 v2;
	_ =	sdelay $0x1  }
0x101: {  	vm1 =	vgt.s32 v2, $0x0  }
0x102: {  	vm2 =	vgt.f32 v3, $0.0e+00;
	v2 =	vnsel vm1, $0x0, v2;
	vm1 =	vgt.f32 v4, $0.0e+00  }
0x103: {  	v2 =	vmin.u32 v2, $0x13;
	vm1 =	vmand vm2, vm1  }
0x104: {  	(xrf1) =	vunique.msk.u32 vm1, v2;
	_ =	sdelay $0x9  }
0x105: {  	v5 =	vld.idx.msk [tilespmem:v2+s18+$0x0], $0xffff  }
0x106: {  	v6 =	vld.idx.msk [tilespmem:v2+s19+$0x0], $0xffff;
	_ =	sdelay $0x2  }
0x107: {  	_, v52, vm2 =	vpop (xrf1)  }
0x108: {  	v5 =	vadd.s32 v5, v52  }
0x109: {  	v6 =	vadd.s32 v6, v5  }
0x10a: {  	v3 =	vmul.f32 $1.600000000e+04, v3;
	v6 =	vadd.s32 $0xFFFFFFFF, v6  }
0x10b: {  	vm2 =	vmand vm1, vm2  }
0x10c: {  	v3 =	vtrunc.f32 v3  }
0x10d: {  	v3 =	vcvt.f32.s32 v3;
	_ =	sdelay $0x1  }
0x10e: {  	[tilespmem:v6+s20+$0x0] =	vst.idx.msk vm1, v3  }
0x10f: {  	[tilespmem:v6+s21+$0x0] =	vst.idx.msk vm1, v4  }
0x110: {  	[tilespmem:v2+s18+$0x0] =	vst.idx.msk vm2, v5  }
0x111: {  	v2 =	vld [tilespmem:$0x10DA0];
	_ =	sdelay $0x2  }
0x112: {  	v3 =	vld [tilespmem:$0x10BA0]  }
0x113: {  	v4 =	vld [tilespmem:$0x10CA0]  }
0x114: {  	v2 =	vtrunc.f32 v2  }
0x115: {  	v2 =	vcvt.f32.s32 v2;
	_ =	sdelay $0x1  }
0x116: {  	vm1 =	vgt.s32 v2, $0x0  }
0x117: {  	vm2 =	vgt.f32 v3, $0.0e+00;
	v2 =	vnsel vm1, $0x0, v2;
	vm1 =	vgt.f32 v4, $0.0e+00  }
0x118: {  	v2 =	vmin.u32 v2, $0x13;
	vm1 =	vmand vm2, vm1  }
0x119: {  	(xrf1) =	vunique.msk.u32 vm1, v2;
	_ =	sdelay $0x9  }
0x11a: {  	v5 =	vld.idx.msk [tilespmem:v2+s18+$0x0], $0xffff  }
0x11b: {  	v6 =	vld.idx.msk [tilespmem:v2+s19+$0x0], $0xffff;
	_ =	sdelay $0x2  }
0x11c: {  	_, v53, vm2 =	vpop (xrf1)  }
0x11d: {  	v5 =	vadd.s32 v5, v53  }
0x11e: {  	v6 =	vadd.s32 v6, v5  }
0x11f: {  	v3 =	vmul.f32 $1.600000000e+04, v3;
	v6 =	vadd.s32 $0xFFFFFFFF, v6  }
0x120: {  	vm2 =	vmand vm1, vm2  }
0x121: {  	v3 =	vtrunc.f32 v3  }
0x122: {  	v3 =	vcvt.f32.s32 v3;
	_ =	sdelay $0x1  }
0x123: {  	[tilespmem:v6+s20+$0x0] =	vst.idx.msk vm1, v3  }
0x124: {  	[tilespmem:v6+s21+$0x0] =	vst.idx.msk vm1, v4  }
0x125: {  	[tilespmem:v2+s18+$0x0] =	vst.idx.msk vm2, v5  }
0x126: {  	v2 =	vld [tilespmem:$0x10DB0];
	_ =	sdelay $0x2  }
0x127: {  	v3 =	vld [tilespmem:$0x10BB0]  }
0x128: {  	v4 =	vld [tilespmem:$0x10CB0]  }
0x129: {  	v2 =	vtrunc.f32 v2  }
0x12a: {  	v2 =	vcvt.f32.s32 v2;
	_ =	sdelay $0x1  }
0x12b: {  	vm1 =	vgt.s32 v2, $0x0  }
0x12c: {  	vm2 =	vgt.f32 v3, $0.0e+00;
	v2 =	vnsel vm1, $0x0, v2;
	vm1 =	vgt.f32 v4, $0.0e+00  }
0x12d: {  	v2 =	vmin.u32 v2, $0x13;
	vm1 =	vmand vm2, vm1  }
0x12e: {  	(xrf1) =	vunique.msk.u32 vm1, v2;
	_ =	sdelay $0x9  }
0x12f: {  	v5 =	vld.idx.msk [tilespmem:v2+s18+$0x0], $0xffff  }
0x130: {  	v6 =	vld.idx.msk [tilespmem:v2+s19+$0x0], $0xffff;
	_ =	sdelay $0x2  }
0x131: {  	_, v54, vm2 =	vpop (xrf1)  }
0x132: {  	v5 =	vadd.s32 v5, v54  }
0x133: {  	v6 =	vadd.s32 v6, v5  }
0x134: {  	v3 =	vmul.f32 $1.600000000e+04, v3;
	v6 =	vadd.s32 $0xFFFFFFFF, v6  }
0x135: {  	vm2 =	vmand vm1, vm2  }
0x136: {  	v3 =	vtrunc.f32 v3  }
0x137: {  	v3 =	vcvt.f32.s32 v3;
	_ =	sdelay $0x1  }
0x138: {  	[tilespmem:v6+s20+$0x0] =	vst.idx.msk vm1, v3  }
0x139: {  	[tilespmem:v6+s21+$0x0] =	vst.idx.msk vm1, v4  }
0x13a: {  	[tilespmem:v2+s18+$0x0] =	vst.idx.msk vm2, v5  }
0x13b: {  	v2 =	vld [tilespmem:$0x10DC0];
	_ =	sdelay $0x2  }
0x13c: {  	v3 =	vld [tilespmem:$0x10BC0]  }
0x13d: {  	v4 =	vld [tilespmem:$0x10CC0]  }
0x13e: {  	v2 =	vtrunc.f32 v2  }
0x13f: {  	v2 =	vcvt.f32.s32 v2;
	_ =	sdelay $0x1  }
0x140: {  	vm1 =	vgt.s32 v2, $0x0  }
0x141: {  	vm2 =	vgt.f32 v3, $0.0e+00;
	v2 =	vnsel vm1, $0x0, v2;
	vm1 =	vgt.f32 v4, $0.0e+00  }
0x142: {  	v2 =	vmin.u32 v2, $0x13;
	vm1 =	vmand vm2, vm1  }
0x143: {  	(xrf1) =	vunique.msk.u32 vm1, v2;
	_ =	sdelay $0x9  }
0x144: {  	v5 =	vld.idx.msk [tilespmem:v2+s18+$0x0], $0xffff  }
0x145: {  	v6 =	vld.idx.msk [tilespmem:v2+s19+$0x0], $0xffff;
	_ =	sdelay $0x2  }
0x146: {  	_, v55, vm2 =	vpop (xrf1)  }
0x147: {  	v5 =	vadd.s32 v5, v55  }
0x148: {  	v6 =	vadd.s32 v6, v5  }
0x149: {  	v3 =	vmul.f32 $1.600000000e+04, v3;
	v6 =	vadd.s32 $0xFFFFFFFF, v6  }
0x14a: {  	vm2 =	vmand vm1, vm2  }
0x14b: {  	v3 =	vtrunc.f32 v3  }
0x14c: {  	v3 =	vcvt.f32.s32 v3;
	_ =	sdelay $0x1  }
0x14d: {  	[tilespmem:v6+s20+$0x0] =	vst.idx.msk vm1, v3  }
0x14e: {  	[tilespmem:v6+s21+$0x0] =	vst.idx.msk vm1, v4  }
0x14f: {  	[tilespmem:v2+s18+$0x0] =	vst.idx.msk vm2, v5  }
0x150: {  	v2 =	vld [tilespmem:$0x10DD0];
	_ =	sdelay $0x2  }
0x151: {  	v3 =	vld [tilespmem:$0x10BD0]  }
0x152: {  	v4 =	vld [tilespmem:$0x10CD0]  }
0x153: {  	v2 =	vtrunc.f32 v2  }
0x154: {  	v2 =	vcvt.f32.s32 v2;
	_ =	sdelay $0x1  }
0x155: {  	vm1 =	vgt.s32 v2, $0x0  }
0x156: {  	vm2 =	vgt.f32 v3, $0.0e+00;
	v2 =	vnsel vm1, $0x0, v2;
	vm1 =	vgt.f32 v4, $0.0e+00  }
0x157: {  	v2 =	vmin.u32 v2, $0x13;
	vm1 =	vmand vm2, vm1  }
0x158: {  	(xrf1) =	vunique.msk.u32 vm1, v2;
	_ =	sdelay $0x9  }
0x159: {  	v5 =	vld.idx.msk [tilespmem:v2+s18+$0x0], $0xffff  }
0x15a: {  	v6 =	vld.idx.msk [tilespmem:v2+s19+$0x0], $0xffff;
	_ =	sdelay $0x2  }
0x15b: {  	_, v56, vm2 =	vpop (xrf1)  }
0x15c: {  	v5 =	vadd.s32 v5, v56  }
0x15d: {  	v6 =	vadd.s32 v6, v5  }
0x15e: {  	v3 =	vmul.f32 $1.600000000e+04, v3;
	v6 =	vadd.s32 $0xFFFFFFFF, v6  }
0x15f: {  	vm2 =	vmand vm1, vm2  }
0x160: {  	v3 =	vtrunc.f32 v3  }
0x161: {  	v3 =	vcvt.f32.s32 v3;
	_ =	sdelay $0x1  }
0x162: {  	[tilespmem:v6+s20+$0x0] =	vst.idx.msk vm1, v3  }
0x163: {  	[tilespmem:v6+s21+$0x0] =	vst.idx.msk vm1, v4  }
0x164: {  	[tilespmem:v2+s18+$0x0] =	vst.idx.msk vm2, v5  }
0x165: {  	v2 =	vld [tilespmem:$0x10DE0];
	_ =	sdelay $0x2  }
0x166: {  	v3 =	vld [tilespmem:$0x10BE0]  }
0x167: {  	v4 =	vld [tilespmem:$0x10CE0]  }
0x168: {  	v2 =	vtrunc.f32 v2  }
0x169: {  	v2 =	vcvt.f32.s32 v2;
	_ =	sdelay $0x1  }
0x16a: {  	vm1 =	vgt.s32 v2, $0x0  }
0x16b: {  	vm2 =	vgt.f32 v3, $0.0e+00;
	v2 =	vnsel vm1, $0x0, v2;
	vm1 =	vgt.f32 v4, $0.0e+00  }
0x16c: {  	v2 =	vmin.u32 v2, $0x13;
	vm1 =	vmand vm2, vm1  }
0x16d: {  	(xrf1) =	vunique.msk.u32 vm1, v2;
	_ =	sdelay $0x9  }
0x16e: {  	v5 =	vld.idx.msk [tilespmem:v2+s18+$0x0], $0xffff  }
0x16f: {  	v6 =	vld.idx.msk [tilespmem:v2+s19+$0x0], $0xffff;
	_ =	sdelay $0x2  }
0x170: {  	_, v57, vm2 =	vpop (xrf1)  }
0x171: {  	v5 =	vadd.s32 v5, v57  }
0x172: {  	v6 =	vadd.s32 v6, v5  }
0x173: {  	v3 =	vmul.f32 $1.600000000e+04, v3;
	v6 =	vadd.s32 $0xFFFFFFFF, v6  }
0x174: {  	vm2 =	vmand vm1, vm2  }
0x175: {  	v3 =	vtrunc.f32 v3  }
0x176: {  	v3 =	vcvt.f32.s32 v3;
	_ =	sdelay $0x1  }
0x177: {  	[tilespmem:v6+s20+$0x0] =	vst.idx.msk vm1, v3  }
0x178: {  	[tilespmem:v6+s21+$0x0] =	vst.idx.msk vm1, v4  }
0x179: {  	[tilespmem:v2+s18+$0x0] =	vst.idx.msk vm2, v5  }
0x17a: {  	v2 =	vld [tilespmem:$0x10DF0];
	_ =	sdelay $0x2  }
0x17b: {  	v3 =	vld [tilespmem:$0x10BF0]  }
0x17c: {  	v4 =	vld [tilespmem:$0x10CF0]  }
0x17d: {  	v2 =	vtrunc.f32 v2  }
0x17e: {  	v2 =	vcvt.f32.s32 v2;
	_ =	sdelay $0x1  }
0x17f: {  	vm1 =	vgt.s32 v2, $0x0  }
0x180: {  	vm2 =	vgt.f32 v3, $0.0e+00;
	v2 =	vnsel vm1, $0x0, v2;
	vm1 =	vgt.f32 v4, $0.0e+00  }
0x181: {  	v2 =	vmin.u32 v2, $0x13;
	vm1 =	vmand vm2, vm1  }
0x182: {  	(xrf1) =	vunique.msk.u32 vm1, v2;
	_ =	sdelay $0x9  }
0x183: {  	v5 =	vld.idx.msk [tilespmem:v2+s18+$0x0], $0xffff  }
0x184: {  	v6 =	vld.idx.msk [tilespmem:v2+s19+$0x0], $0xffff;
	_ =	sdelay $0x2  }
0x185: {  	_, v58, vm2 =	vpop (xrf1)  }
0x186: {  	v5 =	vadd.s32 v5, v58  }
0x187: {  	v6 =	vadd.s32 v6, v5  }
0x188: {  	v3 =	vmul.f32 $1.600000000e+04, v3;
	v6 =	vadd.s32 $0xFFFFFFFF, v6  }
0x189: {  	vm2 =	vmand vm1, vm2  }
0x18a: {  	v3 =	vtrunc.f32 v3  }
0x18b: {  	v3 =	vcvt.f32.s32 v3;
	_ =	sdelay $0x1  }
0x18c: {  	[tilespmem:v6+s20+$0x0] =	vst.idx.msk vm1, v3  }
0x18d: {  	[tilespmem:v6+s21+$0x0] =	vst.idx.msk vm1, v4  }
0x18e: {  	[tilespmem:v2+s18+$0x0] =	vst.idx.msk vm2, v5  }
0x18f: {  	v2 =	vld [tilespmem:$0x10E00];
	_ =	sdelay $0x2  }
0x190: {  	v3 =	vld [tilespmem:$0x10C00]  }
0x191: {  	v4 =	vld [tilespmem:$0x10D00]  }
0x192: {  	v2 =	vtrunc.f32 v2  }
0x193: {  	v2 =	vcvt.f32.s32 v2;
	_ =	sdelay $0x1  }
0x194: {  	vm1 =	vgt.s32 v2, $0x0  }
0x195: {  	vm2 =	vgt.f32 v3, $0.0e+00;
	v2 =	vnsel vm1, $0x0, v2;
	vm1 =	vgt.f32 v4, $0.0e+00  }
0x196: {  	v2 =	vmin.u32 v2, $0x13;
	vm1 =	vmand vm2, vm1  }
0x197: {  	(xrf1) =	vunique.msk.u32 vm1, v2;
	_ =	sdelay $0x9  }
0x198: {  	v5 =	vld.idx.msk [tilespmem:v2+s18+$0x0], $0xffff  }
0x199: {  	v6 =	vld.idx.msk [tilespmem:v2+s19+$0x0], $0xffff;
	_ =	sdelay $0x2  }
0x19a: {  	_, v59, vm2 =	vpop (xrf1)  }
0x19b: {  	v5 =	vadd.s32 v5, v59  }
0x19c: {  	v6 =	vadd.s32 v6, v5  }
0x19d: {  	v3 =	vmul.f32 $1.600000000e+04, v3;
	v6 =	vadd.s32 $0xFFFFFFFF, v6  }
0x19e: {  	vm2 =	vmand vm1, vm2  }
0x19f: {  	v3 =	vtrunc.f32 v3  }
0x1a0: {  	v3 =	vcvt.f32.s32 v3;
	_ =	sdelay $0x1  }
0x1a1: {  	[tilespmem:v6+s20+$0x0] =	vst.idx.msk vm1, v3  }
0x1a2: {  	[tilespmem:v6+s21+$0x0] =	vst.idx.msk vm1, v4  }
0x1a3: {  	[tilespmem:v2+s18+$0x0] =	vst.idx.msk vm2, v5  }
0x1a4: {  	v2 =	vld [tilespmem:$0x10E10];
	_ =	sdelay $0x2  }
0x1a5: {  	v3 =	vld [tilespmem:$0x10C10]  }
0x1a6: {  	v4 =	vld [tilespmem:$0x10D10]  }
0x1a7: {  	v2 =	vtrunc.f32 v2  }
0x1a8: {  	v2 =	vcvt.f32.s32 v2;
	_ =	sdelay $0x1  }
0x1a9: {  	vm1 =	vgt.s32 v2, $0x0  }
0x1aa: {  	vm2 =	vgt.f32 v3, $0.0e+00;
	v2 =	vnsel vm1, $0x0, v2;
	vm1 =	vgt.f32 v4, $0.0e+00  }
0x1ab: {  	v2 =	vmin.u32 v2, $0x13;
	vm1 =	vmand vm2, vm1  }
0x1ac: {  	(xrf1) =	vunique.msk.u32 vm1, v2;
	_ =	sdelay $0x9  }
0x1ad: {  	v5 =	vld.idx.msk [tilespmem:v2+s18+$0x0], $0xffff  }
0x1ae: {  	v6 =	vld.idx.msk [tilespmem:v2+s19+$0x0], $0xffff;
	_ =	sdelay $0x2  }
0x1af: {  	_, v60, vm2 =	vpop (xrf1)  }
0x1b0: {  	v5 =	vadd.s32 v5, v60  }
0x1b1: {  	v6 =	vadd.s32 v6, v5  }
0x1b2: {  	v3 =	vmul.f32 $1.600000000e+04, v3;
	v6 =	vadd.s32 $0xFFFFFFFF, v6  }
0x1b3: {  	vm2 =	vmand vm1, vm2  }
0x1b4: {  	v3 =	vtrunc.f32 v3  }
0x1b5: {  	v3 =	vcvt.f32.s32 v3;
	_ =	sdelay $0x1  }
0x1b6: {  	[tilespmem:v6+s20+$0x0] =	vst.idx.msk vm1, v3  }
0x1b7: {  	[tilespmem:v6+s21+$0x0] =	vst.idx.msk vm1, v4  }
0x1b8: {  	[tilespmem:v2+s18+$0x0] =	vst.idx.msk vm2, v5  }
0x1b9: {  	v2 =	vld [tilespmem:$0x10E20];
	_ =	sdelay $0x2  }
0x1ba: {  	v3 =	vld [tilespmem:$0x10C20]  }
0x1bb: {  	v4 =	vld [tilespmem:$0x10D20]  }
0x1bc: {  	v2 =	vtrunc.f32 v2  }
0x1bd: {  	v2 =	vcvt.f32.s32 v2;
	_ =	sdelay $0x1  }
0x1be: {  	vm1 =	vgt.s32 v2, $0x0  }
0x1bf: {  	vm2 =	vgt.f32 v3, $0.0e+00;
	v2 =	vnsel vm1, $0x0, v2;
	vm1 =	vgt.f32 v4, $0.0e+00  }
0x1c0: {  	v2 =	vmin.u32 v2, $0x13;
	vm1 =	vmand vm2, vm1  }
0x1c1: {  	(xrf1) =	vunique.msk.u32 vm1, v2;
	_ =	sdelay $0x9  }
0x1c2: {  	v5 =	vld.idx.msk [tilespmem:v2+s18+$0x0], $0xffff  }
0x1c3: {  	v6 =	vld.idx.msk [tilespmem:v2+s19+$0x0], $0xffff;
	_ =	sdelay $0x2  }
0x1c4: {  	_, v61, vm2 =	vpop (xrf1)  }
0x1c5: {  	v5 =	vadd.s32 v5, v61  }
0x1c6: {  	v6 =	vadd.s32 v6, v5  }
0x1c7: {  	v3 =	vmul.f32 $1.600000000e+04, v3;
	v6 =	vadd.s32 $0xFFFFFFFF, v6  }
0x1c8: {  	vm2 =	vmand vm1, vm2  }
0x1c9: {  	v3 =	vtrunc.f32 v3  }
0x1ca: {  	v3 =	vcvt.f32.s32 v3;
	_ =	sdelay $0x1  }
0x1cb: {  	[tilespmem:v6+s20+$0x0] =	vst.idx.msk vm1, v3  }
0x1cc: {  	[tilespmem:v6+s21+$0x0] =	vst.idx.msk vm1, v4  }
0x1cd: {  	[tilespmem:v2+s18+$0x0] =	vst.idx.msk vm2, v5  }
0x1ce: {  	v2 =	vld [tilespmem:$0x10E30];
	_ =	sdelay $0x2  }
0x1cf: {  	v3 =	vld [tilespmem:$0x10C30]  }
0x1d0: {  	v4 =	vld [tilespmem:$0x10D30]  }
0x1d1: {  	v2 =	vtrunc.f32 v2  }
0x1d2: {  	v2 =	vcvt.f32.s32 v2;
	_ =	sdelay $0x1  }
0x1d3: {  	vm1 =	vgt.s32 v2, $0x0  }
0x1d4: {  	vm2 =	vgt.f32 v3, $0.0e+00;
	v2 =	vnsel vm1, $0x0, v2;
	vm1 =	vgt.f32 v4, $0.0e+00  }
0x1d5: {  	v2 =	vmin.u32 v2, $0x13;
	vm1 =	vmand vm2, vm1  }
0x1d6: {  	(xrf1) =	vunique.msk.u32 vm1, v2;
	_ =	sdelay $0x9  }
0x1d7: {  	v5 =	vld.idx.msk [tilespmem:v2+s18+$0x0], $0xffff  }
0x1d8: {  	v6 =	vld.idx.msk [tilespmem:v2+s19+$0x0], $0xffff;
	_ =	sdelay $0x2  }
0x1d9: {  	_, v62, vm2 =	vpop (xrf1)  }
0x1da: {  	v5 =	vadd.s32 v5, v62  }
0x1db: {  	v6 =	vadd.s32 v6, v5  }
0x1dc: {  	v3 =	vmul.f32 $1.600000000e+04, v3;
	v6 =	vadd.s32 $0xFFFFFFFF, v6  }
0x1dd: {  	vm2 =	vmand vm1, vm2  }
0x1de: {  	v3 =	vtrunc.f32 v3  }
0x1df: {  	v3 =	vcvt.f32.s32 v3;
	_ =	sdelay $0x1  }
0x1e0: {  	[tilespmem:v6+s20+$0x0] =	vst.idx.msk vm1, v3  }
0x1e1: {  	[tilespmem:v6+s21+$0x0] =	vst.idx.msk vm1, v4  }
0x1e2: {  	[tilespmem:v2+s18+$0x0] =	vst.idx.msk vm2, v5  }
0x1e3: {  	v2 =	vld [tilespmem:$0x10E40];
	_ =	sdelay $0x1  }
0x1e4: {  	v3 =	vld [tilespmem:$0x10C40]  }
0x1e5: {  	v4 =	vld [tilespmem:$0x10D40];
	_ =	sdelay $0x1  }
0x1e6: {  	v2 =	vtrunc.f32 v2  }
0x1e7: {  	v2 =	vcvt.f32.s32 v2;
	_ =	sdelay $0x1  }
0x1e8: {  	vm2 =	vgt.f32 v4, $0.0e+00;
	vm3 =	vgt.f32 v3, $0.0e+00;
	vm1 =	vgt.s32 v2, $0x0  }
0x1e9: {  	v2 =	vnsel vm1, $0x0, v2;
	vm1 =	vmand vm3, vm2  }
0x1ea: {  	v2 =	vmin.u32 v2, $0x13;
	vm1 =	vmand vm1, vm0  }
0x1eb: {  	(xrf1) =	vunique.msk.u32 vm1, v2;
	_ =	sdelay $0x9  }
0x1ec: {  	v5 =	vld.idx.msk [tilespmem:v2+s18+$0x0], $0xffff  }
0x1ed: {  	v6 =	vld.idx.msk [tilespmem:v2+s19+$0x0], $0xffff;
	_ =	sdelay $0x2  }
0x1ee: {  	_, v63, vm2 =	vpop (xrf1)  }
0x1ef: {  	v5 =	vadd.s32 v5, v63  }
0x1f0: {  	v6 =	vadd.s32 v6, v5  }
0x1f1: {  	v3 =	vmul.f32 $1.600000000e+04, v3;
	v6 =	vadd.s32 $0xFFFFFFFF, v6  }
0x1f2: {  	vm2 =	vmand vm1, vm2  }
0x1f3: {  	v3 =	vtrunc.f32 v3  }
.Ltmp1:
0x1f4: {  	v3 =	vcvt.f32.s32 v3;
	(pc) =	sbr.rel .LBB2_4-.Ltmp1, $4  }
0x1f5: {  	_ = 	snop  }
0x1f6: {  	[tilespmem:v6+s20+$0x0] =	vst.idx.msk vm1, v3  }
0x1f7: {  	[tilespmem:v6+s21+$0x0] =	vst.idx.msk vm1, v4  }
0x1f8: {  	[tilespmem:v2+s18+$0x0] =	vst.idx.msk vm2, v5  }
.LBB2_12:
0x1f9: {  	[tilespmem:s2+$0x53B0] =	vst.add.f32.msk $0xffff, v37  }
0x1fa: {  	v26 =	vmul.f32 s0, v26;
	[tilespmem:s2+$0x53A0] =	vst.add.f32.msk $0xffff, v36  }
0x1fb: {  	v25 =	vmul.f32 s0, v25;
	[tilespmem:s2+$0x5390] =	vst.add.f32.msk $0xffff, v34  }
0x1fc: {  	v24 =	vmul.f32 s0, v24;
	[tilespmem:s2+$0x5380] =	vst.add.f32.msk $0xffff, v26  }
0x1fd: {  	v23 =	vmul.f32 s0, v23;
	[tilespmem:s2+$0x5370] =	vst.add.f32.msk $0xffff, v25  }
0x1fe: {  	v22 =	vmul.f32 s0, v22;
	[tilespmem:s2+$0x5360] =	vst.add.f32.msk $0xffff, v24  }
0x1ff: {  	v21 =	vmul.f32 s0, v21;
	[tilespmem:s2+$0x5350] =	vst.add.f32.msk $0xffff, v23  }
0x200: {  	v20 =	vmul.f32 s0, v20;
	[tilespmem:s2+$0x5340] =	vst.add.f32.msk $0xffff, v22  }
0x201: {  	v19 =	vmul.f32 s0, v19;
	[tilespmem:s2+$0x5330] =	vst.add.f32.msk $0xffff, v21  }
0x202: {  	v18 =	vmul.f32 s0, v18;
	[tilespmem:s2+$0x5320] =	vst.add.f32.msk $0xffff, v20  }
0x203: {  	v17 =	vmul.f32 s0, v17;
	[tilespmem:s2+$0x5310] =	vst.add.f32.msk $0xffff, v19  }
0x204: {  	v16 =	vmul.f32 s0, v16;
	[tilespmem:s2+$0x5300] =	vst.add.f32.msk $0xffff, v18  }
0x205: {  	(v2sf) =	vpush v35, $0x0;
	v15 =	vmul.f32 s0, v15;
	[tilespmem:s2+$0x52F0] =	vst.add.f32.msk $0xffff, v17  }
0x206: {  	v14 =	vmul.f32 s0, v14;
	[tilespmem:s2+$0x52E0] =	vst.add.f32.msk $0xffff, v16  }
0x207: {  	v13 =	vmul.f32 s0, v13;
	[tilespmem:s28+$0x52D0] =	vst.add.f32.msk $0xffff, v15  }
0x208: {  	v12 =	vmul.f32 s1, v12;
	[tilespmem:s28+$0x52C0] =	vst.add.f32.msk $0xffff, v14  }
0x209: {  	v11 =	vmul.f32 s1, v11;
	[tilespmem:s28+$0x52B0] =	vst.add.f32.msk $0xffff, v13  }
0x20a: {  	v10 =	vmul.f32 s1, v10;
	[tilespmem:s28+$0x52A0] =	vst.add.f32.msk $0xffff, v12  }
0x20b: {  	v9 =	vmul.f32 s1, v9;
	[tilespmem:s28+$0x5290] =	vst.add.f32.msk $0xffff, v11  }
0x20c: {  	v8 =	vmul.f32 s1, v8;
	[tilespmem:s28+$0x5280] =	vst.add.f32.msk $0xffff, v10  }
0x20d: {  	v7 =	vmul.f32 s1, v7;
	[tilespmem:s28+$0x5270] =	vst.add.f32.msk $0xffff, v9  }
0x20e: {  	v6 =	vmul.f32 s1, v6;
	[tilespmem:s28+$0x5260] =	vst.add.f32.msk $0xffff, v8  }
0x20f: {  	v5 =	vmul.f32 s1, v5;
	[tilespmem:s28+$0x5250] =	vst.add.f32.msk $0xffff, v7  }
0x210: {  	v4 =	vmul.f32 s1, v4;
	[tilespmem:s28+$0x5240] =	vst.add.f32.msk $0xffff, v6  }
0x211: {  	v3 =	vmul.f32 s1, v3;
	[tilespmem:s28+$0x5230] =	vst.add.f32.msk $0xffff, v5  }
0x212: {  	v2 =	vmul.f32 s1, v2;
	[tilespmem:s28+$0x5220] =	vst.add.f32.msk $0xffff, v4  }
0x213: {  	[tilespmem:s28+$0x5210] =	vst.add.f32.msk $0xffff, v3;
	s30 =	spop (v2sf)  }
0x214: {  	[tilespmem:s28+$0x5200] =	vst.add.f32.msk $0xffff, v2;
	s31 =	spop (v2sf)  }
.LBB2_13:
0x215: {  	s26 =	sadd.s32 $0x1, s26  }
0x216: {  	p0 =	sne.s32 s26, $0x14  }
.Ltmp2:
0x217: {  	_ = 	snop;
	(pc) =	sbr.rel @!p0 .LBB2_14-.Ltmp2, $1  }
0x218: {  	_ =	sdelay $0x3  }
.LBB2_4:
0x219: {  	v2 =	vld [tilespmem:s26+$0x11180];
	_ =	sdelay $0x4  }
0x21a: {  	(v2sf) =	vpush v2, $0x0  }
0x21b: {  	(v2sf) =	vpush v2, $0x1;
	_ =	sdelay $0xd  }
0x21c: {  	s29 =	spop (v2sf)  }
0x21d: {  	s0 =	spop (v2sf)  }
0x21e: {  	p0 =	sle.s32 s0, s29  }
.Ltmp3:
0x21f: {  	_ = 	snop;
	(pc) =	sbr.rel @p0 .LBB2_13-.Ltmp3, $1  }
0x220: {  	_ =	sdelay $0x3  }
0x221: {  	s28 =	ssub.s32 s0, s29  }
0x222: {  	p0 =	slt.s32 s28, $0x1  }
.Ltmp4:
0x223: {  	_ = 	snop;
	(pc) =	sbr.rel @p0 .LBB2_9-.Ltmp4, $3  }
0x224: {  	_ =	sdelay $0x1  }
0x225: {  	s31 =	sshll.u32 s26, $0xA  }
0x226: {  	s30 =	sand.u32 $0x3FFFFC00, s31  }
0x227: {  	v2 =	vld [tilespmem:s30+$0x0]  }
0x228: {  	v3 =	vld [tilespmem:s30+$0x10]  }
0x229: {  	v4 =	vld [tilespmem:s30+$0x20]  }
0x22a: {  	v5 =	vld [tilespmem:s30+$0x30]  }
0x22b: {  	v6 =	vld [tilespmem:s30+$0x40]  }
0x22c: {  	v7 =	vld [tilespmem:s30+$0x50]  }
0x22d: {  	v8 =	vld [tilespmem:s30+$0x60]  }
0x22e: {  	v9 =	vld [tilespmem:s30+$0x70]  }
0x22f: {  	v10 =	vld [tilespmem:s30+$0x80]  }
0x230: {  	v11 =	vld [tilespmem:s30+$0x90]  }
0x231: {  	v12 =	vld [tilespmem:s30+$0xA0]  }
0x232: {  	v13 =	vld [tilespmem:s30+$0xB0]  }
0x233: {  	v14 =	vld [tilespmem:s30+$0xC0]  }
0x234: {  	v19 =	vld [tilespmem:s29+$0x10F80]  }
0x235: {  	v15 =	vld [tilespmem:s30+$0xD0]  }
0x236: {  	v21 =	vld [tilespmem:s29+$0x10E80]  }
0x237: {  	v16 =	vld [tilespmem:s30+$0xE0]  }
0x238: {  	v17 =	vld [tilespmem:s30+$0xF0]  }
0x239: {  	v18 =	vld [tilespmem:s30+$0x100];
	(v2sf) =	vpush v19, $0x0  }
0x23a: {  	v20 =	vld [tilespmem:s30+$0x120]  }
0x23b: {  	v22 =	vld [tilespmem:s30+$0x140];
	(v2sf) =	vpush v21, $0x0  }
0x23c: {  	v23 =	vld [tilespmem:s30+$0x150]  }
0x23d: {  	v24 =	vld [tilespmem:s30+$0x160]  }
0x23e: {  	v25 =	vld [tilespmem:s30+$0x170]  }
0x23f: {  	v26 =	vld [tilespmem:s30+$0x180]  }
0x240: {  	v27 =	vld [tilespmem:s30+$0x190]  }
0x241: {  	v28 =	vld [tilespmem:s30+$0x1A0]  }
0x242: {  	v29 =	vld [tilespmem:s30+$0x1F0]  }
0x243: {  	v30 =	vld [tilespmem:s30+$0x1E0]  }
0x244: {  	v31 =	vld [tilespmem:s30+$0x1D0];
	s0 =	sshll.u32 s29, $0x2  }
0x245: {  	v32 =	vld [tilespmem:s30+$0x1C0];
	s0 =	sshra.s32 s0, $0x2  }
0x246: {  	v33 =	vld [tilespmem:s30+$0x1B0];
	s14 =	sadd.s32 $0x10E81, s0  }
0x247: {  	s15 =	sadd.s32 $0x10F81, s0;
	v38 =	vld [tilespmem:s14+$0x0]  }
0x248: {  	v35 =	vld [tilespmem:s15+$0x0];
	s1 =	spop (v2sf)  }
0x249: {  	p1 =	sne.s32 s28, $0x1;
	v19 =	vld [tilespmem:s30+$0x110];
	v34 =	vmul.f32 s1, v29  }
.Ltmp5:
0x24a: {  	v21 =	vld [tilespmem:s30+$0x130];
	s31 =	spop (v2sf);
	v36 =	vmul.f32 s1, v30;
	(pc) =	sbr.rel @!p1 .LBB2_8-.Ltmp5, $4  }
0x24b: {  	v37 =	vmul.f32 s1, v31;
	[tilespmem:s31+$0x51F0] =	vst.add.f32.msk $0xffff, v34  }
0x24c: {  	v39 =	vmul.f32 s1, v32;
	[tilespmem:s31+$0x51E0] =	vst.add.f32.msk $0xffff, v36  }
0x24d: {  	[tilespmem:s31+$0x51D0] =	vst.add.f32.msk $0xffff, v37;
	v37 =	vmul.f32 s1, v33  }
0x24e: {  	s16 =	sadd.s32 $0xFFFFFFFF, s28;
	(v2sf) =	vpush v38, $0x0;
	s0 =	smov.u32 s1;
	s2 =	smov.u32 s31;
	v34 =	vmul.f32 s1, v27;
	v36 =	vmul.f32 s1, v28;
	[tilespmem:s31+$0x51C0] =	vst.add.f32.msk $0xffff, v39  }
.LBB2_7:
0x24f: {  	p1 =	sne.s32 s16, $0x1;
	[tilespmem:s31+$0x51B0] =	vst.add.f32.msk $0xffff, v37;
	s14 =	sadd.s32 $0x1, s14;
	s15 =	sadd.s32 $0x1, s15;
	(v2sf) =	vpush v35, $0x0  }
0x250: {  	s16 =	sadd.s32 $0xFFFFFFFF, s16;
	v35 =	vmul.f32 s1, v26;
	[tilespmem:s31+$0x51A0] =	vst.add.f32.msk $0xffff, v36  }
0x251: {  	v36 =	vmul.f32 s1, v25;
	[tilespmem:s31+$0x5190] =	vst.add.f32.msk $0xffff, v34  }
0x252: {  	v34 =	vmul.f32 s1, v24;
	[tilespmem:s31+$0x5180] =	vst.add.f32.msk $0xffff, v35  }
0x253: {  	v35 =	vmul.f32 s1, v23;
	[tilespmem:s31+$0x5170] =	vst.add.f32.msk $0xffff, v36  }
0x254: {  	v36 =	vmul.f32 s1, v22;
	[tilespmem:s31+$0x5160] =	vst.add.f32.msk $0xffff, v34  }
0x255: {  	v34 =	vmul.f32 s1, v21;
	[tilespmem:s31+$0x5150] =	vst.add.f32.msk $0xffff, v35  }
0x256: {  	v35 =	vmul.f32 s1, v20;
	[tilespmem:s31+$0x5140] =	vst.add.f32.msk $0xffff, v36  }
0x257: {  	v36 =	vmul.f32 s1, v19;
	[tilespmem:s31+$0x5130] =	vst.add.f32.msk $0xffff, v34  }
0x258: {  	v34 =	vmul.f32 s1, v18;
	[tilespmem:s31+$0x5120] =	vst.add.f32.msk $0xffff, v35  }
0x259: {  	v35 =	vmul.f32 s1, v17;
	[tilespmem:s31+$0x5110] =	vst.add.f32.msk $0xffff, v36  }
0x25a: {  	v36 =	vmul.f32 s1, v16;
	[tilespmem:s31+$0x5100] =	vst.add.f32.msk $0xffff, v34  }
0x25b: {  	v34 =	vmul.f32 s1, v15;
	[tilespmem:s31+$0x50F0] =	vst.add.f32.msk $0xffff, v35  }
0x25c: {  	v35 =	vmul.f32 s1, v14;
	[tilespmem:s31+$0x50E0] =	vst.add.f32.msk $0xffff, v36  }
0x25d: {  	v36 =	vmul.f32 s1, v13;
	[tilespmem:s2+$0x50D0] =	vst.add.f32.msk $0xffff, v34;
	s31 =	spop (v2sf)  }
0x25e: {  	v37 =	vmul.f32 s0, v12;
	[tilespmem:s2+$0x50C0] =	vst.add.f32.msk $0xffff, v35;
	s1 =	spop (v2sf)  }
0x25f: {  	v35 =	vmul.f32 s0, v11;
	v34 =	vmul.f32 s1, v27;
	[tilespmem:s2+$0x50B0] =	vst.add.f32.msk $0xffff, v36  }
0x260: {  	v36 =	vmul.f32 s0, v10;
	[tilespmem:s2+$0x50A0] =	vst.add.f32.msk $0xffff, v37  }
0x261: {  	v37 =	vmul.f32 s0, v9;
	[tilespmem:s2+$0x5090] =	vst.add.f32.msk $0xffff, v35  }
0x262: {  	v35 =	vmul.f32 s0, v8;
	[tilespmem:s2+$0x5080] =	vst.add.f32.msk $0xffff, v36  }
0x263: {  	v36 =	vmul.f32 s0, v7;
	[tilespmem:s2+$0x5070] =	vst.add.f32.msk $0xffff, v37  }
0x264: {  	v37 =	vmul.f32 s0, v6;
	[tilespmem:s2+$0x5060] =	vst.add.f32.msk $0xffff, v35  }
0x265: {  	v35 =	vmul.f32 s0, v5;
	[tilespmem:s2+$0x5050] =	vst.add.f32.msk $0xffff, v36  }
0x266: {  	v36 =	vmul.f32 s0, v4;
	[tilespmem:s2+$0x5040] =	vst.add.f32.msk $0xffff, v37  }
0x267: {  	v38 =	vmul.f32 s0, v3;
	v37 =	vmul.f32 s0, v2;
	s0 =	smov.u32 s1;
	[tilespmem:s2+$0x5030] =	vst.add.f32.msk $0xffff, v35  }
0x268: {  	[tilespmem:s2+$0x5020] =	vst.add.f32.msk $0xffff, v36  }
0x269: {  	[tilespmem:s2+$0x5010] =	vst.add.f32.msk $0xffff, v38  }
0x26a: {  	[tilespmem:s2+$0x5000] =	vst.add.f32.msk $0xffff, v37;
	s2 =	smov.u32 s31  }
0x26b: {  	v36 =	vmul.f32 s1, v29;
	v38 =	vld [tilespmem:s14+$0x0]  }
.Ltmp6:
0x26c: {  	v37 =	vmul.f32 s1, v30;
	v35 =	vld [tilespmem:s15+$0x0];
	(pc) =	sbr.rel @p1 .LBB2_7-.Ltmp6, $4  }
0x26d: {  	v39 =	vmul.f32 s1, v31;
	[tilespmem:s31+$0x51F0] =	vst.add.f32.msk $0xffff, v36  }
0x26e: {  	v40 =	vmul.f32 s1, v32;
	[tilespmem:s31+$0x51E0] =	vst.add.f32.msk $0xffff, v37  }
0x26f: {  	v37 =	vmul.f32 s1, v33;
	[tilespmem:s31+$0x51D0] =	vst.add.f32.msk $0xffff, v39  }
0x270: {  	v36 =	vmul.f32 s1, v28;
	[tilespmem:s31+$0x51C0] =	vst.add.f32.msk $0xffff, v40;
	(v2sf) =	vpush v38, $0x0  }
.LBB2_8:
0x271: {  	[tilespmem:s31+$0x51B0] =	vst.add.f32.msk $0xffff, v37  }
0x272: {  	v26 =	vmul.f32 s1, v26;
	[tilespmem:s31+$0x51A0] =	vst.add.f32.msk $0xffff, v36  }
0x273: {  	v25 =	vmul.f32 s1, v25;
	[tilespmem:s31+$0x5190] =	vst.add.f32.msk $0xffff, v34  }
0x274: {  	v24 =	vmul.f32 s1, v24;
	[tilespmem:s31+$0x5180] =	vst.add.f32.msk $0xffff, v26  }
0x275: {  	v23 =	vmul.f32 s1, v23;
	[tilespmem:s31+$0x5170] =	vst.add.f32.msk $0xffff, v25  }
0x276: {  	v22 =	vmul.f32 s1, v22;
	[tilespmem:s31+$0x5160] =	vst.add.f32.msk $0xffff, v24  }
0x277: {  	v21 =	vmul.f32 s1, v21;
	[tilespmem:s31+$0x5150] =	vst.add.f32.msk $0xffff, v23  }
0x278: {  	v20 =	vmul.f32 s1, v20;
	[tilespmem:s31+$0x5140] =	vst.add.f32.msk $0xffff, v22  }
0x279: {  	v19 =	vmul.f32 s1, v19;
	[tilespmem:s31+$0x5130] =	vst.add.f32.msk $0xffff, v21  }
0x27a: {  	v18 =	vmul.f32 s1, v18;
	[tilespmem:s31+$0x5120] =	vst.add.f32.msk $0xffff, v20  }
0x27b: {  	v17 =	vmul.f32 s1, v17;
	[tilespmem:s31+$0x5110] =	vst.add.f32.msk $0xffff, v19  }
0x27c: {  	v16 =	vmul.f32 s1, v16;
	[tilespmem:s31+$0x5100] =	vst.add.f32.msk $0xffff, v18  }
0x27d: {  	(v2sf) =	vpush v35, $0x0;
	v15 =	vmul.f32 s1, v15;
	[tilespmem:s31+$0x50F0] =	vst.add.f32.msk $0xffff, v17  }
0x27e: {  	v14 =	vmul.f32 s1, v14;
	[tilespmem:s31+$0x50E0] =	vst.add.f32.msk $0xffff, v16  }
0x27f: {  	v13 =	vmul.f32 s1, v13;
	[tilespmem:s2+$0x50D0] =	vst.add.f32.msk $0xffff, v15  }
0x280: {  	v12 =	vmul.f32 s0, v12;
	[tilespmem:s2+$0x50C0] =	vst.add.f32.msk $0xffff, v14  }
0x281: {  	v11 =	vmul.f32 s0, v11;
	[tilespmem:s2+$0x50B0] =	vst.add.f32.msk $0xffff, v13  }
0x282: {  	v10 =	vmul.f32 s0, v10;
	[tilespmem:s2+$0x50A0] =	vst.add.f32.msk $0xffff, v12  }
0x283: {  	v9 =	vmul.f32 s0, v9;
	[tilespmem:s2+$0x5090] =	vst.add.f32.msk $0xffff, v11  }
0x284: {  	v8 =	vmul.f32 s0, v8;
	[tilespmem:s2+$0x5080] =	vst.add.f32.msk $0xffff, v10  }
0x285: {  	v7 =	vmul.f32 s0, v7;
	[tilespmem:s2+$0x5070] =	vst.add.f32.msk $0xffff, v9  }
0x286: {  	v6 =	vmul.f32 s0, v6;
	[tilespmem:s2+$0x5060] =	vst.add.f32.msk $0xffff, v8  }
0x287: {  	v5 =	vmul.f32 s0, v5;
	[tilespmem:s2+$0x5050] =	vst.add.f32.msk $0xffff, v7  }
0x288: {  	v4 =	vmul.f32 s0, v4;
	[tilespmem:s2+$0x5040] =	vst.add.f32.msk $0xffff, v6  }
0x289: {  	v3 =	vmul.f32 s0, v3;
	[tilespmem:s2+$0x5030] =	vst.add.f32.msk $0xffff, v5  }
0x28a: {  	v2 =	vmul.f32 s0, v2;
	[tilespmem:s2+$0x5020] =	vst.add.f32.msk $0xffff, v4  }
0x28b: {  	[tilespmem:s2+$0x5010] =	vst.add.f32.msk $0xffff, v3;
	s16 =	spop (v2sf)  }
0x28c: {  	[tilespmem:s2+$0x5000] =	vst.add.f32.msk $0xffff, v2;
	s31 =	spop (v2sf)  }
.LBB2_9:
.Ltmp7:
0x28d: {  	(pc) =	sbr.rel @p0 .LBB2_13-.Ltmp7, $1  }
0x28e: {  	_ =	sdelay $0x3  }
0x28f: {  	v2 =	vld [tilespmem:s30+$0x200]  }
0x290: {  	v3 =	vld [tilespmem:s30+$0x210]  }
0x291: {  	v4 =	vld [tilespmem:s30+$0x220]  }
0x292: {  	v5 =	vld [tilespmem:s30+$0x230]  }
0x293: {  	v6 =	vld [tilespmem:s30+$0x240]  }
0x294: {  	v7 =	vld [tilespmem:s30+$0x250]  }
0x295: {  	v8 =	vld [tilespmem:s30+$0x260]  }
0x296: {  	v9 =	vld [tilespmem:s30+$0x270]  }
0x297: {  	v10 =	vld [tilespmem:s30+$0x280]  }
0x298: {  	v11 =	vld [tilespmem:s30+$0x290]  }
0x299: {  	v12 =	vld [tilespmem:s30+$0x2A0]  }
0x29a: {  	v13 =	vld [tilespmem:s30+$0x2B0]  }
0x29b: {  	v14 =	vld [tilespmem:s30+$0x2C0]  }
0x29c: {  	v19 =	vld [tilespmem:s29+$0x10F80]  }
0x29d: {  	v15 =	vld [tilespmem:s30+$0x2D0]  }
0x29e: {  	v21 =	vld [tilespmem:s29+$0x10E80]  }
0x29f: {  	v16 =	vld [tilespmem:s30+$0x2E0]  }
0x2a0: {  	v17 =	vld [tilespmem:s30+$0x2F0]  }
0x2a1: {  	v18 =	vld [tilespmem:s30+$0x300];
	(v2sf) =	vpush v19, $0x0  }
0x2a2: {  	v20 =	vld [tilespmem:s30+$0x320]  }
0x2a3: {  	v22 =	vld [tilespmem:s30+$0x340];
	(v2sf) =	vpush v21, $0x0  }
0x2a4: {  	v23 =	vld [tilespmem:s30+$0x350]  }
0x2a5: {  	v24 =	vld [tilespmem:s30+$0x360]  }
0x2a6: {  	v25 =	vld [tilespmem:s30+$0x370]  }
0x2a7: {  	v26 =	vld [tilespmem:s30+$0x380]  }
0x2a8: {  	v27 =	vld [tilespmem:s30+$0x390]  }
0x2a9: {  	v28 =	vld [tilespmem:s30+$0x3A0]  }
0x2aa: {  	v29 =	vld [tilespmem:s30+$0x3F0]  }
0x2ab: {  	v30 =	vld [tilespmem:s30+$0x3E0]  }
0x2ac: {  	v31 =	vld [tilespmem:s30+$0x3D0];
	s0 =	sshll.u32 s29, $0x2  }
0x2ad: {  	v32 =	vld [tilespmem:s30+$0x3C0];
	s1 =	sshra.s32 s0, $0x2  }
0x2ae: {  	v33 =	vld [tilespmem:s30+$0x3B0];
	s14 =	sadd.s32 $0x10E81, s1  }
0x2af: {  	s15 =	sadd.s32 $0x10F81, s1;
	v38 =	vld [tilespmem:s14+$0x0]  }
0x2b0: {  	v35 =	vld [tilespmem:s15+$0x0];
	s0 =	spop (v2sf)  }
0x2b1: {  	p0 =	sne.s32 s28, $0x1;
	v19 =	vld [tilespmem:s30+$0x310];
	v34 =	vmul.f32 s0, v29  }
.Ltmp8:
0x2b2: {  	v21 =	vld [tilespmem:s30+$0x330];
	s2 =	spop (v2sf);
	v36 =	vmul.f32 s0, v30;
	(pc) =	sbr.rel @!p0 .LBB2_12-.Ltmp8, $4  }
0x2b3: {  	v37 =	vmul.f32 s0, v31;
	[tilespmem:s2+$0x53F0] =	vst.add.f32.msk $0xffff, v34  }
0x2b4: {  	v39 =	vmul.f32 s0, v32;
	[tilespmem:s2+$0x53E0] =	vst.add.f32.msk $0xffff, v36  }
0x2b5: {  	[tilespmem:s2+$0x53D0] =	vst.add.f32.msk $0xffff, v37;
	v37 =	vmul.f32 s0, v33  }
0x2b6: {  	s16 =	sadd.s32 $0xFFFFFFFF, s28;
	(v2sf) =	vpush v38, $0x0;
	s1 =	smov.u32 s0;
	s28 =	smov.u32 s2;
	v34 =	vmul.f32 s0, v27;
	v36 =	vmul.f32 s0, v28;
	[tilespmem:s2+$0x53C0] =	vst.add.f32.msk $0xffff, v39  }
.LBB2_11:
0x2b7: {  	p0 =	sne.s32 s16, $0x1;
	[tilespmem:s2+$0x53B0] =	vst.add.f32.msk $0xffff, v37;
	s14 =	sadd.s32 $0x1, s14;
	s15 =	sadd.s32 $0x1, s15;
	(v2sf) =	vpush v35, $0x0  }
0x2b8: {  	s16 =	sadd.s32 $0xFFFFFFFF, s16;
	v35 =	vmul.f32 s0, v26;
	[tilespmem:s2+$0x53A0] =	vst.add.f32.msk $0xffff, v36  }
0x2b9: {  	v36 =	vmul.f32 s0, v25;
	[tilespmem:s2+$0x5390] =	vst.add.f32.msk $0xffff, v34  }
0x2ba: {  	v34 =	vmul.f32 s0, v24;
	[tilespmem:s2+$0x5380] =	vst.add.f32.msk $0xffff, v35  }
0x2bb: {  	v35 =	vmul.f32 s0, v23;
	[tilespmem:s2+$0x5370] =	vst.add.f32.msk $0xffff, v36  }
0x2bc: {  	v36 =	vmul.f32 s0, v22;
	[tilespmem:s2+$0x5360] =	vst.add.f32.msk $0xffff, v34  }
0x2bd: {  	v34 =	vmul.f32 s0, v21;
	[tilespmem:s2+$0x5350] =	vst.add.f32.msk $0xffff, v35  }
0x2be: {  	v35 =	vmul.f32 s0, v20;
	[tilespmem:s2+$0x5340] =	vst.add.f32.msk $0xffff, v36  }
0x2bf: {  	v36 =	vmul.f32 s0, v19;
	[tilespmem:s2+$0x5330] =	vst.add.f32.msk $0xffff, v34  }
0x2c0: {  	v34 =	vmul.f32 s0, v18;
	[tilespmem:s2+$0x5320] =	vst.add.f32.msk $0xffff, v35  }
0x2c1: {  	v35 =	vmul.f32 s0, v17;
	[tilespmem:s2+$0x5310] =	vst.add.f32.msk $0xffff, v36  }
0x2c2: {  	v36 =	vmul.f32 s0, v16;
	[tilespmem:s2+$0x5300] =	vst.add.f32.msk $0xffff, v34  }
0x2c3: {  	v34 =	vmul.f32 s0, v15;
	[tilespmem:s2+$0x52F0] =	vst.add.f32.msk $0xffff, v35  }
0x2c4: {  	v35 =	vmul.f32 s0, v14;
	[tilespmem:s2+$0x52E0] =	vst.add.f32.msk $0xffff, v36  }
0x2c5: {  	v36 =	vmul.f32 s0, v13;
	[tilespmem:s28+$0x52D0] =	vst.add.f32.msk $0xffff, v34;
	s2 =	spop (v2sf)  }
0x2c6: {  	v37 =	vmul.f32 s1, v12;
	[tilespmem:s28+$0x52C0] =	vst.add.f32.msk $0xffff, v35;
	s0 =	spop (v2sf)  }
0x2c7: {  	v35 =	vmul.f32 s1, v11;
	v34 =	vmul.f32 s0, v27;
	[tilespmem:s28+$0x52B0] =	vst.add.f32.msk $0xffff, v36  }
0x2c8: {  	v36 =	vmul.f32 s1, v10;
	[tilespmem:s28+$0x52A0] =	vst.add.f32.msk $0xffff, v37  }
0x2c9: {  	v37 =	vmul.f32 s1, v9;
	[tilespmem:s28+$0x5290] =	vst.add.f32.msk $0xffff, v35  }
0x2ca: {  	v35 =	vmul.f32 s1, v8;
	[tilespmem:s28+$0x5280] =	vst.add.f32.msk $0xffff, v36  }
0x2cb: {  	v36 =	vmul.f32 s1, v7;
	[tilespmem:s28+$0x5270] =	vst.add.f32.msk $0xffff, v37  }
0x2cc: {  	v37 =	vmul.f32 s1, v6;
	[tilespmem:s28+$0x5260] =	vst.add.f32.msk $0xffff, v35  }
0x2cd: {  	v35 =	vmul.f32 s1, v5;
	[tilespmem:s28+$0x5250] =	vst.add.f32.msk $0xffff, v36  }
0x2ce: {  	v36 =	vmul.f32 s1, v4;
	[tilespmem:s28+$0x5240] =	vst.add.f32.msk $0xffff, v37  }
0x2cf: {  	v38 =	vmul.f32 s1, v3;
	v37 =	vmul.f32 s1, v2;
	s1 =	smov.u32 s0;
	[tilespmem:s28+$0x5230] =	vst.add.f32.msk $0xffff, v35  }
0x2d0: {  	[tilespmem:s28+$0x5220] =	vst.add.f32.msk $0xffff, v36  }
0x2d1: {  	[tilespmem:s28+$0x5210] =	vst.add.f32.msk $0xffff, v38  }
0x2d2: {  	[tilespmem:s28+$0x5200] =	vst.add.f32.msk $0xffff, v37;
	s28 =	smov.u32 s2  }
0x2d3: {  	v36 =	vmul.f32 s0, v29;
	v38 =	vld [tilespmem:s14+$0x0]  }
.Ltmp9:
0x2d4: {  	v37 =	vmul.f32 s0, v30;
	v35 =	vld [tilespmem:s15+$0x0];
	(pc) =	sbr.rel @p0 .LBB2_11-.Ltmp9, $4  }
0x2d5: {  	v39 =	vmul.f32 s0, v31;
	[tilespmem:s2+$0x53F0] =	vst.add.f32.msk $0xffff, v36  }
0x2d6: {  	v40 =	vmul.f32 s0, v32;
	[tilespmem:s2+$0x53E0] =	vst.add.f32.msk $0xffff, v37  }
0x2d7: {  	v37 =	vmul.f32 s0, v33;
	[tilespmem:s2+$0x53D0] =	vst.add.f32.msk $0xffff, v39  }
0x2d8: {  	v36 =	vmul.f32 s0, v28;
	[tilespmem:s2+$0x53C0] =	vst.add.f32.msk $0xffff, v40;
	(v2sf) =	vpush v38, $0x0  }
.Ltmp10:
0x2d9: {  	_ = 	snop;
	(pc) =	sbr.rel .LBB2_12-.Ltmp10, $1  }
0x2da: {  	_ =	sdelay $0x3  }
.LBB2_14:
0x2db: {  	s1 =	simm.s32 $0x5040  }
0x2dc: {  	v4 =	vld [tilespmem:s1+$0xFFFFFFC0]  }
0x2dd: {  	v5 =	vld [tilespmem:s1+$0xFFFFFFD0]  }
0x2de: {  	v6 =	vld [tilespmem:s1+$0xFFFFFFE0]  }
0x2df: {  	v3 =	vld [tilespmem:s1+$0xFFFFFFF0]  }
0x2e0: {  	v2 =	vld [tilespmem:s1+$0x0]  }
0x2e1: {  	v7 =	vimm.f32 $9.999999930e-09;
	v8 =	vand.u32 $0x7FFFFFFF, v4;
	v4 =	vld [tilespmem:s1+$0x10]  }
0x2e2: {  	v7 =	vmax.f32 v7, v8;
	v8 =	vand.u32 $0x7FFFFFFF, v5;
	v5 =	vld [tilespmem:s1+$0x20]  }
0x2e3: {  	s0 =	simm.s32 $0x0;
	v7 =	vmax.f32 v7, v8;
	v8 =	vand.u32 $0x7FFFFFFF, v6;
	v6 =	vld [tilespmem:s1+$0x30];
	s1 =	simm.s32 $0x50C0  }
.LBB2_15:
0x2e4: {  	v9 =	vld [tilespmem:s1+$0xFFFFFFC0];
	s0 =	sadd.s32 $0x8, s0;
	v7 =	vmax.f32 v7, v8;
	v3 =	vand.u32 $0x7FFFFFFF, v3  }
0x2e5: {  	v8 =	vld [tilespmem:s1+$0xFFFFFFD0];
	p0 =	slt.u32 s0, $0x420;
	v3 =	vmax.f32 v7, v3;
	v2 =	vand.u32 $0x7FFFFFFF, v2  }
0x2e6: {  	v10 =	vld [tilespmem:s1+$0xFFFFFFE0];
	v2 =	vmax.f32 v3, v2;
	v4 =	vand.u32 $0x7FFFFFFF, v4  }
.Ltmp11:
0x2e7: {  	v3 =	vld [tilespmem:s1+$0xFFFFFFF0];
	v4 =	vmax.f32 v2, v4;
	v5 =	vand.u32 $0x7FFFFFFF, v5;
	(pc) =	sbr.rel @p0 .LBB2_15-.Ltmp11, $4  }
0x2e8: {  	v2 =	vld [tilespmem:s1+$0x0];
	v5 =	vmax.f32 v4, v5;
	v6 =	vand.u32 $0x7FFFFFFF, v6  }
0x2e9: {  	v7 =	vand.u32 $0x7FFFFFFF, v9;
	v4 =	vld [tilespmem:s1+$0x10];
	v5 =	vmax.f32 v5, v6  }
0x2ea: {  	v6 =	vmax.f32 v5, v7;
	v7 =	vand.u32 $0x7FFFFFFF, v8;
	v5 =	vld [tilespmem:s1+$0x20]  }
0x2eb: {  	v7 =	vmax.f32 v6, v7;
	v8 =	vand.u32 $0x7FFFFFFF, v10;
	v6 =	vld [tilespmem:s1+$0x30];
	s1 =	sadd.s32 $0x80, s1  }
0x2ec: {  	v7 =	vmax.f32 v7, v8;
	v3 =	vand.u32 $0x7FFFFFFF, v3  }
0x2ed: {  	v3 =	vmax.f32 v7, v3;
	v2 =	vand.u32 $0x7FFFFFFF, v2  }
0x2ee: {  	v2 =	vmax.f32 v3, v2;
	v3 =	vand.u32 $0x7FFFFFFF, v4  }
0x2ef: {  	v2 =	vmax.f32 v2, v3;
	v3 =	vand.u32 $0x7FFFFFFF, v5  }
0x2f0: {  	v2 =	vmax.f32 v2, v3;
	v3 =	vand.u32 $0x7FFFFFFF, v6  }
0x2f1: {  	v2 =	vmax.f32 v2, v3  }
0x2f2: {  	(xrf1) =	vsort.ascd.msk.f32 $0xffff, v2, v2;
	_ =	sdelay $0xd  }
0x2f3: {  	v2, _, _ =	vpop (xrf1)  }
0x2f4: {  	v2 =	vbroadcast v2, $0xF;
	_ =	sdelay $0x1  }
0x2f5: {  	(erf) = vrcp.f32 v2;
	_ =	sdelay $0x3  }
0x2f6: {  	s0 =	simm.s32 $0x5040  }
0x2f7: {  	v5 =	vld [tilespmem:s0+$0x30]  }
0x2f8: {  	v7 =	vld [tilespmem:s0+$0xFFFFFFD0]  }
0x2f9: {  	v9 =	vld [tilespmem:s0+$0xFFFFFFE0]  }
0x2fa: {  	v6 =	vld [tilespmem:s0+$0xFFFFFFF0]  }
0x2fb: {  	v4 =	vld [tilespmem:s0+$0x0];
	v2 =	vpop (erf)  }
0x2fc: {  	v3 =	vld [tilespmem:s0+$0x10];
	v10 =	vmul.f32 v5, v2  }
0x2fd: {  	v5 =	vld [tilespmem:s0+$0x20];
	v8 =	vmul.f32 v7, v2  }
0x2fe: {  	s1 =	simm.s32 $0x0;
	s2 =	simm.s32 $0x50C0;
	v7 =	vld [tilespmem:s0+$0xFFFFFFC0];
	v9 =	vmul.f32 v9, v2;
	[tilespmem:s0+$0x30] =	vst v10  }
.LBB2_17:
0x2ff: {  	v10 =	vld [tilespmem:s2+$0x30];
	s1 =	sadd.s32 $0x8, s1;
	[tilespmem:s0+$0xFFFFFFD0] =	vst v8;
	v6 =	vmul.f32 v6, v2  }
0x300: {  	v8 =	vld [tilespmem:s2+$0xFFFFFFD0];
	p0 =	slt.u32 s1, $0x420;
	[tilespmem:s0+$0xFFFFFFE0] =	vst v9;
	v4 =	vmul.f32 v4, v2  }
0x301: {  	v9 =	vld [tilespmem:s2+$0xFFFFFFE0];
	[tilespmem:s0+$0xFFFFFFF0] =	vst v6;
	v3 =	vmul.f32 v3, v2  }
.Ltmp12:
0x302: {  	v6 =	vld [tilespmem:s2+$0xFFFFFFF0];
	[tilespmem:s0+$0x0] =	vst v4;
	v5 =	vmul.f32 v5, v2;
	(pc) =	sbr.rel @p0 .LBB2_17-.Ltmp12, $4  }
0x303: {  	v4 =	vld [tilespmem:s2+$0x0];
	v7 =	vmul.f32 v7, v2;
	[tilespmem:s0+$0x10] =	vst v3  }
0x304: {  	v3 =	vld [tilespmem:s2+$0x10];
	v10 =	vmul.f32 v10, v2;
	[tilespmem:s0+$0x20] =	vst v5  }
0x305: {  	v8 =	vmul.f32 v8, v2;
	v5 =	vld [tilespmem:s2+$0x20];
	[tilespmem:s0+$0xFFFFFFC0] =	vst v7;
	s0 =	smov.u32 s2  }
0x306: {  	s2 =	sadd.s32 $0x80, s2;
	v7 =	vld [tilespmem:s0+$0xFFFFFFC0];
	v9 =	vmul.f32 v9, v2;
	[tilespmem:s0+$0x30] =	vst v10  }
0x307: {  	[tilespmem:s0+$0xFFFFFFD0] =	vst v8;
	v6 =	vmul.f32 v6, v2  }
0x308: {  	[tilespmem:s0+$0xFFFFFFE0] =	vst v9;
	v4 =	vmul.f32 v4, v2  }
0x309: {  	[tilespmem:s0+$0xFFFFFFF0] =	vst v6;
	v3 =	vmul.f32 v3, v2  }
0x30a: {  	[tilespmem:s0+$0x0] =	vst v4;
	v63 =	vmul.f32 v5, v2  }
0x30b: {  	v2 =	vmul.f32 v7, v2;
	[tilespmem:s0+$0x10] =	vst v3  }
0x30c: {  	[tilespmem:s0+$0x20] =	vst v63  }
0x30d: {  	[tilespmem:s0+$0xFFFFFFC0] =	vst v2  }
0x30e: {  	[hbm4b:s7+s22] =	stream.strided.scatter [tilespmem:s24], [sflag:$0x1], $0xBB80, s23, s22, $0x38;
	[tilespmem:$0x11200] =	vst v63  }
0x30f: {  	_ =	swait.ge [sflag:s13], $0xBB80  }
0x310: {  	[sflag:s13] =	ssyncset.done $0x0  }
0x311: {  	s0 =	simm.s32 $0x5040;
	[sflag:s13] =	ssyncadd.s32 $0xFFFF4480  }
0x312: {  	[tilespmem:s0+$0xFFFFFFC0] =	vst v0  }
0x313: {  	[tilespmem:s0+$0x30] =	vst v0  }
0x314: {  	[tilespmem:s0+$0x20] =	vst v0  }
0x315: {  	[tilespmem:s0+$0x10] =	vst v0  }
0x316: {  	[tilespmem:s0+$0x0] =	vst v0  }
0x317: {  	[tilespmem:s0+$0xFFFFFFF0] =	vst v0  }
0x318: {  	s1 =	simm.s32 $0x0;
	[tilespmem:s0+$0xFFFFFFE0] =	vst v0  }
.LBB2_19:
0x319: {  	s1 =	sadd.s32 $0x8, s1;
	[tilespmem:s0+$0xFFFFFFD0] =	vst v0;
	s0 =	sadd.s32 $0x80, s0  }
0x31a: {  	[tilespmem:s0+$0xFFFFFFC0] =	vst v0;
	p0 =	slt.u32 s1, $0x420  }
0x31b: {  	[tilespmem:s0+$0x30] =	vst v0  }
.Ltmp13:
0x31c: {  	[tilespmem:s0+$0x20] =	vst v0;
	(pc) =	sbr.rel @p0 .LBB2_19-.Ltmp13, $4  }
0x31d: {  	[tilespmem:s0+$0x10] =	vst v0  }
0x31e: {  	[tilespmem:s0+$0x0] =	vst v0  }
0x31f: {  	[tilespmem:s0+$0xFFFFFFF0] =	vst v0  }
0x320: {  	[tilespmem:s0+$0xFFFFFFE0] =	vst v0  }
0x321: {  	[tilespmem:s0+$0xFFFFFFD0] =	vst v0;
	s26 =	simm.s32 $0x0;
	s29 =	simm.s32 $0x10B80  }
0x322: {  	[tilespmem:s29], [sflag:$0x1] =	stream.linear.gather [hbm4b:s8+s26], $0xC8, $0x38;
	[tilespmem:$0x11200] =	vst v63  }
0x323: {  	_ =	swait.ge [sflag:s13], $0xC8  }
0x324: {  	[sflag:s13] =	ssyncset.done $0x0  }
0x325: {  	s30 =	simm.s32 $0x10C80;
	[sflag:s13] =	ssyncadd.s32 $0xFFFFFF38  }
0x326: {  	[tilespmem:s30], [sflag:$0x1] =	stream.linear.gather [hbm4b:s9+s26], $0xC8, $0x38;
	[tilespmem:$0x11200] =	vst v63  }
0x327: {  	_ =	swait.ge [sflag:s13], $0xC8  }
0x328: {  	[sflag:s13] =	ssyncset.done $0x0  }
0x329: {  	s31 =	simm.s32 $0x10D80;
	[sflag:s13] =	ssyncadd.s32 $0xFFFFFF38  }
0x32a: {  	[tilespmem:s31], [sflag:$0x1] =	stream.linear.gather [hbm4b:s10+s26], $0xC8, $0x38;
	[tilespmem:$0x11200] =	vst v63  }
0x32b: {  	_ =	swait.ge [sflag:s13], $0xC8  }
0x32c: {  	[sflag:s13] =	ssyncset.done $0x0  }
0x32d: {  	[sflag:s13] =	ssyncadd.s32 $0xFFFFFF38  }
0x32e: {  	v2 =	vld [tilespmem:$0x10D80];
	_ =	sdelay $0x2  }
0x32f: {  	v3 =	vld [tilespmem:$0x10B80]  }
0x330: {  	v4 =	vld [tilespmem:$0x10C80]  }
0x331: {  	v2 =	vtrunc.f32 v2  }
0x332: {  	v2 =	vcvt.f32.s32 v2;
	_ =	sdelay $0x1  }
0x333: {  	vm1 =	vgt.s32 v2, $0x0  }
0x334: {  	vm2 =	vgt.f32 v3, $0.0e+00;
	v2 =	vnsel vm1, $0x0, v2;
	vm1 =	vgt.f32 v4, $0.0e+00  }
0x335: {  	v2 =	vmin.u32 v2, $0x13;
	vm1 =	vmand vm2, vm1  }
0x336: {  	(xrf1) =	vunique.msk.u32 vm1, v2;
	_ =	sdelay $0xa  }
0x337: {  	[tilespmem:$0x11080] =	vst v1  }
0x338: {  	[tilespmem:$0x11100] =	vst v1  }
0x339: {  	[tilespmem:$0x11090] =	vst v1  }
0x33a: {  	[tilespmem:$0x11110] =	vst v1;
	_, v3, vm2 =	vpop (xrf1)  }
0x33b: {  	v24 =	vld.idx.msk [tilespmem:v2+s17+$0x0], $0xffff;
	vm1 =	vmand vm1, vm2;
	_ =	sdelay $0x4  }
0x33c: {  	v3 =	vadd.s32 v24, v3  }
0x33d: {  	[tilespmem:v2+s17+$0x0] =	vst.idx.msk vm1, v3  }
0x33e: {  	v2 =	vld [tilespmem:$0x10D90];
	_ =	sdelay $0x2  }
0x33f: {  	v3 =	vld [tilespmem:$0x10B90]  }
0x340: {  	v25 =	vld [tilespmem:$0x10C90]  }
0x341: {  	v2 =	vtrunc.f32 v2  }
0x342: {  	v2 =	vcvt.f32.s32 v2;
	_ =	sdelay $0x1  }
0x343: {  	vm1 =	vgt.s32 v2, $0x0  }
0x344: {  	vm2 =	vgt.f32 v3, $0.0e+00;
	v2 =	vnsel vm1, $0x0, v2;
	vm1 =	vgt.f32 v25, $0.0e+00  }
0x345: {  	v2 =	vmin.u32 v2, $0x13;
	vm1 =	vmand vm2, vm1  }
0x346: {  	(xrf1) =	vunique.msk.u32 vm1, v2;
	_ =	sdelay $0xd  }
0x347: {  	_, v3, vm2 =	vpop (xrf1)  }
0x348: {  	v26 =	vld.idx.msk [tilespmem:v2+s17+$0x0], $0xffff;
	vm1 =	vmand vm1, vm2;
	_ =	sdelay $0x4  }
0x349: {  	v3 =	vadd.s32 v26, v3  }
0x34a: {  	[tilespmem:v2+s17+$0x0] =	vst.idx.msk vm1, v3  }
0x34b: {  	v2 =	vld [tilespmem:$0x10DA0];
	_ =	sdelay $0x2  }
0x34c: {  	v3 =	vld [tilespmem:$0x10BA0]  }
0x34d: {  	v27 =	vld [tilespmem:$0x10CA0]  }
0x34e: {  	v2 =	vtrunc.f32 v2  }
0x34f: {  	v2 =	vcvt.f32.s32 v2;
	_ =	sdelay $0x1  }
0x350: {  	vm1 =	vgt.s32 v2, $0x0  }
0x351: {  	vm2 =	vgt.f32 v3, $0.0e+00;
	v2 =	vnsel vm1, $0x0, v2;
	vm1 =	vgt.f32 v27, $0.0e+00  }
0x352: {  	v2 =	vmin.u32 v2, $0x13;
	vm1 =	vmand vm2, vm1  }
0x353: {  	(xrf1) =	vunique.msk.u32 vm1, v2;
	_ =	sdelay $0xd  }
0x354: {  	_, v3, vm2 =	vpop (xrf1)  }
0x355: {  	v28 =	vld.idx.msk [tilespmem:v2+s17+$0x0], $0xffff;
	vm1 =	vmand vm1, vm2;
	_ =	sdelay $0x4  }
0x356: {  	v3 =	vadd.s32 v28, v3  }
0x357: {  	[tilespmem:v2+s17+$0x0] =	vst.idx.msk vm1, v3  }
0x358: {  	v2 =	vld [tilespmem:$0x10DB0];
	_ =	sdelay $0x2  }
0x359: {  	v3 =	vld [tilespmem:$0x10BB0]  }
0x35a: {  	v29 =	vld [tilespmem:$0x10CB0]  }
0x35b: {  	v2 =	vtrunc.f32 v2  }
0x35c: {  	v2 =	vcvt.f32.s32 v2;
	_ =	sdelay $0x1  }
0x35d: {  	vm1 =	vgt.s32 v2, $0x0  }
0x35e: {  	vm2 =	vgt.f32 v3, $0.0e+00;
	v2 =	vnsel vm1, $0x0, v2;
	vm1 =	vgt.f32 v29, $0.0e+00  }
0x35f: {  	v2 =	vmin.u32 v2, $0x13;
	vm1 =	vmand vm2, vm1  }
0x360: {  	(xrf1) =	vunique.msk.u32 vm1, v2;
	_ =	sdelay $0xd  }
0x361: {  	_, v3, vm2 =	vpop (xrf1)  }
0x362: {  	v30 =	vld.idx.msk [tilespmem:v2+s17+$0x0], $0xffff;
	vm1 =	vmand vm1, vm2;
	_ =	sdelay $0x4  }
0x363: {  	v3 =	vadd.s32 v30, v3  }
0x364: {  	[tilespmem:v2+s17+$0x0] =	vst.idx.msk vm1, v3  }
0x365: {  	v2 =	vld [tilespmem:$0x10DC0];
	_ =	sdelay $0x2  }
0x366: {  	v3 =	vld [tilespmem:$0x10BC0]  }
0x367: {  	v31 =	vld [tilespmem:$0x10CC0]  }
0x368: {  	v2 =	vtrunc.f32 v2  }
0x369: {  	v2 =	vcvt.f32.s32 v2;
	_ =	sdelay $0x1  }
0x36a: {  	vm1 =	vgt.s32 v2, $0x0  }
0x36b: {  	vm2 =	vgt.f32 v3, $0.0e+00;
	v2 =	vnsel vm1, $0x0, v2;
	vm1 =	vgt.f32 v31, $0.0e+00  }
0x36c: {  	v2 =	vmin.u32 v2, $0x13;
	vm1 =	vmand vm2, vm1  }
0x36d: {  	(xrf1) =	vunique.msk.u32 vm1, v2;
	_ =	sdelay $0xd  }
0x36e: {  	_, v3, vm2 =	vpop (xrf1)  }
0x36f: {  	v32 =	vld.idx.msk [tilespmem:v2+s17+$0x0], $0xffff;
	vm1 =	vmand vm1, vm2;
	_ =	sdelay $0x4  }
0x370: {  	v3 =	vadd.s32 v32, v3  }
0x371: {  	[tilespmem:v2+s17+$0x0] =	vst.idx.msk vm1, v3  }
0x372: {  	v2 =	vld [tilespmem:$0x10DD0];
	_ =	sdelay $0x2  }
0x373: {  	v3 =	vld [tilespmem:$0x10BD0]  }
0x374: {  	v33 =	vld [tilespmem:$0x10CD0]  }
0x375: {  	v2 =	vtrunc.f32 v2  }
0x376: {  	v2 =	vcvt.f32.s32 v2;
	_ =	sdelay $0x1  }
0x377: {  	vm1 =	vgt.s32 v2, $0x0  }
0x378: {  	vm2 =	vgt.f32 v3, $0.0e+00;
	v2 =	vnsel vm1, $0x0, v2;
	vm1 =	vgt.f32 v33, $0.0e+00  }
0x379: {  	v2 =	vmin.u32 v2, $0x13;
	vm1 =	vmand vm2, vm1  }
0x37a: {  	(xrf1) =	vunique.msk.u32 vm1, v2;
	_ =	sdelay $0xd  }
0x37b: {  	_, v3, vm2 =	vpop (xrf1)  }
0x37c: {  	v34 =	vld.idx.msk [tilespmem:v2+s17+$0x0], $0xffff;
	vm1 =	vmand vm1, vm2;
	_ =	sdelay $0x4  }
0x37d: {  	v3 =	vadd.s32 v34, v3  }
0x37e: {  	[tilespmem:v2+s17+$0x0] =	vst.idx.msk vm1, v3  }
0x37f: {  	v2 =	vld [tilespmem:$0x10DE0];
	_ =	sdelay $0x2  }
0x380: {  	v3 =	vld [tilespmem:$0x10BE0]  }
0x381: {  	v35 =	vld [tilespmem:$0x10CE0]  }
0x382: {  	v2 =	vtrunc.f32 v2  }
0x383: {  	v2 =	vcvt.f32.s32 v2;
	_ =	sdelay $0x1  }
0x384: {  	vm1 =	vgt.s32 v2, $0x0  }
0x385: {  	vm2 =	vgt.f32 v3, $0.0e+00;
	v2 =	vnsel vm1, $0x0, v2;
	vm1 =	vgt.f32 v35, $0.0e+00  }
0x386: {  	v2 =	vmin.u32 v2, $0x13;
	vm1 =	vmand vm2, vm1  }
0x387: {  	(xrf1) =	vunique.msk.u32 vm1, v2;
	_ =	sdelay $0xd  }
0x388: {  	_, v3, vm2 =	vpop (xrf1)  }
0x389: {  	v36 =	vld.idx.msk [tilespmem:v2+s17+$0x0], $0xffff;
	vm1 =	vmand vm1, vm2;
	_ =	sdelay $0x4  }
0x38a: {  	v3 =	vadd.s32 v36, v3  }
0x38b: {  	[tilespmem:v2+s17+$0x0] =	vst.idx.msk vm1, v3  }
0x38c: {  	v2 =	vld [tilespmem:$0x10DF0];
	_ =	sdelay $0x2  }
0x38d: {  	v3 =	vld [tilespmem:$0x10BF0]  }
0x38e: {  	v37 =	vld [tilespmem:$0x10CF0]  }
0x38f: {  	v2 =	vtrunc.f32 v2  }
0x390: {  	v2 =	vcvt.f32.s32 v2;
	_ =	sdelay $0x1  }
0x391: {  	vm1 =	vgt.s32 v2, $0x0  }
0x392: {  	vm2 =	vgt.f32 v3, $0.0e+00;
	v2 =	vnsel vm1, $0x0, v2;
	vm1 =	vgt.f32 v37, $0.0e+00  }
0x393: {  	v2 =	vmin.u32 v2, $0x13;
	vm1 =	vmand vm2, vm1  }
0x394: {  	(xrf1) =	vunique.msk.u32 vm1, v2;
	_ =	sdelay $0xd  }
0x395: {  	_, v3, vm2 =	vpop (xrf1)  }
0x396: {  	v38 =	vld.idx.msk [tilespmem:v2+s17+$0x0], $0xffff;
	vm1 =	vmand vm1, vm2;
	_ =	sdelay $0x4  }
0x397: {  	v3 =	vadd.s32 v38, v3  }
0x398: {  	[tilespmem:v2+s17+$0x0] =	vst.idx.msk vm1, v3  }
0x399: {  	v2 =	vld [tilespmem:$0x10E00];
	_ =	sdelay $0x2  }
0x39a: {  	v3 =	vld [tilespmem:$0x10C00]  }
0x39b: {  	v39 =	vld [tilespmem:$0x10D00]  }
0x39c: {  	v2 =	vtrunc.f32 v2  }
0x39d: {  	v2 =	vcvt.f32.s32 v2;
	_ =	sdelay $0x1  }
0x39e: {  	vm1 =	vgt.s32 v2, $0x0  }
0x39f: {  	vm2 =	vgt.f32 v3, $0.0e+00;
	v2 =	vnsel vm1, $0x0, v2;
	vm1 =	vgt.f32 v39, $0.0e+00  }
0x3a0: {  	v2 =	vmin.u32 v2, $0x13;
	vm1 =	vmand vm2, vm1  }
0x3a1: {  	(xrf1) =	vunique.msk.u32 vm1, v2;
	_ =	sdelay $0xd  }
0x3a2: {  	_, v3, vm2 =	vpop (xrf1)  }
0x3a3: {  	v40 =	vld.idx.msk [tilespmem:v2+s17+$0x0], $0xffff;
	vm1 =	vmand vm1, vm2;
	_ =	sdelay $0x4  }
0x3a4: {  	v3 =	vadd.s32 v40, v3  }
0x3a5: {  	[tilespmem:v2+s17+$0x0] =	vst.idx.msk vm1, v3  }
0x3a6: {  	v2 =	vld [tilespmem:$0x10E10];
	_ =	sdelay $0x2  }
0x3a7: {  	v3 =	vld [tilespmem:$0x10C10]  }
0x3a8: {  	v41 =	vld [tilespmem:$0x10D10]  }
0x3a9: {  	v2 =	vtrunc.f32 v2  }
0x3aa: {  	v2 =	vcvt.f32.s32 v2;
	_ =	sdelay $0x1  }
0x3ab: {  	vm1 =	vgt.s32 v2, $0x0  }
0x3ac: {  	vm2 =	vgt.f32 v3, $0.0e+00;
	v2 =	vnsel vm1, $0x0, v2;
	vm1 =	vgt.f32 v41, $0.0e+00  }
0x3ad: {  	v2 =	vmin.u32 v2, $0x13;
	vm1 =	vmand vm2, vm1  }
0x3ae: {  	(xrf1) =	vunique.msk.u32 vm1, v2;
	_ =	sdelay $0xd  }
0x3af: {  	_, v3, vm2 =	vpop (xrf1)  }
0x3b0: {  	v42 =	vld.idx.msk [tilespmem:v2+s17+$0x0], $0xffff;
	vm1 =	vmand vm1, vm2;
	_ =	sdelay $0x4  }
0x3b1: {  	v3 =	vadd.s32 v42, v3  }
0x3b2: {  	[tilespmem:v2+s17+$0x0] =	vst.idx.msk vm1, v3  }
0x3b3: {  	v2 =	vld [tilespmem:$0x10E20];
	_ =	sdelay $0x2  }
0x3b4: {  	v3 =	vld [tilespmem:$0x10C20]  }
0x3b5: {  	v43 =	vld [tilespmem:$0x10D20]  }
0x3b6: {  	v2 =	vtrunc.f32 v2  }
0x3b7: {  	v2 =	vcvt.f32.s32 v2;
	_ =	sdelay $0x1  }
0x3b8: {  	vm1 =	vgt.s32 v2, $0x0  }
0x3b9: {  	vm2 =	vgt.f32 v3, $0.0e+00;
	v2 =	vnsel vm1, $0x0, v2;
	vm1 =	vgt.f32 v43, $0.0e+00  }
0x3ba: {  	v2 =	vmin.u32 v2, $0x13;
	vm1 =	vmand vm2, vm1  }
0x3bb: {  	(xrf1) =	vunique.msk.u32 vm1, v2;
	_ =	sdelay $0xd  }
0x3bc: {  	_, v3, vm2 =	vpop (xrf1)  }
0x3bd: {  	v44 =	vld.idx.msk [tilespmem:v2+s17+$0x0], $0xffff;
	vm1 =	vmand vm1, vm2;
	_ =	sdelay $0x4  }
0x3be: {  	v3 =	vadd.s32 v44, v3  }
0x3bf: {  	[tilespmem:v2+s17+$0x0] =	vst.idx.msk vm1, v3  }
0x3c0: {  	v2 =	vld [tilespmem:$0x10E30];
	_ =	sdelay $0x2  }
0x3c1: {  	v3 =	vld [tilespmem:$0x10C30]  }
0x3c2: {  	v45 =	vld [tilespmem:$0x10D30]  }
0x3c3: {  	v2 =	vtrunc.f32 v2  }
0x3c4: {  	v2 =	vcvt.f32.s32 v2;
	_ =	sdelay $0x1  }
0x3c5: {  	vm1 =	vgt.s32 v2, $0x0  }
0x3c6: {  	vm2 =	vgt.f32 v3, $0.0e+00;
	v2 =	vnsel vm1, $0x0, v2;
	vm1 =	vgt.f32 v45, $0.0e+00  }
0x3c7: {  	v2 =	vmin.u32 v2, $0x13;
	vm1 =	vmand vm2, vm1  }
0x3c8: {  	(xrf1) =	vunique.msk.u32 vm1, v2;
	_ =	sdelay $0xd  }
0x3c9: {  	_, v3, vm2 =	vpop (xrf1)  }
0x3ca: {  	v46 =	vld.idx.msk [tilespmem:v2+s17+$0x0], $0xffff;
	vm1 =	vmand vm1, vm2;
	_ =	sdelay $0x4  }
0x3cb: {  	v3 =	vadd.s32 v46, v3  }
0x3cc: {  	[tilespmem:v2+s17+$0x0] =	vst.idx.msk vm1, v3  }
0x3cd: {  	v2 =	vld [tilespmem:$0x10E40];
	_ =	sdelay $0x1  }
0x3ce: {  	v3 =	vld [tilespmem:$0x10C40]  }
0x3cf: {  	v47 =	vld [tilespmem:$0x10D40];
	_ =	sdelay $0x1  }
0x3d0: {  	v2 =	vtrunc.f32 v2  }
0x3d1: {  	v2 =	vcvt.f32.s32 v2;
	_ =	sdelay $0x1  }
0x3d2: {  	vm2 =	vgt.f32 v47, $0.0e+00;
	vm3 =	vgt.f32 v3, $0.0e+00;
	vm1 =	vgt.s32 v2, $0x0  }
0x3d3: {  	v2 =	vnsel vm1, $0x0, v2;
	vm1 =	vmand vm3, vm2  }
0x3d4: {  	v2 =	vmin.u32 v2, $0x13;
	vm1 =	vmand vm1, vm0  }
0x3d5: {  	(xrf1) =	vunique.msk.u32 vm1, v2;
	_ =	sdelay $0xd  }
0x3d6: {  	_, v3, vm2 =	vpop (xrf1)  }
0x3d7: {  	v48 =	vld.idx.msk [tilespmem:v2+s17+$0x0], $0xffff;
	vm1 =	vmand vm1, vm2;
	_ =	sdelay $0x4  }
0x3d8: {  	v3 =	vadd.s32 v48, v3  }
0x3d9: {  	[tilespmem:v2+s17+$0x0] =	vst.idx.msk vm1, v3  }
0x3da: {  	v2 =	vld [tilespmem:$0x10D80];
	_ =	sdelay $0x1  }
0x3db: {  	v3 =	vld [tilespmem:$0x11080]  }
0x3dc: {  	v49 =	vld [tilespmem:$0x10B80]  }
0x3dd: {  	v5 =	vld [tilespmem:$0x10C80]  }
0x3de: {  	v2 =	vtrunc.f32 v2  }
0x3df: {  	v2 =	vcvt.f32.s32 v2  }
0x3e0: {  	v6 =	vld [tilespmem:$0x11090]  }
0x3e1: {  	vm1 =	vgt.s32 v2, $0x0  }
0x3e2: {  	(xrf0) =	vadd.scan.msk.s32 $0xffff, v3;
	vm2 =	vgt.f32 v49, $0.0e+00;
	v2 =	vnsel vm1, $0x0, v2;
	vm1 =	vgt.f32 v5, $0.0e+00  }
0x3e3: {  	v2 =	vmin.u32 v2, $0x13;
	vm1 =	vmand vm2, vm1  }
0x3e4: {  	(xrf1) =	vunique.msk.u32 vm1, v2  }
0x3e5: {  	(xrf0) =	vadd.scan.msk.s32 $0xffff, v6;
	_ =	sdelay $0x2  }
0x3e6: {  	v7, _, _ =	vpop (xrf0)  }
0x3e7: {  	v8 =	vbroadcast v7, $0xF;
	_ =	sdelay $0x1  }
0x3e8: {  	v3 =	vsub.s32 v7, v3;
	v50, _, _ =	vpop (xrf0);
	v6 =	vsub.s32 v8, v6  }
0x3e9: {  	[tilespmem:$0x11180] =	vst v3;
	v6 =	vadd.s32 v50, v6  }
0x3ea: {  	[tilespmem:$0x11190] =	vst v6  }
0x3eb: {  	v3 =	vld.idx.msk [tilespmem:v2+s18+$0x0], $0xffff  }
0x3ec: {  	v6 =	vld.idx.msk [tilespmem:v2+s19+$0x0], $0xffff;
	_ =	sdelay $0x2  }
0x3ed: {  	_, v51, vm2 =	vpop (xrf1)  }
0x3ee: {  	v3 =	vadd.s32 v3, v51  }
0x3ef: {  	v6 =	vadd.s32 v6, v3  }
0x3f0: {  	v4 =	vmul.f32 $1.600000000e+04, v49;
	v6 =	vadd.s32 $0xFFFFFFFF, v6  }
0x3f1: {  	vm2 =	vmand vm1, vm2  }
0x3f2: {  	v4 =	vtrunc.f32 v4  }
0x3f3: {  	v4 =	vcvt.f32.s32 v4;
	_ =	sdelay $0x1  }
0x3f4: {  	[tilespmem:v6+s20+$0x0] =	vst.idx.msk vm1, v4  }
0x3f5: {  	[tilespmem:v6+s21+$0x0] =	vst.idx.msk vm1, v5  }
0x3f6: {  	[tilespmem:v2+s18+$0x0] =	vst.idx.msk vm2, v3  }
0x3f7: {  	v2 =	vld [tilespmem:$0x10D90];
	_ =	sdelay $0x2  }
0x3f8: {  	v3 =	vld [tilespmem:$0x10B90]  }
0x3f9: {  	v4 =	vld [tilespmem:$0x10C90]  }
0x3fa: {  	v2 =	vtrunc.f32 v2  }
0x3fb: {  	v2 =	vcvt.f32.s32 v2;
	_ =	sdelay $0x1  }
0x3fc: {  	vm1 =	vgt.s32 v2, $0x0  }
0x3fd: {  	vm2 =	vgt.f32 v3, $0.0e+00;
	v2 =	vnsel vm1, $0x0, v2;
	vm1 =	vgt.f32 v4, $0.0e+00  }
0x3fe: {  	v2 =	vmin.u32 v2, $0x13;
	vm1 =	vmand vm2, vm1  }
0x3ff: {  	(xrf1) =	vunique.msk.u32 vm1, v2;
	_ =	sdelay $0x9  }
0x400: {  	v5 =	vld.idx.msk [tilespmem:v2+s18+$0x0], $0xffff  }
0x401: {  	v6 =	vld.idx.msk [tilespmem:v2+s19+$0x0], $0xffff;
	_ =	sdelay $0x2  }
0x402: {  	_, v52, vm2 =	vpop (xrf1)  }
0x403: {  	v5 =	vadd.s32 v5, v52  }
0x404: {  	v6 =	vadd.s32 v6, v5  }
0x405: {  	v3 =	vmul.f32 $1.600000000e+04, v3;
	v6 =	vadd.s32 $0xFFFFFFFF, v6  }
0x406: {  	vm2 =	vmand vm1, vm2  }
0x407: {  	v3 =	vtrunc.f32 v3  }
0x408: {  	v3 =	vcvt.f32.s32 v3;
	_ =	sdelay $0x1  }
0x409: {  	[tilespmem:v6+s20+$0x0] =	vst.idx.msk vm1, v3  }
0x40a: {  	[tilespmem:v6+s21+$0x0] =	vst.idx.msk vm1, v4  }
0x40b: {  	[tilespmem:v2+s18+$0x0] =	vst.idx.msk vm2, v5  }
0x40c: {  	v2 =	vld [tilespmem:$0x10DA0];
	_ =	sdelay $0x2  }
0x40d: {  	v3 =	vld [tilespmem:$0x10BA0]  }
0x40e: {  	v4 =	vld [tilespmem:$0x10CA0]  }
0x40f: {  	v2 =	vtrunc.f32 v2  }
0x410: {  	v2 =	vcvt.f32.s32 v2;
	_ =	sdelay $0x1  }
0x411: {  	vm1 =	vgt.s32 v2, $0x0  }
0x412: {  	vm2 =	vgt.f32 v3, $0.0e+00;
	v2 =	vnsel vm1, $0x0, v2;
	vm1 =	vgt.f32 v4, $0.0e+00  }
0x413: {  	v2 =	vmin.u32 v2, $0x13;
	vm1 =	vmand vm2, vm1  }
0x414: {  	(xrf1) =	vunique.msk.u32 vm1, v2;
	_ =	sdelay $0x9  }
0x415: {  	v5 =	vld.idx.msk [tilespmem:v2+s18+$0x0], $0xffff  }
0x416: {  	v6 =	vld.idx.msk [tilespmem:v2+s19+$0x0], $0xffff;
	_ =	sdelay $0x2  }
0x417: {  	_, v53, vm2 =	vpop (xrf1)  }
0x418: {  	v5 =	vadd.s32 v5, v53  }
0x419: {  	v6 =	vadd.s32 v6, v5  }
0x41a: {  	v3 =	vmul.f32 $1.600000000e+04, v3;
	v6 =	vadd.s32 $0xFFFFFFFF, v6  }
0x41b: {  	vm2 =	vmand vm1, vm2  }
0x41c: {  	v3 =	vtrunc.f32 v3  }
0x41d: {  	v3 =	vcvt.f32.s32 v3;
	_ =	sdelay $0x1  }
0x41e: {  	[tilespmem:v6+s20+$0x0] =	vst.idx.msk vm1, v3  }
0x41f: {  	[tilespmem:v6+s21+$0x0] =	vst.idx.msk vm1, v4  }
0x420: {  	[tilespmem:v2+s18+$0x0] =	vst.idx.msk vm2, v5  }
0x421: {  	v2 =	vld [tilespmem:$0x10DB0];
	_ =	sdelay $0x2  }
0x422: {  	v3 =	vld [tilespmem:$0x10BB0]  }
0x423: {  	v4 =	vld [tilespmem:$0x10CB0]  }
0x424: {  	v2 =	vtrunc.f32 v2  }
0x425: {  	v2 =	vcvt.f32.s32 v2;
	_ =	sdelay $0x1  }
0x426: {  	vm1 =	vgt.s32 v2, $0x0  }
0x427: {  	vm2 =	vgt.f32 v3, $0.0e+00;
	v2 =	vnsel vm1, $0x0, v2;
	vm1 =	vgt.f32 v4, $0.0e+00  }
0x428: {  	v2 =	vmin.u32 v2, $0x13;
	vm1 =	vmand vm2, vm1  }
0x429: {  	(xrf1) =	vunique.msk.u32 vm1, v2;
	_ =	sdelay $0x9  }
0x42a: {  	v5 =	vld.idx.msk [tilespmem:v2+s18+$0x0], $0xffff  }
0x42b: {  	v6 =	vld.idx.msk [tilespmem:v2+s19+$0x0], $0xffff;
	_ =	sdelay $0x2  }
0x42c: {  	_, v54, vm2 =	vpop (xrf1)  }
0x42d: {  	v5 =	vadd.s32 v5, v54  }
0x42e: {  	v6 =	vadd.s32 v6, v5  }
0x42f: {  	v3 =	vmul.f32 $1.600000000e+04, v3;
	v6 =	vadd.s32 $0xFFFFFFFF, v6  }
0x430: {  	vm2 =	vmand vm1, vm2  }
0x431: {  	v3 =	vtrunc.f32 v3  }
0x432: {  	v3 =	vcvt.f32.s32 v3;
	_ =	sdelay $0x1  }
0x433: {  	[tilespmem:v6+s20+$0x0] =	vst.idx.msk vm1, v3  }
0x434: {  	[tilespmem:v6+s21+$0x0] =	vst.idx.msk vm1, v4  }
0x435: {  	[tilespmem:v2+s18+$0x0] =	vst.idx.msk vm2, v5  }
0x436: {  	v2 =	vld [tilespmem:$0x10DC0];
	_ =	sdelay $0x2  }
0x437: {  	v3 =	vld [tilespmem:$0x10BC0]  }
0x438: {  	v4 =	vld [tilespmem:$0x10CC0]  }
0x439: {  	v2 =	vtrunc.f32 v2  }
0x43a: {  	v2 =	vcvt.f32.s32 v2;
	_ =	sdelay $0x1  }
0x43b: {  	vm1 =	vgt.s32 v2, $0x0  }
0x43c: {  	vm2 =	vgt.f32 v3, $0.0e+00;
	v2 =	vnsel vm1, $0x0, v2;
	vm1 =	vgt.f32 v4, $0.0e+00  }
0x43d: {  	v2 =	vmin.u32 v2, $0x13;
	vm1 =	vmand vm2, vm1  }
0x43e: {  	(xrf1) =	vunique.msk.u32 vm1, v2;
	_ =	sdelay $0x9  }
0x43f: {  	v5 =	vld.idx.msk [tilespmem:v2+s18+$0x0], $0xffff  }
0x440: {  	v6 =	vld.idx.msk [tilespmem:v2+s19+$0x0], $0xffff;
	_ =	sdelay $0x2  }
0x441: {  	_, v55, vm2 =	vpop (xrf1)  }
0x442: {  	v5 =	vadd.s32 v5, v55  }
0x443: {  	v6 =	vadd.s32 v6, v5  }
0x444: {  	v3 =	vmul.f32 $1.600000000e+04, v3;
	v6 =	vadd.s32 $0xFFFFFFFF, v6  }
0x445: {  	vm2 =	vmand vm1, vm2  }
0x446: {  	v3 =	vtrunc.f32 v3  }
0x447: {  	v3 =	vcvt.f32.s32 v3;
	_ =	sdelay $0x1  }
0x448: {  	[tilespmem:v6+s20+$0x0] =	vst.idx.msk vm1, v3  }
0x449: {  	[tilespmem:v6+s21+$0x0] =	vst.idx.msk vm1, v4  }
0x44a: {  	[tilespmem:v2+s18+$0x0] =	vst.idx.msk vm2, v5  }
0x44b: {  	v2 =	vld [tilespmem:$0x10DD0];
	_ =	sdelay $0x2  }
0x44c: {  	v3 =	vld [tilespmem:$0x10BD0]  }
0x44d: {  	v4 =	vld [tilespmem:$0x10CD0]  }
0x44e: {  	v2 =	vtrunc.f32 v2  }
0x44f: {  	v2 =	vcvt.f32.s32 v2;
	_ =	sdelay $0x1  }
0x450: {  	vm1 =	vgt.s32 v2, $0x0  }
0x451: {  	vm2 =	vgt.f32 v3, $0.0e+00;
	v2 =	vnsel vm1, $0x0, v2;
	vm1 =	vgt.f32 v4, $0.0e+00  }
0x452: {  	v2 =	vmin.u32 v2, $0x13;
	vm1 =	vmand vm2, vm1  }
0x453: {  	(xrf1) =	vunique.msk.u32 vm1, v2;
	_ =	sdelay $0x9  }
0x454: {  	v5 =	vld.idx.msk [tilespmem:v2+s18+$0x0], $0xffff  }
0x455: {  	v6 =	vld.idx.msk [tilespmem:v2+s19+$0x0], $0xffff;
	_ =	sdelay $0x2  }
0x456: {  	_, v56, vm2 =	vpop (xrf1)  }
0x457: {  	v5 =	vadd.s32 v5, v56  }
0x458: {  	v6 =	vadd.s32 v6, v5  }
0x459: {  	v3 =	vmul.f32 $1.600000000e+04, v3;
	v6 =	vadd.s32 $0xFFFFFFFF, v6  }
0x45a: {  	vm2 =	vmand vm1, vm2  }
0x45b: {  	v3 =	vtrunc.f32 v3  }
0x45c: {  	v3 =	vcvt.f32.s32 v3;
	_ =	sdelay $0x1  }
0x45d: {  	[tilespmem:v6+s20+$0x0] =	vst.idx.msk vm1, v3  }
0x45e: {  	[tilespmem:v6+s21+$0x0] =	vst.idx.msk vm1, v4  }
0x45f: {  	[tilespmem:v2+s18+$0x0] =	vst.idx.msk vm2, v5  }
0x460: {  	v2 =	vld [tilespmem:$0x10DE0];
	_ =	sdelay $0x2  }
0x461: {  	v3 =	vld [tilespmem:$0x10BE0]  }
0x462: {  	v4 =	vld [tilespmem:$0x10CE0]  }
0x463: {  	v2 =	vtrunc.f32 v2  }
0x464: {  	v2 =	vcvt.f32.s32 v2;
	_ =	sdelay $0x1  }
0x465: {  	vm1 =	vgt.s32 v2, $0x0  }
0x466: {  	vm2 =	vgt.f32 v3, $0.0e+00;
	v2 =	vnsel vm1, $0x0, v2;
	vm1 =	vgt.f32 v4, $0.0e+00  }
0x467: {  	v2 =	vmin.u32 v2, $0x13;
	vm1 =	vmand vm2, vm1  }
0x468: {  	(xrf1) =	vunique.msk.u32 vm1, v2;
	_ =	sdelay $0x9  }
0x469: {  	v5 =	vld.idx.msk [tilespmem:v2+s18+$0x0], $0xffff  }
0x46a: {  	v6 =	vld.idx.msk [tilespmem:v2+s19+$0x0], $0xffff;
	_ =	sdelay $0x2  }
0x46b: {  	_, v57, vm2 =	vpop (xrf1)  }
0x46c: {  	v5 =	vadd.s32 v5, v57  }
0x46d: {  	v6 =	vadd.s32 v6, v5  }
0x46e: {  	v3 =	vmul.f32 $1.600000000e+04, v3;
	v6 =	vadd.s32 $0xFFFFFFFF, v6  }
0x46f: {  	vm2 =	vmand vm1, vm2  }
0x470: {  	v3 =	vtrunc.f32 v3  }
0x471: {  	v3 =	vcvt.f32.s32 v3;
	_ =	sdelay $0x1  }
0x472: {  	[tilespmem:v6+s20+$0x0] =	vst.idx.msk vm1, v3  }
0x473: {  	[tilespmem:v6+s21+$0x0] =	vst.idx.msk vm1, v4  }
0x474: {  	[tilespmem:v2+s18+$0x0] =	vst.idx.msk vm2, v5  }
0x475: {  	v2 =	vld [tilespmem:$0x10DF0];
	_ =	sdelay $0x2  }
0x476: {  	v3 =	vld [tilespmem:$0x10BF0]  }
0x477: {  	v4 =	vld [tilespmem:$0x10CF0]  }
0x478: {  	v2 =	vtrunc.f32 v2  }
0x479: {  	v2 =	vcvt.f32.s32 v2;
	_ =	sdelay $0x1  }
0x47a: {  	vm1 =	vgt.s32 v2, $0x0  }
0x47b: {  	vm2 =	vgt.f32 v3, $0.0e+00;
	v2 =	vnsel vm1, $0x0, v2;
	vm1 =	vgt.f32 v4, $0.0e+00  }
0x47c: {  	v2 =	vmin.u32 v2, $0x13;
	vm1 =	vmand vm2, vm1  }
0x47d: {  	(xrf1) =	vunique.msk.u32 vm1, v2;
	_ =	sdelay $0x9  }
0x47e: {  	v5 =	vld.idx.msk [tilespmem:v2+s18+$0x0], $0xffff  }
0x47f: {  	v6 =	vld.idx.msk [tilespmem:v2+s19+$0x0], $0xffff;
	_ =	sdelay $0x2  }
0x480: {  	_, v58, vm2 =	vpop (xrf1)  }
0x481: {  	v5 =	vadd.s32 v5, v58  }
0x482: {  	v6 =	vadd.s32 v6, v5  }
0x483: {  	v3 =	vmul.f32 $1.600000000e+04, v3;
	v6 =	vadd.s32 $0xFFFFFFFF, v6  }
0x484: {  	vm2 =	vmand vm1, vm2  }
0x485: {  	v3 =	vtrunc.f32 v3  }
0x486: {  	v3 =	vcvt.f32.s32 v3;
	_ =	sdelay $0x1  }
0x487: {  	[tilespmem:v6+s20+$0x0] =	vst.idx.msk vm1, v3  }
0x488: {  	[tilespmem:v6+s21+$0x0] =	vst.idx.msk vm1, v4  }
0x489: {  	[tilespmem:v2+s18+$0x0] =	vst.idx.msk vm2, v5  }
0x48a: {  	v2 =	vld [tilespmem:$0x10E00];
	_ =	sdelay $0x2  }
0x48b: {  	v3 =	vld [tilespmem:$0x10C00]  }
0x48c: {  	v4 =	vld [tilespmem:$0x10D00]  }
0x48d: {  	v2 =	vtrunc.f32 v2  }
0x48e: {  	v2 =	vcvt.f32.s32 v2;
	_ =	sdelay $0x1  }
0x48f: {  	vm1 =	vgt.s32 v2, $0x0  }
0x490: {  	vm2 =	vgt.f32 v3, $0.0e+00;
	v2 =	vnsel vm1, $0x0, v2;
	vm1 =	vgt.f32 v4, $0.0e+00  }
0x491: {  	v2 =	vmin.u32 v2, $0x13;
	vm1 =	vmand vm2, vm1  }
0x492: {  	(xrf1) =	vunique.msk.u32 vm1, v2;
	_ =	sdelay $0x9  }
0x493: {  	v5 =	vld.idx.msk [tilespmem:v2+s18+$0x0], $0xffff  }
0x494: {  	v6 =	vld.idx.msk [tilespmem:v2+s19+$0x0], $0xffff;
	_ =	sdelay $0x2  }
0x495: {  	_, v59, vm2 =	vpop (xrf1)  }
0x496: {  	v5 =	vadd.s32 v5, v59  }
0x497: {  	v6 =	vadd.s32 v6, v5  }
0x498: {  	v3 =	vmul.f32 $1.600000000e+04, v3;
	v6 =	vadd.s32 $0xFFFFFFFF, v6  }
0x499: {  	vm2 =	vmand vm1, vm2  }
0x49a: {  	v3 =	vtrunc.f32 v3  }
0x49b: {  	v3 =	vcvt.f32.s32 v3;
	_ =	sdelay $0x1  }
0x49c: {  	[tilespmem:v6+s20+$0x0] =	vst.idx.msk vm1, v3  }
0x49d: {  	[tilespmem:v6+s21+$0x0] =	vst.idx.msk vm1, v4  }
0x49e: {  	[tilespmem:v2+s18+$0x0] =	vst.idx.msk vm2, v5  }
0x49f: {  	v2 =	vld [tilespmem:$0x10E10];
	_ =	sdelay $0x2  }
0x4a0: {  	v3 =	vld [tilespmem:$0x10C10]  }
0x4a1: {  	v4 =	vld [tilespmem:$0x10D10]  }
0x4a2: {  	v2 =	vtrunc.f32 v2  }
0x4a3: {  	v2 =	vcvt.f32.s32 v2;
	_ =	sdelay $0x1  }
0x4a4: {  	vm1 =	vgt.s32 v2, $0x0  }
0x4a5: {  	vm2 =	vgt.f32 v3, $0.0e+00;
	v2 =	vnsel vm1, $0x0, v2;
	vm1 =	vgt.f32 v4, $0.0e+00  }
0x4a6: {  	v2 =	vmin.u32 v2, $0x13;
	vm1 =	vmand vm2, vm1  }
0x4a7: {  	(xrf1) =	vunique.msk.u32 vm1, v2;
	_ =	sdelay $0x9  }
0x4a8: {  	v5 =	vld.idx.msk [tilespmem:v2+s18+$0x0], $0xffff  }
0x4a9: {  	v6 =	vld.idx.msk [tilespmem:v2+s19+$0x0], $0xffff;
	_ =	sdelay $0x2  }
0x4aa: {  	_, v60, vm2 =	vpop (xrf1)  }
0x4ab: {  	v5 =	vadd.s32 v5, v60  }
0x4ac: {  	v6 =	vadd.s32 v6, v5  }
0x4ad: {  	v3 =	vmul.f32 $1.600000000e+04, v3;
	v6 =	vadd.s32 $0xFFFFFFFF, v6  }
0x4ae: {  	vm2 =	vmand vm1, vm2  }
0x4af: {  	v3 =	vtrunc.f32 v3  }
0x4b0: {  	v3 =	vcvt.f32.s32 v3;
	_ =	sdelay $0x1  }
0x4b1: {  	[tilespmem:v6+s20+$0x0] =	vst.idx.msk vm1, v3  }
0x4b2: {  	[tilespmem:v6+s21+$0x0] =	vst.idx.msk vm1, v4  }
0x4b3: {  	[tilespmem:v2+s18+$0x0] =	vst.idx.msk vm2, v5  }
0x4b4: {  	v2 =	vld [tilespmem:$0x10E20];
	_ =	sdelay $0x2  }
0x4b5: {  	v3 =	vld [tilespmem:$0x10C20]  }
0x4b6: {  	v4 =	vld [tilespmem:$0x10D20]  }
0x4b7: {  	v2 =	vtrunc.f32 v2  }
0x4b8: {  	v2 =	vcvt.f32.s32 v2;
	_ =	sdelay $0x1  }
0x4b9: {  	vm1 =	vgt.s32 v2, $0x0  }
0x4ba: {  	vm2 =	vgt.f32 v3, $0.0e+00;
	v2 =	vnsel vm1, $0x0, v2;
	vm1 =	vgt.f32 v4, $0.0e+00  }
0x4bb: {  	v2 =	vmin.u32 v2, $0x13;
	vm1 =	vmand vm2, vm1  }
0x4bc: {  	(xrf1) =	vunique.msk.u32 vm1, v2;
	_ =	sdelay $0x9  }
0x4bd: {  	v5 =	vld.idx.msk [tilespmem:v2+s18+$0x0], $0xffff  }
0x4be: {  	v6 =	vld.idx.msk [tilespmem:v2+s19+$0x0], $0xffff;
	_ =	sdelay $0x2  }
0x4bf: {  	_, v61, vm2 =	vpop (xrf1)  }
0x4c0: {  	v5 =	vadd.s32 v5, v61  }
0x4c1: {  	v6 =	vadd.s32 v6, v5  }
0x4c2: {  	v3 =	vmul.f32 $1.600000000e+04, v3;
	v6 =	vadd.s32 $0xFFFFFFFF, v6  }
0x4c3: {  	vm2 =	vmand vm1, vm2  }
0x4c4: {  	v3 =	vtrunc.f32 v3  }
0x4c5: {  	v3 =	vcvt.f32.s32 v3;
	_ =	sdelay $0x1  }
0x4c6: {  	[tilespmem:v6+s20+$0x0] =	vst.idx.msk vm1, v3  }
0x4c7: {  	[tilespmem:v6+s21+$0x0] =	vst.idx.msk vm1, v4  }
0x4c8: {  	[tilespmem:v2+s18+$0x0] =	vst.idx.msk vm2, v5  }
0x4c9: {  	v2 =	vld [tilespmem:$0x10E30];
	_ =	sdelay $0x2  }
0x4ca: {  	v3 =	vld [tilespmem:$0x10C30]  }
0x4cb: {  	v4 =	vld [tilespmem:$0x10D30]  }
0x4cc: {  	v2 =	vtrunc.f32 v2  }
0x4cd: {  	v2 =	vcvt.f32.s32 v2;
	_ =	sdelay $0x1  }
0x4ce: {  	vm1 =	vgt.s32 v2, $0x0  }
0x4cf: {  	vm2 =	vgt.f32 v3, $0.0e+00;
	v2 =	vnsel vm1, $0x0, v2;
	vm1 =	vgt.f32 v4, $0.0e+00  }
0x4d0: {  	v2 =	vmin.u32 v2, $0x13;
	vm1 =	vmand vm2, vm1  }
0x4d1: {  	(xrf1) =	vunique.msk.u32 vm1, v2;
	_ =	sdelay $0x9  }
0x4d2: {  	v5 =	vld.idx.msk [tilespmem:v2+s18+$0x0], $0xffff  }
0x4d3: {  	v6 =	vld.idx.msk [tilespmem:v2+s19+$0x0], $0xffff;
	_ =	sdelay $0x2  }
0x4d4: {  	_, v62, vm2 =	vpop (xrf1)  }
0x4d5: {  	v5 =	vadd.s32 v5, v62  }
0x4d6: {  	v6 =	vadd.s32 v6, v5  }
0x4d7: {  	v3 =	vmul.f32 $1.600000000e+04, v3;
	v6 =	vadd.s32 $0xFFFFFFFF, v6  }
0x4d8: {  	vm2 =	vmand vm1, vm2  }
0x4d9: {  	v3 =	vtrunc.f32 v3  }
0x4da: {  	v3 =	vcvt.f32.s32 v3;
	_ =	sdelay $0x1  }
0x4db: {  	[tilespmem:v6+s20+$0x0] =	vst.idx.msk vm1, v3  }
0x4dc: {  	[tilespmem:v6+s21+$0x0] =	vst.idx.msk vm1, v4  }
0x4dd: {  	[tilespmem:v2+s18+$0x0] =	vst.idx.msk vm2, v5  }
0x4de: {  	v2 =	vld [tilespmem:$0x10E40];
	_ =	sdelay $0x1  }
0x4df: {  	v3 =	vld [tilespmem:$0x10C40]  }
0x4e0: {  	v4 =	vld [tilespmem:$0x10D40];
	_ =	sdelay $0x1  }
0x4e1: {  	v2 =	vtrunc.f32 v2  }
0x4e2: {  	v2 =	vcvt.f32.s32 v2;
	_ =	sdelay $0x1  }
0x4e3: {  	vm2 =	vgt.f32 v4, $0.0e+00;
	vm3 =	vgt.f32 v3, $0.0e+00;
	vm1 =	vgt.s32 v2, $0x0  }
0x4e4: {  	v2 =	vnsel vm1, $0x0, v2;
	vm1 =	vmand vm3, vm2  }
0x4e5: {  	v2 =	vmin.u32 v2, $0x13;
	vm1 =	vmand vm1, vm0  }
0x4e6: {  	(xrf1) =	vunique.msk.u32 vm1, v2;
	_ =	sdelay $0x9  }
0x4e7: {  	v5 =	vld.idx.msk [tilespmem:v2+s18+$0x0], $0xffff  }
0x4e8: {  	v6 =	vld.idx.msk [tilespmem:v2+s19+$0x0], $0xffff;
	_ =	sdelay $0x2  }
0x4e9: {  	_, v63, vm2 =	vpop (xrf1)  }
0x4ea: {  	v5 =	vadd.s32 v5, v63  }
0x4eb: {  	v6 =	vadd.s32 v6, v5  }
0x4ec: {  	v3 =	vmul.f32 $1.600000000e+04, v3;
	v6 =	vadd.s32 $0xFFFFFFFF, v6  }
0x4ed: {  	vm2 =	vmand vm1, vm2  }
0x4ee: {  	v3 =	vtrunc.f32 v3  }
.Ltmp14:
0x4ef: {  	v3 =	vcvt.f32.s32 v3;
	(pc) =	sbr.rel .LBB2_21-.Ltmp14, $4  }
0x4f0: {  	_ = 	snop  }
0x4f1: {  	[tilespmem:v6+s20+$0x0] =	vst.idx.msk vm1, v3  }
0x4f2: {  	[tilespmem:v6+s21+$0x0] =	vst.idx.msk vm1, v4  }
0x4f3: {  	[tilespmem:v2+s18+$0x0] =	vst.idx.msk vm2, v5  }
.LBB2_29:
0x4f4: {  	[tilespmem:s2+$0x53B0] =	vst.add.f32.msk $0xffff, v37  }
0x4f5: {  	v26 =	vmul.f32 s0, v26;
	[tilespmem:s2+$0x53A0] =	vst.add.f32.msk $0xffff, v36  }
0x4f6: {  	v25 =	vmul.f32 s0, v25;
	[tilespmem:s2+$0x5390] =	vst.add.f32.msk $0xffff, v34  }
0x4f7: {  	v24 =	vmul.f32 s0, v24;
	[tilespmem:s2+$0x5380] =	vst.add.f32.msk $0xffff, v26  }
0x4f8: {  	v23 =	vmul.f32 s0, v23;
	[tilespmem:s2+$0x5370] =	vst.add.f32.msk $0xffff, v25  }
0x4f9: {  	v22 =	vmul.f32 s0, v22;
	[tilespmem:s2+$0x5360] =	vst.add.f32.msk $0xffff, v24  }
0x4fa: {  	v21 =	vmul.f32 s0, v21;
	[tilespmem:s2+$0x5350] =	vst.add.f32.msk $0xffff, v23  }
0x4fb: {  	v20 =	vmul.f32 s0, v20;
	[tilespmem:s2+$0x5340] =	vst.add.f32.msk $0xffff, v22  }
0x4fc: {  	v19 =	vmul.f32 s0, v19;
	[tilespmem:s2+$0x5330] =	vst.add.f32.msk $0xffff, v21  }
0x4fd: {  	v18 =	vmul.f32 s0, v18;
	[tilespmem:s2+$0x5320] =	vst.add.f32.msk $0xffff, v20  }
0x4fe: {  	v17 =	vmul.f32 s0, v17;
	[tilespmem:s2+$0x5310] =	vst.add.f32.msk $0xffff, v19  }
0x4ff: {  	v16 =	vmul.f32 s0, v16;
	[tilespmem:s2+$0x5300] =	vst.add.f32.msk $0xffff, v18  }
0x500: {  	(v2sf) =	vpush v35, $0x0;
	v15 =	vmul.f32 s0, v15;
	[tilespmem:s2+$0x52F0] =	vst.add.f32.msk $0xffff, v17  }
0x501: {  	v14 =	vmul.f32 s0, v14;
	[tilespmem:s2+$0x52E0] =	vst.add.f32.msk $0xffff, v16  }
0x502: {  	v13 =	vmul.f32 s0, v13;
	[tilespmem:s28+$0x52D0] =	vst.add.f32.msk $0xffff, v15  }
0x503: {  	v12 =	vmul.f32 s1, v12;
	[tilespmem:s28+$0x52C0] =	vst.add.f32.msk $0xffff, v14  }
0x504: {  	v11 =	vmul.f32 s1, v11;
	[tilespmem:s28+$0x52B0] =	vst.add.f32.msk $0xffff, v13  }
0x505: {  	v10 =	vmul.f32 s1, v10;
	[tilespmem:s28+$0x52A0] =	vst.add.f32.msk $0xffff, v12  }
0x506: {  	v9 =	vmul.f32 s1, v9;
	[tilespmem:s28+$0x5290] =	vst.add.f32.msk $0xffff, v11  }
0x507: {  	v8 =	vmul.f32 s1, v8;
	[tilespmem:s28+$0x5280] =	vst.add.f32.msk $0xffff, v10  }
0x508: {  	v7 =	vmul.f32 s1, v7;
	[tilespmem:s28+$0x5270] =	vst.add.f32.msk $0xffff, v9  }
0x509: {  	v6 =	vmul.f32 s1, v6;
	[tilespmem:s28+$0x5260] =	vst.add.f32.msk $0xffff, v8  }
0x50a: {  	v5 =	vmul.f32 s1, v5;
	[tilespmem:s28+$0x5250] =	vst.add.f32.msk $0xffff, v7  }
0x50b: {  	v4 =	vmul.f32 s1, v4;
	[tilespmem:s28+$0x5240] =	vst.add.f32.msk $0xffff, v6  }
0x50c: {  	v3 =	vmul.f32 s1, v3;
	[tilespmem:s28+$0x5230] =	vst.add.f32.msk $0xffff, v5  }
0x50d: {  	v2 =	vmul.f32 s1, v2;
	[tilespmem:s28+$0x5220] =	vst.add.f32.msk $0xffff, v4  }
0x50e: {  	[tilespmem:s28+$0x5210] =	vst.add.f32.msk $0xffff, v3;
	s30 =	spop (v2sf)  }
0x50f: {  	[tilespmem:s28+$0x5200] =	vst.add.f32.msk $0xffff, v2;
	s31 =	spop (v2sf)  }
.LBB2_30:
0x510: {  	s26 =	sadd.s32 $0x1, s26  }
0x511: {  	p0 =	sne.s32 s26, $0x14  }
.Ltmp15:
0x512: {  	_ = 	snop;
	(pc) =	sbr.rel @!p0 .LBB2_31-.Ltmp15, $1  }
0x513: {  	_ =	sdelay $0x3  }
.LBB2_21:
0x514: {  	v2 =	vld [tilespmem:s26+$0x11180];
	_ =	sdelay $0x4  }
0x515: {  	(v2sf) =	vpush v2, $0x0  }
0x516: {  	(v2sf) =	vpush v2, $0x1;
	_ =	sdelay $0xd  }
0x517: {  	s29 =	spop (v2sf)  }
0x518: {  	s0 =	spop (v2sf)  }
0x519: {  	p0 =	sle.s32 s0, s29  }
.Ltmp16:
0x51a: {  	_ = 	snop;
	(pc) =	sbr.rel @p0 .LBB2_30-.Ltmp16, $1  }
0x51b: {  	_ =	sdelay $0x3  }
0x51c: {  	s28 =	ssub.s32 s0, s29  }
0x51d: {  	p0 =	slt.s32 s28, $0x1  }
.Ltmp17:
0x51e: {  	_ = 	snop;
	(pc) =	sbr.rel @p0 .LBB2_26-.Ltmp17, $3  }
0x51f: {  	_ =	sdelay $0x1  }
0x520: {  	s31 =	sshll.u32 s26, $0xA  }
0x521: {  	s30 =	sand.u32 $0x3FFFFC00, s31  }
0x522: {  	v2 =	vld [tilespmem:s30+$0x0]  }
0x523: {  	v3 =	vld [tilespmem:s30+$0x10]  }
0x524: {  	v4 =	vld [tilespmem:s30+$0x20]  }
0x525: {  	v5 =	vld [tilespmem:s30+$0x30]  }
0x526: {  	v6 =	vld [tilespmem:s30+$0x40]  }
0x527: {  	v7 =	vld [tilespmem:s30+$0x50]  }
0x528: {  	v8 =	vld [tilespmem:s30+$0x60]  }
0x529: {  	v9 =	vld [tilespmem:s30+$0x70]  }
0x52a: {  	v10 =	vld [tilespmem:s30+$0x80]  }
0x52b: {  	v11 =	vld [tilespmem:s30+$0x90]  }
0x52c: {  	v12 =	vld [tilespmem:s30+$0xA0]  }
0x52d: {  	v13 =	vld [tilespmem:s30+$0xB0]  }
0x52e: {  	v14 =	vld [tilespmem:s30+$0xC0]  }
0x52f: {  	v19 =	vld [tilespmem:s29+$0x10F80]  }
0x530: {  	v15 =	vld [tilespmem:s30+$0xD0]  }
0x531: {  	v21 =	vld [tilespmem:s29+$0x10E80]  }
0x532: {  	v16 =	vld [tilespmem:s30+$0xE0]  }
0x533: {  	v17 =	vld [tilespmem:s30+$0xF0]  }
0x534: {  	v18 =	vld [tilespmem:s30+$0x100];
	(v2sf) =	vpush v19, $0x0  }
0x535: {  	v20 =	vld [tilespmem:s30+$0x120]  }
0x536: {  	v22 =	vld [tilespmem:s30+$0x140];
	(v2sf) =	vpush v21, $0x0  }
0x537: {  	v23 =	vld [tilespmem:s30+$0x150]  }
0x538: {  	v24 =	vld [tilespmem:s30+$0x160]  }
0x539: {  	v25 =	vld [tilespmem:s30+$0x170]  }
0x53a: {  	v26 =	vld [tilespmem:s30+$0x180]  }
0x53b: {  	v27 =	vld [tilespmem:s30+$0x190]  }
0x53c: {  	v28 =	vld [tilespmem:s30+$0x1A0]  }
0x53d: {  	v29 =	vld [tilespmem:s30+$0x1F0]  }
0x53e: {  	v30 =	vld [tilespmem:s30+$0x1E0]  }
0x53f: {  	v31 =	vld [tilespmem:s30+$0x1D0];
	s0 =	sshll.u32 s29, $0x2  }
0x540: {  	v32 =	vld [tilespmem:s30+$0x1C0];
	s1 =	sshra.s32 s0, $0x2  }
0x541: {  	v33 =	vld [tilespmem:s30+$0x1B0];
	s14 =	sadd.s32 $0x10E81, s1  }
0x542: {  	s15 =	sadd.s32 $0x10F81, s1;
	v38 =	vld [tilespmem:s14+$0x0]  }
0x543: {  	v35 =	vld [tilespmem:s15+$0x0];
	s0 =	spop (v2sf)  }
0x544: {  	p1 =	sne.s32 s28, $0x1;
	v19 =	vld [tilespmem:s30+$0x110];
	v34 =	vmul.f32 s0, v29  }
.Ltmp18:
0x545: {  	v21 =	vld [tilespmem:s30+$0x130];
	s2 =	spop (v2sf);
	v36 =	vmul.f32 s0, v30;
	(pc) =	sbr.rel @!p1 .LBB2_25-.Ltmp18, $4  }
0x546: {  	v37 =	vmul.f32 s0, v31;
	[tilespmem:s2+$0x51F0] =	vst.add.f32.msk $0xffff, v34  }
0x547: {  	v39 =	vmul.f32 s0, v32;
	[tilespmem:s2+$0x51E0] =	vst.add.f32.msk $0xffff, v36  }
0x548: {  	[tilespmem:s2+$0x51D0] =	vst.add.f32.msk $0xffff, v37;
	v37 =	vmul.f32 s0, v33  }
0x549: {  	s16 =	sadd.s32 $0xFFFFFFFF, s28;
	(v2sf) =	vpush v38, $0x0;
	s1 =	smov.u32 s0;
	s31 =	smov.u32 s2;
	v34 =	vmul.f32 s0, v27;
	v36 =	vmul.f32 s0, v28;
	[tilespmem:s2+$0x51C0] =	vst.add.f32.msk $0xffff, v39  }
.LBB2_24:
0x54a: {  	p1 =	sne.s32 s16, $0x1;
	[tilespmem:s2+$0x51B0] =	vst.add.f32.msk $0xffff, v37;
	s14 =	sadd.s32 $0x1, s14;
	s15 =	sadd.s32 $0x1, s15;
	(v2sf) =	vpush v35, $0x0  }
0x54b: {  	s16 =	sadd.s32 $0xFFFFFFFF, s16;
	v35 =	vmul.f32 s0, v26;
	[tilespmem:s2+$0x51A0] =	vst.add.f32.msk $0xffff, v36  }
0x54c: {  	v36 =	vmul.f32 s0, v25;
	[tilespmem:s2+$0x5190] =	vst.add.f32.msk $0xffff, v34  }
0x54d: {  	v34 =	vmul.f32 s0, v24;
	[tilespmem:s2+$0x5180] =	vst.add.f32.msk $0xffff, v35  }
0x54e: {  	v35 =	vmul.f32 s0, v23;
	[tilespmem:s2+$0x5170] =	vst.add.f32.msk $0xffff, v36  }
0x54f: {  	v36 =	vmul.f32 s0, v22;
	[tilespmem:s2+$0x5160] =	vst.add.f32.msk $0xffff, v34  }
0x550: {  	v34 =	vmul.f32 s0, v21;
	[tilespmem:s2+$0x5150] =	vst.add.f32.msk $0xffff, v35  }
0x551: {  	v35 =	vmul.f32 s0, v20;
	[tilespmem:s2+$0x5140] =	vst.add.f32.msk $0xffff, v36  }
0x552: {  	v36 =	vmul.f32 s0, v19;
	[tilespmem:s2+$0x5130] =	vst.add.f32.msk $0xffff, v34  }
0x553: {  	v34 =	vmul.f32 s0, v18;
	[tilespmem:s2+$0x5120] =	vst.add.f32.msk $0xffff, v35  }
0x554: {  	v35 =	vmul.f32 s0, v17;
	[tilespmem:s2+$0x5110] =	vst.add.f32.msk $0xffff, v36  }
0x555: {  	v36 =	vmul.f32 s0, v16;
	[tilespmem:s2+$0x5100] =	vst.add.f32.msk $0xffff, v34  }
0x556: {  	v34 =	vmul.f32 s0, v15;
	[tilespmem:s2+$0x50F0] =	vst.add.f32.msk $0xffff, v35  }
0x557: {  	v35 =	vmul.f32 s0, v14;
	[tilespmem:s2+$0x50E0] =	vst.add.f32.msk $0xffff, v36  }
0x558: {  	v36 =	vmul.f32 s0, v13;
	[tilespmem:s31+$0x50D0] =	vst.add.f32.msk $0xffff, v34;
	s2 =	spop (v2sf)  }
0x559: {  	v37 =	vmul.f32 s1, v12;
	[tilespmem:s31+$0x50C0] =	vst.add.f32.msk $0xffff, v35;
	s0 =	spop (v2sf)  }
0x55a: {  	v35 =	vmul.f32 s1, v11;
	v34 =	vmul.f32 s0, v27;
	[tilespmem:s31+$0x50B0] =	vst.add.f32.msk $0xffff, v36  }
0x55b: {  	v36 =	vmul.f32 s1, v10;
	[tilespmem:s31+$0x50A0] =	vst.add.f32.msk $0xffff, v37  }
0x55c: {  	v37 =	vmul.f32 s1, v9;
	[tilespmem:s31+$0x5090] =	vst.add.f32.msk $0xffff, v35  }
0x55d: {  	v35 =	vmul.f32 s1, v8;
	[tilespmem:s31+$0x5080] =	vst.add.f32.msk $0xffff, v36  }
0x55e: {  	v36 =	vmul.f32 s1, v7;
	[tilespmem:s31+$0x5070] =	vst.add.f32.msk $0xffff, v37  }
0x55f: {  	v37 =	vmul.f32 s1, v6;
	[tilespmem:s31+$0x5060] =	vst.add.f32.msk $0xffff, v35  }
0x560: {  	v35 =	vmul.f32 s1, v5;
	[tilespmem:s31+$0x5050] =	vst.add.f32.msk $0xffff, v36  }
0x561: {  	v36 =	vmul.f32 s1, v4;
	[tilespmem:s31+$0x5040] =	vst.add.f32.msk $0xffff, v37  }
0x562: {  	v38 =	vmul.f32 s1, v3;
	v37 =	vmul.f32 s1, v2;
	s1 =	smov.u32 s0;
	[tilespmem:s31+$0x5030] =	vst.add.f32.msk $0xffff, v35  }
0x563: {  	[tilespmem:s31+$0x5020] =	vst.add.f32.msk $0xffff, v36  }
0x564: {  	[tilespmem:s31+$0x5010] =	vst.add.f32.msk $0xffff, v38  }
0x565: {  	[tilespmem:s31+$0x5000] =	vst.add.f32.msk $0xffff, v37;
	s31 =	smov.u32 s2  }
0x566: {  	v36 =	vmul.f32 s0, v29;
	v38 =	vld [tilespmem:s14+$0x0]  }
.Ltmp19:
0x567: {  	v37 =	vmul.f32 s0, v30;
	v35 =	vld [tilespmem:s15+$0x0];
	(pc) =	sbr.rel @p1 .LBB2_24-.Ltmp19, $4  }
0x568: {  	v39 =	vmul.f32 s0, v31;
	[tilespmem:s2+$0x51F0] =	vst.add.f32.msk $0xffff, v36  }
0x569: {  	v40 =	vmul.f32 s0, v32;
	[tilespmem:s2+$0x51E0] =	vst.add.f32.msk $0xffff, v37  }
0x56a: {  	v37 =	vmul.f32 s0, v33;
	[tilespmem:s2+$0x51D0] =	vst.add.f32.msk $0xffff, v39  }
0x56b: {  	v36 =	vmul.f32 s0, v28;
	[tilespmem:s2+$0x51C0] =	vst.add.f32.msk $0xffff, v40;
	(v2sf) =	vpush v38, $0x0  }
.LBB2_25:
0x56c: {  	[tilespmem:s2+$0x51B0] =	vst.add.f32.msk $0xffff, v37  }
0x56d: {  	v26 =	vmul.f32 s0, v26;
	[tilespmem:s2+$0x51A0] =	vst.add.f32.msk $0xffff, v36  }
0x56e: {  	v25 =	vmul.f32 s0, v25;
	[tilespmem:s2+$0x5190] =	vst.add.f32.msk $0xffff, v34  }
0x56f: {  	v24 =	vmul.f32 s0, v24;
	[tilespmem:s2+$0x5180] =	vst.add.f32.msk $0xffff, v26  }
0x570: {  	v23 =	vmul.f32 s0, v23;
	[tilespmem:s2+$0x5170] =	vst.add.f32.msk $0xffff, v25  }
0x571: {  	v22 =	vmul.f32 s0, v22;
	[tilespmem:s2+$0x5160] =	vst.add.f32.msk $0xffff, v24  }
0x572: {  	v21 =	vmul.f32 s0, v21;
	[tilespmem:s2+$0x5150] =	vst.add.f32.msk $0xffff, v23  }
0x573: {  	v20 =	vmul.f32 s0, v20;
	[tilespmem:s2+$0x5140] =	vst.add.f32.msk $0xffff, v22  }
0x574: {  	v19 =	vmul.f32 s0, v19;
	[tilespmem:s2+$0x5130] =	vst.add.f32.msk $0xffff, v21  }
0x575: {  	v18 =	vmul.f32 s0, v18;
	[tilespmem:s2+$0x5120] =	vst.add.f32.msk $0xffff, v20  }
0x576: {  	v17 =	vmul.f32 s0, v17;
	[tilespmem:s2+$0x5110] =	vst.add.f32.msk $0xffff, v19  }
0x577: {  	v16 =	vmul.f32 s0, v16;
	[tilespmem:s2+$0x5100] =	vst.add.f32.msk $0xffff, v18  }
0x578: {  	(v2sf) =	vpush v35, $0x0;
	v15 =	vmul.f32 s0, v15;
	[tilespmem:s2+$0x50F0] =	vst.add.f32.msk $0xffff, v17  }
0x579: {  	v14 =	vmul.f32 s0, v14;
	[tilespmem:s2+$0x50E0] =	vst.add.f32.msk $0xffff, v16  }
0x57a: {  	v13 =	vmul.f32 s0, v13;
	[tilespmem:s31+$0x50D0] =	vst.add.f32.msk $0xffff, v15  }
0x57b: {  	v12 =	vmul.f32 s1, v12;
	[tilespmem:s31+$0x50C0] =	vst.add.f32.msk $0xffff, v14  }
0x57c: {  	v11 =	vmul.f32 s1, v11;
	[tilespmem:s31+$0x50B0] =	vst.add.f32.msk $0xffff, v13  }
0x57d: {  	v10 =	vmul.f32 s1, v10;
	[tilespmem:s31+$0x50A0] =	vst.add.f32.msk $0xffff, v12  }
0x57e: {  	v9 =	vmul.f32 s1, v9;
	[tilespmem:s31+$0x5090] =	vst.add.f32.msk $0xffff, v11  }
0x57f: {  	v8 =	vmul.f32 s1, v8;
	[tilespmem:s31+$0x5080] =	vst.add.f32.msk $0xffff, v10  }
0x580: {  	v7 =	vmul.f32 s1, v7;
	[tilespmem:s31+$0x5070] =	vst.add.f32.msk $0xffff, v9  }
0x581: {  	v6 =	vmul.f32 s1, v6;
	[tilespmem:s31+$0x5060] =	vst.add.f32.msk $0xffff, v8  }
0x582: {  	v5 =	vmul.f32 s1, v5;
	[tilespmem:s31+$0x5050] =	vst.add.f32.msk $0xffff, v7  }
0x583: {  	v4 =	vmul.f32 s1, v4;
	[tilespmem:s31+$0x5040] =	vst.add.f32.msk $0xffff, v6  }
0x584: {  	v3 =	vmul.f32 s1, v3;
	[tilespmem:s31+$0x5030] =	vst.add.f32.msk $0xffff, v5  }
0x585: {  	v2 =	vmul.f32 s1, v2;
	[tilespmem:s31+$0x5020] =	vst.add.f32.msk $0xffff, v4  }
0x586: {  	[tilespmem:s31+$0x5010] =	vst.add.f32.msk $0xffff, v3;
	s15 =	spop (v2sf)  }
0x587: {  	[tilespmem:s31+$0x5000] =	vst.add.f32.msk $0xffff, v2;
	s16 =	spop (v2sf)  }
.LBB2_26:
.Ltmp20:
0x588: {  	(pc) =	sbr.rel @p0 .LBB2_30-.Ltmp20, $1  }
0x589: {  	_ =	sdelay $0x3  }
0x58a: {  	v2 =	vld [tilespmem:s30+$0x200]  }
0x58b: {  	v3 =	vld [tilespmem:s30+$0x210]  }
0x58c: {  	v4 =	vld [tilespmem:s30+$0x220]  }
0x58d: {  	v5 =	vld [tilespmem:s30+$0x230]  }
0x58e: {  	v6 =	vld [tilespmem:s30+$0x240]  }
0x58f: {  	v7 =	vld [tilespmem:s30+$0x250]  }
0x590: {  	v8 =	vld [tilespmem:s30+$0x260]  }
0x591: {  	v9 =	vld [tilespmem:s30+$0x270]  }
0x592: {  	v10 =	vld [tilespmem:s30+$0x280]  }
0x593: {  	v11 =	vld [tilespmem:s30+$0x290]  }
0x594: {  	v12 =	vld [tilespmem:s30+$0x2A0]  }
0x595: {  	v13 =	vld [tilespmem:s30+$0x2B0]  }
0x596: {  	v14 =	vld [tilespmem:s30+$0x2C0]  }
0x597: {  	v19 =	vld [tilespmem:s29+$0x10F80]  }
0x598: {  	v15 =	vld [tilespmem:s30+$0x2D0]  }
0x599: {  	v21 =	vld [tilespmem:s29+$0x10E80]  }
0x59a: {  	v16 =	vld [tilespmem:s30+$0x2E0]  }
0x59b: {  	v17 =	vld [tilespmem:s30+$0x2F0]  }
0x59c: {  	v18 =	vld [tilespmem:s30+$0x300];
	(v2sf) =	vpush v19, $0x0  }
0x59d: {  	v20 =	vld [tilespmem:s30+$0x320]  }
0x59e: {  	v22 =	vld [tilespmem:s30+$0x340];
	(v2sf) =	vpush v21, $0x0  }
0x59f: {  	v23 =	vld [tilespmem:s30+$0x350]  }
0x5a0: {  	v24 =	vld [tilespmem:s30+$0x360]  }
0x5a1: {  	v25 =	vld [tilespmem:s30+$0x370]  }
0x5a2: {  	v26 =	vld [tilespmem:s30+$0x380]  }
0x5a3: {  	v27 =	vld [tilespmem:s30+$0x390]  }
0x5a4: {  	v28 =	vld [tilespmem:s30+$0x3A0]  }
0x5a5: {  	v29 =	vld [tilespmem:s30+$0x3F0]  }
0x5a6: {  	v30 =	vld [tilespmem:s30+$0x3E0]  }
0x5a7: {  	v31 =	vld [tilespmem:s30+$0x3D0];
	s0 =	sshll.u32 s29, $0x2  }
0x5a8: {  	v32 =	vld [tilespmem:s30+$0x3C0];
	s1 =	sshra.s32 s0, $0x2  }
0x5a9: {  	v33 =	vld [tilespmem:s30+$0x3B0];
	s14 =	sadd.s32 $0x10E81, s1  }
0x5aa: {  	s15 =	sadd.s32 $0x10F81, s1;
	v38 =	vld [tilespmem:s14+$0x0]  }
0x5ab: {  	v35 =	vld [tilespmem:s15+$0x0];
	s0 =	spop (v2sf)  }
0x5ac: {  	p0 =	sne.s32 s28, $0x1;
	v19 =	vld [tilespmem:s30+$0x310];
	v34 =	vmul.f32 s0, v29  }
.Ltmp21:
0x5ad: {  	v21 =	vld [tilespmem:s30+$0x330];
	s2 =	spop (v2sf);
	v36 =	vmul.f32 s0, v30;
	(pc) =	sbr.rel @!p0 .LBB2_29-.Ltmp21, $4  }
0x5ae: {  	v37 =	vmul.f32 s0, v31;
	[tilespmem:s2+$0x53F0] =	vst.add.f32.msk $0xffff, v34  }
0x5af: {  	v39 =	vmul.f32 s0, v32;
	[tilespmem:s2+$0x53E0] =	vst.add.f32.msk $0xffff, v36  }
0x5b0: {  	[tilespmem:s2+$0x53D0] =	vst.add.f32.msk $0xffff, v37;
	v37 =	vmul.f32 s0, v33  }
0x5b1: {  	s16 =	sadd.s32 $0xFFFFFFFF, s28;
	(v2sf) =	vpush v38, $0x0;
	s1 =	smov.u32 s0;
	s28 =	smov.u32 s2;
	v34 =	vmul.f32 s0, v27;
	v36 =	vmul.f32 s0, v28;
	[tilespmem:s2+$0x53C0] =	vst.add.f32.msk $0xffff, v39  }
.LBB2_28:
0x5b2: {  	p0 =	sne.s32 s16, $0x1;
	[tilespmem:s2+$0x53B0] =	vst.add.f32.msk $0xffff, v37;
	s14 =	sadd.s32 $0x1, s14;
	s15 =	sadd.s32 $0x1, s15;
	(v2sf) =	vpush v35, $0x0  }
0x5b3: {  	s16 =	sadd.s32 $0xFFFFFFFF, s16;
	v35 =	vmul.f32 s0, v26;
	[tilespmem:s2+$0x53A0] =	vst.add.f32.msk $0xffff, v36  }
0x5b4: {  	v36 =	vmul.f32 s0, v25;
	[tilespmem:s2+$0x5390] =	vst.add.f32.msk $0xffff, v34  }
0x5b5: {  	v34 =	vmul.f32 s0, v24;
	[tilespmem:s2+$0x5380] =	vst.add.f32.msk $0xffff, v35  }
0x5b6: {  	v35 =	vmul.f32 s0, v23;
	[tilespmem:s2+$0x5370] =	vst.add.f32.msk $0xffff, v36  }
0x5b7: {  	v36 =	vmul.f32 s0, v22;
	[tilespmem:s2+$0x5360] =	vst.add.f32.msk $0xffff, v34  }
0x5b8: {  	v34 =	vmul.f32 s0, v21;
	[tilespmem:s2+$0x5350] =	vst.add.f32.msk $0xffff, v35  }
0x5b9: {  	v35 =	vmul.f32 s0, v20;
	[tilespmem:s2+$0x5340] =	vst.add.f32.msk $0xffff, v36  }
0x5ba: {  	v36 =	vmul.f32 s0, v19;
	[tilespmem:s2+$0x5330] =	vst.add.f32.msk $0xffff, v34  }
0x5bb: {  	v34 =	vmul.f32 s0, v18;
	[tilespmem:s2+$0x5320] =	vst.add.f32.msk $0xffff, v35  }
0x5bc: {  	v35 =	vmul.f32 s0, v17;
	[tilespmem:s2+$0x5310] =	vst.add.f32.msk $0xffff, v36  }
0x5bd: {  	v36 =	vmul.f32 s0, v16;
	[tilespmem:s2+$0x5300] =	vst.add.f32.msk $0xffff, v34  }
0x5be: {  	v34 =	vmul.f32 s0, v15;
	[tilespmem:s2+$0x52F0] =	vst.add.f32.msk $0xffff, v35  }
0x5bf: {  	v35 =	vmul.f32 s0, v14;
	[tilespmem:s2+$0x52E0] =	vst.add.f32.msk $0xffff, v36  }
0x5c0: {  	v36 =	vmul.f32 s0, v13;
	[tilespmem:s28+$0x52D0] =	vst.add.f32.msk $0xffff, v34;
	s2 =	spop (v2sf)  }
0x5c1: {  	v37 =	vmul.f32 s1, v12;
	[tilespmem:s28+$0x52C0] =	vst.add.f32.msk $0xffff, v35;
	s0 =	spop (v2sf)  }
0x5c2: {  	v35 =	vmul.f32 s1, v11;
	v34 =	vmul.f32 s0, v27;
	[tilespmem:s28+$0x52B0] =	vst.add.f32.msk $0xffff, v36  }
0x5c3: {  	v36 =	vmul.f32 s1, v10;
	[tilespmem:s28+$0x52A0] =	vst.add.f32.msk $0xffff, v37  }
0x5c4: {  	v37 =	vmul.f32 s1, v9;
	[tilespmem:s28+$0x5290] =	vst.add.f32.msk $0xffff, v35  }
0x5c5: {  	v35 =	vmul.f32 s1, v8;
	[tilespmem:s28+$0x5280] =	vst.add.f32.msk $0xffff, v36  }
0x5c6: {  	v36 =	vmul.f32 s1, v7;
	[tilespmem:s28+$0x5270] =	vst.add.f32.msk $0xffff, v37  }
0x5c7: {  	v37 =	vmul.f32 s1, v6;
	[tilespmem:s28+$0x5260] =	vst.add.f32.msk $0xffff, v35  }
0x5c8: {  	v35 =	vmul.f32 s1, v5;
	[tilespmem:s28+$0x5250] =	vst.add.f32.msk $0xffff, v36  }
0x5c9: {  	v36 =	vmul.f32 s1, v4;
	[tilespmem:s28+$0x5240] =	vst.add.f32.msk $0xffff, v37  }
0x5ca: {  	v38 =	vmul.f32 s1, v3;
	v37 =	vmul.f32 s1, v2;
	s1 =	smov.u32 s0;
	[tilespmem:s28+$0x5230] =	vst.add.f32.msk $0xffff, v35  }
0x5cb: {  	[tilespmem:s28+$0x5220] =	vst.add.f32.msk $0xffff, v36  }
0x5cc: {  	[tilespmem:s28+$0x5210] =	vst.add.f32.msk $0xffff, v38  }
0x5cd: {  	[tilespmem:s28+$0x5200] =	vst.add.f32.msk $0xffff, v37;
	s28 =	smov.u32 s2  }
0x5ce: {  	v36 =	vmul.f32 s0, v29;
	v38 =	vld [tilespmem:s14+$0x0]  }
.Ltmp22:
0x5cf: {  	v37 =	vmul.f32 s0, v30;
	v35 =	vld [tilespmem:s15+$0x0];
	(pc) =	sbr.rel @p0 .LBB2_28-.Ltmp22, $4  }
0x5d0: {  	v39 =	vmul.f32 s0, v31;
	[tilespmem:s2+$0x53F0] =	vst.add.f32.msk $0xffff, v36  }
0x5d1: {  	v40 =	vmul.f32 s0, v32;
	[tilespmem:s2+$0x53E0] =	vst.add.f32.msk $0xffff, v37  }
0x5d2: {  	v37 =	vmul.f32 s0, v33;
	[tilespmem:s2+$0x53D0] =	vst.add.f32.msk $0xffff, v39  }
0x5d3: {  	v36 =	vmul.f32 s0, v28;
	[tilespmem:s2+$0x53C0] =	vst.add.f32.msk $0xffff, v40;
	(v2sf) =	vpush v38, $0x0  }
.Ltmp23:
0x5d4: {  	_ = 	snop;
	(pc) =	sbr.rel .LBB2_29-.Ltmp23, $1  }
0x5d5: {  	_ =	sdelay $0x3  }
.LBB2_31:
0x5d6: {  	s1 =	simm.s32 $0x5040  }
0x5d7: {  	v4 =	vld [tilespmem:s1+$0xFFFFFFC0]  }
0x5d8: {  	v5 =	vld [tilespmem:s1+$0xFFFFFFD0]  }
0x5d9: {  	v6 =	vld [tilespmem:s1+$0xFFFFFFE0]  }
0x5da: {  	v3 =	vld [tilespmem:s1+$0xFFFFFFF0]  }
0x5db: {  	v2 =	vld [tilespmem:s1+$0x0]  }
0x5dc: {  	v7 =	vimm.f32 $9.999999930e-09;
	v8 =	vand.u32 $0x7FFFFFFF, v4;
	v4 =	vld [tilespmem:s1+$0x10]  }
0x5dd: {  	v7 =	vmax.f32 v7, v8;
	v8 =	vand.u32 $0x7FFFFFFF, v5;
	v5 =	vld [tilespmem:s1+$0x20]  }
0x5de: {  	s0 =	simm.s32 $0x0;
	v7 =	vmax.f32 v7, v8;
	v8 =	vand.u32 $0x7FFFFFFF, v6;
	v6 =	vld [tilespmem:s1+$0x30];
	s1 =	simm.s32 $0x50C0  }
.LBB2_32:
0x5df: {  	v9 =	vld [tilespmem:s1+$0xFFFFFFC0];
	s0 =	sadd.s32 $0x8, s0;
	v7 =	vmax.f32 v7, v8;
	v3 =	vand.u32 $0x7FFFFFFF, v3  }
0x5e0: {  	v8 =	vld [tilespmem:s1+$0xFFFFFFD0];
	p0 =	slt.u32 s0, $0x420;
	v3 =	vmax.f32 v7, v3;
	v2 =	vand.u32 $0x7FFFFFFF, v2  }
0x5e1: {  	v10 =	vld [tilespmem:s1+$0xFFFFFFE0];
	v2 =	vmax.f32 v3, v2;
	v4 =	vand.u32 $0x7FFFFFFF, v4  }
.Ltmp24:
0x5e2: {  	v3 =	vld [tilespmem:s1+$0xFFFFFFF0];
	v4 =	vmax.f32 v2, v4;
	v5 =	vand.u32 $0x7FFFFFFF, v5;
	(pc) =	sbr.rel @p0 .LBB2_32-.Ltmp24, $4  }
0x5e3: {  	v2 =	vld [tilespmem:s1+$0x0];
	v5 =	vmax.f32 v4, v5;
	v6 =	vand.u32 $0x7FFFFFFF, v6  }
0x5e4: {  	v7 =	vand.u32 $0x7FFFFFFF, v9;
	v4 =	vld [tilespmem:s1+$0x10];
	v5 =	vmax.f32 v5, v6  }
0x5e5: {  	v6 =	vmax.f32 v5, v7;
	v7 =	vand.u32 $0x7FFFFFFF, v8;
	v5 =	vld [tilespmem:s1+$0x20]  }
0x5e6: {  	v7 =	vmax.f32 v6, v7;
	v8 =	vand.u32 $0x7FFFFFFF, v10;
	v6 =	vld [tilespmem:s1+$0x30];
	s1 =	sadd.s32 $0x80, s1  }
0x5e7: {  	v7 =	vmax.f32 v7, v8;
	v3 =	vand.u32 $0x7FFFFFFF, v3  }
0x5e8: {  	v3 =	vmax.f32 v7, v3;
	v2 =	vand.u32 $0x7FFFFFFF, v2  }
0x5e9: {  	v2 =	vmax.f32 v3, v2;
	v3 =	vand.u32 $0x7FFFFFFF, v4  }
0x5ea: {  	v2 =	vmax.f32 v2, v3;
	v3 =	vand.u32 $0x7FFFFFFF, v5  }
0x5eb: {  	v2 =	vmax.f32 v2, v3;
	v3 =	vand.u32 $0x7FFFFFFF, v6  }
0x5ec: {  	v2 =	vmax.f32 v2, v3  }
0x5ed: {  	(xrf1) =	vsort.ascd.msk.f32 $0xffff, v2, v2;
	_ =	sdelay $0xd  }
0x5ee: {  	v2, _, _ =	vpop (xrf1)  }
0x5ef: {  	v2 =	vbroadcast v2, $0xF;
	_ =	sdelay $0x1  }
0x5f0: {  	(erf) = vrcp.f32 v2;
	_ =	sdelay $0x3  }
0x5f1: {  	s0 =	simm.s32 $0x5040  }
0x5f2: {  	v5 =	vld [tilespmem:s0+$0x30]  }
0x5f3: {  	v7 =	vld [tilespmem:s0+$0xFFFFFFD0]  }
0x5f4: {  	v9 =	vld [tilespmem:s0+$0xFFFFFFE0]  }
0x5f5: {  	v6 =	vld [tilespmem:s0+$0xFFFFFFF0]  }
0x5f6: {  	v4 =	vld [tilespmem:s0+$0x0];
	v2 =	vpop (erf)  }
0x5f7: {  	v3 =	vld [tilespmem:s0+$0x10];
	v10 =	vmul.f32 v5, v2  }
0x5f8: {  	v5 =	vld [tilespmem:s0+$0x20];
	v8 =	vmul.f32 v7, v2  }
0x5f9: {  	s1 =	simm.s32 $0x0;
	s2 =	simm.s32 $0x50C0;
	v7 =	vld [tilespmem:s0+$0xFFFFFFC0];
	v9 =	vmul.f32 v9, v2;
	[tilespmem:s0+$0x30] =	vst v10  }
.LBB2_34:
0x5fa: {  	v10 =	vld [tilespmem:s2+$0x30];
	s1 =	sadd.s32 $0x8, s1;
	[tilespmem:s0+$0xFFFFFFD0] =	vst v8;
	v6 =	vmul.f32 v6, v2  }
0x5fb: {  	v8 =	vld [tilespmem:s2+$0xFFFFFFD0];
	p0 =	slt.u32 s1, $0x420;
	[tilespmem:s0+$0xFFFFFFE0] =	vst v9;
	v4 =	vmul.f32 v4, v2  }
0x5fc: {  	v9 =	vld [tilespmem:s2+$0xFFFFFFE0];
	[tilespmem:s0+$0xFFFFFFF0] =	vst v6;
	v3 =	vmul.f32 v3, v2  }
.Ltmp25:
0x5fd: {  	v6 =	vld [tilespmem:s2+$0xFFFFFFF0];
	[tilespmem:s0+$0x0] =	vst v4;
	v5 =	vmul.f32 v5, v2;
	(pc) =	sbr.rel @p0 .LBB2_34-.Ltmp25, $4  }
0x5fe: {  	v4 =	vld [tilespmem:s2+$0x0];
	v7 =	vmul.f32 v7, v2;
	[tilespmem:s0+$0x10] =	vst v3  }
0x5ff: {  	v3 =	vld [tilespmem:s2+$0x10];
	v10 =	vmul.f32 v10, v2;
	[tilespmem:s0+$0x20] =	vst v5  }
0x600: {  	v8 =	vmul.f32 v8, v2;
	v5 =	vld [tilespmem:s2+$0x20];
	[tilespmem:s0+$0xFFFFFFC0] =	vst v7;
	s0 =	smov.u32 s2  }
0x601: {  	s2 =	sadd.s32 $0x80, s2;
	v7 =	vld [tilespmem:s0+$0xFFFFFFC0];
	v9 =	vmul.f32 v9, v2;
	[tilespmem:s0+$0x30] =	vst v10  }
0x602: {  	[tilespmem:s0+$0xFFFFFFD0] =	vst v8;
	v6 =	vmul.f32 v6, v2  }
0x603: {  	[tilespmem:s0+$0xFFFFFFE0] =	vst v9;
	v4 =	vmul.f32 v4, v2  }
0x604: {  	[tilespmem:s0+$0xFFFFFFF0] =	vst v6;
	v3 =	vmul.f32 v3, v2  }
0x605: {  	[tilespmem:s0+$0x0] =	vst v4;
	v63 =	vmul.f32 v5, v2  }
0x606: {  	s25 =	sadd.s32 $0x1, s25;
	v2 =	vmul.f32 v7, v2;
	[tilespmem:s0+$0x10] =	vst v3  }
0x607: {  	p0 =	sne.s32 s25, s12;
	[tilespmem:s0+$0x20] =	vst v63  }
.Ltmp26:
0x608: {  	[tilespmem:s0+$0xFFFFFFC0] =	vst v2;
	(pc) =	sbr.rel @p0 .LBB2_1-.Ltmp26, $4  }
0x609: {  	[hbm4b:s11+s22] =	stream.strided.scatter [tilespmem:s24], [sflag:$0x1], $0xBB80, s23, s22, $0x38;
	[tilespmem:$0x11200] =	vst v63  }
0x60a: {  	_ =	swait.ge [sflag:s13], $0xBB80  }
0x60b: {  	[sflag:s13] =	ssyncset.done $0x0  }
0x60c: {  	[sflag:s13] =	ssyncadd.s32 $0xFFFF4480  }
0x60d: {  	_ =	sfence.sel $0x180000  }
0x60e: {  	[bflag:$0x0] =	sbarrier.arrive $0xFFFF  }
0x60f: {  	_ =	strace $0x90000047  }
0x610: {  	s0 =	stileid.u32;
	[bflag:$0x2] =	sbarrier.arrive $0xFFFF  }
0x611: {  	p0 =	sne.s32 s0, $0x0;
	s0 =	rddreg [dreg:$0x2]  }
0x612: {  	s0 =	sadd.s32 @!p0 $0x100000, s0  }
0x613: {  	[sflag:s0] =	ssyncadd.tile.s32 @!p0 $0x1;
	_ =	shalt  }
.Lfunc_end2:
_tile_overlayer_lowered:
.L_overlay_start_2:
0x614: {  	(tag) =	ssettag $0x2  }
0x615: {  	s0 =	rddreg [dreg:$0x0];
	s2 =	stileid.u32  }
0x616: {  	s1 =	rddreg [dreg:$0x1];
	p0 =	sne.s32 s2, $0x0  }
0x617: {  	s3 =	rddreg [dreg:$0x2];
	[bflag:$0x3] =	sbarrier.arrive $0xFFFF;
	s2 =	simm.s32 @!p0 $0x1C01  }
0x618: {  	[timem:s3], [sflag:s2] =	dma.local @!p0 [hbm:s0], s1  }
0x619: {  	s0 =	simm.s32 @!p0 $0x1  }
0x61a: {  	_ =	swait.ge @!p0 [sflag:s0], s1  }
0x61b: {  	s1 =	ssub.s32 @!p0 $0x0, s1;
	[sflag:s0] =	ssyncset.done @!p0 $0x0  }
0x61c: {  	[sflag:s0] =	ssyncadd.s32 @!p0 s1  }
0x61d: {  	[bflag:$0x3] =	sbarrier.arrive $0xFFFF  }
0x61e: {  	_ =	shalt  }

</sc_bundles>
